<compile_context>
chip_gen: v7x
topology: tpu7x:2x2x1
jax: 0.10.2.dev20260603
libtpu: 0.0.44.dev20260713+nightly
codegen_flags: <defaults>
</compile_context>

<pallas_src>
import functools

import jax
import jax.numpy as jnp
from jax import lax
from jax.experimental import pallas as pl
from jax.experimental.pallas import tpu as pltpu
from jax.experimental.pallas import tpu_sc as plsc

N_NODES = 100000
N_EDGES = 6400000
N_W = 64
NC, NS, L = 2, 16, 16
NW = NC * NS
ROW = 128
N_OPS = N_EDGES // ROW
R = 8
N_CHUNKS = N_OPS // R
CH_BASE = N_CHUNKS // NW
CH_EXTRA = N_CHUNKS - CH_BASE * NW
ACC_PAD = 100352
ZSLICE = ACC_PAD // NS


CH_E = R * ROW


def _sc_scatter(x_flat, ei, widx, weights):
  mesh = plsc.VectorSubcoreMesh(core_axis_name="c", subcore_axis_name="s")

  @functools.partial(
      pl.kernel,
      out_type=jax.ShapeDtypeStruct((NC, ACC_PAD), jnp.float32),
      mesh=mesh,
      compiler_params=pltpu.CompilerParams(needs_layout_passes=False),
      scratch_types=[
          pltpu.VMEM((N_NODES,), jnp.float32),
          pltpu.VMEM((N_W,), jnp.float32),
          pltpu.VMEM((R, 2, ROW), jnp.int32),
          pltpu.VMEM((R, 2, ROW), jnp.int32),
          pltpu.VMEM((R, 2, ROW), jnp.int32),
          pltpu.VMEM((CH_E,), jnp.int32),
          pltpu.VMEM((CH_E,), jnp.int32),
          pltpu.VMEM((CH_E,), jnp.int32),
          pltpu.VMEM((CH_E,), jnp.float32),
          pltpu.VMEM((CH_E,), jnp.float32),
          pltpu.VMEM((CH_E,), jnp.float32),
          pltpu.VMEM((ZSLICE,), jnp.float32),
          pltpu.VMEM_SHARED((ACC_PAD,), jnp.float32),
          pltpu.SemaphoreType.DMA,
          pltpu.SemaphoreType.DMA,
          pltpu.SemaphoreType.DMA,
          pltpu.SemaphoreType.DMA,
          pltpu.SemaphoreType.DMA,
          pltpu.SemaphoreType.DMA,
      ],
  )
  def k(ei_h, widx_h, x_h, w_h, part_h,
        x_v, w_v, e_v0, e_v1, e_v2, wi_v0, wi_v1, wi_v2,
        msg_v0, msg_v1, msg_v2, stg_v, acc,
        sem_in0, sem_in1, sem_in2, sem_sc0, sem_sc1, sem_sc2):
    e_v = (e_v0, e_v1, e_v2)
    wi_v = (wi_v0, wi_v1, wi_v2)
    msg_v = (msg_v0, msg_v1, msg_v2)
    sem_in = (sem_in0, sem_in1, sem_in2)
    sem_sc = (sem_sc0, sem_sc1, sem_sc2)
    cid = lax.axis_index("c")
    sid = lax.axis_index("s")
    wid = cid * NS + sid
    ch_start = wid * CH_BASE + jnp.minimum(wid, CH_EXTRA)
    n_ch = CH_BASE + jnp.where(wid < CH_EXTRA, 1, 0)

    def in_descs(ch, b):
      return (
          pltpu.make_async_copy(
              ei_h.at[pl.ds(ch * R, R)], e_v[b], sem_in[b]),
          pltpu.make_async_copy(
              widx_h.at[pl.ds(ch * CH_E, CH_E)], wi_v[b], sem_in[b]),
      )

    def fire_in(ch, b):
      for d in in_descs(ch, b):
        d.start()

    def drain_sc(b):
      for r in range(R):
        pltpu.make_async_copy(
            msg_v[b].at[pl.ds(r * ROW, ROW)], acc.at[e_v[b].at[r, 1]],
            sem_sc[b]).wait()

    fire_in(ch_start, 0)

    d_x = pltpu.async_copy(x_h, x_v, sem_sc0)
    d_w = pltpu.async_copy(w_h, w_v, sem_sc0)
    zero = jnp.zeros((L,), jnp.float32)

    def zbody(j, carry):
      for u in range(8):
        stg_v[pl.ds((j * 8 + u) * L, L)] = zero
      return carry

    lax.fori_loop(0, ZSLICE // (8 * L), zbody, 0)
    pltpu.sync_copy(stg_v, acc.at[pl.ds(sid * ZSLICE, ZSLICE)])
    d_x.wait()
    d_w.wait()
    plsc.subcore_barrier()

    def step(c_idx, b):
      nxt = (b + 1) % 3
      @pl.when((c_idx >= 2) & (c_idx - 2 < n_ch))
      def _():
        drain_sc(nxt)

      @pl.when(c_idx + 1 < n_ch)
      def _():
        fire_in(ch_start + c_idx + 1, nxt)

      @pl.when(c_idx < n_ch)
      def _():
        for d in in_descs(ch_start + c_idx, b):
          d.wait()
        for r in range(R):
          for c8 in range(ROW // L):
            sl = pl.ds(c8 * L, L)
            fl = pl.ds(r * ROW + c8 * L, L)
            xj = plsc.load_gather(x_v, [e_v[b][r, 0, sl]])
            wv = plsc.load_gather(w_v, [wi_v[b][fl]])
            msg_v[b][fl] = xj * wv
          pltpu.async_copy(
              msg_v[b].at[pl.ds(r * ROW, ROW)], acc.at[e_v[b].at[r, 1]],
              sem_sc[b], add=True)

    def triple_body(p, carry):
      step(3 * p, 0)
      step(3 * p + 1, 1)
      step(3 * p + 2, 2)
      return carry

    lax.fori_loop(0, (CH_BASE + 1 + 2 + 2) // 3, triple_body, 0)

    plsc.subcore_barrier()
    pltpu.sync_copy(acc.at[pl.ds(sid * ZSLICE, ZSLICE)], stg_v)
    pltpu.sync_copy(stg_v, part_h.at[cid, pl.ds(sid * ZSLICE, ZSLICE)])

  return k(ei, widx, x_flat, weights)


def _tc_combine(x_pad, parts):
  def body(x_ref, p_ref, o_ref):
    s = p_ref[0] + p_ref[1]
    o_ref[...] = x_ref[...] + 1.0 / (1.0 + jnp.exp(-s))

  return pl.pallas_call(
      body,
      out_shape=jax.ShapeDtypeStruct((ACC_PAD // 128, 128), jnp.float32),
  )(x_pad, parts)


def kernel(x, edge_index, weight_idx, weights):
  x_flat = x.reshape(-1)
  ei = edge_index.astype(jnp.int32).reshape(2, N_OPS, ROW).transpose(1, 0, 2)
  widx = weight_idx.astype(jnp.int32)
  parts = _sc_scatter(x_flat, ei, widx, weights)
  x_pad = jnp.pad(x_flat, (0, ACC_PAD - N_NODES)).reshape(ACC_PAD // 128, 128)
  out = _tc_combine(x_pad, parts.reshape(NC, ACC_PAD // 128, 128))
  return out.reshape(-1)[:N_NODES].reshape(N_NODES, 1)

# --- scband reference (transcript-rebuilt; emitter-appended) ---
"""Pipeline reference for scband-neura-logic-layer-86818468922051 (READ-ONLY COPY).

The authoritative reference and input builder live on the scoring server;
editing this copy changes nothing except your own understanding.
"""

import jax, jax.numpy as jnp
import numpy as np

N_NODES = 100000
N_EDGES = 6400000
N_WEIGHTS = 64

def setup_inputs(seed: int = 0) -> dict:
    key = jax.random.key(seed)
    k1, k2, k3, k4 = jax.random.split(key, 4)
    x = jax.random.normal(k1, (N_NODES, 1), dtype=jnp.float32)
    edge_index = jax.random.randint(k2, (2, N_EDGES), 0, N_NODES, dtype=jnp.int64)
    weight_idx = jax.random.randint(k3, (N_EDGES,), 0, N_WEIGHTS, dtype=jnp.int64)
    weights = jax.random.normal(k4, (N_WEIGHTS,), dtype=jnp.float32)
    return {"x": x, "edge_index": edge_index, "weight_idx": weight_idx, "weights": weights}

def reference(x, edge_index, weight_idx, weights):
    # NeuraLogicHelperLayer.forward: per-edge weighted message passing.
    # message: x_j * edge_weight, where edge_weight = self.weights[weight + 1]
    src = edge_index[0]
    dst = edge_index[1]
    edge_weight = jnp.take(weights, weight_idx, axis=0)  # gather scalar weights per edge
    x_j = jnp.take(x, src, axis=0)                       # gather source neuron values
    msg = x_j * edge_weight[:, None]                     # message()
    agg = jax.ops.segment_sum(msg, dst, num_segments=x.shape[0])  # aggr='add' (default)
    out = jax.nn.sigmoid(agg)                            # activation='Sigmoid'
    return x + out                                       # residual: x + out

if __name__ == "__main__":
    import jax
    _d = setup_inputs()
    print(jax.jit(kernel)(*tuple(_d.values())))

</pallas_src>

<mosaic_0001>
#map = affine_map<(d0, d1) -> (0, 0, 0)>
#map1 = affine_map<(d0, d1) -> (0)>
#map2 = affine_map<(d0, d1) -> (0, 0)>
module attributes {stable_mosaic.version = 14 : i64} {
  func.func @k(%arg0: i32, %arg1: i32, %arg2: memref<50000x2x128xi32, #tpu.memory_space<hbm>>, %arg3: memref<6400000xi32, #tpu.memory_space<hbm>>, %arg4: memref<100000xf32, #tpu.memory_space<hbm>>, %arg5: memref<64xf32, #tpu.memory_space<hbm>>, %arg6: memref<2x100352xf32, #tpu.memory_space<hbm>>, %arg7: memref<100000xf32, #tpu.memory_space<vmem>>, %arg8: memref<64xf32, #tpu.memory_space<vmem>>, %arg9: memref<8x2x128xi32, #tpu.memory_space<vmem>>, %arg10: memref<8x2x128xi32, #tpu.memory_space<vmem>>, %arg11: memref<8x2x128xi32, #tpu.memory_space<vmem>>, %arg12: memref<1024xi32, #tpu.memory_space<vmem>>, %arg13: memref<1024xi32, #tpu.memory_space<vmem>>, %arg14: memref<1024xi32, #tpu.memory_space<vmem>>, %arg15: memref<1024xf32, #tpu.memory_space<vmem>>, %arg16: memref<1024xf32, #tpu.memory_space<vmem>>, %arg17: memref<1024xf32, #tpu.memory_space<vmem>>, %arg18: memref<6272xf32, #tpu.memory_space<vmem>>, %arg19: memref<100352xf32, #tpu.memory_space<vmem_shared>>, %arg20: memref<!tpu.dma_semaphore, #tpu.memory_space<semaphore_mem>>, %arg21: memref<!tpu.dma_semaphore, #tpu.memory_space<semaphore_mem>>, %arg22: memref<!tpu.dma_semaphore, #tpu.memory_space<semaphore_mem>>, %arg23: memref<!tpu.dma_semaphore, #tpu.memory_space<semaphore_mem>>, %arg24: memref<!tpu.dma_semaphore, #tpu.memory_space<semaphore_mem>>, %arg25: memref<!tpu.dma_semaphore, #tpu.memory_space<semaphore_mem>>) attributes {dimension_semantics = [#tpu.dimension_semantics<core_parallel>, #tpu.dimension_semantics<subcore_parallel>], iteration_bounds = array<i64: 2, 16>, scalar_prefetch = 0 : i64, scratch_operands = 19 : i64, tpu.core_type = #tpu.core_type<sc_vector_subcore>, window_params = [{transform_indices = #map}, {transform_indices = #map1}, {transform_indices = #map1}, {transform_indices = #map1}, {transform_indices = #map2}]} {
    %mul3A = arith.constant 16 : i32
    %mul3A_0 = arith.muli %arg0, %mul3A : i32
    %add3A = arith.addi %mul3A_0, %arg1 : i32
    %mul3A_1 = arith.constant 195 : i32
    %mul3A_2 = arith.muli %add3A, %mul3A_1 : i32
    %min3A = arith.constant 10 : i32
    %min3A_3 = arith.minsi %add3A, %min3A : i32
    %add3A_4 = arith.addi %mul3A_2, %min3A_3 : i32
    %lt3A = arith.constant 10 : i32
    %lt3A_5 = arith.cmpi slt, %add3A, %lt3A : i32
    %jit3A = arith.constant 1 : i32
    %jit3A_6 = arith.constant 0 : i32
    %select_n3A = arith.select %lt3A_5, %jit3A, %jit3A_6 : i32
    %add3A_7 = arith.constant 195 : i32
    %add3A_8 = arith.addi %add3A_7, %select_n3A : i32
    %mul3A_9 = arith.constant 8 : i32
    %mul3A_10 = arith.muli %add3A_4, %mul3A_9 : i32
    %mul3A_11 = arith.constant 1024 : i32
    %mul3A_12 = arith.muli %add3A_4, %mul3A_11 : i32
    %dma_start3A = arith.constant 0 : i32
    %dma_start3A_13 = arith.constant 0 : i32
    %dma_start3A_14 = tpu.memref_slice %arg2[%mul3A_10, %dma_start3A, %dma_start3A_13] : memref<50000x2x128xi32, #tpu.memory_space<hbm>> -> memref<8x2x128xi32, #tpu.memory_space<hbm>>
    %dma_start3A_15 = arith.constant 0 : i32
    %dma_start3A_16 = arith.constant 0 : i32
    %dma_start3A_17 = tpu.memref_slice %arg2[%mul3A_10, %dma_start3A_15, %dma_start3A_16] : memref<50000x2x128xi32, #tpu.memory_space<hbm>> -> memref<8x2x128xi32, #tpu.memory_space<hbm>>
    tpu.enqueue_dma source(%dma_start3A_17 : memref<8x2x128xi32, #tpu.memory_space<hbm>>) target(%arg9 : memref<8x2x128xi32, #tpu.memory_space<vmem>>) target_semaphore(%arg20 : memref<!tpu.dma_semaphore, #tpu.memory_space<semaphore_mem>>)
    %dma_start3A_18 = tpu.memref_slice %arg3[%mul3A_12] : memref<6400000xi32, #tpu.memory_space<hbm>> -> memref<1024xi32, #tpu.memory_space<hbm>>
    %dma_start3A_19 = tpu.memref_slice %arg3[%mul3A_12] : memref<6400000xi32, #tpu.memory_space<hbm>> -> memref<1024xi32, #tpu.memory_space<hbm>>
    tpu.enqueue_dma source(%dma_start3A_19 : memref<1024xi32, #tpu.memory_space<hbm>>) target(%arg12 : memref<1024xi32, #tpu.memory_space<vmem>>) target_semaphore(%arg20 : memref<!tpu.dma_semaphore, #tpu.memory_space<semaphore_mem>>)
    tpu.enqueue_dma source(%arg4 : memref<100000xf32, #tpu.memory_space<hbm>>) target(%arg7 : memref<100000xf32, #tpu.memory_space<vmem>>) target_semaphore(%arg23 : memref<!tpu.dma_semaphore, #tpu.memory_space<semaphore_mem>>)
    tpu.enqueue_dma source(%arg5 : memref<64xf32, #tpu.memory_space<hbm>>) target(%arg8 : memref<64xf32, #tpu.memory_space<vmem>>) target_semaphore(%arg23 : memref<!tpu.dma_semaphore, #tpu.memory_space<semaphore_mem>>)
    %broadcast_in_dim3A = arith.constant 0.000000e+00 : f32
    %broadcast_in_dim3A_20 = vector.broadcast %broadcast_in_dim3A : f32 to vector<16xf32>
    %scan3A = arith.constant 0 : i32
    %scan3A_21 = arith.constant 0 : i32
    %scan3A_22 = arith.constant 49 : i32
    %scan3A_23 = arith.addi %scan3A_21, %scan3A_22 : i32
    %scan3A_24 = arith.constant 1 : i32
    scf.for %scan3A_39 = %scan3A_21 to %scan3A_23 step %scan3A_24  : i32 {
      %mul3A_40 = arith.constant 8 : i32
      %mul3A_41 = arith.muli %scan3A_39, %mul3A_40 : i32
      %add3A_42 = arith.constant 0 : i32
      %add3A_43 = arith.addi %mul3A_41, %add3A_42 : i32
      %mul3A_44 = arith.constant 16 : i32
      %mul3A_45 = arith.muli %add3A_43, %mul3A_44 : i32
      %swap3A = arith.index_cast %mul3A_45 : i32 to index
      %swap3A_46 = tpu.vector_load %arg18[%swap3A] {strides = array<i32>} : memref<6272xf32, #tpu.memory_space<vmem>>, vector<16xf32>,
      tpu.vector_store %arg18[%swap3A], %broadcast_in_dim3A_20 {strides = array<i32>} : memref<6272xf32, #tpu.memory_space<vmem>>, vector<16xf32>,
      %mul3A_47 = arith.constant 8 : i32
      %mul3A_48 = arith.muli %scan3A_39, %mul3A_47 : i32
      %add3A_49 = arith.constant 1 : i32
      %add3A_50 = arith.addi %mul3A_48, %add3A_49 : i32
      %mul3A_51 = arith.constant 16 : i32
      %mul3A_52 = arith.muli %add3A_50, %mul3A_51 : i32
      %swap3A_53 = arith.index_cast %mul3A_52 : i32 to index
      %swap3A_54 = tpu.vector_load %arg18[%swap3A_53] {strides = array<i32>} : memref<6272xf32, #tpu.memory_space<vmem>>, vector<16xf32>,
      tpu.vector_store %arg18[%swap3A_53], %broadcast_in_dim3A_20 {strides = array<i32>} : memref<6272xf32, #tpu.memory_space<vmem>>, vector<16xf32>,
      %mul3A_55 = arith.constant 8 : i32
      %mul3A_56 = arith.muli %scan3A_39, %mul3A_55 : i32
      %add3A_57 = arith.constant 2 : i32
      %add3A_58 = arith.addi %mul3A_56, %add3A_57 : i32
      %mul3A_59 = arith.constant 16 : i32
      %mul3A_60 = arith.muli %add3A_58, %mul3A_59 : i32
      %swap3A_61 = arith.index_cast %mul3A_60 : i32 to index
      %swap3A_62 = tpu.vector_load %arg18[%swap3A_61] {strides = array<i32>} : memref<6272xf32, #tpu.memory_space<vmem>>, vector<16xf32>,
      tpu.vector_store %arg18[%swap3A_61], %broadcast_in_dim3A_20 {strides = array<i32>} : memref<6272xf32, #tpu.memory_space<vmem>>, vector<16xf32>,
      %mul3A_63 = arith.constant 8 : i32
      %mul3A_64 = arith.muli %scan3A_39, %mul3A_63 : i32
      %add3A_65 = arith.constant 3 : i32
      %add3A_66 = arith.addi %mul3A_64, %add3A_65 : i32
      %mul3A_67 = arith.constant 16 : i32
      %mul3A_68 = arith.muli %add3A_66, %mul3A_67 : i32
      %swap3A_69 = arith.index_cast %mul3A_68 : i32 to index
      %swap3A_70 = tpu.vector_load %arg18[%swap3A_69] {strides = array<i32>} : memref<6272xf32, #tpu.memory_space<vmem>>, vector<16xf32>,
      tpu.vector_store %arg18[%swap3A_69], %broadcast_in_dim3A_20 {strides = array<i32>} : memref<6272xf32, #tpu.memory_space<vmem>>, vector<16xf32>,
      %mul3A_71 = arith.constant 8 : i32
      %mul3A_72 = arith.muli %scan3A_39, %mul3A_71 : i32
      %add3A_73 = arith.constant 4 : i32
      %add3A_74 = arith.addi %mul3A_72, %add3A_73 : i32
      %mul3A_75 = arith.constant 16 : i32
      %mul3A_76 = arith.muli %add3A_74, %mul3A_75 : i32
      %swap3A_77 = arith.index_cast %mul3A_76 : i32 to index
      %swap3A_78 = tpu.vector_load %arg18[%swap3A_77] {strides = array<i32>} : memref<6272xf32, #tpu.memory_space<vmem>>, vector<16xf32>,
      tpu.vector_store %arg18[%swap3A_77], %broadcast_in_dim3A_20 {strides = array<i32>} : memref<6272xf32, #tpu.memory_space<vmem>>, vector<16xf32>,
      %mul3A_79 = arith.constant 8 : i32
      %mul3A_80 = arith.muli %scan3A_39, %mul3A_79 : i32
      %add3A_81 = arith.constant 5 : i32
      %add3A_82 = arith.addi %mul3A_80, %add3A_81 : i32
      %mul3A_83 = arith.constant 16 : i32
      %mul3A_84 = arith.muli %add3A_82, %mul3A_83 : i32
      %swap3A_85 = arith.index_cast %mul3A_84 : i32 to index
      %swap3A_86 = tpu.vector_load %arg18[%swap3A_85] {strides = array<i32>} : memref<6272xf32, #tpu.memory_space<vmem>>, vector<16xf32>,
      tpu.vector_store %arg18[%swap3A_85], %broadcast_in_dim3A_20 {strides = array<i32>} : memref<6272xf32, #tpu.memory_space<vmem>>, vector<16xf32>,
      %mul3A_87 = arith.constant 8 : i32
      %mul3A_88 = arith.muli %scan3A_39, %mul3A_87 : i32
      %add3A_89 = arith.constant 6 : i32
      %add3A_90 = arith.addi %mul3A_88, %add3A_89 : i32
      %mul3A_91 = arith.constant 16 : i32
      %mul3A_92 = arith.muli %add3A_90, %mul3A_91 : i32
      %swap3A_93 = arith.index_cast %mul3A_92 : i32 to index
      %swap3A_94 = tpu.vector_load %arg18[%swap3A_93] {strides = array<i32>} : memref<6272xf32, #tpu.memory_space<vmem>>, vector<16xf32>,
      tpu.vector_store %arg18[%swap3A_93], %broadcast_in_dim3A_20 {strides = array<i32>} : memref<6272xf32, #tpu.memory_space<vmem>>, vector<16xf32>,
      %mul3A_95 = arith.constant 8 : i32
      %mul3A_96 = arith.muli %scan3A_39, %mul3A_95 : i32
      %add3A_97 = arith.constant 7 : i32
      %add3A_98 = arith.addi %mul3A_96, %add3A_97 : i32
      %mul3A_99 = arith.constant 16 : i32
      %mul3A_100 = arith.muli %add3A_98, %mul3A_99 : i32
      %swap3A_101 = arith.index_cast %mul3A_100 : i32 to index
      %swap3A_102 = tpu.vector_load %arg18[%swap3A_101] {strides = array<i32>} : memref<6272xf32, #tpu.memory_space<vmem>>, vector<16xf32>,
      tpu.vector_store %arg18[%swap3A_101], %broadcast_in_dim3A_20 {strides = array<i32>} : memref<6272xf32, #tpu.memory_space<vmem>>, vector<16xf32>,
    }
    %scan3A_25 = arith.constant 49 : i32
    %mul3A_26 = arith.constant 6272 : i32
    %mul3A_27 = arith.muli %arg1, %mul3A_26 : i32
    "tpu.region"() ({
      %run_scoped3A = tpu.sem_alloc : memref<!tpu.dma_semaphore, #tpu.memory_space<semaphore_mem>>
      %dma_start3A_39 = tpu.memref_slice %arg19[%mul3A_27] : memref<100352xf32, #tpu.memory_space<vmem_shared>> -> memref<6272xf32, #tpu.memory_space<vmem_shared>>
      %dma_start3A_40 = tpu.memref_slice %arg19[%mul3A_27] : memref<100352xf32, #tpu.memory_space<vmem_shared>> -> memref<6272xf32, #tpu.memory_space<vmem_shared>>
      tpu.enqueue_dma source(%arg18 : memref<6272xf32, #tpu.memory_space<vmem>>) target(%dma_start3A_40 : memref<6272xf32, #tpu.memory_space<vmem_shared>>) target_semaphore(%run_scoped3A : memref<!tpu.dma_semaphore, #tpu.memory_space<semaphore_mem>>)
      %dma_wait3A = tpu.memref_slice %arg19[%mul3A_27] : memref<100352xf32, #tpu.memory_space<vmem_shared>> -> memref<6272xf32, #tpu.memory_space<vmem_shared>>
      %dma_wait3A_41 = tpu.memref_slice %arg19[%mul3A_27] : memref<100352xf32, #tpu.memory_space<vmem_shared>> -> memref<6272xf32, #tpu.memory_space<vmem_shared>>
      tpu.wait_dma2 semaphore(%run_scoped3A : memref<!tpu.dma_semaphore, #tpu.memory_space<semaphore_mem>>) src(%arg18 : memref<6272xf32, #tpu.memory_space<vmem>>) dst(%dma_wait3A_41 : memref<6272xf32, #tpu.memory_space<vmem_shared>>)
      tpu.yield
    }) : () -> ()
    tpu.wait_dma2 semaphore(%arg23 : memref<!tpu.dma_semaphore, #tpu.memory_space<semaphore_mem>>) src(%arg4 : memref<100000xf32, #tpu.memory_space<hbm>>) dst(%arg7 : memref<100000xf32, #tpu.memory_space<vmem>>)
    tpu.wait_dma2 semaphore(%arg23 : memref<!tpu.dma_semaphore, #tpu.memory_space<semaphore_mem>>) src(%arg5 : memref<64xf32, #tpu.memory_space<hbm>>) dst(%arg8 : memref<64xf32, #tpu.memory_space<vmem>>)
    %barrier3A = arith.constant 0 : index
    tpu.barrier barrier_id(%barrier3A)
    %scan3A_28 = arith.constant 0 : i32
    %scan3A_29 = arith.constant 0 : i32
    %scan3A_30 = arith.constant 66 : i32
    %scan3A_31 = arith.addi %scan3A_29, %scan3A_30 : i32
    %scan3A_32 = arith.constant 1 : i32
    scf.for %scan3A_39 = %scan3A_29 to %scan3A_31 step %scan3A_32  : i32 {
      %mul3A_40 = arith.constant 3 : i32
      %mul3A_41 = arith.muli %mul3A_40, %scan3A_39 : i32
      %ge3A = arith.constant 2 : i32
      %ge3A_42 = arith.cmpi sge, %mul3A_41, %ge3A : i32
      %sub3A = arith.constant 2 : i32
      %sub3A_43 = arith.subi %mul3A_41, %sub3A : i32
      %lt3A_44 = arith.cmpi slt, %sub3A_43, %add3A_8 : i32
      %and3A = arith.andi %ge3A_42, %lt3A_44 : i1
      %convert_element_type3A = arith.extui %and3A : i1 to i32
      %cond3A = arith.constant 0 : i32
      %cond3A_45 = arith.cmpi ne, %convert_element_type3A, %cond3A : i32
      scf.if %cond3A_45 {
        %dma_wait3A = arith.constant 0 : i32
        %dma_wait3A_102 = arith.constant 1 : i32
        %dma_wait3A_103 = arith.constant 0 : i32
        %dma_wait3A_104 = tpu.memref_slice %arg16[%dma_wait3A_103] : memref<1024xf32, #tpu.memory_space<vmem>> -> memref<128xf32, #tpu.memory_space<vmem>>
        %dma_wait3A_105 = arith.constant 0 : i32
        %dma_wait3A_106 = tpu.memref_slice %arg10[%dma_wait3A, %dma_wait3A_102, %dma_wait3A_105] : memref<8x2x128xi32, #tpu.memory_space<vmem>> -> memref<1x1x128xi32, #tpu.memory_space<vmem>>
        %dma_wait3A_107 = tpu.memref_squeeze %dma_wait3A_106 : memref<1x1x128xi32, #tpu.memory_space<vmem>> -> memref<128xi32, #tpu.memory_space<vmem>>
        %dma_wait3A_108 = arith.constant 0 : i32
        %dma_wait3A_109 = tpu.memref_slice %arg19[%dma_wait3A_108] : memref<100352xf32, #tpu.memory_space<vmem_shared>> -> memref<100352xf32, #tpu.memory_space<vmem_shared>>
        tpu.wait_indirect_dma semaphore(%arg24 : memref<!tpu.dma_semaphore, #tpu.memory_space<semaphore_mem>>) src(%dma_wait3A_104 : memref<128xf32, #tpu.memory_space<vmem>>) dst(%dma_wait3A_109 : memref<100352xf32, #tpu.memory_space<vmem_shared>>)
        %dma_wait3A_110 = arith.constant 1 : i32
        %dma_wait3A_111 = arith.constant 1 : i32
        %dma_wait3A_112 = arith.constant 128 : i32
        %dma_wait3A_113 = tpu.memref_slice %arg16[%dma_wait3A_112] : memref<1024xf32, #tpu.memory_space<vmem>> -> memref<128xf32, #tpu.memory_space<vmem>>
        %dma_wait3A_114 = arith.constant 0 : i32
        %dma_wait3A_115 = tpu.memref_slice %arg10[%dma_wait3A_110, %dma_wait3A_111, %dma_wait3A_114] : memref<8x2x128xi32, #tpu.memory_space<vmem>> -> memref<1x1x128xi32, #tpu.memory_space<vmem>>
        %dma_wait3A_116 = tpu.memref_squeeze %dma_wait3A_115 : memref<1x1x128xi32, #tpu.memory_space<vmem>> -> memref<128xi32, #tpu.memory_space<vmem>>
        %dma_wait3A_117 = arith.constant 0 : i32
        %dma_wait3A_118 = tpu.memref_slice %arg19[%dma_wait3A_117] : memref<100352xf32, #tpu.memory_space<vmem_shared>> -> memref<100352xf32, #tpu.memory_space<vmem_shared>>
        tpu.wait_indirect_dma semaphore(%arg24 : memref<!tpu.dma_semaphore, #tpu.memory_space<semaphore_mem>>) src(%dma_wait3A_113 : memref<128xf32, #tpu.memory_space<vmem>>) dst(%dma_wait3A_118 : memref<100352xf32, #tpu.memory_space<vmem_shared>>)
        %dma_wait3A_119 = arith.constant 2 : i32
        %dma_wait3A_120 = arith.constant 1 : i32
        %dma_wait3A_121 = arith.constant 256 : i32
        %dma_wait3A_122 = tpu.memref_slice %arg16[%dma_wait3A_121] : memref<1024xf32, #tpu.memory_space<vmem>> -> memref<128xf32, #tpu.memory_space<vmem>>
        %dma_wait3A_123 = arith.constant 0 : i32
        %dma_wait3A_124 = tpu.memref_slice %arg10[%dma_wait3A_119, %dma_wait3A_120, %dma_wait3A_123] : memref<8x2x128xi32, #tpu.memory_space<vmem>> -> memref<1x1x128xi32, #tpu.memory_space<vmem>>
        %dma_wait3A_125 = tpu.memref_squeeze %dma_wait3A_124 : memref<1x1x128xi32, #tpu.memory_space<vmem>> -> memref<128xi32, #tpu.memory_space<vmem>>
        %dma_wait3A_126 = arith.constant 0 : i32
        %dma_wait3A_127 = tpu.memref_slice %arg19[%dma_wait3A_126] : memref<100352xf32, #tpu.memory_space<vmem_shared>> -> memref<100352xf32, #tpu.memory_space<vmem_shared>>
        tpu.wait_indirect_dma semaphore(%arg24 : memref<!tpu.dma_semaphore, #tpu.memory_space<semaphore_mem>>) src(%dma_wait3A_122 : memref<128xf32, #tpu.memory_space<vmem>>) dst(%dma_wait3A_127 : memref<100352xf32, #tpu.memory_space<vmem_shared>>)
        %dma_wait3A_128 = arith.constant 3 : i32
        %dma_wait3A_129 = arith.constant 1 : i32
        %dma_wait3A_130 = arith.constant 384 : i32
        %dma_wait3A_131 = tpu.memref_slice %arg16[%dma_wait3A_130] : memref<1024xf32, #tpu.memory_space<vmem>> -> memref<128xf32, #tpu.memory_space<vmem>>
        %dma_wait3A_132 = arith.constant 0 : i32
        %dma_wait3A_133 = tpu.memref_slice %arg10[%dma_wait3A_128, %dma_wait3A_129, %dma_wait3A_132] : memref<8x2x128xi32, #tpu.memory_space<vmem>> -> memref<1x1x128xi32, #tpu.memory_space<vmem>>
        %dma_wait3A_134 = tpu.memref_squeeze %dma_wait3A_133 : memref<1x1x128xi32, #tpu.memory_space<vmem>> -> memref<128xi32, #tpu.memory_space<vmem>>
        %dma_wait3A_135 = arith.constant 0 : i32
        %dma_wait3A_136 = tpu.memref_slice %arg19[%dma_wait3A_135] : memref<100352xf32, #tpu.memory_space<vmem_shared>> -> memref<100352xf32, #tpu.memory_space<vmem_shared>>
        tpu.wait_indirect_dma semaphore(%arg24 : memref<!tpu.dma_semaphore, #tpu.memory_space<semaphore_mem>>) src(%dma_wait3A_131 : memref<128xf32, #tpu.memory_space<vmem>>) dst(%dma_wait3A_136 : memref<100352xf32, #tpu.memory_space<vmem_shared>>)
        %dma_wait3A_137 = arith.constant 4 : i32
        %dma_wait3A_138 = arith.constant 1 : i32
        %dma_wait3A_139 = arith.constant 512 : i32
        %dma_wait3A_140 = tpu.memref_slice %arg16[%dma_wait3A_139] : memref<1024xf32, #tpu.memory_space<vmem>> -> memref<128xf32, #tpu.memory_space<vmem>>
        %dma_wait3A_141 = arith.constant 0 : i32
        %dma_wait3A_142 = tpu.memref_slice %arg10[%dma_wait3A_137, %dma_wait3A_138, %dma_wait3A_141] : memref<8x2x128xi32, #tpu.memory_space<vmem>> -> memref<1x1x128xi32, #tpu.memory_space<vmem>>
        %dma_wait3A_143 = tpu.memref_squeeze %dma_wait3A_142 : memref<1x1x128xi32, #tpu.memory_space<vmem>> -> memref<128xi32, #tpu.memory_space<vmem>>
        %dma_wait3A_144 = arith.constant 0 : i32
        %dma_wait3A_145 = tpu.memref_slice %arg19[%dma_wait3A_144] : memref<100352xf32, #tpu.memory_space<vmem_shared>> -> memref<100352xf32, #tpu.memory_space<vmem_shared>>
        tpu.wait_indirect_dma semaphore(%arg24 : memref<!tpu.dma_semaphore, #tpu.memory_space<semaphore_mem>>) src(%dma_wait3A_140 : memref<128xf32, #tpu.memory_space<vmem>>) dst(%dma_wait3A_145 : memref<100352xf32, #tpu.memory_space<vmem_shared>>)
        %dma_wait3A_146 = arith.constant 5 : i32
        %dma_wait3A_147 = arith.constant 1 : i32
        %dma_wait3A_148 = arith.constant 640 : i32
        %dma_wait3A_149 = tpu.memref_slice %arg16[%dma_wait3A_148] : memref<1024xf32, #tpu.memory_space<vmem>> -> memref<128xf32, #tpu.memory_space<vmem>>
        %dma_wait3A_150 = arith.constant 0 : i32
        %dma_wait3A_151 = tpu.memref_slice %arg10[%dma_wait3A_146, %dma_wait3A_147, %dma_wait3A_150] : memref<8x2x128xi32, #tpu.memory_space<vmem>> -> memref<1x1x128xi32, #tpu.memory_space<vmem>>
        %dma_wait3A_152 = tpu.memref_squeeze %dma_wait3A_151 : memref<1x1x128xi32, #tpu.memory_space<vmem>> -> memref<128xi32, #tpu.memory_space<vmem>>
        %dma_wait3A_153 = arith.constant 0 : i32
        %dma_wait3A_154 = tpu.memref_slice %arg19[%dma_wait3A_153] : memref<100352xf32, #tpu.memory_space<vmem_shared>> -> memref<100352xf32, #tpu.memory_space<vmem_shared>>
        tpu.wait_indirect_dma semaphore(%arg24 : memref<!tpu.dma_semaphore, #tpu.memory_space<semaphore_mem>>) src(%dma_wait3A_149 : memref<128xf32, #tpu.memory_space<vmem>>) dst(%dma_wait3A_154 : memref<100352xf32, #tpu.memory_space<vmem_shared>>)
        %dma_wait3A_155 = arith.constant 6 : i32
        %dma_wait3A_156 = arith.constant 1 : i32
        %dma_wait3A_157 = arith.constant 768 : i32
        %dma_wait3A_158 = tpu.memref_slice %arg16[%dma_wait3A_157] : memref<1024xf32, #tpu.memory_space<vmem>> -> memref<128xf32, #tpu.memory_space<vmem>>
        %dma_wait3A_159 = arith.constant 0 : i32
        %dma_wait3A_160 = tpu.memref_slice %arg10[%dma_wait3A_155, %dma_wait3A_156, %dma_wait3A_159] : memref<8x2x128xi32, #tpu.memory_space<vmem>> -> memref<1x1x128xi32, #tpu.memory_space<vmem>>
        %dma_wait3A_161 = tpu.memref_squeeze %dma_wait3A_160 : memref<1x1x128xi32, #tpu.memory_space<vmem>> -> memref<128xi32, #tpu.memory_space<vmem>>
        %dma_wait3A_162 = arith.constant 0 : i32
        %dma_wait3A_163 = tpu.memref_slice %arg19[%dma_wait3A_162] : memref<100352xf32, #tpu.memory_space<vmem_shared>> -> memref<100352xf32, #tpu.memory_space<vmem_shared>>
        tpu.wait_indirect_dma semaphore(%arg24 : memref<!tpu.dma_semaphore, #tpu.memory_space<semaphore_mem>>) src(%dma_wait3A_158 : memref<128xf32, #tpu.memory_space<vmem>>) dst(%dma_wait3A_163 : memref<100352xf32, #tpu.memory_space<vmem_shared>>)
        %dma_wait3A_164 = arith.constant 7 : i32
        %dma_wait3A_165 = arith.constant 1 : i32
        %dma_wait3A_166 = arith.constant 896 : i32
        %dma_wait3A_167 = tpu.memref_slice %arg16[%dma_wait3A_166] : memref<1024xf32, #tpu.memory_space<vmem>> -> memref<128xf32, #tpu.memory_space<vmem>>
        %dma_wait3A_168 = arith.constant 0 : i32
        %dma_wait3A_169 = tpu.memref_slice %arg10[%dma_wait3A_164, %dma_wait3A_165, %dma_wait3A_168] : memref<8x2x128xi32, #tpu.memory_space<vmem>> -> memref<1x1x128xi32, #tpu.memory_space<vmem>>
        %dma_wait3A_170 = tpu.memref_squeeze %dma_wait3A_169 : memref<1x1x128xi32, #tpu.memory_space<vmem>> -> memref<128xi32, #tpu.memory_space<vmem>>
        %dma_wait3A_171 = arith.constant 0 : i32
        %dma_wait3A_172 = tpu.memref_slice %arg19[%dma_wait3A_171] : memref<100352xf32, #tpu.memory_space<vmem_shared>> -> memref<100352xf32, #tpu.memory_space<vmem_shared>>
        tpu.wait_indirect_dma semaphore(%arg24 : memref<!tpu.dma_semaphore, #tpu.memory_space<semaphore_mem>>) src(%dma_wait3A_167 : memref<128xf32, #tpu.memory_space<vmem>>) dst(%dma_wait3A_172 : memref<100352xf32, #tpu.memory_space<vmem_shared>>)
      } else {
      }
      %add3A_46 = arith.constant 1 : i32
      %add3A_47 = arith.addi %mul3A_41, %add3A_46 : i32
      %lt3A_48 = arith.cmpi slt, %add3A_47, %add3A_8 : i32
      %convert_element_type3A_49 = arith.extui %lt3A_48 : i1 to i32
      %cond3A_50 = arith.constant 0 : i32
      %cond3A_51 = arith.cmpi ne, %convert_element_type3A_49, %cond3A_50 : i32
      scf.if %cond3A_51 {
        %add3A_102 = arith.addi %add3A_4, %mul3A_41 : i32
        %add3A_103 = arith.constant 1 : i32
        %add3A_104 = arith.addi %add3A_102, %add3A_103 : i32
        %mul3A_105 = arith.constant 8 : i32
        %mul3A_106 = arith.muli %add3A_104, %mul3A_105 : i32
        %mul3A_107 = arith.constant 1024 : i32
        %mul3A_108 = arith.muli %add3A_104, %mul3A_107 : i32
        %dma_start3A_109 = arith.constant 0 : i32
        %dma_start3A_110 = arith.constant 0 : i32
        %dma_start3A_111 = tpu.memref_slice %arg2[%mul3A_106, %dma_start3A_109, %dma_start3A_110] : memref<50000x2x128xi32, #tpu.memory_space<hbm>> -> memref<8x2x128xi32, #tpu.memory_space<hbm>>
        %dma_start3A_112 = arith.constant 0 : i32
        %dma_start3A_113 = arith.constant 0 : i32
        %dma_start3A_114 = tpu.memref_slice %arg2[%mul3A_106, %dma_start3A_112, %dma_start3A_113] : memref<50000x2x128xi32, #tpu.memory_space<hbm>> -> memref<8x2x128xi32, #tpu.memory_space<hbm>>
        tpu.enqueue_dma source(%dma_start3A_114 : memref<8x2x128xi32, #tpu.memory_space<hbm>>) target(%arg10 : memref<8x2x128xi32, #tpu.memory_space<vmem>>) target_semaphore(%arg21 : memref<!tpu.dma_semaphore, #tpu.memory_space<semaphore_mem>>)
        %dma_start3A_115 = tpu.memref_slice %arg3[%mul3A_108] : memref<6400000xi32, #tpu.memory_space<hbm>> -> memref<1024xi32, #tpu.memory_space<hbm>>
        %dma_start3A_116 = tpu.memref_slice %arg3[%mul3A_108] : memref<6400000xi32, #tpu.memory_space<hbm>> -> memref<1024xi32, #tpu.memory_space<hbm>>
        tpu.enqueue_dma source(%dma_start3A_116 : memref<1024xi32, #tpu.memory_space<hbm>>) target(%arg13 : memref<1024xi32, #tpu.memory_space<vmem>>) target_semaphore(%arg21 : memref<!tpu.dma_semaphore, #tpu.memory_space<semaphore_mem>>)
      } else {
      }
      %lt3A_52 = arith.cmpi slt, %mul3A_41, %add3A_8 : i32
      %convert_element_type3A_53 = arith.extui %lt3A_52 : i1 to i32
      %cond3A_54 = arith.constant 0 : i32
      %cond3A_55 = arith.cmpi ne, %convert_element_type3A_53, %cond3A_54 : i32
      scf.if %cond3A_55 {
        %add3A_102 = arith.addi %add3A_4, %mul3A_41 : i32
        %mul3A_103 = arith.constant 8 : i32
        %mul3A_104 = arith.muli %add3A_102, %mul3A_103 : i32
        %mul3A_105 = arith.constant 1024 : i32
        %mul3A_106 = arith.muli %add3A_102, %mul3A_105 : i32
        %dma_wait3A = arith.constant 0 : i32
        %dma_wait3A_107 = arith.constant 0 : i32
        %dma_wait3A_108 = tpu.memref_slice %arg2[%mul3A_104, %dma_wait3A, %dma_wait3A_107] : memref<50000x2x128xi32, #tpu.memory_space<hbm>> -> memref<8x2x128xi32, #tpu.memory_space<hbm>>
        %dma_wait3A_109 = arith.constant 0 : i32
        %dma_wait3A_110 = arith.constant 0 : i32
        %dma_wait3A_111 = tpu.memref_slice %arg2[%mul3A_104, %dma_wait3A_109, %dma_wait3A_110] : memref<50000x2x128xi32, #tpu.memory_space<hbm>> -> memref<8x2x128xi32, #tpu.memory_space<hbm>>
        tpu.wait_dma2 semaphore(%arg20 : memref<!tpu.dma_semaphore, #tpu.memory_space<semaphore_mem>>) src(%dma_wait3A_111 : memref<8x2x128xi32, #tpu.memory_space<hbm>>) dst(%arg9 : memref<8x2x128xi32, #tpu.memory_space<vmem>>)
        %dma_wait3A_112 = tpu.memref_slice %arg3[%mul3A_106] : memref<6400000xi32, #tpu.memory_space<hbm>> -> memref<1024xi32, #tpu.memory_space<hbm>>
        %dma_wait3A_113 = tpu.memref_slice %arg3[%mul3A_106] : memref<6400000xi32, #tpu.memory_space<hbm>> -> memref<1024xi32, #tpu.memory_space<hbm>>
        tpu.wait_dma2 semaphore(%arg20 : memref<!tpu.dma_semaphore, #tpu.memory_space<semaphore_mem>>) src(%dma_wait3A_113 : memref<1024xi32, #tpu.memory_space<hbm>>) dst(%arg12 : memref<1024xi32, #tpu.memory_space<vmem>>)
        %get3A = arith.constant 0 : i32
        %get3A_114 = arith.constant 0 : i32
        %get3A_115 = arith.index_cast %get3A : i32 to index
        %get3A_116 = arith.index_cast %get3A_114 : i32 to index
        %get3A_117 = arith.constant 0 : index
        %get3A_118 = tpu.vector_load %arg9[%get3A_115, %get3A_116, %get3A_117] {strides = array<i32>} : memref<8x2x128xi32, #tpu.memory_space<vmem>>, vector<16xi32>,
        %gather3A = tpu.vector_load_idx %arg7[%get3A_118] : memref<100000xf32, #tpu.memory_space<vmem>>[vector<16xi32>], vector<16xf32>,
        %get3A_119 = arith.constant 0 : index
        %get3A_120 = tpu.vector_load %arg12[%get3A_119] {strides = array<i32>} : memref<1024xi32, #tpu.memory_space<vmem>>, vector<16xi32>,
        %gather3A_121 = tpu.vector_load_idx %arg8[%get3A_120] : memref<64xf32, #tpu.memory_space<vmem>>[vector<16xi32>], vector<16xf32>,
        %mul3A_122 = arith.mulf %gather3A, %gather3A_121 : vector<16xf32>
        %swap3A = arith.constant 0 : index
        %swap3A_123 = tpu.vector_load %arg15[%swap3A] {strides = array<i32>} : memref<1024xf32, #tpu.memory_space<vmem>>, vector<16xf32>,
        tpu.vector_store %arg15[%swap3A], %mul3A_122 {strides = array<i32>} : memref<1024xf32, #tpu.memory_space<vmem>>, vector<16xf32>,
        %get3A_124 = arith.constant 0 : i32
        %get3A_125 = arith.constant 0 : i32
        %get3A_126 = arith.index_cast %get3A_124 : i32 to index
        %get3A_127 = arith.index_cast %get3A_125 : i32 to index
        %get3A_128 = arith.constant 16 : index
        %get3A_129 = tpu.vector_load %arg9[%get3A_126, %get3A_127, %get3A_128] {strides = array<i32>} : memref<8x2x128xi32, #tpu.memory_space<vmem>>, vector<16xi32>,
        %gather3A_130 = tpu.vector_load_idx %arg7[%get3A_129] : memref<100000xf32, #tpu.memory_space<vmem>>[vector<16xi32>], vector<16xf32>,
        %get3A_131 = arith.constant 16 : index
        %get3A_132 = tpu.vector_load %arg12[%get3A_131] {strides = array<i32>} : memref<1024xi32, #tpu.memory_space<vmem>>, vector<16xi32>,
        %gather3A_133 = tpu.vector_load_idx %arg8[%get3A_132] : memref<64xf32, #tpu.memory_space<vmem>>[vector<16xi32>], vector<16xf32>,
        %mul3A_134 = arith.mulf %gather3A_130, %gather3A_133 : vector<16xf32>
        %swap3A_135 = arith.constant 16 : index
        %swap3A_136 = tpu.vector_load %arg15[%swap3A_135] {strides = array<i32>} : memref<1024xf32, #tpu.memory_space<vmem>>, vector<16xf32>,
        tpu.vector_store %arg15[%swap3A_135], %mul3A_134 {strides = array<i32>} : memref<1024xf32, #tpu.memory_space<vmem>>, vector<16xf32>,
        %get3A_137 = arith.constant 0 : i32
        %get3A_138 = arith.constant 0 : i32
        %get3A_139 = arith.index_cast %get3A_137 : i32 to index
        %get3A_140 = arith.index_cast %get3A_138 : i32 to index
        %get3A_141 = arith.constant 32 : index
        %get3A_142 = tpu.vector_load %arg9[%get3A_139, %get3A_140, %get3A_141] {strides = array<i32>} : memref<8x2x128xi32, #tpu.memory_space<vmem>>, vector<16xi32>,
        %gather3A_143 = tpu.vector_load_idx %arg7[%get3A_142] : memref<100000xf32, #tpu.memory_space<vmem>>[vector<16xi32>], vector<16xf32>,
        %get3A_144 = arith.constant 32 : index
        %get3A_145 = tpu.vector_load %arg12[%get3A_144] {strides = array<i32>} : memref<1024xi32, #tpu.memory_space<vmem>>, vector<16xi32>,
        %gather3A_146 = tpu.vector_load_idx %arg8[%get3A_145] : memref<64xf32, #tpu.memory_space<vmem>>[vector<16xi32>], vector<16xf32>,
        %mul3A_147 = arith.mulf %gather3A_143, %gather3A_146 : vector<16xf32>
        %swap3A_148 = arith.constant 32 : index
        %swap3A_149 = tpu.vector_load %arg15[%swap3A_148] {strides = array<i32>} : memref<1024xf32, #tpu.memory_space<vmem>>, vector<16xf32>,
        tpu.vector_store %arg15[%swap3A_148], %mul3A_147 {strides = array<i32>} : memref<1024xf32, #tpu.memory_space<vmem>>, vector<16xf32>,
        %get3A_150 = arith.constant 0 : i32
        %get3A_151 = arith.constant 0 : i32
        %get3A_152 = arith.index_cast %get3A_150 : i32 to index
        %get3A_153 = arith.index_cast %get3A_151 : i32 to index
        %get3A_154 = arith.constant 48 : index
        %get3A_155 = tpu.vector_load %arg9[%get3A_152, %get3A_153, %get3A_154] {strides = array<i32>} : memref<8x2x128xi32, #tpu.memory_space<vmem>>, vector<16xi32>,
        %gather3A_156 = tpu.vector_load_idx %arg7[%get3A_155] : memref<100000xf32, #tpu.memory_space<vmem>>[vector<16xi32>], vector<16xf32>,
        %get3A_157 = arith.constant 48 : index
        %get3A_158 = tpu.vector_load %arg12[%get3A_157] {strides = array<i32>} : memref<1024xi32, #tpu.memory_space<vmem>>, vector<16xi32>,
        %gather3A_159 = tpu.vector_load_idx %arg8[%get3A_158] : memref<64xf32, #tpu.memory_space<vmem>>[vector<16xi32>], vector<16xf32>,
        %mul3A_160 = arith.mulf %gather3A_156, %gather3A_159 : vector<16xf32>
        %swap3A_161 = arith.constant 48 : index
        %swap3A_162 = tpu.vector_load %arg15[%swap3A_161] {strides = array<i32>} : memref<1024xf32, #tpu.memory_space<vmem>>, vector<16xf32>,
        tpu.vector_store %arg15[%swap3A_161], %mul3A_160 {strides = array<i32>} : memref<1024xf32, #tpu.memory_space<vmem>>, vector<16xf32>,
        %get3A_163 = arith.constant 0 : i32
        %get3A_164 = arith.constant 0 : i32
        %get3A_165 = arith.index_cast %get3A_163 : i32 to index
        %get3A_166 = arith.index_cast %get3A_164 : i32 to index
        %get3A_167 = arith.constant 64 : index
        %get3A_168 = tpu.vector_load %arg9[%get3A_165, %get3A_166, %get3A_167] {strides = array<i32>} : memref<8x2x128xi32, #tpu.memory_space<vmem>>, vector<16xi32>,
        %gather3A_169 = tpu.vector_load_idx %arg7[%get3A_168] : memref<100000xf32, #tpu.memory_space<vmem>>[vector<16xi32>], vector<16xf32>,
        %get3A_170 = arith.constant 64 : index
        %get3A_171 = tpu.vector_load %arg12[%get3A_170] {strides = array<i32>} : memref<1024xi32, #tpu.memory_space<vmem>>, vector<16xi32>,
        %gather3A_172 = tpu.vector_load_idx %arg8[%get3A_171] : memref<64xf32, #tpu.memory_space<vmem>>[vector<16xi32>], vector<16xf32>,
        %mul3A_173 = arith.mulf %gather3A_169, %gather3A_172 : vector<16xf32>
        %swap3A_174 = arith.constant 64 : index
        %swap3A_175 = tpu.vector_load %arg15[%swap3A_174] {strides = array<i32>} : memref<1024xf32, #tpu.memory_space<vmem>>, vector<16xf32>,
        tpu.vector_store %arg15[%swap3A_174], %mul3A_173 {strides = array<i32>} : memref<1024xf32, #tpu.memory_space<vmem>>, vector<16xf32>,
        %get3A_176 = arith.constant 0 : i32
        %get3A_177 = arith.constant 0 : i32
        %get3A_178 = arith.index_cast %get3A_176 : i32 to index
        %get3A_179 = arith.index_cast %get3A_177 : i32 to index
        %get3A_180 = arith.constant 80 : index
        %get3A_181 = tpu.vector_load %arg9[%get3A_178, %get3A_179, %get3A_180] {strides = array<i32>} : memref<8x2x128xi32, #tpu.memory_space<vmem>>, vector<16xi32>,
        %gather3A_182 = tpu.vector_load_idx %arg7[%get3A_181] : memref<100000xf32, #tpu.memory_space<vmem>>[vector<16xi32>], vector<16xf32>,
        %get3A_183 = arith.constant 80 : index
        %get3A_184 = tpu.vector_load %arg12[%get3A_183] {strides = array<i32>} : memref<1024xi32, #tpu.memory_space<vmem>>, vector<16xi32>,
        %gather3A_185 = tpu.vector_load_idx %arg8[%get3A_184] : memref<64xf32, #tpu.memory_space<vmem>>[vector<16xi32>], vector<16xf32>,
        %mul3A_186 = arith.mulf %gather3A_182, %gather3A_185 : vector<16xf32>
        %swap3A_187 = arith.constant 80 : index
        %swap3A_188 = tpu.vector_load %arg15[%swap3A_187] {strides = array<i32>} : memref<1024xf32, #tpu.memory_space<vmem>>, vector<16xf32>,
        tpu.vector_store %arg15[%swap3A_187], %mul3A_186 {strides = array<i32>} : memref<1024xf32, #tpu.memory_space<vmem>>, vector<16xf32>,
        %get3A_189 = arith.constant 0 : i32
        %get3A_190 = arith.constant 0 : i32
        %get3A_191 = arith.index_cast %get3A_189 : i32 to index
        %get3A_192 = arith.index_cast %get3A_190 : i32 to index
        %get3A_193 = arith.constant 96 : index
        %get3A_194 = tpu.vector_load %arg9[%get3A_191, %get3A_192, %get3A_193] {strides = array<i32>} : memref<8x2x128xi32, #tpu.memory_space<vmem>>, vector<16xi32>,
        %gather3A_195 = tpu.vector_load_idx %arg7[%get3A_194] : memref<100000xf32, #tpu.memory_space<vmem>>[vector<16xi32>], vector<16xf32>,
        %get3A_196 = arith.constant 96 : index
        %get3A_197 = tpu.vector_load %arg12[%get3A_196] {strides = array<i32>} : memref<1024xi32, #tpu.memory_space<vmem>>, vector<16xi32>,
        %gather3A_198 = tpu.vector_load_idx %arg8[%get3A_197] : memref<64xf32, #tpu.memory_space<vmem>>[vector<16xi32>], vector<16xf32>,
        %mul3A_199 = arith.mulf %gather3A_195, %gather3A_198 : vector<16xf32>
        %swap3A_200 = arith.constant 96 : index
        %swap3A_201 = tpu.vector_load %arg15[%swap3A_200] {strides = array<i32>} : memref<1024xf32, #tpu.memory_space<vmem>>, vector<16xf32>,
        tpu.vector_store %arg15[%swap3A_200], %mul3A_199 {strides = array<i32>} : memref<1024xf32, #tpu.memory_space<vmem>>, vector<16xf32>,
        %get3A_202 = arith.constant 0 : i32
        %get3A_203 = arith.constant 0 : i32
        %get3A_204 = arith.index_cast %get3A_202 : i32 to index
        %get3A_205 = arith.index_cast %get3A_203 : i32 to index
        %get3A_206 = arith.constant 112 : index
        %get3A_207 = tpu.vector_load %arg9[%get3A_204, %get3A_205, %get3A_206] {strides = array<i32>} : memref<8x2x128xi32, #tpu.memory_space<vmem>>, vector<16xi32>,
        %gather3A_208 = tpu.vector_load_idx %arg7[%get3A_207] : memref<100000xf32, #tpu.memory_space<vmem>>[vector<16xi32>], vector<16xf32>,
        %get3A_209 = arith.constant 112 : index
        %get3A_210 = tpu.vector_load %arg12[%get3A_209] {strides = array<i32>} : memref<1024xi32, #tpu.memory_space<vmem>>, vector<16xi32>,
        %gather3A_211 = tpu.vector_load_idx %arg8[%get3A_210] : memref<64xf32, #tpu.memory_space<vmem>>[vector<16xi32>], vector<16xf32>,
        %mul3A_212 = arith.mulf %gather3A_208, %gather3A_211 : vector<16xf32>
        %swap3A_213 = arith.constant 112 : index
        %swap3A_214 = tpu.vector_load %arg15[%swap3A_213] {strides = array<i32>} : memref<1024xf32, #tpu.memory_space<vmem>>, vector<16xf32>,
        tpu.vector_store %arg15[%swap3A_213], %mul3A_212 {strides = array<i32>} : memref<1024xf32, #tpu.memory_space<vmem>>, vector<16xf32>,
        %dma_start3A_215 = arith.constant 0 : i32
        %dma_start3A_216 = arith.constant 1 : i32
        %dma_start3A_217 = arith.constant 0 : i32
        %dma_start3A_218 = tpu.memref_slice %arg15[%dma_start3A_217] : memref<1024xf32, #tpu.memory_space<vmem>> -> memref<128xf32, #tpu.memory_space<vmem>>
        %dma_start3A_219 = arith.constant 0 : i32
        %dma_start3A_220 = tpu.memref_slice %arg9[%dma_start3A_215, %dma_start3A_216, %dma_start3A_219] : memref<8x2x128xi32, #tpu.memory_space<vmem>> -> memref<1x1x128xi32, #tpu.memory_space<vmem>>
        %dma_start3A_221 = tpu.memref_squeeze %dma_start3A_220 : memref<1x1x128xi32, #tpu.memory_space<vmem>> -> memref<128xi32, #tpu.memory_space<vmem>>
        %dma_start3A_222 = arith.constant 0 : i32
        %dma_start3A_223 = tpu.memref_slice %arg19[%dma_start3A_222] : memref<100352xf32, #tpu.memory_space<vmem_shared>> -> memref<100352xf32, #tpu.memory_space<vmem_shared>>
        tpu.enqueue_indirect_dma source(%dma_start3A_218 : memref<128xf32, #tpu.memory_space<vmem>>) target(%dma_start3A_223 : memref<100352xf32, #tpu.memory_space<vmem_shared>>) offsets(%dma_start3A_221 : memref<128xi32, #tpu.memory_space<vmem>>) semaphore(%arg23 : memref<!tpu.dma_semaphore, #tpu.memory_space<semaphore_mem>>) {add = true}
        %get3A_224 = arith.constant 1 : i32
        %get3A_225 = arith.constant 0 : i32
        %get3A_226 = arith.index_cast %get3A_224 : i32 to index
        %get3A_227 = arith.index_cast %get3A_225 : i32 to index
        %get3A_228 = arith.constant 0 : index
        %get3A_229 = tpu.vector_load %arg9[%get3A_226, %get3A_227, %get3A_228] {strides = array<i32>} : memref<8x2x128xi32, #tpu.memory_space<vmem>>, vector<16xi32>,
        %gather3A_230 = tpu.vector_load_idx %arg7[%get3A_229] : memref<100000xf32, #tpu.memory_space<vmem>>[vector<16xi32>], vector<16xf32>,
        %get3A_231 = arith.constant 128 : index
        %get3A_232 = tpu.vector_load %arg12[%get3A_231] {strides = array<i32>} : memref<1024xi32, #tpu.memory_space<vmem>>, vector<16xi32>,
        %gather3A_233 = tpu.vector_load_idx %arg8[%get3A_232] : memref<64xf32, #tpu.memory_space<vmem>>[vector<16xi32>], vector<16xf32>,
        %mul3A_234 = arith.mulf %gather3A_230, %gather3A_233 : vector<16xf32>
        %swap3A_235 = arith.constant 128 : index
        %swap3A_236 = tpu.vector_load %arg15[%swap3A_235] {strides = array<i32>} : memref<1024xf32, #tpu.memory_space<vmem>>, vector<16xf32>,
        tpu.vector_store %arg15[%swap3A_235], %mul3A_234 {strides = array<i32>} : memref<1024xf32, #tpu.memory_space<vmem>>, vector<16xf32>,
        %get3A_237 = arith.constant 1 : i32
        %get3A_238 = arith.constant 0 : i32
        %get3A_239 = arith.index_cast %get3A_237 : i32 to index
        %get3A_240 = arith.index_cast %get3A_238 : i32 to index
        %get3A_241 = arith.constant 16 : index
        %get3A_242 = tpu.vector_load %arg9[%get3A_239, %get3A_240, %get3A_241] {strides = array<i32>} : memref<8x2x128xi32, #tpu.memory_space<vmem>>, vector<16xi32>,
        %gather3A_243 = tpu.vector_load_idx %arg7[%get3A_242] : memref<100000xf32, #tpu.memory_space<vmem>>[vector<16xi32>], vector<16xf32>,
        %get3A_244 = arith.constant 144 : index
        %get3A_245 = tpu.vector_load %arg12[%get3A_244] {strides = array<i32>} : memref<1024xi32, #tpu.memory_space<vmem>>, vector<16xi32>,
        %gather3A_246 = tpu.vector_load_idx %arg8[%get3A_245] : memref<64xf32, #tpu.memory_space<vmem>>[vector<16xi32>], vector<16xf32>,
        %mul3A_247 = arith.mulf %gather3A_243, %gather3A_246 : vector<16xf32>
        %swap3A_248 = arith.constant 144 : index
        %swap3A_249 = tpu.vector_load %arg15[%swap3A_248] {strides = array<i32>} : memref<1024xf32, #tpu.memory_space<vmem>>, vector<16xf32>,
        tpu.vector_store %arg15[%swap3A_248], %mul3A_247 {strides = array<i32>} : memref<1024xf32, #tpu.memory_space<vmem>>, vector<16xf32>,
        %get3A_250 = arith.constant 1 : i32
        %get3A_251 = arith.constant 0 : i32
        %get3A_252 = arith.index_cast %get3A_250 : i32 to index
        %get3A_253 = arith.index_cast %get3A_251 : i32 to index
        %get3A_254 = arith.constant 32 : index
        %get3A_255 = tpu.vector_load %arg9[%get3A_252, %get3A_253, %get3A_254] {strides = array<i32>} : memref<8x2x128xi32, #tpu.memory_space<vmem>>, vector<16xi32>,
        %gather3A_256 = tpu.vector_load_idx %arg7[%get3A_255] : memref<100000xf32, #tpu.memory_space<vmem>>[vector<16xi32>], vector<16xf32>,
        %get3A_257 = arith.constant 160 : index
        %get3A_258 = tpu.vector_load %arg12[%get3A_257] {strides = array<i32>} : memref<1024xi32, #tpu.memory_space<vmem>>, vector<16xi32>,
        %gather3A_259 = tpu.vector_load_idx %arg8[%get3A_258] : memref<64xf32, #tpu.memory_space<vmem>>[vector<16xi32>], vector<16xf32>,
        %mul3A_260 = arith.mulf %gather3A_256, %gather3A_259 : vector<16xf32>
        %swap3A_261 = arith.constant 160 : index
        %swap3A_262 = tpu.vector_load %arg15[%swap3A_261] {strides = array<i32>} : memref<1024xf32, #tpu.memory_space<vmem>>, vector<16xf32>,
        tpu.vector_store %arg15[%swap3A_261], %mul3A_260 {strides = array<i32>} : memref<1024xf32, #tpu.memory_space<vmem>>, vector<16xf32>,
        %get3A_263 = arith.constant 1 : i32
        %get3A_264 = arith.constant 0 : i32
        %get3A_265 = arith.index_cast %get3A_263 : i32 to index
        %get3A_266 = arith.index_cast %get3A_264 : i32 to index
        %get3A_267 = arith.constant 48 : index
        %get3A_268 = tpu.vector_load %arg9[%get3A_265, %get3A_266, %get3A_267] {strides = array<i32>} : memref<8x2x128xi32, #tpu.memory_space<vmem>>, vector<16xi32>,
        %gather3A_269 = tpu.vector_load_idx %arg7[%get3A_268] : memref<100000xf32, #tpu.memory_space<vmem>>[vector<16xi32>], vector<16xf32>,
        %get3A_270 = arith.constant 176 : index
        %get3A_271 = tpu.vector_load %arg12[%get3A_270] {strides = array<i32>} : memref<1024xi32, #tpu.memory_space<vmem>>, vector<16xi32>,
        %gather3A_272 = tpu.vector_load_idx %arg8[%get3A_271] : memref<64xf32, #tpu.memory_space<vmem>>[vector<16xi32>], vector<16xf32>,
        %mul3A_273 = arith.mulf %gather3A_269, %gather3A_272 : vector<16xf32>
        %swap3A_274 = arith.constant 176 : index
        %swap3A_275 = tpu.vector_load %arg15[%swap3A_274] {strides = array<i32>} : memref<1024xf32, #tpu.memory_space<vmem>>, vector<16xf32>,
        tpu.vector_store %arg15[%swap3A_274], %mul3A_273 {strides = array<i32>} : memref<1024xf32, #tpu.memory_space<vmem>>, vector<16xf32>,
        %get3A_276 = arith.constant 1 : i32
        %get3A_277 = arith.constant 0 : i32
        %get3A_278 = arith.index_cast %get3A_276 : i32 to index
        %get3A_279 = arith.index_cast %get3A_277 : i32 to index
        %get3A_280 = arith.constant 64 : index
        %get3A_281 = tpu.vector_load %arg9[%get3A_278, %get3A_279, %get3A_280] {strides = array<i32>} : memref<8x2x128xi32, #tpu.memory_space<vmem>>, vector<16xi32>,
        %gather3A_282 = tpu.vector_load_idx %arg7[%get3A_281] : memref<100000xf32, #tpu.memory_space<vmem>>[vector<16xi32>], vector<16xf32>,
        %get3A_283 = arith.constant 192 : index
        %get3A_284 = tpu.vector_load %arg12[%get3A_283] {strides = array<i32>} : memref<1024xi32, #tpu.memory_space<vmem>>, vector<16xi32>,
        %gather3A_285 = tpu.vector_load_idx %arg8[%get3A_284] : memref<64xf32, #tpu.memory_space<vmem>>[vector<16xi32>], vector<16xf32>,
        %mul3A_286 = arith.mulf %gather3A_282, %gather3A_285 : vector<16xf32>
        %swap3A_287 = arith.constant 192 : index
        %swap3A_288 = tpu.vector_load %arg15[%swap3A_287] {strides = array<i32>} : memref<1024xf32, #tpu.memory_space<vmem>>, vector<16xf32>,
        tpu.vector_store %arg15[%swap3A_287], %mul3A_286 {strides = array<i32>} : memref<1024xf32, #tpu.memory_space<vmem>>, vector<16xf32>,
        %get3A_289 = arith.constant 1 : i32
        %get3A_290 = arith.constant 0 : i32
        %get3A_291 = arith.index_cast %get3A_289 : i32 to index
        %get3A_292 = arith.index_cast %get3A_290 : i32 to index
        %get3A_293 = arith.constant 80 : index
        %get3A_294 = tpu.vector_load %arg9[%get3A_291, %get3A_292, %get3A_293] {strides = array<i32>} : memref<8x2x128xi32, #tpu.memory_space<vmem>>, vector<16xi32>,
        %gather3A_295 = tpu.vector_load_idx %arg7[%get3A_294] : memref<100000xf32, #tpu.memory_space<vmem>>[vector<16xi32>], vector<16xf32>,
        %get3A_296 = arith.constant 208 : index
        %get3A_297 = tpu.vector_load %arg12[%get3A_296] {strides = array<i32>} : memref<1024xi32, #tpu.memory_space<vmem>>, vector<16xi32>,
        %gather3A_298 = tpu.vector_load_idx %arg8[%get3A_297] : memref<64xf32, #tpu.memory_space<vmem>>[vector<16xi32>], vector<16xf32>,
        %mul3A_299 = arith.mulf %gather3A_295, %gather3A_298 : vector<16xf32>
        %swap3A_300 = arith.constant 208 : index
        %swap3A_301 = tpu.vector_load %arg15[%swap3A_300] {strides = array<i32>} : memref<1024xf32, #tpu.memory_space<vmem>>, vector<16xf32>,
        tpu.vector_store %arg15[%swap3A_300], %mul3A_299 {strides = array<i32>} : memref<1024xf32, #tpu.memory_space<vmem>>, vector<16xf32>,
        %get3A_302 = arith.constant 1 : i32
        %get3A_303 = arith.constant 0 : i32
        %get3A_304 = arith.index_cast %get3A_302 : i32 to index
        %get3A_305 = arith.index_cast %get3A_303 : i32 to index
        %get3A_306 = arith.constant 96 : index
        %get3A_307 = tpu.vector_load %arg9[%get3A_304, %get3A_305, %get3A_306] {strides = array<i32>} : memref<8x2x128xi32, #tpu.memory_space<vmem>>, vector<16xi32>,
        %gather3A_308 = tpu.vector_load_idx %arg7[%get3A_307] : memref<100000xf32, #tpu.memory_space<vmem>>[vector<16xi32>], vector<16xf32>,
        %get3A_309 = arith.constant 224 : index
        %get3A_310 = tpu.vector_load %arg12[%get3A_309] {strides = array<i32>} : memref<1024xi32, #tpu.memory_space<vmem>>, vector<16xi32>,
        %gather3A_311 = tpu.vector_load_idx %arg8[%get3A_310] : memref<64xf32, #tpu.memory_space<vmem>>[vector<16xi32>], vector<16xf32>,
        %mul3A_312 = arith.mulf %gather3A_308, %gather3A_311 : vector<16xf32>
        %swap3A_313 = arith.constant 224 : index
        %swap3A_314 = tpu.vector_load %arg15[%swap3A_313] {strides = array<i32>} : memref<1024xf32, #tpu.memory_space<vmem>>, vector<16xf32>,
        tpu.vector_store %arg15[%swap3A_313], %mul3A_312 {strides = array<i32>} : memref<1024xf32, #tpu.memory_space<vmem>>, vector<16xf32>,
        %get3A_315 = arith.constant 1 : i32
        %get3A_316 = arith.constant 0 : i32
        %get3A_317 = arith.index_cast %get3A_315 : i32 to index
        %get3A_318 = arith.index_cast %get3A_316 : i32 to index
        %get3A_319 = arith.constant 112 : index
        %get3A_320 = tpu.vector_load %arg9[%get3A_317, %get3A_318, %get3A_319] {strides = array<i32>} : memref<8x2x128xi32, #tpu.memory_space<vmem>>, vector<16xi32>,
        %gather3A_321 = tpu.vector_load_idx %arg7[%get3A_320] : memref<100000xf32, #tpu.memory_space<vmem>>[vector<16xi32>], vector<16xf32>,
        %get3A_322 = arith.constant 240 : index
        %get3A_323 = tpu.vector_load %arg12[%get3A_322] {strides = array<i32>} : memref<1024xi32, #tpu.memory_space<vmem>>, vector<16xi32>,
        %gather3A_324 = tpu.vector_load_idx %arg8[%get3A_323] : memref<64xf32, #tpu.memory_space<vmem>>[vector<16xi32>], vector<16xf32>,
        %mul3A_325 = arith.mulf %gather3A_321, %gather3A_324 : vector<16xf32>
        %swap3A_326 = arith.constant 240 : index
        %swap3A_327 = tpu.vector_load %arg15[%swap3A_326] {strides = array<i32>} : memref<1024xf32, #tpu.memory_space<vmem>>, vector<16xf32>,
        tpu.vector_store %arg15[%swap3A_326], %mul3A_325 {strides = array<i32>} : memref<1024xf32, #tpu.memory_space<vmem>>, vector<16xf32>,
        %dma_start3A_328 = arith.constant 1 : i32
        %dma_start3A_329 = arith.constant 1 : i32
        %dma_start3A_330 = arith.constant 128 : i32
        %dma_start3A_331 = tpu.memref_slice %arg15[%dma_start3A_330] : memref<1024xf32, #tpu.memory_space<vmem>> -> memref<128xf32, #tpu.memory_space<vmem>>
        %dma_start3A_332 = arith.constant 0 : i32
        %dma_start3A_333 = tpu.memref_slice %arg9[%dma_start3A_328, %dma_start3A_329, %dma_start3A_332] : memref<8x2x128xi32, #tpu.memory_space<vmem>> -> memref<1x1x128xi32, #tpu.memory_space<vmem>>
        %dma_start3A_334 = tpu.memref_squeeze %dma_start3A_333 : memref<1x1x128xi32, #tpu.memory_space<vmem>> -> memref<128xi32, #tpu.memory_space<vmem>>
        %dma_start3A_335 = arith.constant 0 : i32
        %dma_start3A_336 = tpu.memref_slice %arg19[%dma_start3A_335] : memref<100352xf32, #tpu.memory_space<vmem_shared>> -> memref<100352xf32, #tpu.memory_space<vmem_shared>>
        tpu.enqueue_indirect_dma source(%dma_start3A_331 : memref<128xf32, #tpu.memory_space<vmem>>) target(%dma_start3A_336 : memref<100352xf32, #tpu.memory_space<vmem_shared>>) offsets(%dma_start3A_334 : memref<128xi32, #tpu.memory_space<vmem>>) semaphore(%arg23 : memref<!tpu.dma_semaphore, #tpu.memory_space<semaphore_mem>>) {add = true}
        %get3A_337 = arith.constant 2 : i32
        %get3A_338 = arith.constant 0 : i32
        %get3A_339 = arith.index_cast %get3A_337 : i32 to index
        %get3A_340 = arith.index_cast %get3A_338 : i32 to index
        %get3A_341 = arith.constant 0 : index
        %get3A_342 = tpu.vector_load %arg9[%get3A_339, %get3A_340, %get3A_341] {strides = array<i32>} : memref<8x2x128xi32, #tpu.memory_space<vmem>>, vector<16xi32>,
        %gather3A_343 = tpu.vector_load_idx %arg7[%get3A_342] : memref<100000xf32, #tpu.memory_space<vmem>>[vector<16xi32>], vector<16xf32>,
        %get3A_344 = arith.constant 256 : index
        %get3A_345 = tpu.vector_load %arg12[%get3A_344] {strides = array<i32>} : memref<1024xi32, #tpu.memory_space<vmem>>, vector<16xi32>,
        %gather3A_346 = tpu.vector_load_idx %arg8[%get3A_345] : memref<64xf32, #tpu.memory_space<vmem>>[vector<16xi32>], vector<16xf32>,
        %mul3A_347 = arith.mulf %gather3A_343, %gather3A_346 : vector<16xf32>
        %swap3A_348 = arith.constant 256 : index
        %swap3A_349 = tpu.vector_load %arg15[%swap3A_348] {strides = array<i32>} : memref<1024xf32, #tpu.memory_space<vmem>>, vector<16xf32>,
        tpu.vector_store %arg15[%swap3A_348], %mul3A_347 {strides = array<i32>} : memref<1024xf32, #tpu.memory_space<vmem>>, vector<16xf32>,
        %get3A_350 = arith.constant 2 : i32
        %get3A_351 = arith.constant 0 : i32
        %get3A_352 = arith.index_cast %get3A_350 : i32 to index
        %get3A_353 = arith.index_cast %get3A_351 : i32 to index
        %get3A_354 = arith.constant 16 : index
        %get3A_355 = tpu.vector_load %arg9[%get3A_352, %get3A_353, %get3A_354] {strides = array<i32>} : memref<8x2x128xi32, #tpu.memory_space<vmem>>, vector<16xi32>,
        %gather3A_356 = tpu.vector_load_idx %arg7[%get3A_355] : memref<100000xf32, #tpu.memory_space<vmem>>[vector<16xi32>], vector<16xf32>,
        %get3A_357 = arith.constant 272 : index
        %get3A_358 = tpu.vector_load %arg12[%get3A_357] {strides = array<i32>} : memref<1024xi32, #tpu.memory_space<vmem>>, vector<16xi32>,
        %gather3A_359 = tpu.vector_load_idx %arg8[%get3A_358] : memref<64xf32, #tpu.memory_space<vmem>>[vector<16xi32>], vector<16xf32>,
        %mul3A_360 = arith.mulf %gather3A_356, %gather3A_359 : vector<16xf32>
        %swap3A_361 = arith.constant 272 : index
        %swap3A_362 = tpu.vector_load %arg15[%swap3A_361] {strides = array<i32>} : memref<1024xf32, #tpu.memory_space<vmem>>, vector<16xf32>,
        tpu.vector_store %arg15[%swap3A_361], %mul3A_360 {strides = array<i32>} : memref<1024xf32, #tpu.memory_space<vmem>>, vector<16xf32>,
        %get3A_363 = arith.constant 2 : i32
        %get3A_364 = arith.constant 0 : i32
        %get3A_365 = arith.index_cast %get3A_363 : i32 to index
        %get3A_366 = arith.index_cast %get3A_364 : i32 to index
        %get3A_367 = arith.constant 32 : index
        %get3A_368 = tpu.vector_load %arg9[%get3A_365, %get3A_366, %get3A_367] {strides = array<i32>} : memref<8x2x128xi32, #tpu.memory_space<vmem>>, vector<16xi32>,
        %gather3A_369 = tpu.vector_load_idx %arg7[%get3A_368] : memref<100000xf32, #tpu.memory_space<vmem>>[vector<16xi32>], vector<16xf32>,
        %get3A_370 = arith.constant 288 : index
        %get3A_371 = tpu.vector_load %arg12[%get3A_370] {strides = array<i32>} : memref<1024xi32, #tpu.memory_space<vmem>>, vector<16xi32>,
        %gather3A_372 = tpu.vector_load_idx %arg8[%get3A_371] : memref<64xf32, #tpu.memory_space<vmem>>[vector<16xi32>], vector<16xf32>,
        %mul3A_373 = arith.mulf %gather3A_369, %gather3A_372 : vector<16xf32>
        %swap3A_374 = arith.constant 288 : index
        %swap3A_375 = tpu.vector_load %arg15[%swap3A_374] {strides = array<i32>} : memref<1024xf32, #tpu.memory_space<vmem>>, vector<16xf32>,
        tpu.vector_store %arg15[%swap3A_374], %mul3A_373 {strides = array<i32>} : memref<1024xf32, #tpu.memory_space<vmem>>, vector<16xf32>,
        %get3A_376 = arith.constant 2 : i32
        %get3A_377 = arith.constant 0 : i32
        %get3A_378 = arith.index_cast %get3A_376 : i32 to index
        %get3A_379 = arith.index_cast %get3A_377 : i32 to index
        %get3A_380 = arith.constant 48 : index
        %get3A_381 = tpu.vector_load %arg9[%get3A_378, %get3A_379, %get3A_380] {strides = array<i32>} : memref<8x2x128xi32, #tpu.memory_space<vmem>>, vector<16xi32>,
        %gather3A_382 = tpu.vector_load_idx %arg7[%get3A_381] : memref<100000xf32, #tpu.memory_space<vmem>>[vector<16xi32>], vector<16xf32>,
        %get3A_383 = arith.constant 304 : index
        %get3A_384 = tpu.vector_load %arg12[%get3A_383] {strides = array<i32>} : memref<1024xi32, #tpu.memory_space<vmem>>, vector<16xi32>,
        %gather3A_385 = tpu.vector_load_idx %arg8[%get3A_384] : memref<64xf32, #tpu.memory_space<vmem>>[vector<16xi32>], vector<16xf32>,
        %mul3A_386 = arith.mulf %gather3A_382, %gather3A_385 : vector<16xf32>
        %swap3A_387 = arith.constant 304 : index
        %swap3A_388 = tpu.vector_load %arg15[%swap3A_387] {strides = array<i32>} : memref<1024xf32, #tpu.memory_space<vmem>>, vector<16xf32>,
        tpu.vector_store %arg15[%swap3A_387], %mul3A_386 {strides = array<i32>} : memref<1024xf32, #tpu.memory_space<vmem>>, vector<16xf32>,
        %get3A_389 = arith.constant 2 : i32
        %get3A_390 = arith.constant 0 : i32
        %get3A_391 = arith.index_cast %get3A_389 : i32 to index
        %get3A_392 = arith.index_cast %get3A_390 : i32 to index
        %get3A_393 = arith.constant 64 : index
        %get3A_394 = tpu.vector_load %arg9[%get3A_391, %get3A_392, %get3A_393] {strides = array<i32>} : memref<8x2x128xi32, #tpu.memory_space<vmem>>, vector<16xi32>,
        %gather3A_395 = tpu.vector_load_idx %arg7[%get3A_394] : memref<100000xf32, #tpu.memory_space<vmem>>[vector<16xi32>], vector<16xf32>,
        %get3A_396 = arith.constant 320 : index
        %get3A_397 = tpu.vector_load %arg12[%get3A_396] {strides = array<i32>} : memref<1024xi32, #tpu.memory_space<vmem>>, vector<16xi32>,
        %gather3A_398 = tpu.vector_load_idx %arg8[%get3A_397] : memref<64xf32, #tpu.memory_space<vmem>>[vector<16xi32>], vector<16xf32>,
        %mul3A_399 = arith.mulf %gather3A_395, %gather3A_398 : vector<16xf32>
        %swap3A_400 = arith.constant 320 : index
        %swap3A_401 = tpu.vector_load %arg15[%swap3A_400] {strides = array<i32>} : memref<1024xf32, #tpu.memory_space<vmem>>, vector<16xf32>,
        tpu.vector_store %arg15[%swap3A_400], %mul3A_399 {strides = array<i32>} : memref<1024xf32, #tpu.memory_space<vmem>>, vector<16xf32>,
        %get3A_402 = arith.constant 2 : i32
        %get3A_403 = arith.constant 0 : i32
        %get3A_404 = arith.index_cast %get3A_402 : i32 to index
        %get3A_405 = arith.index_cast %get3A_403 : i32 to index
        %get3A_406 = arith.constant 80 : index
        %get3A_407 = tpu.vector_load %arg9[%get3A_404, %get3A_405, %get3A_406] {strides = array<i32>} : memref<8x2x128xi32, #tpu.memory_space<vmem>>, vector<16xi32>,
        %gather3A_408 = tpu.vector_load_idx %arg7[%get3A_407] : memref<100000xf32, #tpu.memory_space<vmem>>[vector<16xi32>], vector<16xf32>,
        %get3A_409 = arith.constant 336 : index
        %get3A_410 = tpu.vector_load %arg12[%get3A_409] {strides = array<i32>} : memref<1024xi32, #tpu.memory_space<vmem>>, vector<16xi32>,
        %gather3A_411 = tpu.vector_load_idx %arg8[%get3A_410] : memref<64xf32, #tpu.memory_space<vmem>>[vector<16xi32>], vector<16xf32>,
        %mul3A_412 = arith.mulf %gather3A_408, %gather3A_411 : vector<16xf32>
        %swap3A_413 = arith.constant 336 : index
        %swap3A_414 = tpu.vector_load %arg15[%swap3A_413] {strides = array<i32>} : memref<1024xf32, #tpu.memory_space<vmem>>, vector<16xf32>,
        tpu.vector_store %arg15[%swap3A_413], %mul3A_412 {strides = array<i32>} : memref<1024xf32, #tpu.memory_space<vmem>>, vector<16xf32>,
        %get3A_415 = arith.constant 2 : i32
        %get3A_416 = arith.constant 0 : i32
        %get3A_417 = arith.index_cast %get3A_415 : i32 to index
        %get3A_418 = arith.index_cast %get3A_416 : i32 to index
        %get3A_419 = arith.constant 96 : index
        %get3A_420 = tpu.vector_load %arg9[%get3A_417, %get3A_418, %get3A_419] {strides = array<i32>} : memref<8x2x128xi32, #tpu.memory_space<vmem>>, vector<16xi32>,
        %gather3A_421 = tpu.vector_load_idx %arg7[%get3A_420] : memref<100000xf32, #tpu.memory_space<vmem>>[vector<16xi32>], vector<16xf32>,
        %get3A_422 = arith.constant 352 : index
        %get3A_423 = tpu.vector_load %arg12[%get3A_422] {strides = array<i32>} : memref<1024xi32, #tpu.memory_space<vmem>>, vector<16xi32>,
        %gather3A_424 = tpu.vector_load_idx %arg8[%get3A_423] : memref<64xf32, #tpu.memory_space<vmem>>[vector<16xi32>], vector<16xf32>,
        %mul3A_425 = arith.mulf %gather3A_421, %gather3A_424 : vector<16xf32>
        %swap3A_426 = arith.constant 352 : index
        %swap3A_427 = tpu.vector_load %arg15[%swap3A_426] {strides = array<i32>} : memref<1024xf32, #tpu.memory_space<vmem>>, vector<16xf32>,
        tpu.vector_store %arg15[%swap3A_426], %mul3A_425 {strides = array<i32>} : memref<1024xf32, #tpu.memory_space<vmem>>, vector<16xf32>,
        %get3A_428 = arith.constant 2 : i32
        %get3A_429 = arith.constant 0 : i32
        %get3A_430 = arith.index_cast %get3A_428 : i32 to index
        %get3A_431 = arith.index_cast %get3A_429 : i32 to index
        %get3A_432 = arith.constant 112 : index
        %get3A_433 = tpu.vector_load %arg9[%get3A_430, %get3A_431, %get3A_432] {strides = array<i32>} : memref<8x2x128xi32, #tpu.memory_space<vmem>>, vector<16xi32>,
        %gather3A_434 = tpu.vector_load_idx %arg7[%get3A_433] : memref<100000xf32, #tpu.memory_space<vmem>>[vector<16xi32>], vector<16xf32>,
        %get3A_435 = arith.constant 368 : index
        %get3A_436 = tpu.vector_load %arg12[%get3A_435] {strides = array<i32>} : memref<1024xi32, #tpu.memory_space<vmem>>, vector<16xi32>,
        %gather3A_437 = tpu.vector_load_idx %arg8[%get3A_436] : memref<64xf32, #tpu.memory_space<vmem>>[vector<16xi32>], vector<16xf32>,
        %mul3A_438 = arith.mulf %gather3A_434, %gather3A_437 : vector<16xf32>
        %swap3A_439 = arith.constant 368 : index
        %swap3A_440 = tpu.vector_load %arg15[%swap3A_439] {strides = array<i32>} : memref<1024xf32, #tpu.memory_space<vmem>>, vector<16xf32>,
        tpu.vector_store %arg15[%swap3A_439], %mul3A_438 {strides = array<i32>} : memref<1024xf32, #tpu.memory_space<vmem>>, vector<16xf32>,
        %dma_start3A_441 = arith.constant 2 : i32
        %dma_start3A_442 = arith.constant 1 : i32
        %dma_start3A_443 = arith.constant 256 : i32
        %dma_start3A_444 = tpu.memref_slice %arg15[%dma_start3A_443] : memref<1024xf32, #tpu.memory_space<vmem>> -> memref<128xf32, #tpu.memory_space<vmem>>
        %dma_start3A_445 = arith.constant 0 : i32
        %dma_start3A_446 = tpu.memref_slice %arg9[%dma_start3A_441, %dma_start3A_442, %dma_start3A_445] : memref<8x2x128xi32, #tpu.memory_space<vmem>> -> memref<1x1x128xi32, #tpu.memory_space<vmem>>
        %dma_start3A_447 = tpu.memref_squeeze %dma_start3A_446 : memref<1x1x128xi32, #tpu.memory_space<vmem>> -> memref<128xi32, #tpu.memory_space<vmem>>
        %dma_start3A_448 = arith.constant 0 : i32
        %dma_start3A_449 = tpu.memref_slice %arg19[%dma_start3A_448] : memref<100352xf32, #tpu.memory_space<vmem_shared>> -> memref<100352xf32, #tpu.memory_space<vmem_shared>>
        tpu.enqueue_indirect_dma source(%dma_start3A_444 : memref<128xf32, #tpu.memory_space<vmem>>) target(%dma_start3A_449 : memref<100352xf32, #tpu.memory_space<vmem_shared>>) offsets(%dma_start3A_447 : memref<128xi32, #tpu.memory_space<vmem>>) semaphore(%arg23 : memref<!tpu.dma_semaphore, #tpu.memory_space<semaphore_mem>>) {add = true}
        %get3A_450 = arith.constant 3 : i32
        %get3A_451 = arith.constant 0 : i32
        %get3A_452 = arith.index_cast %get3A_450 : i32 to index
        %get3A_453 = arith.index_cast %get3A_451 : i32 to index
        %get3A_454 = arith.constant 0 : index
        %get3A_455 = tpu.vector_load %arg9[%get3A_452, %get3A_453, %get3A_454] {strides = array<i32>} : memref<8x2x128xi32, #tpu.memory_space<vmem>>, vector<16xi32>,
        %gather3A_456 = tpu.vector_load_idx %arg7[%get3A_455] : memref<100000xf32, #tpu.memory_space<vmem>>[vector<16xi32>], vector<16xf32>,
        %get3A_457 = arith.constant 384 : index
        %get3A_458 = tpu.vector_load %arg12[%get3A_457] {strides = array<i32>} : memref<1024xi32, #tpu.memory_space<vmem>>, vector<16xi32>,
        %gather3A_459 = tpu.vector_load_idx %arg8[%get3A_458] : memref<64xf32, #tpu.memory_space<vmem>>[vector<16xi32>], vector<16xf32>,
        %mul3A_460 = arith.mulf %gather3A_456, %gather3A_459 : vector<16xf32>
        %swap3A_461 = arith.constant 384 : index
        %swap3A_462 = tpu.vector_load %arg15[%swap3A_461] {strides = array<i32>} : memref<1024xf32, #tpu.memory_space<vmem>>, vector<16xf32>,
        tpu.vector_store %arg15[%swap3A_461], %mul3A_460 {strides = array<i32>} : memref<1024xf32, #tpu.memory_space<vmem>>, vector<16xf32>,
        %get3A_463 = arith.constant 3 : i32
        %get3A_464 = arith.constant 0 : i32
        %get3A_465 = arith.index_cast %get3A_463 : i32 to index
        %get3A_466 = arith.index_cast %get3A_464 : i32 to index
        %get3A_467 = arith.constant 16 : index
        %get3A_468 = tpu.vector_load %arg9[%get3A_465, %get3A_466, %get3A_467] {strides = array<i32>} : memref<8x2x128xi32, #tpu.memory_space<vmem>>, vector<16xi32>,
        %gather3A_469 = tpu.vector_load_idx %arg7[%get3A_468] : memref<100000xf32, #tpu.memory_space<vmem>>[vector<16xi32>], vector<16xf32>,
        %get3A_470 = arith.constant 400 : index
        %get3A_471 = tpu.vector_load %arg12[%get3A_470] {strides = array<i32>} : memref<1024xi32, #tpu.memory_space<vmem>>, vector<16xi32>,
        %gather3A_472 = tpu.vector_load_idx %arg8[%get3A_471] : memref<64xf32, #tpu.memory_space<vmem>>[vector<16xi32>], vector<16xf32>,
        %mul3A_473 = arith.mulf %gather3A_469, %gather3A_472 : vector<16xf32>
        %swap3A_474 = arith.constant 400 : index
        %swap3A_475 = tpu.vector_load %arg15[%swap3A_474] {strides = array<i32>} : memref<1024xf32, #tpu.memory_space<vmem>>, vector<16xf32>,
        tpu.vector_store %arg15[%swap3A_474], %mul3A_473 {strides = array<i32>} : memref<1024xf32, #tpu.memory_space<vmem>>, vector<16xf32>,
        %get3A_476 = arith.constant 3 : i32
        %get3A_477 = arith.constant 0 : i32
        %get3A_478 = arith.index_cast %get3A_476 : i32 to index
        %get3A_479 = arith.index_cast %get3A_477 : i32 to index
        %get3A_480 = arith.constant 32 : index
        %get3A_481 = tpu.vector_load %arg9[%get3A_478, %get3A_479, %get3A_480] {strides = array<i32>} : memref<8x2x128xi32, #tpu.memory_space<vmem>>, vector<16xi32>,
        %gather3A_482 = tpu.vector_load_idx %arg7[%get3A_481] : memref<100000xf32, #tpu.memory_space<vmem>>[vector<16xi32>], vector<16xf32>,
        %get3A_483 = arith.constant 416 : index
        %get3A_484 = tpu.vector_load %arg12[%get3A_483] {strides = array<i32>} : memref<1024xi32, #tpu.memory_space<vmem>>, vector<16xi32>,
        %gather3A_485 = tpu.vector_load_idx %arg8[%get3A_484] : memref<64xf32, #tpu.memory_space<vmem>>[vector<16xi32>], vector<16xf32>,
        %mul3A_486 = arith.mulf %gather3A_482, %gather3A_485 : vector<16xf32>
        %swap3A_487 = arith.constant 416 : index
        %swap3A_488 = tpu.vector_load %arg15[%swap3A_487] {strides = array<i32>} : memref<1024xf32, #tpu.memory_space<vmem>>, vector<16xf32>,
        tpu.vector_store %arg15[%swap3A_487], %mul3A_486 {strides = array<i32>} : memref<1024xf32, #tpu.memory_space<vmem>>, vector<16xf32>,
        %get3A_489 = arith.constant 3 : i32
        %get3A_490 = arith.constant 0 : i32
        %get3A_491 = arith.index_cast %get3A_489 : i32 to index
        %get3A_492 = arith.index_cast %get3A_490 : i32 to index
        %get3A_493 = arith.constant 48 : index
        %get3A_494 = tpu.vector_load %arg9[%get3A_491, %get3A_492, %get3A_493] {strides = array<i32>} : memref<8x2x128xi32, #tpu.memory_space<vmem>>, vector<16xi32>,
        %gather3A_495 = tpu.vector_load_idx %arg7[%get3A_494] : memref<100000xf32, #tpu.memory_space<vmem>>[vector<16xi32>], vector<16xf32>,
        %get3A_496 = arith.constant 432 : index
        %get3A_497 = tpu.vector_load %arg12[%get3A_496] {strides = array<i32>} : memref<1024xi32, #tpu.memory_space<vmem>>, vector<16xi32>,
        %gather3A_498 = tpu.vector_load_idx %arg8[%get3A_497] : memref<64xf32, #tpu.memory_space<vmem>>[vector<16xi32>], vector<16xf32>,
        %mul3A_499 = arith.mulf %gather3A_495, %gather3A_498 : vector<16xf32>
        %swap3A_500 = arith.constant 432 : index
        %swap3A_501 = tpu.vector_load %arg15[%swap3A_500] {strides = array<i32>} : memref<1024xf32, #tpu.memory_space<vmem>>, vector<16xf32>,
        tpu.vector_store %arg15[%swap3A_500], %mul3A_499 {strides = array<i32>} : memref<1024xf32, #tpu.memory_space<vmem>>, vector<16xf32>,
        %get3A_502 = arith.constant 3 : i32
        %get3A_503 = arith.constant 0 : i32
        %get3A_504 = arith.index_cast %get3A_502 : i32 to index
        %get3A_505 = arith.index_cast %get3A_503 : i32 to index
        %get3A_506 = arith.constant 64 : index
        %get3A_507 = tpu.vector_load %arg9[%get3A_504, %get3A_505, %get3A_506] {strides = array<i32>} : memref<8x2x128xi32, #tpu.memory_space<vmem>>, vector<16xi32>,
        %gather3A_508 = tpu.vector_load_idx %arg7[%get3A_507] : memref<100000xf32, #tpu.memory_space<vmem>>[vector<16xi32>], vector<16xf32>,
        %get3A_509 = arith.constant 448 : index
        %get3A_510 = tpu.vector_load %arg12[%get3A_509] {strides = array<i32>} : memref<1024xi32, #tpu.memory_space<vmem>>, vector<16xi32>,
        %gather3A_511 = tpu.vector_load_idx %arg8[%get3A_510] : memref<64xf32, #tpu.memory_space<vmem>>[vector<16xi32>], vector<16xf32>,
        %mul3A_512 = arith.mulf %gather3A_508, %gather3A_511 : vector<16xf32>
        %swap3A_513 = arith.constant 448 : index
        %swap3A_514 = tpu.vector_load %arg15[%swap3A_513] {strides = array<i32>} : memref<1024xf32, #tpu.memory_space<vmem>>, vector<16xf32>,
        tpu.vector_store %arg15[%swap3A_513], %mul3A_512 {strides = array<i32>} : memref<1024xf32, #tpu.memory_space<vmem>>, vector<16xf32>,
        %get3A_515 = arith.constant 3 : i32
        %get3A_516 = arith.constant 0 : i32
        %get3A_517 = arith.index_cast %get3A_515 : i32 to index
        %get3A_518 = arith.index_cast %get3A_516 : i32 to index
        %get3A_519 = arith.constant 80 : index
        %get3A_520 = tpu.vector_load %arg9[%get3A_517, %get3A_518, %get3A_519] {strides = array<i32>} : memref<8x2x128xi32, #tpu.memory_space<vmem>>, vector<16xi32>,
        %gather3A_521 = tpu.vector_load_idx %arg7[%get3A_520] : memref<100000xf32, #tpu.memory_space<vmem>>[vector<16xi32>], vector<16xf32>,
        %get3A_522 = arith.constant 464 : index
        %get3A_523 = tpu.vector_load %arg12[%get3A_522] {strides = array<i32>} : memref<1024xi32, #tpu.memory_space<vmem>>, vector<16xi32>,
        %gather3A_524 = tpu.vector_load_idx %arg8[%get3A_523] : memref<64xf32, #tpu.memory_space<vmem>>[vector<16xi32>], vector<16xf32>,
        %mul3A_525 = arith.mulf %gather3A_521, %gather3A_524 : vector<16xf32>
        %swap3A_526 = arith.constant 464 : index
        %swap3A_527 = tpu.vector_load %arg15[%swap3A_526] {strides = array<i32>} : memref<1024xf32, #tpu.memory_space<vmem>>, vector<16xf32>,
        tpu.vector_store %arg15[%swap3A_526], %mul3A_525 {strides = array<i32>} : memref<1024xf32, #tpu.memory_space<vmem>>, vector<16xf32>,
        %get3A_528 = arith.constant 3 : i32
        %get3A_529 = arith.constant 0 : i32
        %get3A_530 = arith.index_cast %get3A_528 : i32 to index
        %get3A_531 = arith.index_cast %get3A_529 : i32 to index
        %get3A_532 = arith.constant 96 : index
        %get3A_533 = tpu.vector_load %arg9[%get3A_530, %get3A_531, %get3A_532] {strides = array<i32>} : memref<8x2x128xi32, #tpu.memory_space<vmem>>, vector<16xi32>,
        %gather3A_534 = tpu.vector_load_idx %arg7[%get3A_533] : memref<100000xf32, #tpu.memory_space<vmem>>[vector<16xi32>], vector<16xf32>,
        %get3A_535 = arith.constant 480 : index
        %get3A_536 = tpu.vector_load %arg12[%get3A_535] {strides = array<i32>} : memref<1024xi32, #tpu.memory_space<vmem>>, vector<16xi32>,
        %gather3A_537 = tpu.vector_load_idx %arg8[%get3A_536] : memref<64xf32, #tpu.memory_space<vmem>>[vector<16xi32>], vector<16xf32>,
        %mul3A_538 = arith.mulf %gather3A_534, %gather3A_537 : vector<16xf32>
        %swap3A_539 = arith.constant 480 : index
        %swap3A_540 = tpu.vector_load %arg15[%swap3A_539] {strides = array<i32>} : memref<1024xf32, #tpu.memory_space<vmem>>, vector<16xf32>,
        tpu.vector_store %arg15[%swap3A_539], %mul3A_538 {strides = array<i32>} : memref<1024xf32, #tpu.memory_space<vmem>>, vector<16xf32>,
        %get3A_541 = arith.constant 3 : i32
        %get3A_542 = arith.constant 0 : i32
        %get3A_543 = arith.index_cast %get3A_541 : i32 to index
        %get3A_544 = arith.index_cast %get3A_542 : i32 to index
        %get3A_545 = arith.constant 112 : index
        %get3A_546 = tpu.vector_load %arg9[%get3A_543, %get3A_544, %get3A_545] {strides = array<i32>} : memref<8x2x128xi32, #tpu.memory_space<vmem>>, vector<16xi32>,
        %gather3A_547 = tpu.vector_load_idx %arg7[%get3A_546] : memref<100000xf32, #tpu.memory_space<vmem>>[vector<16xi32>], vector<16xf32>,
        %get3A_548 = arith.constant 496 : index
        %get3A_549 = tpu.vector_load %arg12[%get3A_548] {strides = array<i32>} : memref<1024xi32, #tpu.memory_space<vmem>>, vector<16xi32>,
        %gather3A_550 = tpu.vector_load_idx %arg8[%get3A_549] : memref<64xf32, #tpu.memory_space<vmem>>[vector<16xi32>], vector<16xf32>,
        %mul3A_551 = arith.mulf %gather3A_547, %gather3A_550 : vector<16xf32>
        %swap3A_552 = arith.constant 496 : index
        %swap3A_553 = tpu.vector_load %arg15[%swap3A_552] {strides = array<i32>} : memref<1024xf32, #tpu.memory_space<vmem>>, vector<16xf32>,
        tpu.vector_store %arg15[%swap3A_552], %mul3A_551 {strides = array<i32>} : memref<1024xf32, #tpu.memory_space<vmem>>, vector<16xf32>,
        %dma_start3A_554 = arith.constant 3 : i32
        %dma_start3A_555 = arith.constant 1 : i32
        %dma_start3A_556 = arith.constant 384 : i32
        %dma_start3A_557 = tpu.memref_slice %arg15[%dma_start3A_556] : memref<1024xf32, #tpu.memory_space<vmem>> -> memref<128xf32, #tpu.memory_space<vmem>>
        %dma_start3A_558 = arith.constant 0 : i32
        %dma_start3A_559 = tpu.memref_slice %arg9[%dma_start3A_554, %dma_start3A_555, %dma_start3A_558] : memref<8x2x128xi32, #tpu.memory_space<vmem>> -> memref<1x1x128xi32, #tpu.memory_space<vmem>>
        %dma_start3A_560 = tpu.memref_squeeze %dma_start3A_559 : memref<1x1x128xi32, #tpu.memory_space<vmem>> -> memref<128xi32, #tpu.memory_space<vmem>>
        %dma_start3A_561 = arith.constant 0 : i32
        %dma_start3A_562 = tpu.memref_slice %arg19[%dma_start3A_561] : memref<100352xf32, #tpu.memory_space<vmem_shared>> -> memref<100352xf32, #tpu.memory_space<vmem_shared>>
        tpu.enqueue_indirect_dma source(%dma_start3A_557 : memref<128xf32, #tpu.memory_space<vmem>>) target(%dma_start3A_562 : memref<100352xf32, #tpu.memory_space<vmem_shared>>) offsets(%dma_start3A_560 : memref<128xi32, #tpu.memory_space<vmem>>) semaphore(%arg23 : memref<!tpu.dma_semaphore, #tpu.memory_space<semaphore_mem>>) {add = true}
        %get3A_563 = arith.constant 4 : i32
        %get3A_564 = arith.constant 0 : i32
        %get3A_565 = arith.index_cast %get3A_563 : i32 to index
        %get3A_566 = arith.index_cast %get3A_564 : i32 to index
        %get3A_567 = arith.constant 0 : index
        %get3A_568 = tpu.vector_load %arg9[%get3A_565, %get3A_566, %get3A_567] {strides = array<i32>} : memref<8x2x128xi32, #tpu.memory_space<vmem>>, vector<16xi32>,
        %gather3A_569 = tpu.vector_load_idx %arg7[%get3A_568] : memref<100000xf32, #tpu.memory_space<vmem>>[vector<16xi32>], vector<16xf32>,
        %get3A_570 = arith.constant 512 : index
        %get3A_571 = tpu.vector_load %arg12[%get3A_570] {strides = array<i32>} : memref<1024xi32, #tpu.memory_space<vmem>>, vector<16xi32>,
        %gather3A_572 = tpu.vector_load_idx %arg8[%get3A_571] : memref<64xf32, #tpu.memory_space<vmem>>[vector<16xi32>], vector<16xf32>,
        %mul3A_573 = arith.mulf %gather3A_569, %gather3A_572 : vector<16xf32>
        %swap3A_574 = arith.constant 512 : index
        %swap3A_575 = tpu.vector_load %arg15[%swap3A_574] {strides = array<i32>} : memref<1024xf32, #tpu.memory_space<vmem>>, vector<16xf32>,
        tpu.vector_store %arg15[%swap3A_574], %mul3A_573 {strides = array<i32>} : memref<1024xf32, #tpu.memory_space<vmem>>, vector<16xf32>,
        %get3A_576 = arith.constant 4 : i32
        %get3A_577 = arith.constant 0 : i32
        %get3A_578 = arith.index_cast %get3A_576 : i32 to index
        %get3A_579 = arith.index_cast %get3A_577 : i32 to index
        %get3A_580 = arith.constant 16 : index
        %get3A_581 = tpu.vector_load %arg9[%get3A_578, %get3A_579, %get3A_580] {strides = array<i32>} : memref<8x2x128xi32, #tpu.memory_space<vmem>>, vector<16xi32>,
        %gather3A_582 = tpu.vector_load_idx %arg7[%get3A_581] : memref<100000xf32, #tpu.memory_space<vmem>>[vector<16xi32>], vector<16xf32>,
        %get3A_583 = arith.constant 528 : index
        %get3A_584 = tpu.vector_load %arg12[%get3A_583] {strides = array<i32>} : memref<1024xi32, #tpu.memory_space<vmem>>, vector<16xi32>,
        %gather3A_585 = tpu.vector_load_idx %arg8[%get3A_584] : memref<64xf32, #tpu.memory_space<vmem>>[vector<16xi32>], vector<16xf32>,
        %mul3A_586 = arith.mulf %gather3A_582, %gather3A_585 : vector<16xf32>
        %swap3A_587 = arith.constant 528 : index
        %swap3A_588 = tpu.vector_load %arg15[%swap3A_587] {strides = array<i32>} : memref<1024xf32, #tpu.memory_space<vmem>>, vector<16xf32>,
        tpu.vector_store %arg15[%swap3A_587], %mul3A_586 {strides = array<i32>} : memref<1024xf32, #tpu.memory_space<vmem>>, vector<16xf32>,
        %get3A_589 = arith.constant 4 : i32
        %get3A_590 = arith.constant 0 : i32
        %get3A_591 = arith.index_cast %get3A_589 : i32 to index
        %get3A_592 = arith.index_cast %get3A_590 : i32 to index
        %get3A_593 = arith.constant 32 : index
        %get3A_594 = tpu.vector_load %arg9[%get3A_591, %get3A_592, %get3A_593] {strides = array<i32>} : memref<8x2x128xi32, #tpu.memory_space<vmem>>, vector<16xi32>,
        %gather3A_595 = tpu.vector_load_idx %arg7[%get3A_594] : memref<100000xf32, #tpu.memory_space<vmem>>[vector<16xi32>], vector<16xf32>,
        %get3A_596 = arith.constant 544 : index
        %get3A_597 = tpu.vector_load %arg12[%get3A_596] {strides = array<i32>} : memref<1024xi32, #tpu.memory_space<vmem>>, vector<16xi32>,
        %gather3A_598 = tpu.vector_load_idx %arg8[%get3A_597] : memref<64xf32, #tpu.memory_space<vmem>>[vector<16xi32>], vector<16xf32>,
        %mul3A_599 = arith.mulf %gather3A_595, %gather3A_598 : vector<16xf32>
        %swap3A_600 = arith.constant 544 : index
        %swap3A_601 = tpu.vector_load %arg15[%swap3A_600] {strides = array<i32>} : memref<1024xf32, #tpu.memory_space<vmem>>, vector<16xf32>,
        tpu.vector_store %arg15[%swap3A_600], %mul3A_599 {strides = array<i32>} : memref<1024xf32, #tpu.memory_space<vmem>>, vector<16xf32>,
        %get3A_602 = arith.constant 4 : i32
        %get3A_603 = arith.constant 0 : i32
        %get3A_604 = arith.index_cast %get3A_602 : i32 to index
        %get3A_605 = arith.index_cast %get3A_603 : i32 to index
        %get3A_606 = arith.constant 48 : index
        %get3A_607 = tpu.vector_load %arg9[%get3A_604, %get3A_605, %get3A_606] {strides = array<i32>} : memref<8x2x128xi32, #tpu.memory_space<vmem>>, vector<16xi32>,
        %gather3A_608 = tpu.vector_load_idx %arg7[%get3A_607] : memref<100000xf32, #tpu.memory_space<vmem>>[vector<16xi32>], vector<16xf32>,
        %get3A_609 = arith.constant 560 : index
        %get3A_610 = tpu.vector_load %arg12[%get3A_609] {strides = array<i32>} : memref<1024xi32, #tpu.memory_space<vmem>>, vector<16xi32>,
        %gather3A_611 = tpu.vector_load_idx %arg8[%get3A_610] : memref<64xf32, #tpu.memory_space<vmem>>[vector<16xi32>], vector<16xf32>,
        %mul3A_612 = arith.mulf %gather3A_608, %gather3A_611 : vector<16xf32>
        %swap3A_613 = arith.constant 560 : index
        %swap3A_614 = tpu.vector_load %arg15[%swap3A_613] {strides = array<i32>} : memref<1024xf32, #tpu.memory_space<vmem>>, vector<16xf32>,
        tpu.vector_store %arg15[%swap3A_613], %mul3A_612 {strides = array<i32>} : memref<1024xf32, #tpu.memory_space<vmem>>, vector<16xf32>,
        %get3A_615 = arith.constant 4 : i32
        %get3A_616 = arith.constant 0 : i32
        %get3A_617 = arith.index_cast %get3A_615 : i32 to index
        %get3A_618 = arith.index_cast %get3A_616 : i32 to index
        %get3A_619 = arith.constant 64 : index
        %get3A_620 = tpu.vector_load %arg9[%get3A_617, %get3A_618, %get3A_619] {strides = array<i32>} : memref<8x2x128xi32, #tpu.memory_space<vmem>>, vector<16xi32>,
        %gather3A_621 = tpu.vector_load_idx %arg7[%get3A_620] : memref<100000xf32, #tpu.memory_space<vmem>>[vector<16xi32>], vector<16xf32>,
        %get3A_622 = arith.constant 576 : index
        %get3A_623 = tpu.vector_load %arg12[%get3A_622] {strides = array<i32>} : memref<1024xi32, #tpu.memory_space<vmem>>, vector<16xi32>,
        %gather3A_624 = tpu.vector_load_idx %arg8[%get3A_623] : memref<64xf32, #tpu.memory_space<vmem>>[vector<16xi32>], vector<16xf32>,
        %mul3A_625 = arith.mulf %gather3A_621, %gather3A_624 : vector<16xf32>
        %swap3A_626 = arith.constant 576 : index
        %swap3A_627 = tpu.vector_load %arg15[%swap3A_626] {strides = array<i32>} : memref<1024xf32, #tpu.memory_space<vmem>>, vector<16xf32>,
        tpu.vector_store %arg15[%swap3A_626], %mul3A_625 {strides = array<i32>} : memref<1024xf32, #tpu.memory_space<vmem>>, vector<16xf32>,
        %get3A_628 = arith.constant 4 : i32
        %get3A_629 = arith.constant 0 : i32
        %get3A_630 = arith.index_cast %get3A_628 : i32 to index
        %get3A_631 = arith.index_cast %get3A_629 : i32 to index
        %get3A_632 = arith.constant 80 : index
        %get3A_633 = tpu.vector_load %arg9[%get3A_630, %get3A_631, %get3A_632] {strides = array<i32>} : memref<8x2x128xi32, #tpu.memory_space<vmem>>, vector<16xi32>,
        %gather3A_634 = tpu.vector_load_idx %arg7[%get3A_633] : memref<100000xf32, #tpu.memory_space<vmem>>[vector<16xi32>], vector<16xf32>,
        %get3A_635 = arith.constant 592 : index
        %get3A_636 = tpu.vector_load %arg12[%get3A_635] {strides = array<i32>} : memref<1024xi32, #tpu.memory_space<vmem>>, vector<16xi32>,
        %gather3A_637 = tpu.vector_load_idx %arg8[%get3A_636] : memref<64xf32, #tpu.memory_space<vmem>>[vector<16xi32>], vector<16xf32>,
        %mul3A_638 = arith.mulf %gather3A_634, %gather3A_637 : vector<16xf32>
        %swap3A_639 = arith.constant 592 : index
        %swap3A_640 = tpu.vector_load %arg15[%swap3A_639] {strides = array<i32>} : memref<1024xf32, #tpu.memory_space<vmem>>, vector<16xf32>,
        tpu.vector_store %arg15[%swap3A_639], %mul3A_638 {strides = array<i32>} : memref<1024xf32, #tpu.memory_space<vmem>>, vector<16xf32>,
        %get3A_641 = arith.constant 4 : i32
        %get3A_642 = arith.constant 0 : i32
        %get3A_643 = arith.index_cast %get3A_641 : i32 to index
        %get3A_644 = arith.index_cast %get3A_642 : i32 to index
        %get3A_645 = arith.constant 96 : index
        %get3A_646 = tpu.vector_load %arg9[%get3A_643, %get3A_644, %get3A_645] {strides = array<i32>} : memref<8x2x128xi32, #tpu.memory_space<vmem>>, vector<16xi32>,
        %gather3A_647 = tpu.vector_load_idx %arg7[%get3A_646] : memref<100000xf32, #tpu.memory_space<vmem>>[vector<16xi32>], vector<16xf32>,
        %get3A_648 = arith.constant 608 : index
        %get3A_649 = tpu.vector_load %arg12[%get3A_648] {strides = array<i32>} : memref<1024xi32, #tpu.memory_space<vmem>>, vector<16xi32>,
        %gather3A_650 = tpu.vector_load_idx %arg8[%get3A_649] : memref<64xf32, #tpu.memory_space<vmem>>[vector<16xi32>], vector<16xf32>,
        %mul3A_651 = arith.mulf %gather3A_647, %gather3A_650 : vector<16xf32>
        %swap3A_652 = arith.constant 608 : index
        %swap3A_653 = tpu.vector_load %arg15[%swap3A_652] {strides = array<i32>} : memref<1024xf32, #tpu.memory_space<vmem>>, vector<16xf32>,
        tpu.vector_store %arg15[%swap3A_652], %mul3A_651 {strides = array<i32>} : memref<1024xf32, #tpu.memory_space<vmem>>, vector<16xf32>,
        %get3A_654 = arith.constant 4 : i32
        %get3A_655 = arith.constant 0 : i32
        %get3A_656 = arith.index_cast %get3A_654 : i32 to index
        %get3A_657 = arith.index_cast %get3A_655 : i32 to index
        %get3A_658 = arith.constant 112 : index
        %get3A_659 = tpu.vector_load %arg9[%get3A_656, %get3A_657, %get3A_658] {strides = array<i32>} : memref<8x2x128xi32, #tpu.memory_space<vmem>>, vector<16xi32>,
        %gather3A_660 = tpu.vector_load_idx %arg7[%get3A_659] : memref<100000xf32, #tpu.memory_space<vmem>>[vector<16xi32>], vector<16xf32>,
        %get3A_661 = arith.constant 624 : index
        %get3A_662 = tpu.vector_load %arg12[%get3A_661] {strides = array<i32>} : memref<1024xi32, #tpu.memory_space<vmem>>, vector<16xi32>,
        %gather3A_663 = tpu.vector_load_idx %arg8[%get3A_662] : memref<64xf32, #tpu.memory_space<vmem>>[vector<16xi32>], vector<16xf32>,
        %mul3A_664 = arith.mulf %gather3A_660, %gather3A_663 : vector<16xf32>
        %swap3A_665 = arith.constant 624 : index
        %swap3A_666 = tpu.vector_load %arg15[%swap3A_665] {strides = array<i32>} : memref<1024xf32, #tpu.memory_space<vmem>>, vector<16xf32>,
        tpu.vector_store %arg15[%swap3A_665], %mul3A_664 {strides = array<i32>} : memref<1024xf32, #tpu.memory_space<vmem>>, vector<16xf32>,
        %dma_start3A_667 = arith.constant 4 : i32
        %dma_start3A_668 = arith.constant 1 : i32
        %dma_start3A_669 = arith.constant 512 : i32
        %dma_start3A_670 = tpu.memref_slice %arg15[%dma_start3A_669] : memref<1024xf32, #tpu.memory_space<vmem>> -> memref<128xf32, #tpu.memory_space<vmem>>
        %dma_start3A_671 = arith.constant 0 : i32
        %dma_start3A_672 = tpu.memref_slice %arg9[%dma_start3A_667, %dma_start3A_668, %dma_start3A_671] : memref<8x2x128xi32, #tpu.memory_space<vmem>> -> memref<1x1x128xi32, #tpu.memory_space<vmem>>
        %dma_start3A_673 = tpu.memref_squeeze %dma_start3A_672 : memref<1x1x128xi32, #tpu.memory_space<vmem>> -> memref<128xi32, #tpu.memory_space<vmem>>
        %dma_start3A_674 = arith.constant 0 : i32
        %dma_start3A_675 = tpu.memref_slice %arg19[%dma_start3A_674] : memref<100352xf32, #tpu.memory_space<vmem_shared>> -> memref<100352xf32, #tpu.memory_space<vmem_shared>>
        tpu.enqueue_indirect_dma source(%dma_start3A_670 : memref<128xf32, #tpu.memory_space<vmem>>) target(%dma_start3A_675 : memref<100352xf32, #tpu.memory_space<vmem_shared>>) offsets(%dma_start3A_673 : memref<128xi32, #tpu.memory_space<vmem>>) semaphore(%arg23 : memref<!tpu.dma_semaphore, #tpu.memory_space<semaphore_mem>>) {add = true}
        %get3A_676 = arith.constant 5 : i32
        %get3A_677 = arith.constant 0 : i32
        %get3A_678 = arith.index_cast %get3A_676 : i32 to index
        %get3A_679 = arith.index_cast %get3A_677 : i32 to index
        %get3A_680 = arith.constant 0 : index
        %get3A_681 = tpu.vector_load %arg9[%get3A_678, %get3A_679, %get3A_680] {strides = array<i32>} : memref<8x2x128xi32, #tpu.memory_space<vmem>>, vector<16xi32>,
        %gather3A_682 = tpu.vector_load_idx %arg7[%get3A_681] : memref<100000xf32, #tpu.memory_space<vmem>>[vector<16xi32>], vector<16xf32>,
        %get3A_683 = arith.constant 640 : index
        %get3A_684 = tpu.vector_load %arg12[%get3A_683] {strides = array<i32>} : memref<1024xi32, #tpu.memory_space<vmem>>, vector<16xi32>,
        %gather3A_685 = tpu.vector_load_idx %arg8[%get3A_684] : memref<64xf32, #tpu.memory_space<vmem>>[vector<16xi32>], vector<16xf32>,
        %mul3A_686 = arith.mulf %gather3A_682, %gather3A_685 : vector<16xf32>
        %swap3A_687 = arith.constant 640 : index
        %swap3A_688 = tpu.vector_load %arg15[%swap3A_687] {strides = array<i32>} : memref<1024xf32, #tpu.memory_space<vmem>>, vector<16xf32>,
        tpu.vector_store %arg15[%swap3A_687], %mul3A_686 {strides = array<i32>} : memref<1024xf32, #tpu.memory_space<vmem>>, vector<16xf32>,
        %get3A_689 = arith.constant 5 : i32
        %get3A_690 = arith.constant 0 : i32
        %get3A_691 = arith.index_cast %get3A_689 : i32 to index
        %get3A_692 = arith.index_cast %get3A_690 : i32 to index
        %get3A_693 = arith.constant 16 : index
        %get3A_694 = tpu.vector_load %arg9[%get3A_691, %get3A_692, %get3A_693] {strides = array<i32>} : memref<8x2x128xi32, #tpu.memory_space<vmem>>, vector<16xi32>,
        %gather3A_695 = tpu.vector_load_idx %arg7[%get3A_694] : memref<100000xf32, #tpu.memory_space<vmem>>[vector<16xi32>], vector<16xf32>,
        %get3A_696 = arith.constant 656 : index
        %get3A_697 = tpu.vector_load %arg12[%get3A_696] {strides = array<i32>} : memref<1024xi32, #tpu.memory_space<vmem>>, vector<16xi32>,
        %gather3A_698 = tpu.vector_load_idx %arg8[%get3A_697] : memref<64xf32, #tpu.memory_space<vmem>>[vector<16xi32>], vector<16xf32>,
        %mul3A_699 = arith.mulf %gather3A_695, %gather3A_698 : vector<16xf32>
        %swap3A_700 = arith.constant 656 : index
        %swap3A_701 = tpu.vector_load %arg15[%swap3A_700] {strides = array<i32>} : memref<1024xf32, #tpu.memory_space<vmem>>, vector<16xf32>,
        tpu.vector_store %arg15[%swap3A_700], %mul3A_699 {strides = array<i32>} : memref<1024xf32, #tpu.memory_space<vmem>>, vector<16xf32>,
        %get3A_702 = arith.constant 5 : i32
        %get3A_703 = arith.constant 0 : i32
        %get3A_704 = arith.index_cast %get3A_702 : i32 to index
        %get3A_705 = arith.index_cast %get3A_703 : i32 to index
        %get3A_706 = arith.constant 32 : index
        %get3A_707 = tpu.vector_load %arg9[%get3A_704, %get3A_705, %get3A_706] {strides = array<i32>} : memref<8x2x128xi32, #tpu.memory_space<vmem>>, vector<16xi32>,
        %gather3A_708 = tpu.vector_load_idx %arg7[%get3A_707] : memref<100000xf32, #tpu.memory_space<vmem>>[vector<16xi32>], vector<16xf32>,
        %get3A_709 = arith.constant 672 : index
        %get3A_710 = tpu.vector_load %arg12[%get3A_709] {strides = array<i32>} : memref<1024xi32, #tpu.memory_space<vmem>>, vector<16xi32>,
        %gather3A_711 = tpu.vector_load_idx %arg8[%get3A_710] : memref<64xf32, #tpu.memory_space<vmem>>[vector<16xi32>], vector<16xf32>,
        %mul3A_712 = arith.mulf %gather3A_708, %gather3A_711 : vector<16xf32>
        %swap3A_713 = arith.constant 672 : index
        %swap3A_714 = tpu.vector_load %arg15[%swap3A_713] {strides = array<i32>} : memref<1024xf32, #tpu.memory_space<vmem>>, vector<16xf32>,
        tpu.vector_store %arg15[%swap3A_713], %mul3A_712 {strides = array<i32>} : memref<1024xf32, #tpu.memory_space<vmem>>, vector<16xf32>,
        %get3A_715 = arith.constant 5 : i32
        %get3A_716 = arith.constant 0 : i32
        %get3A_717 = arith.index_cast %get3A_715 : i32 to index
        %get3A_718 = arith.index_cast %get3A_716 : i32 to index
        %get3A_719 = arith.constant 48 : index
        %get3A_720 = tpu.vector_load %arg9[%get3A_717, %get3A_718, %get3A_719] {strides = array<i32>} : memref<8x2x128xi32, #tpu.memory_space<vmem>>, vector<16xi32>,
        %gather3A_721 = tpu.vector_load_idx %arg7[%get3A_720] : memref<100000xf32, #tpu.memory_space<vmem>>[vector<16xi32>], vector<16xf32>,
        %get3A_722 = arith.constant 688 : index
        %get3A_723 = tpu.vector_load %arg12[%get3A_722] {strides = array<i32>} : memref<1024xi32, #tpu.memory_space<vmem>>, vector<16xi32>,
        %gather3A_724 = tpu.vector_load_idx %arg8[%get3A_723] : memref<64xf32, #tpu.memory_space<vmem>>[vector<16xi32>], vector<16xf32>,
        %mul3A_725 = arith.mulf %gather3A_721, %gather3A_724 : vector<16xf32>
        %swap3A_726 = arith.constant 688 : index
        %swap3A_727 = tpu.vector_load %arg15[%swap3A_726] {strides = array<i32>} : memref<1024xf32, #tpu.memory_space<vmem>>, vector<16xf32>,
        tpu.vector_store %arg15[%swap3A_726], %mul3A_725 {strides = array<i32>} : memref<1024xf32, #tpu.memory_space<vmem>>, vector<16xf32>,
        %get3A_728 = arith.constant 5 : i32
        %get3A_729 = arith.constant 0 : i32
        %get3A_730 = arith.index_cast %get3A_728 : i32 to index
        %get3A_731 = arith.index_cast %get3A_729 : i32 to index
        %get3A_732 = arith.constant 64 : index
        %get3A_733 = tpu.vector_load %arg9[%get3A_730, %get3A_731, %get3A_732] {strides = array<i32>} : memref<8x2x128xi32, #tpu.memory_space<vmem>>, vector<16xi32>,
        %gather3A_734 = tpu.vector_load_idx %arg7[%get3A_733] : memref<100000xf32, #tpu.memory_space<vmem>>[vector<16xi32>], vector<16xf32>,
        %get3A_735 = arith.constant 704 : index
        %get3A_736 = tpu.vector_load %arg12[%get3A_735] {strides = array<i32>} : memref<1024xi32, #tpu.memory_space<vmem>>, vector<16xi32>,
        %gather3A_737 = tpu.vector_load_idx %arg8[%get3A_736] : memref<64xf32, #tpu.memory_space<vmem>>[vector<16xi32>], vector<16xf32>,
        %mul3A_738 = arith.mulf %gather3A_734, %gather3A_737 : vector<16xf32>
        %swap3A_739 = arith.constant 704 : index
        %swap3A_740 = tpu.vector_load %arg15[%swap3A_739] {strides = array<i32>} : memref<1024xf32, #tpu.memory_space<vmem>>, vector<16xf32>,
        tpu.vector_store %arg15[%swap3A_739], %mul3A_738 {strides = array<i32>} : memref<1024xf32, #tpu.memory_space<vmem>>, vector<16xf32>,
        %get3A_741 = arith.constant 5 : i32
        %get3A_742 = arith.constant 0 : i32
        %get3A_743 = arith.index_cast %get3A_741 : i32 to index
        %get3A_744 = arith.index_cast %get3A_742 : i32 to index
        %get3A_745 = arith.constant 80 : index
        %get3A_746 = tpu.vector_load %arg9[%get3A_743, %get3A_744, %get3A_745] {strides = array<i32>} : memref<8x2x128xi32, #tpu.memory_space<vmem>>, vector<16xi32>,
        %gather3A_747 = tpu.vector_load_idx %arg7[%get3A_746] : memref<100000xf32, #tpu.memory_space<vmem>>[vector<16xi32>], vector<16xf32>,
        %get3A_748 = arith.constant 720 : index
        %get3A_749 = tpu.vector_load %arg12[%get3A_748] {strides = array<i32>} : memref<1024xi32, #tpu.memory_space<vmem>>, vector<16xi32>,
        %gather3A_750 = tpu.vector_load_idx %arg8[%get3A_749] : memref<64xf32, #tpu.memory_space<vmem>>[vector<16xi32>], vector<16xf32>,
        %mul3A_751 = arith.mulf %gather3A_747, %gather3A_750 : vector<16xf32>
        %swap3A_752 = arith.constant 720 : index
        %swap3A_753 = tpu.vector_load %arg15[%swap3A_752] {strides = array<i32>} : memref<1024xf32, #tpu.memory_space<vmem>>, vector<16xf32>,
        tpu.vector_store %arg15[%swap3A_752], %mul3A_751 {strides = array<i32>} : memref<1024xf32, #tpu.memory_space<vmem>>, vector<16xf32>,
        %get3A_754 = arith.constant 5 : i32
        %get3A_755 = arith.constant 0 : i32
        %get3A_756 = arith.index_cast %get3A_754 : i32 to index
        %get3A_757 = arith.index_cast %get3A_755 : i32 to index
        %get3A_758 = arith.constant 96 : index
        %get3A_759 = tpu.vector_load %arg9[%get3A_756, %get3A_757, %get3A_758] {strides = array<i32>} : memref<8x2x128xi32, #tpu.memory_space<vmem>>, vector<16xi32>,
        %gather3A_760 = tpu.vector_load_idx %arg7[%get3A_759] : memref<100000xf32, #tpu.memory_space<vmem>>[vector<16xi32>], vector<16xf32>,
        %get3A_761 = arith.constant 736 : index
        %get3A_762 = tpu.vector_load %arg12[%get3A_761] {strides = array<i32>} : memref<1024xi32, #tpu.memory_space<vmem>>, vector<16xi32>,
        %gather3A_763 = tpu.vector_load_idx %arg8[%get3A_762] : memref<64xf32, #tpu.memory_space<vmem>>[vector<16xi32>], vector<16xf32>,
        %mul3A_764 = arith.mulf %gather3A_760, %gather3A_763 : vector<16xf32>
        %swap3A_765 = arith.constant 736 : index
        %swap3A_766 = tpu.vector_load %arg15[%swap3A_765] {strides = array<i32>} : memref<1024xf32, #tpu.memory_space<vmem>>, vector<16xf32>,
        tpu.vector_store %arg15[%swap3A_765], %mul3A_764 {strides = array<i32>} : memref<1024xf32, #tpu.memory_space<vmem>>, vector<16xf32>,
        %get3A_767 = arith.constant 5 : i32
        %get3A_768 = arith.constant 0 : i32
        %get3A_769 = arith.index_cast %get3A_767 : i32 to index
        %get3A_770 = arith.index_cast %get3A_768 : i32 to index
        %get3A_771 = arith.constant 112 : index
        %get3A_772 = tpu.vector_load %arg9[%get3A_769, %get3A_770, %get3A_771] {strides = array<i32>} : memref<8x2x128xi32, #tpu.memory_space<vmem>>, vector<16xi32>,
        %gather3A_773 = tpu.vector_load_idx %arg7[%get3A_772] : memref<100000xf32, #tpu.memory_space<vmem>>[vector<16xi32>], vector<16xf32>,
        %get3A_774 = arith.constant 752 : index
        %get3A_775 = tpu.vector_load %arg12[%get3A_774] {strides = array<i32>} : memref<1024xi32, #tpu.memory_space<vmem>>, vector<16xi32>,
        %gather3A_776 = tpu.vector_load_idx %arg8[%get3A_775] : memref<64xf32, #tpu.memory_space<vmem>>[vector<16xi32>], vector<16xf32>,
        %mul3A_777 = arith.mulf %gather3A_773, %gather3A_776 : vector<16xf32>
        %swap3A_778 = arith.constant 752 : index
        %swap3A_779 = tpu.vector_load %arg15[%swap3A_778] {strides = array<i32>} : memref<1024xf32, #tpu.memory_space<vmem>>, vector<16xf32>,
        tpu.vector_store %arg15[%swap3A_778], %mul3A_777 {strides = array<i32>} : memref<1024xf32, #tpu.memory_space<vmem>>, vector<16xf32>,
        %dma_start3A_780 = arith.constant 5 : i32
        %dma_start3A_781 = arith.constant 1 : i32
        %dma_start3A_782 = arith.constant 640 : i32
        %dma_start3A_783 = tpu.memref_slice %arg15[%dma_start3A_782] : memref<1024xf32, #tpu.memory_space<vmem>> -> memref<128xf32, #tpu.memory_space<vmem>>
        %dma_start3A_784 = arith.constant 0 : i32
        %dma_start3A_785 = tpu.memref_slice %arg9[%dma_start3A_780, %dma_start3A_781, %dma_start3A_784] : memref<8x2x128xi32, #tpu.memory_space<vmem>> -> memref<1x1x128xi32, #tpu.memory_space<vmem>>
        %dma_start3A_786 = tpu.memref_squeeze %dma_start3A_785 : memref<1x1x128xi32, #tpu.memory_space<vmem>> -> memref<128xi32, #tpu.memory_space<vmem>>
        %dma_start3A_787 = arith.constant 0 : i32
        %dma_start3A_788 = tpu.memref_slice %arg19[%dma_start3A_787] : memref<100352xf32, #tpu.memory_space<vmem_shared>> -> memref<100352xf32, #tpu.memory_space<vmem_shared>>
        tpu.enqueue_indirect_dma source(%dma_start3A_783 : memref<128xf32, #tpu.memory_space<vmem>>) target(%dma_start3A_788 : memref<100352xf32, #tpu.memory_space<vmem_shared>>) offsets(%dma_start3A_786 : memref<128xi32, #tpu.memory_space<vmem>>) semaphore(%arg23 : memref<!tpu.dma_semaphore, #tpu.memory_space<semaphore_mem>>) {add = true}
        %get3A_789 = arith.constant 6 : i32
        %get3A_790 = arith.constant 0 : i32
        %get3A_791 = arith.index_cast %get3A_789 : i32 to index
        %get3A_792 = arith.index_cast %get3A_790 : i32 to index
        %get3A_793 = arith.constant 0 : index
        %get3A_794 = tpu.vector_load %arg9[%get3A_791, %get3A_792, %get3A_793] {strides = array<i32>} : memref<8x2x128xi32, #tpu.memory_space<vmem>>, vector<16xi32>,
        %gather3A_795 = tpu.vector_load_idx %arg7[%get3A_794] : memref<100000xf32, #tpu.memory_space<vmem>>[vector<16xi32>], vector<16xf32>,
        %get3A_796 = arith.constant 768 : index
        %get3A_797 = tpu.vector_load %arg12[%get3A_796] {strides = array<i32>} : memref<1024xi32, #tpu.memory_space<vmem>>, vector<16xi32>,
        %gather3A_798 = tpu.vector_load_idx %arg8[%get3A_797] : memref<64xf32, #tpu.memory_space<vmem>>[vector<16xi32>], vector<16xf32>,
        %mul3A_799 = arith.mulf %gather3A_795, %gather3A_798 : vector<16xf32>
        %swap3A_800 = arith.constant 768 : index
        %swap3A_801 = tpu.vector_load %arg15[%swap3A_800] {strides = array<i32>} : memref<1024xf32, #tpu.memory_space<vmem>>, vector<16xf32>,
        tpu.vector_store %arg15[%swap3A_800], %mul3A_799 {strides = array<i32>} : memref<1024xf32, #tpu.memory_space<vmem>>, vector<16xf32>,
        %get3A_802 = arith.constant 6 : i32
        %get3A_803 = arith.constant 0 : i32
        %get3A_804 = arith.index_cast %get3A_802 : i32 to index
        %get3A_805 = arith.index_cast %get3A_803 : i32 to index
        %get3A_806 = arith.constant 16 : index
        %get3A_807 = tpu.vector_load %arg9[%get3A_804, %get3A_805, %get3A_806] {strides = array<i32>} : memref<8x2x128xi32, #tpu.memory_space<vmem>>, vector<16xi32>,
        %gather3A_808 = tpu.vector_load_idx %arg7[%get3A_807] : memref<100000xf32, #tpu.memory_space<vmem>>[vector<16xi32>], vector<16xf32>,
        %get3A_809 = arith.constant 784 : index
        %get3A_810 = tpu.vector_load %arg12[%get3A_809] {strides = array<i32>} : memref<1024xi32, #tpu.memory_space<vmem>>, vector<16xi32>,
        %gather3A_811 = tpu.vector_load_idx %arg8[%get3A_810] : memref<64xf32, #tpu.memory_space<vmem>>[vector<16xi32>], vector<16xf32>,
        %mul3A_812 = arith.mulf %gather3A_808, %gather3A_811 : vector<16xf32>
        %swap3A_813 = arith.constant 784 : index
        %swap3A_814 = tpu.vector_load %arg15[%swap3A_813] {strides = array<i32>} : memref<1024xf32, #tpu.memory_space<vmem>>, vector<16xf32>,
        tpu.vector_store %arg15[%swap3A_813], %mul3A_812 {strides = array<i32>} : memref<1024xf32, #tpu.memory_space<vmem>>, vector<16xf32>,
        %get3A_815 = arith.constant 6 : i32
        %get3A_816 = arith.constant 0 : i32
        %get3A_817 = arith.index_cast %get3A_815 : i32 to index
        %get3A_818 = arith.index_cast %get3A_816 : i32 to index
        %get3A_819 = arith.constant 32 : index
        %get3A_820 = tpu.vector_load %arg9[%get3A_817, %get3A_818, %get3A_819] {strides = array<i32>} : memref<8x2x128xi32, #tpu.memory_space<vmem>>, vector<16xi32>,
        %gather3A_821 = tpu.vector_load_idx %arg7[%get3A_820] : memref<100000xf32, #tpu.memory_space<vmem>>[vector<16xi32>], vector<16xf32>,
        %get3A_822 = arith.constant 800 : index
        %get3A_823 = tpu.vector_load %arg12[%get3A_822] {strides = array<i32>} : memref<1024xi32, #tpu.memory_space<vmem>>, vector<16xi32>,
        %gather3A_824 = tpu.vector_load_idx %arg8[%get3A_823] : memref<64xf32, #tpu.memory_space<vmem>>[vector<16xi32>], vector<16xf32>,
        %mul3A_825 = arith.mulf %gather3A_821, %gather3A_824 : vector<16xf32>
        %swap3A_826 = arith.constant 800 : index
        %swap3A_827 = tpu.vector_load %arg15[%swap3A_826] {strides = array<i32>} : memref<1024xf32, #tpu.memory_space<vmem>>, vector<16xf32>,
        tpu.vector_store %arg15[%swap3A_826], %mul3A_825 {strides = array<i32>} : memref<1024xf32, #tpu.memory_space<vmem>>, vector<16xf32>,
        %get3A_828 = arith.constant 6 : i32
        %get3A_829 = arith.constant 0 : i32
        %get3A_830 = arith.index_cast %get3A_828 : i32 to index
        %get3A_831 = arith.index_cast %get3A_829 : i32 to index
        %get3A_832 = arith.constant 48 : index
        %get3A_833 = tpu.vector_load %arg9[%get3A_830, %get3A_831, %get3A_832] {strides = array<i32>} : memref<8x2x128xi32, #tpu.memory_space<vmem>>, vector<16xi32>,
        %gather3A_834 = tpu.vector_load_idx %arg7[%get3A_833] : memref<100000xf32, #tpu.memory_space<vmem>>[vector<16xi32>], vector<16xf32>,
        %get3A_835 = arith.constant 816 : index
        %get3A_836 = tpu.vector_load %arg12[%get3A_835] {strides = array<i32>} : memref<1024xi32, #tpu.memory_space<vmem>>, vector<16xi32>,
        %gather3A_837 = tpu.vector_load_idx %arg8[%get3A_836] : memref<64xf32, #tpu.memory_space<vmem>>[vector<16xi32>], vector<16xf32>,
        %mul3A_838 = arith.mulf %gather3A_834, %gather3A_837 : vector<16xf32>
        %swap3A_839 = arith.constant 816 : index
        %swap3A_840 = tpu.vector_load %arg15[%swap3A_839] {strides = array<i32>} : memref<1024xf32, #tpu.memory_space<vmem>>, vector<16xf32>,
        tpu.vector_store %arg15[%swap3A_839], %mul3A_838 {strides = array<i32>} : memref<1024xf32, #tpu.memory_space<vmem>>, vector<16xf32>,
        %get3A_841 = arith.constant 6 : i32
        %get3A_842 = arith.constant 0 : i32
        %get3A_843 = arith.index_cast %get3A_841 : i32 to index
        %get3A_844 = arith.index_cast %get3A_842 : i32 to index
        %get3A_845 = arith.constant 64 : index
        %get3A_846 = tpu.vector_load %arg9[%get3A_843, %get3A_844, %get3A_845] {strides = array<i32>} : memref<8x2x128xi32, #tpu.memory_space<vmem>>, vector<16xi32>,
        %gather3A_847 = tpu.vector_load_idx %arg7[%get3A_846] : memref<100000xf32, #tpu.memory_space<vmem>>[vector<16xi32>], vector<16xf32>,
        %get3A_848 = arith.constant 832 : index
        %get3A_849 = tpu.vector_load %arg12[%get3A_848] {strides = array<i32>} : memref<1024xi32, #tpu.memory_space<vmem>>, vector<16xi32>,
        %gather3A_850 = tpu.vector_load_idx %arg8[%get3A_849] : memref<64xf32, #tpu.memory_space<vmem>>[vector<16xi32>], vector<16xf32>,
        %mul3A_851 = arith.mulf %gather3A_847, %gather3A_850 : vector<16xf32>
        %swap3A_852 = arith.constant 832 : index
        %swap3A_853 = tpu.vector_load %arg15[%swap3A_852] {strides = array<i32>} : memref<1024xf32, #tpu.memory_space<vmem>>, vector<16xf32>,
        tpu.vector_store %arg15[%swap3A_852], %mul3A_851 {strides = array<i32>} : memref<1024xf32, #tpu.memory_space<vmem>>, vector<16xf32>,
        %get3A_854 = arith.constant 6 : i32
        %get3A_855 = arith.constant 0 : i32
        %get3A_856 = arith.index_cast %get3A_854 : i32 to index
        %get3A_857 = arith.index_cast %get3A_855 : i32 to index
        %get3A_858 = arith.constant 80 : index
        %get3A_859 = tpu.vector_load %arg9[%get3A_856, %get3A_857, %get3A_858] {strides = array<i32>} : memref<8x2x128xi32, #tpu.memory_space<vmem>>, vector<16xi32>,
        %gather3A_860 = tpu.vector_load_idx %arg7[%get3A_859] : memref<100000xf32, #tpu.memory_space<vmem>>[vector<16xi32>], vector<16xf32>,
        %get3A_861 = arith.constant 848 : index
        %get3A_862 = tpu.vector_load %arg12[%get3A_861] {strides = array<i32>} : memref<1024xi32, #tpu.memory_space<vmem>>, vector<16xi32>,
        %gather3A_863 = tpu.vector_load_idx %arg8[%get3A_862] : memref<64xf32, #tpu.memory_space<vmem>>[vector<16xi32>], vector<16xf32>,
        %mul3A_864 = arith.mulf %gather3A_860, %gather3A_863 : vector<16xf32>
        %swap3A_865 = arith.constant 848 : index
        %swap3A_866 = tpu.vector_load %arg15[%swap3A_865] {strides = array<i32>} : memref<1024xf32, #tpu.memory_space<vmem>>, vector<16xf32>,
        tpu.vector_store %arg15[%swap3A_865], %mul3A_864 {strides = array<i32>} : memref<1024xf32, #tpu.memory_space<vmem>>, vector<16xf32>,
        %get3A_867 = arith.constant 6 : i32
        %get3A_868 = arith.constant 0 : i32
        %get3A_869 = arith.index_cast %get3A_867 : i32 to index
        %get3A_870 = arith.index_cast %get3A_868 : i32 to index
        %get3A_871 = arith.constant 96 : index
        %get3A_872 = tpu.vector_load %arg9[%get3A_869, %get3A_870, %get3A_871] {strides = array<i32>} : memref<8x2x128xi32, #tpu.memory_space<vmem>>, vector<16xi32>,
        %gather3A_873 = tpu.vector_load_idx %arg7[%get3A_872] : memref<100000xf32, #tpu.memory_space<vmem>>[vector<16xi32>], vector<16xf32>,
        %get3A_874 = arith.constant 864 : index
        %get3A_875 = tpu.vector_load %arg12[%get3A_874] {strides = array<i32>} : memref<1024xi32, #tpu.memory_space<vmem>>, vector<16xi32>,
        %gather3A_876 = tpu.vector_load_idx %arg8[%get3A_875] : memref<64xf32, #tpu.memory_space<vmem>>[vector<16xi32>], vector<16xf32>,
        %mul3A_877 = arith.mulf %gather3A_873, %gather3A_876 : vector<16xf32>
        %swap3A_878 = arith.constant 864 : index
        %swap3A_879 = tpu.vector_load %arg15[%swap3A_878] {strides = array<i32>} : memref<1024xf32, #tpu.memory_space<vmem>>, vector<16xf32>,
        tpu.vector_store %arg15[%swap3A_878], %mul3A_877 {strides = array<i32>} : memref<1024xf32, #tpu.memory_space<vmem>>, vector<16xf32>,
        %get3A_880 = arith.constant 6 : i32
        %get3A_881 = arith.constant 0 : i32
        %get3A_882 = arith.index_cast %get3A_880 : i32 to index
        %get3A_883 = arith.index_cast %get3A_881 : i32 to index
        %get3A_884 = arith.constant 112 : index
        %get3A_885 = tpu.vector_load %arg9[%get3A_882, %get3A_883, %get3A_884] {strides = array<i32>} : memref<8x2x128xi32, #tpu.memory_space<vmem>>, vector<16xi32>,
        %gather3A_886 = tpu.vector_load_idx %arg7[%get3A_885] : memref<100000xf32, #tpu.memory_space<vmem>>[vector<16xi32>], vector<16xf32>,
        %get3A_887 = arith.constant 880 : index
        %get3A_888 = tpu.vector_load %arg12[%get3A_887] {strides = array<i32>} : memref<1024xi32, #tpu.memory_space<vmem>>, vector<16xi32>,
        %gather3A_889 = tpu.vector_load_idx %arg8[%get3A_888] : memref<64xf32, #tpu.memory_space<vmem>>[vector<16xi32>], vector<16xf32>,
        %mul3A_890 = arith.mulf %gather3A_886, %gather3A_889 : vector<16xf32>
        %swap3A_891 = arith.constant 880 : index
        %swap3A_892 = tpu.vector_load %arg15[%swap3A_891] {strides = array<i32>} : memref<1024xf32, #tpu.memory_space<vmem>>, vector<16xf32>,
        tpu.vector_store %arg15[%swap3A_891], %mul3A_890 {strides = array<i32>} : memref<1024xf32, #tpu.memory_space<vmem>>, vector<16xf32>,
        %dma_start3A_893 = arith.constant 6 : i32
        %dma_start3A_894 = arith.constant 1 : i32
        %dma_start3A_895 = arith.constant 768 : i32
        %dma_start3A_896 = tpu.memref_slice %arg15[%dma_start3A_895] : memref<1024xf32, #tpu.memory_space<vmem>> -> memref<128xf32, #tpu.memory_space<vmem>>
        %dma_start3A_897 = arith.constant 0 : i32
        %dma_start3A_898 = tpu.memref_slice %arg9[%dma_start3A_893, %dma_start3A_894, %dma_start3A_897] : memref<8x2x128xi32, #tpu.memory_space<vmem>> -> memref<1x1x128xi32, #tpu.memory_space<vmem>>
        %dma_start3A_899 = tpu.memref_squeeze %dma_start3A_898 : memref<1x1x128xi32, #tpu.memory_space<vmem>> -> memref<128xi32, #tpu.memory_space<vmem>>
        %dma_start3A_900 = arith.constant 0 : i32
        %dma_start3A_901 = tpu.memref_slice %arg19[%dma_start3A_900] : memref<100352xf32, #tpu.memory_space<vmem_shared>> -> memref<100352xf32, #tpu.memory_space<vmem_shared>>
        tpu.enqueue_indirect_dma source(%dma_start3A_896 : memref<128xf32, #tpu.memory_space<vmem>>) target(%dma_start3A_901 : memref<100352xf32, #tpu.memory_space<vmem_shared>>) offsets(%dma_start3A_899 : memref<128xi32, #tpu.memory_space<vmem>>) semaphore(%arg23 : memref<!tpu.dma_semaphore, #tpu.memory_space<semaphore_mem>>) {add = true}
        %get3A_902 = arith.constant 7 : i32
        %get3A_903 = arith.constant 0 : i32
        %get3A_904 = arith.index_cast %get3A_902 : i32 to index
        %get3A_905 = arith.index_cast %get3A_903 : i32 to index
        %get3A_906 = arith.constant 0 : index
        %get3A_907 = tpu.vector_load %arg9[%get3A_904, %get3A_905, %get3A_906] {strides = array<i32>} : memref<8x2x128xi32, #tpu.memory_space<vmem>>, vector<16xi32>,
        %gather3A_908 = tpu.vector_load_idx %arg7[%get3A_907] : memref<100000xf32, #tpu.memory_space<vmem>>[vector<16xi32>], vector<16xf32>,
        %get3A_909 = arith.constant 896 : index
        %get3A_910 = tpu.vector_load %arg12[%get3A_909] {strides = array<i32>} : memref<1024xi32, #tpu.memory_space<vmem>>, vector<16xi32>,
        %gather3A_911 = tpu.vector_load_idx %arg8[%get3A_910] : memref<64xf32, #tpu.memory_space<vmem>>[vector<16xi32>], vector<16xf32>,
        %mul3A_912 = arith.mulf %gather3A_908, %gather3A_911 : vector<16xf32>
        %swap3A_913 = arith.constant 896 : index
        %swap3A_914 = tpu.vector_load %arg15[%swap3A_913] {strides = array<i32>} : memref<1024xf32, #tpu.memory_space<vmem>>, vector<16xf32>,
        tpu.vector_store %arg15[%swap3A_913], %mul3A_912 {strides = array<i32>} : memref<1024xf32, #tpu.memory_space<vmem>>, vector<16xf32>,
        %get3A_915 = arith.constant 7 : i32
        %get3A_916 = arith.constant 0 : i32
        %get3A_917 = arith.index_cast %get3A_915 : i32 to index
        %get3A_918 = arith.index_cast %get3A_916 : i32 to index
        %get3A_919 = arith.constant 16 : index
        %get3A_920 = tpu.vector_load %arg9[%get3A_917, %get3A_918, %get3A_919] {strides = array<i32>} : memref<8x2x128xi32, #tpu.memory_space<vmem>>, vector<16xi32>,
        %gather3A_921 = tpu.vector_load_idx %arg7[%get3A_920] : memref<100000xf32, #tpu.memory_space<vmem>>[vector<16xi32>], vector<16xf32>,
        %get3A_922 = arith.constant 912 : index
        %get3A_923 = tpu.vector_load %arg12[%get3A_922] {strides = array<i32>} : memref<1024xi32, #tpu.memory_space<vmem>>, vector<16xi32>,
        %gather3A_924 = tpu.vector_load_idx %arg8[%get3A_923] : memref<64xf32, #tpu.memory_space<vmem>>[vector<16xi32>], vector<16xf32>,
        %mul3A_925 = arith.mulf %gather3A_921, %gather3A_924 : vector<16xf32>
        %swap3A_926 = arith.constant 912 : index
        %swap3A_927 = tpu.vector_load %arg15[%swap3A_926] {strides = array<i32>} : memref<1024xf32, #tpu.memory_space<vmem>>, vector<16xf32>,
        tpu.vector_store %arg15[%swap3A_926], %mul3A_925 {strides = array<i32>} : memref<1024xf32, #tpu.memory_space<vmem>>, vector<16xf32>,
        %get3A_928 = arith.constant 7 : i32
        %get3A_929 = arith.constant 0 : i32
        %get3A_930 = arith.index_cast %get3A_928 : i32 to index
        %get3A_931 = arith.index_cast %get3A_929 : i32 to index
        %get3A_932 = arith.constant 32 : index
        %get3A_933 = tpu.vector_load %arg9[%get3A_930, %get3A_931, %get3A_932] {strides = array<i32>} : memref<8x2x128xi32, #tpu.memory_space<vmem>>, vector<16xi32>,
        %gather3A_934 = tpu.vector_load_idx %arg7[%get3A_933] : memref<100000xf32, #tpu.memory_space<vmem>>[vector<16xi32>], vector<16xf32>,
        %get3A_935 = arith.constant 928 : index
        %get3A_936 = tpu.vector_load %arg12[%get3A_935] {strides = array<i32>} : memref<1024xi32, #tpu.memory_space<vmem>>, vector<16xi32>,
        %gather3A_937 = tpu.vector_load_idx %arg8[%get3A_936] : memref<64xf32, #tpu.memory_space<vmem>>[vector<16xi32>], vector<16xf32>,
        %mul3A_938 = arith.mulf %gather3A_934, %gather3A_937 : vector<16xf32>
        %swap3A_939 = arith.constant 928 : index
        %swap3A_940 = tpu.vector_load %arg15[%swap3A_939] {strides = array<i32>} : memref<1024xf32, #tpu.memory_space<vmem>>, vector<16xf32>,
        tpu.vector_store %arg15[%swap3A_939], %mul3A_938 {strides = array<i32>} : memref<1024xf32, #tpu.memory_space<vmem>>, vector<16xf32>,
        %get3A_941 = arith.constant 7 : i32
        %get3A_942 = arith.constant 0 : i32
        %get3A_943 = arith.index_cast %get3A_941 : i32 to index
        %get3A_944 = arith.index_cast %get3A_942 : i32 to index
        %get3A_945 = arith.constant 48 : index
        %get3A_946 = tpu.vector_load %arg9[%get3A_943, %get3A_944, %get3A_945] {strides = array<i32>} : memref<8x2x128xi32, #tpu.memory_space<vmem>>, vector<16xi32>,
        %gather3A_947 = tpu.vector_load_idx %arg7[%get3A_946] : memref<100000xf32, #tpu.memory_space<vmem>>[vector<16xi32>], vector<16xf32>,
        %get3A_948 = arith.constant 944 : index
        %get3A_949 = tpu.vector_load %arg12[%get3A_948] {strides = array<i32>} : memref<1024xi32, #tpu.memory_space<vmem>>, vector<16xi32>,
        %gather3A_950 = tpu.vector_load_idx %arg8[%get3A_949] : memref<64xf32, #tpu.memory_space<vmem>>[vector<16xi32>], vector<16xf32>,
        %mul3A_951 = arith.mulf %gather3A_947, %gather3A_950 : vector<16xf32>
        %swap3A_952 = arith.constant 944 : index
        %swap3A_953 = tpu.vector_load %arg15[%swap3A_952] {strides = array<i32>} : memref<1024xf32, #tpu.memory_space<vmem>>, vector<16xf32>,
        tpu.vector_store %arg15[%swap3A_952], %mul3A_951 {strides = array<i32>} : memref<1024xf32, #tpu.memory_space<vmem>>, vector<16xf32>,
        %get3A_954 = arith.constant 7 : i32
        %get3A_955 = arith.constant 0 : i32
        %get3A_956 = arith.index_cast %get3A_954 : i32 to index
        %get3A_957 = arith.index_cast %get3A_955 : i32 to index
        %get3A_958 = arith.constant 64 : index
        %get3A_959 = tpu.vector_load %arg9[%get3A_956, %get3A_957, %get3A_958] {strides = array<i32>} : memref<8x2x128xi32, #tpu.memory_space<vmem>>, vector<16xi32>,
        %gather3A_960 = tpu.vector_load_idx %arg7[%get3A_959] : memref<100000xf32, #tpu.memory_space<vmem>>[vector<16xi32>], vector<16xf32>,
        %get3A_961 = arith.constant 960 : index
        %get3A_962 = tpu.vector_load %arg12[%get3A_961] {strides = array<i32>} : memref<1024xi32, #tpu.memory_space<vmem>>, vector<16xi32>,
        %gather3A_963 = tpu.vector_load_idx %arg8[%get3A_962] : memref<64xf32, #tpu.memory_space<vmem>>[vector<16xi32>], vector<16xf32>,
        %mul3A_964 = arith.mulf %gather3A_960, %gather3A_963 : vector<16xf32>
        %swap3A_965 = arith.constant 960 : index
        %swap3A_966 = tpu.vector_load %arg15[%swap3A_965] {strides = array<i32>} : memref<1024xf32, #tpu.memory_space<vmem>>, vector<16xf32>,
        tpu.vector_store %arg15[%swap3A_965], %mul3A_964 {strides = array<i32>} : memref<1024xf32, #tpu.memory_space<vmem>>, vector<16xf32>,
        %get3A_967 = arith.constant 7 : i32
        %get3A_968 = arith.constant 0 : i32
        %get3A_969 = arith.index_cast %get3A_967 : i32 to index
        %get3A_970 = arith.index_cast %get3A_968 : i32 to index
        %get3A_971 = arith.constant 80 : index
        %get3A_972 = tpu.vector_load %arg9[%get3A_969, %get3A_970, %get3A_971] {strides = array<i32>} : memref<8x2x128xi32, #tpu.memory_space<vmem>>, vector<16xi32>,
        %gather3A_973 = tpu.vector_load_idx %arg7[%get3A_972] : memref<100000xf32, #tpu.memory_space<vmem>>[vector<16xi32>], vector<16xf32>,
        %get3A_974 = arith.constant 976 : index
        %get3A_975 = tpu.vector_load %arg12[%get3A_974] {strides = array<i32>} : memref<1024xi32, #tpu.memory_space<vmem>>, vector<16xi32>,
        %gather3A_976 = tpu.vector_load_idx %arg8[%get3A_975] : memref<64xf32, #tpu.memory_space<vmem>>[vector<16xi32>], vector<16xf32>,
        %mul3A_977 = arith.mulf %gather3A_973, %gather3A_976 : vector<16xf32>
        %swap3A_978 = arith.constant 976 : index
        %swap3A_979 = tpu.vector_load %arg15[%swap3A_978] {strides = array<i32>} : memref<1024xf32, #tpu.memory_space<vmem>>, vector<16xf32>,
        tpu.vector_store %arg15[%swap3A_978], %mul3A_977 {strides = array<i32>} : memref<1024xf32, #tpu.memory_space<vmem>>, vector<16xf32>,
        %get3A_980 = arith.constant 7 : i32
        %get3A_981 = arith.constant 0 : i32
        %get3A_982 = arith.index_cast %get3A_980 : i32 to index
        %get3A_983 = arith.index_cast %get3A_981 : i32 to index
        %get3A_984 = arith.constant 96 : index
        %get3A_985 = tpu.vector_load %arg9[%get3A_982, %get3A_983, %get3A_984] {strides = array<i32>} : memref<8x2x128xi32, #tpu.memory_space<vmem>>, vector<16xi32>,
        %gather3A_986 = tpu.vector_load_idx %arg7[%get3A_985] : memref<100000xf32, #tpu.memory_space<vmem>>[vector<16xi32>], vector<16xf32>,
        %get3A_987 = arith.constant 992 : index
        %get3A_988 = tpu.vector_load %arg12[%get3A_987] {strides = array<i32>} : memref<1024xi32, #tpu.memory_space<vmem>>, vector<16xi32>,
        %gather3A_989 = tpu.vector_load_idx %arg8[%get3A_988] : memref<64xf32, #tpu.memory_space<vmem>>[vector<16xi32>], vector<16xf32>,
        %mul3A_990 = arith.mulf %gather3A_986, %gather3A_989 : vector<16xf32>
        %swap3A_991 = arith.constant 992 : index
        %swap3A_992 = tpu.vector_load %arg15[%swap3A_991] {strides = array<i32>} : memref<1024xf32, #tpu.memory_space<vmem>>, vector<16xf32>,
        tpu.vector_store %arg15[%swap3A_991], %mul3A_990 {strides = array<i32>} : memref<1024xf32, #tpu.memory_space<vmem>>, vector<16xf32>,
        %get3A_993 = arith.constant 7 : i32
        %get3A_994 = arith.constant 0 : i32
        %get3A_995 = arith.index_cast %get3A_993 : i32 to index
        %get3A_996 = arith.index_cast %get3A_994 : i32 to index
        %get3A_997 = arith.constant 112 : index
        %get3A_998 = tpu.vector_load %arg9[%get3A_995, %get3A_996, %get3A_997] {strides = array<i32>} : memref<8x2x128xi32, #tpu.memory_space<vmem>>, vector<16xi32>,
        %gather3A_999 = tpu.vector_load_idx %arg7[%get3A_998] : memref<100000xf32, #tpu.memory_space<vmem>>[vector<16xi32>], vector<16xf32>,
        %get3A_1000 = arith.constant 1008 : index
        %get3A_1001 = tpu.vector_load %arg12[%get3A_1000] {strides = array<i32>} : memref<1024xi32, #tpu.memory_space<vmem>>, vector<16xi32>,
        %gather3A_1002 = tpu.vector_load_idx %arg8[%get3A_1001] : memref<64xf32, #tpu.memory_space<vmem>>[vector<16xi32>], vector<16xf32>,
        %mul3A_1003 = arith.mulf %gather3A_999, %gather3A_1002 : vector<16xf32>
        %swap3A_1004 = arith.constant 1008 : index
        %swap3A_1005 = tpu.vector_load %arg15[%swap3A_1004] {strides = array<i32>} : memref<1024xf32, #tpu.memory_space<vmem>>, vector<16xf32>,
        tpu.vector_store %arg15[%swap3A_1004], %mul3A_1003 {strides = array<i32>} : memref<1024xf32, #tpu.memory_space<vmem>>, vector<16xf32>,
        %dma_start3A_1006 = arith.constant 7 : i32
        %dma_start3A_1007 = arith.constant 1 : i32
        %dma_start3A_1008 = arith.constant 896 : i32
        %dma_start3A_1009 = tpu.memref_slice %arg15[%dma_start3A_1008] : memref<1024xf32, #tpu.memory_space<vmem>> -> memref<128xf32, #tpu.memory_space<vmem>>
        %dma_start3A_1010 = arith.constant 0 : i32
        %dma_start3A_1011 = tpu.memref_slice %arg9[%dma_start3A_1006, %dma_start3A_1007, %dma_start3A_1010] : memref<8x2x128xi32, #tpu.memory_space<vmem>> -> memref<1x1x128xi32, #tpu.memory_space<vmem>>
        %dma_start3A_1012 = tpu.memref_squeeze %dma_start3A_1011 : memref<1x1x128xi32, #tpu.memory_space<vmem>> -> memref<128xi32, #tpu.memory_space<vmem>>
        %dma_start3A_1013 = arith.constant 0 : i32
        %dma_start3A_1014 = tpu.memref_slice %arg19[%dma_start3A_1013] : memref<100352xf32, #tpu.memory_space<vmem_shared>> -> memref<100352xf32, #tpu.memory_space<vmem_shared>>
        tpu.enqueue_indirect_dma source(%dma_start3A_1009 : memref<128xf32, #tpu.memory_space<vmem>>) target(%dma_start3A_1014 : memref<100352xf32, #tpu.memory_space<vmem_shared>>) offsets(%dma_start3A_1012 : memref<128xi32, #tpu.memory_space<vmem>>) semaphore(%arg23 : memref<!tpu.dma_semaphore, #tpu.memory_space<semaphore_mem>>) {add = true}
      } else {
      }
      %mul3A_56 = arith.constant 3 : i32
      %mul3A_57 = arith.muli %mul3A_56, %scan3A_39 : i32
      %add3A_58 = arith.constant 1 : i32
      %add3A_59 = arith.addi %mul3A_57, %add3A_58 : i32
      %ge3A_60 = arith.constant 2 : i32
      %ge3A_61 = arith.cmpi sge, %add3A_59, %ge3A_60 : i32
      %sub3A_62 = arith.constant 2 : i32
      %sub3A_63 = arith.subi %add3A_59, %sub3A_62 : i32
      %lt3A_64 = arith.cmpi slt, %sub3A_63, %add3A_8 : i32
      %and3A_65 = arith.andi %ge3A_61, %lt3A_64 : i1
      %convert_element_type3A_66 = arith.extui %and3A_65 : i1 to i32
      %cond3A_67 = arith.constant 0 : i32
      %cond3A_68 = arith.cmpi ne, %convert_element_type3A_66, %cond3A_67 : i32
      scf.if %cond3A_68 {
        %dma_wait3A = arith.constant 0 : i32
        %dma_wait3A_102 = arith.constant 1 : i32
        %dma_wait3A_103 = arith.constant 0 : i32
        %dma_wait3A_104 = tpu.memref_slice %arg17[%dma_wait3A_103] : memref<1024xf32, #tpu.memory_space<vmem>> -> memref<128xf32, #tpu.memory_space<vmem>>
        %dma_wait3A_105 = arith.constant 0 : i32
        %dma_wait3A_106 = tpu.memref_slice %arg11[%dma_wait3A, %dma_wait3A_102, %dma_wait3A_105] : memref<8x2x128xi32, #tpu.memory_space<vmem>> -> memref<1x1x128xi32, #tpu.memory_space<vmem>>
        %dma_wait3A_107 = tpu.memref_squeeze %dma_wait3A_106 : memref<1x1x128xi32, #tpu.memory_space<vmem>> -> memref<128xi32, #tpu.memory_space<vmem>>
        %dma_wait3A_108 = arith.constant 0 : i32
        %dma_wait3A_109 = tpu.memref_slice %arg19[%dma_wait3A_108] : memref<100352xf32, #tpu.memory_space<vmem_shared>> -> memref<100352xf32, #tpu.memory_space<vmem_shared>>
        tpu.wait_indirect_dma semaphore(%arg25 : memref<!tpu.dma_semaphore, #tpu.memory_space<semaphore_mem>>) src(%dma_wait3A_104 : memref<128xf32, #tpu.memory_space<vmem>>) dst(%dma_wait3A_109 : memref<100352xf32, #tpu.memory_space<vmem_shared>>)
        %dma_wait3A_110 = arith.constant 1 : i32
        %dma_wait3A_111 = arith.constant 1 : i32
        %dma_wait3A_112 = arith.constant 128 : i32
        %dma_wait3A_113 = tpu.memref_slice %arg17[%dma_wait3A_112] : memref<1024xf32, #tpu.memory_space<vmem>> -> memref<128xf32, #tpu.memory_space<vmem>>
        %dma_wait3A_114 = arith.constant 0 : i32
        %dma_wait3A_115 = tpu.memref_slice %arg11[%dma_wait3A_110, %dma_wait3A_111, %dma_wait3A_114] : memref<8x2x128xi32, #tpu.memory_space<vmem>> -> memref<1x1x128xi32, #tpu.memory_space<vmem>>
        %dma_wait3A_116 = tpu.memref_squeeze %dma_wait3A_115 : memref<1x1x128xi32, #tpu.memory_space<vmem>> -> memref<128xi32, #tpu.memory_space<vmem>>
        %dma_wait3A_117 = arith.constant 0 : i32
        %dma_wait3A_118 = tpu.memref_slice %arg19[%dma_wait3A_117] : memref<100352xf32, #tpu.memory_space<vmem_shared>> -> memref<100352xf32, #tpu.memory_space<vmem_shared>>
        tpu.wait_indirect_dma semaphore(%arg25 : memref<!tpu.dma_semaphore, #tpu.memory_space<semaphore_mem>>) src(%dma_wait3A_113 : memref<128xf32, #tpu.memory_space<vmem>>) dst(%dma_wait3A_118 : memref<100352xf32, #tpu.memory_space<vmem_shared>>)
        %dma_wait3A_119 = arith.constant 2 : i32
        %dma_wait3A_120 = arith.constant 1 : i32
        %dma_wait3A_121 = arith.constant 256 : i32
        %dma_wait3A_122 = tpu.memref_slice %arg17[%dma_wait3A_121] : memref<1024xf32, #tpu.memory_space<vmem>> -> memref<128xf32, #tpu.memory_space<vmem>>
        %dma_wait3A_123 = arith.constant 0 : i32
        %dma_wait3A_124 = tpu.memref_slice %arg11[%dma_wait3A_119, %dma_wait3A_120, %dma_wait3A_123] : memref<8x2x128xi32, #tpu.memory_space<vmem>> -> memref<1x1x128xi32, #tpu.memory_space<vmem>>
        %dma_wait3A_125 = tpu.memref_squeeze %dma_wait3A_124 : memref<1x1x128xi32, #tpu.memory_space<vmem>> -> memref<128xi32, #tpu.memory_space<vmem>>
        %dma_wait3A_126 = arith.constant 0 : i32
        %dma_wait3A_127 = tpu.memref_slice %arg19[%dma_wait3A_126] : memref<100352xf32, #tpu.memory_space<vmem_shared>> -> memref<100352xf32, #tpu.memory_space<vmem_shared>>
        tpu.wait_indirect_dma semaphore(%arg25 : memref<!tpu.dma_semaphore, #tpu.memory_space<semaphore_mem>>) src(%dma_wait3A_122 : memref<128xf32, #tpu.memory_space<vmem>>) dst(%dma_wait3A_127 : memref<100352xf32, #tpu.memory_space<vmem_shared>>)
        %dma_wait3A_128 = arith.constant 3 : i32
        %dma_wait3A_129 = arith.constant 1 : i32
        %dma_wait3A_130 = arith.constant 384 : i32
        %dma_wait3A_131 = tpu.memref_slice %arg17[%dma_wait3A_130] : memref<1024xf32, #tpu.memory_space<vmem>> -> memref<128xf32, #tpu.memory_space<vmem>>
        %dma_wait3A_132 = arith.constant 0 : i32
        %dma_wait3A_133 = tpu.memref_slice %arg11[%dma_wait3A_128, %dma_wait3A_129, %dma_wait3A_132] : memref<8x2x128xi32, #tpu.memory_space<vmem>> -> memref<1x1x128xi32, #tpu.memory_space<vmem>>
        %dma_wait3A_134 = tpu.memref_squeeze %dma_wait3A_133 : memref<1x1x128xi32, #tpu.memory_space<vmem>> -> memref<128xi32, #tpu.memory_space<vmem>>
        %dma_wait3A_135 = arith.constant 0 : i32
        %dma_wait3A_136 = tpu.memref_slice %arg19[%dma_wait3A_135] : memref<100352xf32, #tpu.memory_space<vmem_shared>> -> memref<100352xf32, #tpu.memory_space<vmem_shared>>
        tpu.wait_indirect_dma semaphore(%arg25 : memref<!tpu.dma_semaphore, #tpu.memory_space<semaphore_mem>>) src(%dma_wait3A_131 : memref<128xf32, #tpu.memory_space<vmem>>) dst(%dma_wait3A_136 : memref<100352xf32, #tpu.memory_space<vmem_shared>>)
        %dma_wait3A_137 = arith.constant 4 : i32
        %dma_wait3A_138 = arith.constant 1 : i32
        %dma_wait3A_139 = arith.constant 512 : i32
        %dma_wait3A_140 = tpu.memref_slice %arg17[%dma_wait3A_139] : memref<1024xf32, #tpu.memory_space<vmem>> -> memref<128xf32, #tpu.memory_space<vmem>>
        %dma_wait3A_141 = arith.constant 0 : i32
        %dma_wait3A_142 = tpu.memref_slice %arg11[%dma_wait3A_137, %dma_wait3A_138, %dma_wait3A_141] : memref<8x2x128xi32, #tpu.memory_space<vmem>> -> memref<1x1x128xi32, #tpu.memory_space<vmem>>
        %dma_wait3A_143 = tpu.memref_squeeze %dma_wait3A_142 : memref<1x1x128xi32, #tpu.memory_space<vmem>> -> memref<128xi32, #tpu.memory_space<vmem>>
        %dma_wait3A_144 = arith.constant 0 : i32
        %dma_wait3A_145 = tpu.memref_slice %arg19[%dma_wait3A_144] : memref<100352xf32, #tpu.memory_space<vmem_shared>> -> memref<100352xf32, #tpu.memory_space<vmem_shared>>
        tpu.wait_indirect_dma semaphore(%arg25 : memref<!tpu.dma_semaphore, #tpu.memory_space<semaphore_mem>>) src(%dma_wait3A_140 : memref<128xf32, #tpu.memory_space<vmem>>) dst(%dma_wait3A_145 : memref<100352xf32, #tpu.memory_space<vmem_shared>>)
        %dma_wait3A_146 = arith.constant 5 : i32
        %dma_wait3A_147 = arith.constant 1 : i32
        %dma_wait3A_148 = arith.constant 640 : i32
        %dma_wait3A_149 = tpu.memref_slice %arg17[%dma_wait3A_148] : memref<1024xf32, #tpu.memory_space<vmem>> -> memref<128xf32, #tpu.memory_space<vmem>>
        %dma_wait3A_150 = arith.constant 0 : i32
        %dma_wait3A_151 = tpu.memref_slice %arg11[%dma_wait3A_146, %dma_wait3A_147, %dma_wait3A_150] : memref<8x2x128xi32, #tpu.memory_space<vmem>> -> memref<1x1x128xi32, #tpu.memory_space<vmem>>
        %dma_wait3A_152 = tpu.memref_squeeze %dma_wait3A_151 : memref<1x1x128xi32, #tpu.memory_space<vmem>> -> memref<128xi32, #tpu.memory_space<vmem>>
        %dma_wait3A_153 = arith.constant 0 : i32
        %dma_wait3A_154 = tpu.memref_slice %arg19[%dma_wait3A_153] : memref<100352xf32, #tpu.memory_space<vmem_shared>> -> memref<100352xf32, #tpu.memory_space<vmem_shared>>
        tpu.wait_indirect_dma semaphore(%arg25 : memref<!tpu.dma_semaphore, #tpu.memory_space<semaphore_mem>>) src(%dma_wait3A_149 : memref<128xf32, #tpu.memory_space<vmem>>) dst(%dma_wait3A_154 : memref<100352xf32, #tpu.memory_space<vmem_shared>>)
        %dma_wait3A_155 = arith.constant 6 : i32
        %dma_wait3A_156 = arith.constant 1 : i32
        %dma_wait3A_157 = arith.constant 768 : i32
        %dma_wait3A_158 = tpu.memref_slice %arg17[%dma_wait3A_157] : memref<1024xf32, #tpu.memory_space<vmem>> -> memref<128xf32, #tpu.memory_space<vmem>>
        %dma_wait3A_159 = arith.constant 0 : i32
        %dma_wait3A_160 = tpu.memref_slice %arg11[%dma_wait3A_155, %dma_wait3A_156, %dma_wait3A_159] : memref<8x2x128xi32, #tpu.memory_space<vmem>> -> memref<1x1x128xi32, #tpu.memory_space<vmem>>
        %dma_wait3A_161 = tpu.memref_squeeze %dma_wait3A_160 : memref<1x1x128xi32, #tpu.memory_space<vmem>> -> memref<128xi32, #tpu.memory_space<vmem>>
        %dma_wait3A_162 = arith.constant 0 : i32
        %dma_wait3A_163 = tpu.memref_slice %arg19[%dma_wait3A_162] : memref<100352xf32, #tpu.memory_space<vmem_shared>> -> memref<100352xf32, #tpu.memory_space<vmem_shared>>
        tpu.wait_indirect_dma semaphore(%arg25 : memref<!tpu.dma_semaphore, #tpu.memory_space<semaphore_mem>>) src(%dma_wait3A_158 : memref<128xf32, #tpu.memory_space<vmem>>) dst(%dma_wait3A_163 : memref<100352xf32, #tpu.memory_space<vmem_shared>>)
        %dma_wait3A_164 = arith.constant 7 : i32
        %dma_wait3A_165 = arith.constant 1 : i32
        %dma_wait3A_166 = arith.constant 896 : i32
        %dma_wait3A_167 = tpu.memref_slice %arg17[%dma_wait3A_166] : memref<1024xf32, #tpu.memory_space<vmem>> -> memref<128xf32, #tpu.memory_space<vmem>>
        %dma_wait3A_168 = arith.constant 0 : i32
        %dma_wait3A_169 = tpu.memref_slice %arg11[%dma_wait3A_164, %dma_wait3A_165, %dma_wait3A_168] : memref<8x2x128xi32, #tpu.memory_space<vmem>> -> memref<1x1x128xi32, #tpu.memory_space<vmem>>
        %dma_wait3A_170 = tpu.memref_squeeze %dma_wait3A_169 : memref<1x1x128xi32, #tpu.memory_space<vmem>> -> memref<128xi32, #tpu.memory_space<vmem>>
        %dma_wait3A_171 = arith.constant 0 : i32
        %dma_wait3A_172 = tpu.memref_slice %arg19[%dma_wait3A_171] : memref<100352xf32, #tpu.memory_space<vmem_shared>> -> memref<100352xf32, #tpu.memory_space<vmem_shared>>
        tpu.wait_indirect_dma semaphore(%arg25 : memref<!tpu.dma_semaphore, #tpu.memory_space<semaphore_mem>>) src(%dma_wait3A_167 : memref<128xf32, #tpu.memory_space<vmem>>) dst(%dma_wait3A_172 : memref<100352xf32, #tpu.memory_space<vmem_shared>>)
      } else {
      }
      %add3A_69 = arith.constant 1 : i32
      %add3A_70 = arith.addi %add3A_59, %add3A_69 : i32
      %lt3A_71 = arith.cmpi slt, %add3A_70, %add3A_8 : i32
      %convert_element_type3A_72 = arith.extui %lt3A_71 : i1 to i32
      %cond3A_73 = arith.constant 0 : i32
      %cond3A_74 = arith.cmpi ne, %convert_element_type3A_72, %cond3A_73 : i32
      scf.if %cond3A_74 {
        %add3A_102 = arith.addi %add3A_4, %add3A_59 : i32
        %add3A_103 = arith.constant 1 : i32
        %add3A_104 = arith.addi %add3A_102, %add3A_103 : i32
        %mul3A_105 = arith.constant 8 : i32
        %mul3A_106 = arith.muli %add3A_104, %mul3A_105 : i32
        %mul3A_107 = arith.constant 1024 : i32
        %mul3A_108 = arith.muli %add3A_104, %mul3A_107 : i32
        %dma_start3A_109 = arith.constant 0 : i32
        %dma_start3A_110 = arith.constant 0 : i32
        %dma_start3A_111 = tpu.memref_slice %arg2[%mul3A_106, %dma_start3A_109, %dma_start3A_110] : memref<50000x2x128xi32, #tpu.memory_space<hbm>> -> memref<8x2x128xi32, #tpu.memory_space<hbm>>
        %dma_start3A_112 = arith.constant 0 : i32
        %dma_start3A_113 = arith.constant 0 : i32
        %dma_start3A_114 = tpu.memref_slice %arg2[%mul3A_106, %dma_start3A_112, %dma_start3A_113] : memref<50000x2x128xi32, #tpu.memory_space<hbm>> -> memref<8x2x128xi32, #tpu.memory_space<hbm>>
        tpu.enqueue_dma source(%dma_start3A_114 : memref<8x2x128xi32, #tpu.memory_space<hbm>>) target(%arg11 : memref<8x2x128xi32, #tpu.memory_space<vmem>>) target_semaphore(%arg22 : memref<!tpu.dma_semaphore, #tpu.memory_space<semaphore_mem>>)
        %dma_start3A_115 = tpu.memref_slice %arg3[%mul3A_108] : memref<6400000xi32, #tpu.memory_space<hbm>> -> memref<1024xi32, #tpu.memory_space<hbm>>
        %dma_start3A_116 = tpu.memref_slice %arg3[%mul3A_108] : memref<6400000xi32, #tpu.memory_space<hbm>> -> memref<1024xi32, #tpu.memory_space<hbm>>
        tpu.enqueue_dma source(%dma_start3A_116 : memref<1024xi32, #tpu.memory_space<hbm>>) target(%arg14 : memref<1024xi32, #tpu.memory_space<vmem>>) target_semaphore(%arg22 : memref<!tpu.dma_semaphore, #tpu.memory_space<semaphore_mem>>)
      } else {
      }
      %lt3A_75 = arith.cmpi slt, %add3A_59, %add3A_8 : i32
      %convert_element_type3A_76 = arith.extui %lt3A_75 : i1 to i32
      %cond3A_77 = arith.constant 0 : i32
      %cond3A_78 = arith.cmpi ne, %convert_element_type3A_76, %cond3A_77 : i32
      scf.if %cond3A_78 {
        %add3A_102 = arith.addi %add3A_4, %add3A_59 : i32
        %mul3A_103 = arith.constant 8 : i32
        %mul3A_104 = arith.muli %add3A_102, %mul3A_103 : i32
        %mul3A_105 = arith.constant 1024 : i32
        %mul3A_106 = arith.muli %add3A_102, %mul3A_105 : i32
        %dma_wait3A = arith.constant 0 : i32
        %dma_wait3A_107 = arith.constant 0 : i32
        %dma_wait3A_108 = tpu.memref_slice %arg2[%mul3A_104, %dma_wait3A, %dma_wait3A_107] : memref<50000x2x128xi32, #tpu.memory_space<hbm>> -> memref<8x2x128xi32, #tpu.memory_space<hbm>>
        %dma_wait3A_109 = arith.constant 0 : i32
        %dma_wait3A_110 = arith.constant 0 : i32
        %dma_wait3A_111 = tpu.memref_slice %arg2[%mul3A_104, %dma_wait3A_109, %dma_wait3A_110] : memref<50000x2x128xi32, #tpu.memory_space<hbm>> -> memref<8x2x128xi32, #tpu.memory_space<hbm>>
        tpu.wait_dma2 semaphore(%arg21 : memref<!tpu.dma_semaphore, #tpu.memory_space<semaphore_mem>>) src(%dma_wait3A_111 : memref<8x2x128xi32, #tpu.memory_space<hbm>>) dst(%arg10 : memref<8x2x128xi32, #tpu.memory_space<vmem>>)
        %dma_wait3A_112 = tpu.memref_slice %arg3[%mul3A_106] : memref<6400000xi32, #tpu.memory_space<hbm>> -> memref<1024xi32, #tpu.memory_space<hbm>>
        %dma_wait3A_113 = tpu.memref_slice %arg3[%mul3A_106] : memref<6400000xi32, #tpu.memory_space<hbm>> -> memref<1024xi32, #tpu.memory_space<hbm>>
        tpu.wait_dma2 semaphore(%arg21 : memref<!tpu.dma_semaphore, #tpu.memory_space<semaphore_mem>>) src(%dma_wait3A_113 : memref<1024xi32, #tpu.memory_space<hbm>>) dst(%arg13 : memref<1024xi32, #tpu.memory_space<vmem>>)
        %get3A = arith.constant 0 : i32
        %get3A_114 = arith.constant 0 : i32
        %get3A_115 = arith.index_cast %get3A : i32 to index
        %get3A_116 = arith.index_cast %get3A_114 : i32 to index
        %get3A_117 = arith.constant 0 : index
        %get3A_118 = tpu.vector_load %arg10[%get3A_115, %get3A_116, %get3A_117] {strides = array<i32>} : memref<8x2x128xi32, #tpu.memory_space<vmem>>, vector<16xi32>,
        %gather3A = tpu.vector_load_idx %arg7[%get3A_118] : memref<100000xf32, #tpu.memory_space<vmem>>[vector<16xi32>], vector<16xf32>,
        %get3A_119 = arith.constant 0 : index
        %get3A_120 = tpu.vector_load %arg13[%get3A_119] {strides = array<i32>} : memref<1024xi32, #tpu.memory_space<vmem>>, vector<16xi32>,
        %gather3A_121 = tpu.vector_load_idx %arg8[%get3A_120] : memref<64xf32, #tpu.memory_space<vmem>>[vector<16xi32>], vector<16xf32>,
        %mul3A_122 = arith.mulf %gather3A, %gather3A_121 : vector<16xf32>
        %swap3A = arith.constant 0 : index
        %swap3A_123 = tpu.vector_load %arg16[%swap3A] {strides = array<i32>} : memref<1024xf32, #tpu.memory_space<vmem>>, vector<16xf32>,
        tpu.vector_store %arg16[%swap3A], %mul3A_122 {strides = array<i32>} : memref<1024xf32, #tpu.memory_space<vmem>>, vector<16xf32>,
        %get3A_124 = arith.constant 0 : i32
        %get3A_125 = arith.constant 0 : i32
        %get3A_126 = arith.index_cast %get3A_124 : i32 to index
        %get3A_127 = arith.index_cast %get3A_125 : i32 to index
        %get3A_128 = arith.constant 16 : index
        %get3A_129 = tpu.vector_load %arg10[%get3A_126, %get3A_127, %get3A_128] {strides = array<i32>} : memref<8x2x128xi32, #tpu.memory_space<vmem>>, vector<16xi32>,
        %gather3A_130 = tpu.vector_load_idx %arg7[%get3A_129] : memref<100000xf32, #tpu.memory_space<vmem>>[vector<16xi32>], vector<16xf32>,
        %get3A_131 = arith.constant 16 : index
        %get3A_132 = tpu.vector_load %arg13[%get3A_131] {strides = array<i32>} : memref<1024xi32, #tpu.memory_space<vmem>>, vector<16xi32>,
        %gather3A_133 = tpu.vector_load_idx %arg8[%get3A_132] : memref<64xf32, #tpu.memory_space<vmem>>[vector<16xi32>], vector<16xf32>,
        %mul3A_134 = arith.mulf %gather3A_130, %gather3A_133 : vector<16xf32>
        %swap3A_135 = arith.constant 16 : index
        %swap3A_136 = tpu.vector_load %arg16[%swap3A_135] {strides = array<i32>} : memref<1024xf32, #tpu.memory_space<vmem>>, vector<16xf32>,
        tpu.vector_store %arg16[%swap3A_135], %mul3A_134 {strides = array<i32>} : memref<1024xf32, #tpu.memory_space<vmem>>, vector<16xf32>,
        %get3A_137 = arith.constant 0 : i32
        %get3A_138 = arith.constant 0 : i32
        %get3A_139 = arith.index_cast %get3A_137 : i32 to index
        %get3A_140 = arith.index_cast %get3A_138 : i32 to index
        %get3A_141 = arith.constant 32 : index
        %get3A_142 = tpu.vector_load %arg10[%get3A_139, %get3A_140, %get3A_141] {strides = array<i32>} : memref<8x2x128xi32, #tpu.memory_space<vmem>>, vector<16xi32>,
        %gather3A_143 = tpu.vector_load_idx %arg7[%get3A_142] : memref<100000xf32, #tpu.memory_space<vmem>>[vector<16xi32>], vector<16xf32>,
        %get3A_144 = arith.constant 32 : index
        %get3A_145 = tpu.vector_load %arg13[%get3A_144] {strides = array<i32>} : memref<1024xi32, #tpu.memory_space<vmem>>, vector<16xi32>,
        %gather3A_146 = tpu.vector_load_idx %arg8[%get3A_145] : memref<64xf32, #tpu.memory_space<vmem>>[vector<16xi32>], vector<16xf32>,
        %mul3A_147 = arith.mulf %gather3A_143, %gather3A_146 : vector<16xf32>
        %swap3A_148 = arith.constant 32 : index
        %swap3A_149 = tpu.vector_load %arg16[%swap3A_148] {strides = array<i32>} : memref<1024xf32, #tpu.memory_space<vmem>>, vector<16xf32>,
        tpu.vector_store %arg16[%swap3A_148], %mul3A_147 {strides = array<i32>} : memref<1024xf32, #tpu.memory_space<vmem>>, vector<16xf32>,
        %get3A_150 = arith.constant 0 : i32
        %get3A_151 = arith.constant 0 : i32
        %get3A_152 = arith.index_cast %get3A_150 : i32 to index
        %get3A_153 = arith.index_cast %get3A_151 : i32 to index
        %get3A_154 = arith.constant 48 : index
        %get3A_155 = tpu.vector_load %arg10[%get3A_152, %get3A_153, %get3A_154] {strides = array<i32>} : memref<8x2x128xi32, #tpu.memory_space<vmem>>, vector<16xi32>,
        %gather3A_156 = tpu.vector_load_idx %arg7[%get3A_155] : memref<100000xf32, #tpu.memory_space<vmem>>[vector<16xi32>], vector<16xf32>,
        %get3A_157 = arith.constant 48 : index
        %get3A_158 = tpu.vector_load %arg13[%get3A_157] {strides = array<i32>} : memref<1024xi32, #tpu.memory_space<vmem>>, vector<16xi32>,
        %gather3A_159 = tpu.vector_load_idx %arg8[%get3A_158] : memref<64xf32, #tpu.memory_space<vmem>>[vector<16xi32>], vector<16xf32>,
        %mul3A_160 = arith.mulf %gather3A_156, %gather3A_159 : vector<16xf32>
        %swap3A_161 = arith.constant 48 : index
        %swap3A_162 = tpu.vector_load %arg16[%swap3A_161] {strides = array<i32>} : memref<1024xf32, #tpu.memory_space<vmem>>, vector<16xf32>,
        tpu.vector_store %arg16[%swap3A_161], %mul3A_160 {strides = array<i32>} : memref<1024xf32, #tpu.memory_space<vmem>>, vector<16xf32>,
        %get3A_163 = arith.constant 0 : i32
        %get3A_164 = arith.constant 0 : i32
        %get3A_165 = arith.index_cast %get3A_163 : i32 to index
        %get3A_166 = arith.index_cast %get3A_164 : i32 to index
        %get3A_167 = arith.constant 64 : index
        %get3A_168 = tpu.vector_load %arg10[%get3A_165, %get3A_166, %get3A_167] {strides = array<i32>} : memref<8x2x128xi32, #tpu.memory_space<vmem>>, vector<16xi32>,
        %gather3A_169 = tpu.vector_load_idx %arg7[%get3A_168] : memref<100000xf32, #tpu.memory_space<vmem>>[vector<16xi32>], vector<16xf32>,
        %get3A_170 = arith.constant 64 : index
        %get3A_171 = tpu.vector_load %arg13[%get3A_170] {strides = array<i32>} : memref<1024xi32, #tpu.memory_space<vmem>>, vector<16xi32>,
        %gather3A_172 = tpu.vector_load_idx %arg8[%get3A_171] : memref<64xf32, #tpu.memory_space<vmem>>[vector<16xi32>], vector<16xf32>,
        %mul3A_173 = arith.mulf %gather3A_169, %gather3A_172 : vector<16xf32>
        %swap3A_174 = arith.constant 64 : index
        %swap3A_175 = tpu.vector_load %arg16[%swap3A_174] {strides = array<i32>} : memref<1024xf32, #tpu.memory_space<vmem>>, vector<16xf32>,
        tpu.vector_store %arg16[%swap3A_174], %mul3A_173 {strides = array<i32>} : memref<1024xf32, #tpu.memory_space<vmem>>, vector<16xf32>,
        %get3A_176 = arith.constant 0 : i32
        %get3A_177 = arith.constant 0 : i32
        %get3A_178 = arith.index_cast %get3A_176 : i32 to index
        %get3A_179 = arith.index_cast %get3A_177 : i32 to index
        %get3A_180 = arith.constant 80 : index
        %get3A_181 = tpu.vector_load %arg10[%get3A_178, %get3A_179, %get3A_180] {strides = array<i32>} : memref<8x2x128xi32, #tpu.memory_space<vmem>>, vector<16xi32>,
        %gather3A_182 = tpu.vector_load_idx %arg7[%get3A_181] : memref<100000xf32, #tpu.memory_space<vmem>>[vector<16xi32>], vector<16xf32>,
        %get3A_183 = arith.constant 80 : index
        %get3A_184 = tpu.vector_load %arg13[%get3A_183] {strides = array<i32>} : memref<1024xi32, #tpu.memory_space<vmem>>, vector<16xi32>,
        %gather3A_185 = tpu.vector_load_idx %arg8[%get3A_184] : memref<64xf32, #tpu.memory_space<vmem>>[vector<16xi32>], vector<16xf32>,
        %mul3A_186 = arith.mulf %gather3A_182, %gather3A_185 : vector<16xf32>
        %swap3A_187 = arith.constant 80 : index
        %swap3A_188 = tpu.vector_load %arg16[%swap3A_187] {strides = array<i32>} : memref<1024xf32, #tpu.memory_space<vmem>>, vector<16xf32>,
        tpu.vector_store %arg16[%swap3A_187], %mul3A_186 {strides = array<i32>} : memref<1024xf32, #tpu.memory_space<vmem>>, vector<16xf32>,
        %get3A_189 = arith.constant 0 : i32
        %get3A_190 = arith.constant 0 : i32
        %get3A_191 = arith.index_cast %get3A_189 : i32 to index
        %get3A_192 = arith.index_cast %get3A_190 : i32 to index
        %get3A_193 = arith.constant 96 : index
        %get3A_194 = tpu.vector_load %arg10[%get3A_191, %get3A_192, %get3A_193] {strides = array<i32>} : memref<8x2x128xi32, #tpu.memory_space<vmem>>, vector<16xi32>,
        %gather3A_195 = tpu.vector_load_idx %arg7[%get3A_194] : memref<100000xf32, #tpu.memory_space<vmem>>[vector<16xi32>], vector<16xf32>,
        %get3A_196 = arith.constant 96 : index
        %get3A_197 = tpu.vector_load %arg13[%get3A_196] {strides = array<i32>} : memref<1024xi32, #tpu.memory_space<vmem>>, vector<16xi32>,
        %gather3A_198 = tpu.vector_load_idx %arg8[%get3A_197] : memref<64xf32, #tpu.memory_space<vmem>>[vector<16xi32>], vector<16xf32>,
        %mul3A_199 = arith.mulf %gather3A_195, %gather3A_198 : vector<16xf32>
        %swap3A_200 = arith.constant 96 : index
        %swap3A_201 = tpu.vector_load %arg16[%swap3A_200] {strides = array<i32>} : memref<1024xf32, #tpu.memory_space<vmem>>, vector<16xf32>,
        tpu.vector_store %arg16[%swap3A_200], %mul3A_199 {strides = array<i32>} : memref<1024xf32, #tpu.memory_space<vmem>>, vector<16xf32>,
        %get3A_202 = arith.constant 0 : i32
        %get3A_203 = arith.constant 0 : i32
        %get3A_204 = arith.index_cast %get3A_202 : i32 to index
        %get3A_205 = arith.index_cast %get3A_203 : i32 to index
        %get3A_206 = arith.constant 112 : index
        %get3A_207 = tpu.vector_load %arg10[%get3A_204, %get3A_205, %get3A_206] {strides = array<i32>} : memref<8x2x128xi32, #tpu.memory_space<vmem>>, vector<16xi32>,
        %gather3A_208 = tpu.vector_load_idx %arg7[%get3A_207] : memref<100000xf32, #tpu.memory_space<vmem>>[vector<16xi32>], vector<16xf32>,
        %get3A_209 = arith.constant 112 : index
        %get3A_210 = tpu.vector_load %arg13[%get3A_209] {strides = array<i32>} : memref<1024xi32, #tpu.memory_space<vmem>>, vector<16xi32>,
        %gather3A_211 = tpu.vector_load_idx %arg8[%get3A_210] : memref<64xf32, #tpu.memory_space<vmem>>[vector<16xi32>], vector<16xf32>,
        %mul3A_212 = arith.mulf %gather3A_208, %gather3A_211 : vector<16xf32>
        %swap3A_213 = arith.constant 112 : index
        %swap3A_214 = tpu.vector_load %arg16[%swap3A_213] {strides = array<i32>} : memref<1024xf32, #tpu.memory_space<vmem>>, vector<16xf32>,
        tpu.vector_store %arg16[%swap3A_213], %mul3A_212 {strides = array<i32>} : memref<1024xf32, #tpu.memory_space<vmem>>, vector<16xf32>,
        %dma_start3A_215 = arith.constant 0 : i32
        %dma_start3A_216 = arith.constant 1 : i32
        %dma_start3A_217 = arith.constant 0 : i32
        %dma_start3A_218 = tpu.memref_slice %arg16[%dma_start3A_217] : memref<1024xf32, #tpu.memory_space<vmem>> -> memref<128xf32, #tpu.memory_space<vmem>>
        %dma_start3A_219 = arith.constant 0 : i32
        %dma_start3A_220 = tpu.memref_slice %arg10[%dma_start3A_215, %dma_start3A_216, %dma_start3A_219] : memref<8x2x128xi32, #tpu.memory_space<vmem>> -> memref<1x1x128xi32, #tpu.memory_space<vmem>>
        %dma_start3A_221 = tpu.memref_squeeze %dma_start3A_220 : memref<1x1x128xi32, #tpu.memory_space<vmem>> -> memref<128xi32, #tpu.memory_space<vmem>>
        %dma_start3A_222 = arith.constant 0 : i32
        %dma_start3A_223 = tpu.memref_slice %arg19[%dma_start3A_222] : memref<100352xf32, #tpu.memory_space<vmem_shared>> -> memref<100352xf32, #tpu.memory_space<vmem_shared>>
        tpu.enqueue_indirect_dma source(%dma_start3A_218 : memref<128xf32, #tpu.memory_space<vmem>>) target(%dma_start3A_223 : memref<100352xf32, #tpu.memory_space<vmem_shared>>) offsets(%dma_start3A_221 : memref<128xi32, #tpu.memory_space<vmem>>) semaphore(%arg24 : memref<!tpu.dma_semaphore, #tpu.memory_space<semaphore_mem>>) {add = true}
        %get3A_224 = arith.constant 1 : i32
        %get3A_225 = arith.constant 0 : i32
        %get3A_226 = arith.index_cast %get3A_224 : i32 to index
        %get3A_227 = arith.index_cast %get3A_225 : i32 to index
        %get3A_228 = arith.constant 0 : index
        %get3A_229 = tpu.vector_load %arg10[%get3A_226, %get3A_227, %get3A_228] {strides = array<i32>} : memref<8x2x128xi32, #tpu.memory_space<vmem>>, vector<16xi32>,
        %gather3A_230 = tpu.vector_load_idx %arg7[%get3A_229] : memref<100000xf32, #tpu.memory_space<vmem>>[vector<16xi32>], vector<16xf32>,
        %get3A_231 = arith.constant 128 : index
        %get3A_232 = tpu.vector_load %arg13[%get3A_231] {strides = array<i32>} : memref<1024xi32, #tpu.memory_space<vmem>>, vector<16xi32>,
        %gather3A_233 = tpu.vector_load_idx %arg8[%get3A_232] : memref<64xf32, #tpu.memory_space<vmem>>[vector<16xi32>], vector<16xf32>,
        %mul3A_234 = arith.mulf %gather3A_230, %gather3A_233 : vector<16xf32>
        %swap3A_235 = arith.constant 128 : index
        %swap3A_236 = tpu.vector_load %arg16[%swap3A_235] {strides = array<i32>} : memref<1024xf32, #tpu.memory_space<vmem>>, vector<16xf32>,
        tpu.vector_store %arg16[%swap3A_235], %mul3A_234 {strides = array<i32>} : memref<1024xf32, #tpu.memory_space<vmem>>, vector<16xf32>,
        %get3A_237 = arith.constant 1 : i32
        %get3A_238 = arith.constant 0 : i32
        %get3A_239 = arith.index_cast %get3A_237 : i32 to index
        %get3A_240 = arith.index_cast %get3A_238 : i32 to index
        %get3A_241 = arith.constant 16 : index
        %get3A_242 = tpu.vector_load %arg10[%get3A_239, %get3A_240, %get3A_241] {strides = array<i32>} : memref<8x2x128xi32, #tpu.memory_space<vmem>>, vector<16xi32>,
        %gather3A_243 = tpu.vector_load_idx %arg7[%get3A_242] : memref<100000xf32, #tpu.memory_space<vmem>>[vector<16xi32>], vector<16xf32>,
        %get3A_244 = arith.constant 144 : index
        %get3A_245 = tpu.vector_load %arg13[%get3A_244] {strides = array<i32>} : memref<1024xi32, #tpu.memory_space<vmem>>, vector<16xi32>,
        %gather3A_246 = tpu.vector_load_idx %arg8[%get3A_245] : memref<64xf32, #tpu.memory_space<vmem>>[vector<16xi32>], vector<16xf32>,
        %mul3A_247 = arith.mulf %gather3A_243, %gather3A_246 : vector<16xf32>
        %swap3A_248 = arith.constant 144 : index
        %swap3A_249 = tpu.vector_load %arg16[%swap3A_248] {strides = array<i32>} : memref<1024xf32, #tpu.memory_space<vmem>>, vector<16xf32>,
        tpu.vector_store %arg16[%swap3A_248], %mul3A_247 {strides = array<i32>} : memref<1024xf32, #tpu.memory_space<vmem>>, vector<16xf32>,
        %get3A_250 = arith.constant 1 : i32
        %get3A_251 = arith.constant 0 : i32
        %get3A_252 = arith.index_cast %get3A_250 : i32 to index
        %get3A_253 = arith.index_cast %get3A_251 : i32 to index
        %get3A_254 = arith.constant 32 : index
        %get3A_255 = tpu.vector_load %arg10[%get3A_252, %get3A_253, %get3A_254] {strides = array<i32>} : memref<8x2x128xi32, #tpu.memory_space<vmem>>, vector<16xi32>,
        %gather3A_256 = tpu.vector_load_idx %arg7[%get3A_255] : memref<100000xf32, #tpu.memory_space<vmem>>[vector<16xi32>], vector<16xf32>,
        %get3A_257 = arith.constant 160 : index
        %get3A_258 = tpu.vector_load %arg13[%get3A_257] {strides = array<i32>} : memref<1024xi32, #tpu.memory_space<vmem>>, vector<16xi32>,
        %gather3A_259 = tpu.vector_load_idx %arg8[%get3A_258] : memref<64xf32, #tpu.memory_space<vmem>>[vector<16xi32>], vector<16xf32>,
        %mul3A_260 = arith.mulf %gather3A_256, %gather3A_259 : vector<16xf32>
        %swap3A_261 = arith.constant 160 : index
        %swap3A_262 = tpu.vector_load %arg16[%swap3A_261] {strides = array<i32>} : memref<1024xf32, #tpu.memory_space<vmem>>, vector<16xf32>,
        tpu.vector_store %arg16[%swap3A_261], %mul3A_260 {strides = array<i32>} : memref<1024xf32, #tpu.memory_space<vmem>>, vector<16xf32>,
        %get3A_263 = arith.constant 1 : i32
        %get3A_264 = arith.constant 0 : i32
        %get3A_265 = arith.index_cast %get3A_263 : i32 to index
        %get3A_266 = arith.index_cast %get3A_264 : i32 to index
        %get3A_267 = arith.constant 48 : index
        %get3A_268 = tpu.vector_load %arg10[%get3A_265, %get3A_266, %get3A_267] {strides = array<i32>} : memref<8x2x128xi32, #tpu.memory_space<vmem>>, vector<16xi32>,
        %gather3A_269 = tpu.vector_load_idx %arg7[%get3A_268] : memref<100000xf32, #tpu.memory_space<vmem>>[vector<16xi32>], vector<16xf32>,
        %get3A_270 = arith.constant 176 : index
        %get3A_271 = tpu.vector_load %arg13[%get3A_270] {strides = array<i32>} : memref<1024xi32, #tpu.memory_space<vmem>>, vector<16xi32>,
        %gather3A_272 = tpu.vector_load_idx %arg8[%get3A_271] : memref<64xf32, #tpu.memory_space<vmem>>[vector<16xi32>], vector<16xf32>,
        %mul3A_273 = arith.mulf %gather3A_269, %gather3A_272 : vector<16xf32>
        %swap3A_274 = arith.constant 176 : index
        %swap3A_275 = tpu.vector_load %arg16[%swap3A_274] {strides = array<i32>} : memref<1024xf32, #tpu.memory_space<vmem>>, vector<16xf32>,
        tpu.vector_store %arg16[%swap3A_274], %mul3A_273 {strides = array<i32>} : memref<1024xf32, #tpu.memory_space<vmem>>, vector<16xf32>,
        %get3A_276 = arith.constant 1 : i32
        %get3A_277 = arith.constant 0 : i32
        %get3A_278 = arith.index_cast %get3A_276 : i32 to index
        %get3A_279 = arith.index_cast %get3A_277 : i32 to index
        %get3A_280 = arith.constant 64 : index
        %get3A_281 = tpu.vector_load %arg10[%get3A_278, %get3A_279, %get3A_280] {strides = array<i32>} : memref<8x2x128xi32, #tpu.memory_space<vmem>>, vector<16xi32>,
        %gather3A_282 = tpu.vector_load_idx %arg7[%get3A_281] : memref<100000xf32, #tpu.memory_space<vmem>>[vector<16xi32>], vector<16xf32>,
        %get3A_283 = arith.constant 192 : index
        %get3A_284 = tpu.vector_load %arg13[%get3A_283] {strides = array<i32>} : memref<1024xi32, #tpu.memory_space<vmem>>, vector<16xi32>,
        %gather3A_285 = tpu.vector_load_idx %arg8[%get3A_284] : memref<64xf32, #tpu.memory_space<vmem>>[vector<16xi32>], vector<16xf32>,
        %mul3A_286 = arith.mulf %gather3A_282, %gather3A_285 : vector<16xf32>
        %swap3A_287 = arith.constant 192 : index
        %swap3A_288 = tpu.vector_load %arg16[%swap3A_287] {strides = array<i32>} : memref<1024xf32, #tpu.memory_space<vmem>>, vector<16xf32>,
        tpu.vector_store %arg16[%swap3A_287], %mul3A_286 {strides = array<i32>} : memref<1024xf32, #tpu.memory_space<vmem>>, vector<16xf32>,
        %get3A_289 = arith.constant 1 : i32
        %get3A_290 = arith.constant 0 : i32
        %get3A_291 = arith.index_cast %get3A_289 : i32 to index
        %get3A_292 = arith.index_cast %get3A_290 : i32 to index
        %get3A_293 = arith.constant 80 : index
        %get3A_294 = tpu.vector_load %arg10[%get3A_291, %get3A_292, %get3A_293] {strides = array<i32>} : memref<8x2x128xi32, #tpu.memory_space<vmem>>, vector<16xi32>,
        %gather3A_295 = tpu.vector_load_idx %arg7[%get3A_294] : memref<100000xf32, #tpu.memory_space<vmem>>[vector<16xi32>], vector<16xf32>,
        %get3A_296 = arith.constant 208 : index
        %get3A_297 = tpu.vector_load %arg13[%get3A_296] {strides = array<i32>} : memref<1024xi32, #tpu.memory_space<vmem>>, vector<16xi32>,
        %gather3A_298 = tpu.vector_load_idx %arg8[%get3A_297] : memref<64xf32, #tpu.memory_space<vmem>>[vector<16xi32>], vector<16xf32>,
        %mul3A_299 = arith.mulf %gather3A_295, %gather3A_298 : vector<16xf32>
        %swap3A_300 = arith.constant 208 : index
        %swap3A_301 = tpu.vector_load %arg16[%swap3A_300] {strides = array<i32>} : memref<1024xf32, #tpu.memory_space<vmem>>, vector<16xf32>,
        tpu.vector_store %arg16[%swap3A_300], %mul3A_299 {strides = array<i32>} : memref<1024xf32, #tpu.memory_space<vmem>>, vector<16xf32>,
        %get3A_302 = arith.constant 1 : i32
        %get3A_303 = arith.constant 0 : i32
        %get3A_304 = arith.index_cast %get3A_302 : i32 to index
        %get3A_305 = arith.index_cast %get3A_303 : i32 to index
        %get3A_306 = arith.constant 96 : index
        %get3A_307 = tpu.vector_load %arg10[%get3A_304, %get3A_305, %get3A_306] {strides = array<i32>} : memref<8x2x128xi32, #tpu.memory_space<vmem>>, vector<16xi32>,
        %gather3A_308 = tpu.vector_load_idx %arg7[%get3A_307] : memref<100000xf32, #tpu.memory_space<vmem>>[vector<16xi32>], vector<16xf32>,
        %get3A_309 = arith.constant 224 : index
        %get3A_310 = tpu.vector_load %arg13[%get3A_309] {strides = array<i32>} : memref<1024xi32, #tpu.memory_space<vmem>>, vector<16xi32>,
        %gather3A_311 = tpu.vector_load_idx %arg8[%get3A_310] : memref<64xf32, #tpu.memory_space<vmem>>[vector<16xi32>], vector<16xf32>,
        %mul3A_312 = arith.mulf %gather3A_308, %gather3A_311 : vector<16xf32>
        %swap3A_313 = arith.constant 224 : index
        %swap3A_314 = tpu.vector_load %arg16[%swap3A_313] {strides = array<i32>} : memref<1024xf32, #tpu.memory_space<vmem>>, vector<16xf32>,
        tpu.vector_store %arg16[%swap3A_313], %mul3A_312 {strides = array<i32>} : memref<1024xf32, #tpu.memory_space<vmem>>, vector<16xf32>,
        %get3A_315 = arith.constant 1 : i32
        %get3A_316 = arith.constant 0 : i32
        %get3A_317 = arith.index_cast %get3A_315 : i32 to index
        %get3A_318 = arith.index_cast %get3A_316 : i32 to index
        %get3A_319 = arith.constant 112 : index
        %get3A_320 = tpu.vector_load %arg10[%get3A_317, %get3A_318, %get3A_319] {strides = array<i32>} : memref<8x2x128xi32, #tpu.memory_space<vmem>>, vector<16xi32>,
        %gather3A_321 = tpu.vector_load_idx %arg7[%get3A_320] : memref<100000xf32, #tpu.memory_space<vmem>>[vector<16xi32>], vector<16xf32>,
        %get3A_322 = arith.constant 240 : index
        %get3A_323 = tpu.vector_load %arg13[%get3A_322] {strides = array<i32>} : memref<1024xi32, #tpu.memory_space<vmem>>, vector<16xi32>,
        %gather3A_324 = tpu.vector_load_idx %arg8[%get3A_323] : memref<64xf32, #tpu.memory_space<vmem>>[vector<16xi32>], vector<16xf32>,
        %mul3A_325 = arith.mulf %gather3A_321, %gather3A_324 : vector<16xf32>
        %swap3A_326 = arith.constant 240 : index
        %swap3A_327 = tpu.vector_load %arg16[%swap3A_326] {strides = array<i32>} : memref<1024xf32, #tpu.memory_space<vmem>>, vector<16xf32>,
        tpu.vector_store %arg16[%swap3A_326], %mul3A_325 {strides = array<i32>} : memref<1024xf32, #tpu.memory_space<vmem>>, vector<16xf32>,
        %dma_start3A_328 = arith.constant 1 : i32
        %dma_start3A_329 = arith.constant 1 : i32
        %dma_start3A_330 = arith.constant 128 : i32
        %dma_start3A_331 = tpu.memref_slice %arg16[%dma_start3A_330] : memref<1024xf32, #tpu.memory_space<vmem>> -> memref<128xf32, #tpu.memory_space<vmem>>
        %dma_start3A_332 = arith.constant 0 : i32
        %dma_start3A_333 = tpu.memref_slice %arg10[%dma_start3A_328, %dma_start3A_329, %dma_start3A_332] : memref<8x2x128xi32, #tpu.memory_space<vmem>> -> memref<1x1x128xi32, #tpu.memory_space<vmem>>
        %dma_start3A_334 = tpu.memref_squeeze %dma_start3A_333 : memref<1x1x128xi32, #tpu.memory_space<vmem>> -> memref<128xi32, #tpu.memory_space<vmem>>
        %dma_start3A_335 = arith.constant 0 : i32
        %dma_start3A_336 = tpu.memref_slice %arg19[%dma_start3A_335] : memref<100352xf32, #tpu.memory_space<vmem_shared>> -> memref<100352xf32, #tpu.memory_space<vmem_shared>>
        tpu.enqueue_indirect_dma source(%dma_start3A_331 : memref<128xf32, #tpu.memory_space<vmem>>) target(%dma_start3A_336 : memref<100352xf32, #tpu.memory_space<vmem_shared>>) offsets(%dma_start3A_334 : memref<128xi32, #tpu.memory_space<vmem>>) semaphore(%arg24 : memref<!tpu.dma_semaphore, #tpu.memory_space<semaphore_mem>>) {add = true}
        %get3A_337 = arith.constant 2 : i32
        %get3A_338 = arith.constant 0 : i32
        %get3A_339 = arith.index_cast %get3A_337 : i32 to index
        %get3A_340 = arith.index_cast %get3A_338 : i32 to index
        %get3A_341 = arith.constant 0 : index
        %get3A_342 = tpu.vector_load %arg10[%get3A_339, %get3A_340, %get3A_341] {strides = array<i32>} : memref<8x2x128xi32, #tpu.memory_space<vmem>>, vector<16xi32>,
        %gather3A_343 = tpu.vector_load_idx %arg7[%get3A_342] : memref<100000xf32, #tpu.memory_space<vmem>>[vector<16xi32>], vector<16xf32>,
        %get3A_344 = arith.constant 256 : index
        %get3A_345 = tpu.vector_load %arg13[%get3A_344] {strides = array<i32>} : memref<1024xi32, #tpu.memory_space<vmem>>, vector<16xi32>,
        %gather3A_346 = tpu.vector_load_idx %arg8[%get3A_345] : memref<64xf32, #tpu.memory_space<vmem>>[vector<16xi32>], vector<16xf32>,
        %mul3A_347 = arith.mulf %gather3A_343, %gather3A_346 : vector<16xf32>
        %swap3A_348 = arith.constant 256 : index
        %swap3A_349 = tpu.vector_load %arg16[%swap3A_348] {strides = array<i32>} : memref<1024xf32, #tpu.memory_space<vmem>>, vector<16xf32>,
        tpu.vector_store %arg16[%swap3A_348], %mul3A_347 {strides = array<i32>} : memref<1024xf32, #tpu.memory_space<vmem>>, vector<16xf32>,
        %get3A_350 = arith.constant 2 : i32
        %get3A_351 = arith.constant 0 : i32
        %get3A_352 = arith.index_cast %get3A_350 : i32 to index
        %get3A_353 = arith.index_cast %get3A_351 : i32 to index
        %get3A_354 = arith.constant 16 : index
        %get3A_355 = tpu.vector_load %arg10[%get3A_352, %get3A_353, %get3A_354] {strides = array<i32>} : memref<8x2x128xi32, #tpu.memory_space<vmem>>, vector<16xi32>,
        %gather3A_356 = tpu.vector_load_idx %arg7[%get3A_355] : memref<100000xf32, #tpu.memory_space<vmem>>[vector<16xi32>], vector<16xf32>,
        %get3A_357 = arith.constant 272 : index
        %get3A_358 = tpu.vector_load %arg13[%get3A_357] {strides = array<i32>} : memref<1024xi32, #tpu.memory_space<vmem>>, vector<16xi32>,
        %gather3A_359 = tpu.vector_load_idx %arg8[%get3A_358] : memref<64xf32, #tpu.memory_space<vmem>>[vector<16xi32>], vector<16xf32>,
        %mul3A_360 = arith.mulf %gather3A_356, %gather3A_359 : vector<16xf32>
        %swap3A_361 = arith.constant 272 : index
        %swap3A_362 = tpu.vector_load %arg16[%swap3A_361] {strides = array<i32>} : memref<1024xf32, #tpu.memory_space<vmem>>, vector<16xf32>,
        tpu.vector_store %arg16[%swap3A_361], %mul3A_360 {strides = array<i32>} : memref<1024xf32, #tpu.memory_space<vmem>>, vector<16xf32>,
        %get3A_363 = arith.constant 2 : i32
        %get3A_364 = arith.constant 0 : i32
        %get3A_365 = arith.index_cast %get3A_363 : i32 to index
        %get3A_366 = arith.index_cast %get3A_364 : i32 to index
        %get3A_367 = arith.constant 32 : index
        %get3A_368 = tpu.vector_load %arg10[%get3A_365, %get3A_366, %get3A_367] {strides = array<i32>} : memref<8x2x128xi32, #tpu.memory_space<vmem>>, vector<16xi32>,
        %gather3A_369 = tpu.vector_load_idx %arg7[%get3A_368] : memref<100000xf32, #tpu.memory_space<vmem>>[vector<16xi32>], vector<16xf32>,
        %get3A_370 = arith.constant 288 : index
        %get3A_371 = tpu.vector_load %arg13[%get3A_370] {strides = array<i32>} : memref<1024xi32, #tpu.memory_space<vmem>>, vector<16xi32>,
        %gather3A_372 = tpu.vector_load_idx %arg8[%get3A_371] : memref<64xf32, #tpu.memory_space<vmem>>[vector<16xi32>], vector<16xf32>,
        %mul3A_373 = arith.mulf %gather3A_369, %gather3A_372 : vector<16xf32>
        %swap3A_374 = arith.constant 288 : index
        %swap3A_375 = tpu.vector_load %arg16[%swap3A_374] {strides = array<i32>} : memref<1024xf32, #tpu.memory_space<vmem>>, vector<16xf32>,
        tpu.vector_store %arg16[%swap3A_374], %mul3A_373 {strides = array<i32>} : memref<1024xf32, #tpu.memory_space<vmem>>, vector<16xf32>,
        %get3A_376 = arith.constant 2 : i32
        %get3A_377 = arith.constant 0 : i32
        %get3A_378 = arith.index_cast %get3A_376 : i32 to index
        %get3A_379 = arith.index_cast %get3A_377 : i32 to index
        %get3A_380 = arith.constant 48 : index
        %get3A_381 = tpu.vector_load %arg10[%get3A_378, %get3A_379, %get3A_380] {strides = array<i32>} : memref<8x2x128xi32, #tpu.memory_space<vmem>>, vector<16xi32>,
        %gather3A_382 = tpu.vector_load_idx %arg7[%get3A_381] : memref<100000xf32, #tpu.memory_space<vmem>>[vector<16xi32>], vector<16xf32>,
        %get3A_383 = arith.constant 304 : index
        %get3A_384 = tpu.vector_load %arg13[%get3A_383] {strides = array<i32>} : memref<1024xi32, #tpu.memory_space<vmem>>, vector<16xi32>,
        %gather3A_385 = tpu.vector_load_idx %arg8[%get3A_384] : memref<64xf32, #tpu.memory_space<vmem>>[vector<16xi32>], vector<16xf32>,
        %mul3A_386 = arith.mulf %gather3A_382, %gather3A_385 : vector<16xf32>
        %swap3A_387 = arith.constant 304 : index
        %swap3A_388 = tpu.vector_load %arg16[%swap3A_387] {strides = array<i32>} : memref<1024xf32, #tpu.memory_space<vmem>>, vector<16xf32>,
        tpu.vector_store %arg16[%swap3A_387], %mul3A_386 {strides = array<i32>} : memref<1024xf32, #tpu.memory_space<vmem>>, vector<16xf32>,
        %get3A_389 = arith.constant 2 : i32
        %get3A_390 = arith.constant 0 : i32
        %get3A_391 = arith.index_cast %get3A_389 : i32 to index
        %get3A_392 = arith.index_cast %get3A_390 : i32 to index
        %get3A_393 = arith.constant 64 : index
        %get3A_394 = tpu.vector_load %arg10[%get3A_391, %get3A_392, %get3A_393] {strides = array<i32>} : memref<8x2x128xi32, #tpu.memory_space<vmem>>, vector<16xi32>,
        %gather3A_395 = tpu.vector_load_idx %arg7[%get3A_394] : memref<100000xf32, #tpu.memory_space<vmem>>[vector<16xi32>], vector<16xf32>,
        %get3A_396 = arith.constant 320 : index
        %get3A_397 = tpu.vector_load %arg13[%get3A_396] {strides = array<i32>} : memref<1024xi32, #tpu.memory_space<vmem>>, vector<16xi32>,
        %gather3A_398 = tpu.vector_load_idx %arg8[%get3A_397] : memref<64xf32, #tpu.memory_space<vmem>>[vector<16xi32>], vector<16xf32>,
        %mul3A_399 = arith.mulf %gather3A_395, %gather3A_398 : vector<16xf32>
        %swap3A_400 = arith.constant 320 : index
        %swap3A_401 = tpu.vector_load %arg16[%swap3A_400] {strides = array<i32>} : memref<1024xf32, #tpu.memory_space<vmem>>, vector<16xf32>,
        tpu.vector_store %arg16[%swap3A_400], %mul3A_399 {strides = array<i32>} : memref<1024xf32, #tpu.memory_space<vmem>>, vector<16xf32>,
        %get3A_402 = arith.constant 2 : i32
        %get3A_403 = arith.constant 0 : i32
        %get3A_404 = arith.index_cast %get3A_402 : i32 to index
        %get3A_405 = arith.index_cast %get3A_403 : i32 to index
        %get3A_406 = arith.constant 80 : index
        %get3A_407 = tpu.vector_load %arg10[%get3A_404, %get3A_405, %get3A_406] {strides = array<i32>} : memref<8x2x128xi32, #tpu.memory_space<vmem>>, vector<16xi32>,
        %gather3A_408 = tpu.vector_load_idx %arg7[%get3A_407] : memref<100000xf32, #tpu.memory_space<vmem>>[vector<16xi32>], vector<16xf32>,
        %get3A_409 = arith.constant 336 : index
        %get3A_410 = tpu.vector_load %arg13[%get3A_409] {strides = array<i32>} : memref<1024xi32, #tpu.memory_space<vmem>>, vector<16xi32>,
        %gather3A_411 = tpu.vector_load_idx %arg8[%get3A_410] : memref<64xf32, #tpu.memory_space<vmem>>[vector<16xi32>], vector<16xf32>,
        %mul3A_412 = arith.mulf %gather3A_408, %gather3A_411 : vector<16xf32>
        %swap3A_413 = arith.constant 336 : index
        %swap3A_414 = tpu.vector_load %arg16[%swap3A_413] {strides = array<i32>} : memref<1024xf32, #tpu.memory_space<vmem>>, vector<16xf32>,
        tpu.vector_store %arg16[%swap3A_413], %mul3A_412 {strides = array<i32>} : memref<1024xf32, #tpu.memory_space<vmem>>, vector<16xf32>,
        %get3A_415 = arith.constant 2 : i32
        %get3A_416 = arith.constant 0 : i32
        %get3A_417 = arith.index_cast %get3A_415 : i32 to index
        %get3A_418 = arith.index_cast %get3A_416 : i32 to index
        %get3A_419 = arith.constant 96 : index
        %get3A_420 = tpu.vector_load %arg10[%get3A_417, %get3A_418, %get3A_419] {strides = array<i32>} : memref<8x2x128xi32, #tpu.memory_space<vmem>>, vector<16xi32>,
        %gather3A_421 = tpu.vector_load_idx %arg7[%get3A_420] : memref<100000xf32, #tpu.memory_space<vmem>>[vector<16xi32>], vector<16xf32>,
        %get3A_422 = arith.constant 352 : index
        %get3A_423 = tpu.vector_load %arg13[%get3A_422] {strides = array<i32>} : memref<1024xi32, #tpu.memory_space<vmem>>, vector<16xi32>,
        %gather3A_424 = tpu.vector_load_idx %arg8[%get3A_423] : memref<64xf32, #tpu.memory_space<vmem>>[vector<16xi32>], vector<16xf32>,
        %mul3A_425 = arith.mulf %gather3A_421, %gather3A_424 : vector<16xf32>
        %swap3A_426 = arith.constant 352 : index
        %swap3A_427 = tpu.vector_load %arg16[%swap3A_426] {strides = array<i32>} : memref<1024xf32, #tpu.memory_space<vmem>>, vector<16xf32>,
        tpu.vector_store %arg16[%swap3A_426], %mul3A_425 {strides = array<i32>} : memref<1024xf32, #tpu.memory_space<vmem>>, vector<16xf32>,
        %get3A_428 = arith.constant 2 : i32
        %get3A_429 = arith.constant 0 : i32
        %get3A_430 = arith.index_cast %get3A_428 : i32 to index
        %get3A_431 = arith.index_cast %get3A_429 : i32 to index
        %get3A_432 = arith.constant 112 : index
        %get3A_433 = tpu.vector_load %arg10[%get3A_430, %get3A_431, %get3A_432] {strides = array<i32>} : memref<8x2x128xi32, #tpu.memory_space<vmem>>, vector<16xi32>,
        %gather3A_434 = tpu.vector_load_idx %arg7[%get3A_433] : memref<100000xf32, #tpu.memory_space<vmem>>[vector<16xi32>], vector<16xf32>,
        %get3A_435 = arith.constant 368 : index
        %get3A_436 = tpu.vector_load %arg13[%get3A_435] {strides = array<i32>} : memref<1024xi32, #tpu.memory_space<vmem>>, vector<16xi32>,
        %gather3A_437 = tpu.vector_load_idx %arg8[%get3A_436] : memref<64xf32, #tpu.memory_space<vmem>>[vector<16xi32>], vector<16xf32>,
        %mul3A_438 = arith.mulf %gather3A_434, %gather3A_437 : vector<16xf32>
        %swap3A_439 = arith.constant 368 : index
        %swap3A_440 = tpu.vector_load %arg16[%swap3A_439] {strides = array<i32>} : memref<1024xf32, #tpu.memory_space<vmem>>, vector<16xf32>,
        tpu.vector_store %arg16[%swap3A_439], %mul3A_438 {strides = array<i32>} : memref<1024xf32, #tpu.memory_space<vmem>>, vector<16xf32>,
        %dma_start3A_441 = arith.constant 2 : i32
        %dma_start3A_442 = arith.constant 1 : i32
        %dma_start3A_443 = arith.constant 256 : i32
        %dma_start3A_444 = tpu.memref_slice %arg16[%dma_start3A_443] : memref<1024xf32, #tpu.memory_space<vmem>> -> memref<128xf32, #tpu.memory_space<vmem>>
        %dma_start3A_445 = arith.constant 0 : i32
        %dma_start3A_446 = tpu.memref_slice %arg10[%dma_start3A_441, %dma_start3A_442, %dma_start3A_445] : memref<8x2x128xi32, #tpu.memory_space<vmem>> -> memref<1x1x128xi32, #tpu.memory_space<vmem>>
        %dma_start3A_447 = tpu.memref_squeeze %dma_start3A_446 : memref<1x1x128xi32, #tpu.memory_space<vmem>> -> memref<128xi32, #tpu.memory_space<vmem>>
        %dma_start3A_448 = arith.constant 0 : i32
        %dma_start3A_449 = tpu.memref_slice %arg19[%dma_start3A_448] : memref<100352xf32, #tpu.memory_space<vmem_shared>> -> memref<100352xf32, #tpu.memory_space<vmem_shared>>
        tpu.enqueue_indirect_dma source(%dma_start3A_444 : memref<128xf32, #tpu.memory_space<vmem>>) target(%dma_start3A_449 : memref<100352xf32, #tpu.memory_space<vmem_shared>>) offsets(%dma_start3A_447 : memref<128xi32, #tpu.memory_space<vmem>>) semaphore(%arg24 : memref<!tpu.dma_semaphore, #tpu.memory_space<semaphore_mem>>) {add = true}
        %get3A_450 = arith.constant 3 : i32
        %get3A_451 = arith.constant 0 : i32
        %get3A_452 = arith.index_cast %get3A_450 : i32 to index
        %get3A_453 = arith.index_cast %get3A_451 : i32 to index
        %get3A_454 = arith.constant 0 : index
        %get3A_455 = tpu.vector_load %arg10[%get3A_452, %get3A_453, %get3A_454] {strides = array<i32>} : memref<8x2x128xi32, #tpu.memory_space<vmem>>, vector<16xi32>,
        %gather3A_456 = tpu.vector_load_idx %arg7[%get3A_455] : memref<100000xf32, #tpu.memory_space<vmem>>[vector<16xi32>], vector<16xf32>,
        %get3A_457 = arith.constant 384 : index
        %get3A_458 = tpu.vector_load %arg13[%get3A_457] {strides = array<i32>} : memref<1024xi32, #tpu.memory_space<vmem>>, vector<16xi32>,
        %gather3A_459 = tpu.vector_load_idx %arg8[%get3A_458] : memref<64xf32, #tpu.memory_space<vmem>>[vector<16xi32>], vector<16xf32>,
        %mul3A_460 = arith.mulf %gather3A_456, %gather3A_459 : vector<16xf32>
        %swap3A_461 = arith.constant 384 : index
        %swap3A_462 = tpu.vector_load %arg16[%swap3A_461] {strides = array<i32>} : memref<1024xf32, #tpu.memory_space<vmem>>, vector<16xf32>,
        tpu.vector_store %arg16[%swap3A_461], %mul3A_460 {strides = array<i32>} : memref<1024xf32, #tpu.memory_space<vmem>>, vector<16xf32>,
        %get3A_463 = arith.constant 3 : i32
        %get3A_464 = arith.constant 0 : i32
        %get3A_465 = arith.index_cast %get3A_463 : i32 to index
        %get3A_466 = arith.index_cast %get3A_464 : i32 to index
        %get3A_467 = arith.constant 16 : index
        %get3A_468 = tpu.vector_load %arg10[%get3A_465, %get3A_466, %get3A_467] {strides = array<i32>} : memref<8x2x128xi32, #tpu.memory_space<vmem>>, vector<16xi32>,
        %gather3A_469 = tpu.vector_load_idx %arg7[%get3A_468] : memref<100000xf32, #tpu.memory_space<vmem>>[vector<16xi32>], vector<16xf32>,
        %get3A_470 = arith.constant 400 : index
        %get3A_471 = tpu.vector_load %arg13[%get3A_470] {strides = array<i32>} : memref<1024xi32, #tpu.memory_space<vmem>>, vector<16xi32>,
        %gather3A_472 = tpu.vector_load_idx %arg8[%get3A_471] : memref<64xf32, #tpu.memory_space<vmem>>[vector<16xi32>], vector<16xf32>,
        %mul3A_473 = arith.mulf %gather3A_469, %gather3A_472 : vector<16xf32>
        %swap3A_474 = arith.constant 400 : index
        %swap3A_475 = tpu.vector_load %arg16[%swap3A_474] {strides = array<i32>} : memref<1024xf32, #tpu.memory_space<vmem>>, vector<16xf32>,
        tpu.vector_store %arg16[%swap3A_474], %mul3A_473 {strides = array<i32>} : memref<1024xf32, #tpu.memory_space<vmem>>, vector<16xf32>,
        %get3A_476 = arith.constant 3 : i32
        %get3A_477 = arith.constant 0 : i32
        %get3A_478 = arith.index_cast %get3A_476 : i32 to index
        %get3A_479 = arith.index_cast %get3A_477 : i32 to index
        %get3A_480 = arith.constant 32 : index
        %get3A_481 = tpu.vector_load %arg10[%get3A_478, %get3A_479, %get3A_480] {strides = array<i32>} : memref<8x2x128xi32, #tpu.memory_space<vmem>>, vector<16xi32>,
        %gather3A_482 = tpu.vector_load_idx %arg7[%get3A_481] : memref<100000xf32, #tpu.memory_space<vmem>>[vector<16xi32>], vector<16xf32>,
        %get3A_483 = arith.constant 416 : index
        %get3A_484 = tpu.vector_load %arg13[%get3A_483] {strides = array<i32>} : memref<1024xi32, #tpu.memory_space<vmem>>, vector<16xi32>,
        %gather3A_485 = tpu.vector_load_idx %arg8[%get3A_484] : memref<64xf32, #tpu.memory_space<vmem>>[vector<16xi32>], vector<16xf32>,
        %mul3A_486 = arith.mulf %gather3A_482, %gather3A_485 : vector<16xf32>
        %swap3A_487 = arith.constant 416 : index
        %swap3A_488 = tpu.vector_load %arg16[%swap3A_487] {strides = array<i32>} : memref<1024xf32, #tpu.memory_space<vmem>>, vector<16xf32>,
        tpu.vector_store %arg16[%swap3A_487], %mul3A_486 {strides = array<i32>} : memref<1024xf32, #tpu.memory_space<vmem>>, vector<16xf32>,
        %get3A_489 = arith.constant 3 : i32
        %get3A_490 = arith.constant 0 : i32
        %get3A_491 = arith.index_cast %get3A_489 : i32 to index
        %get3A_492 = arith.index_cast %get3A_490 : i32 to index
        %get3A_493 = arith.constant 48 : index
        %get3A_494 = tpu.vector_load %arg10[%get3A_491, %get3A_492, %get3A_493] {strides = array<i32>} : memref<8x2x128xi32, #tpu.memory_space<vmem>>, vector<16xi32>,
        %gather3A_495 = tpu.vector_load_idx %arg7[%get3A_494] : memref<100000xf32, #tpu.memory_space<vmem>>[vector<16xi32>], vector<16xf32>,
        %get3A_496 = arith.constant 432 : index
        %get3A_497 = tpu.vector_load %arg13[%get3A_496] {strides = array<i32>} : memref<1024xi32, #tpu.memory_space<vmem>>, vector<16xi32>,
        %gather3A_498 = tpu.vector_load_idx %arg8[%get3A_497] : memref<64xf32, #tpu.memory_space<vmem>>[vector<16xi32>], vector<16xf32>,
        %mul3A_499 = arith.mulf %gather3A_495, %gather3A_498 : vector<16xf32>
        %swap3A_500 = arith.constant 432 : index
        %swap3A_501 = tpu.vector_load %arg16[%swap3A_500] {strides = array<i32>} : memref<1024xf32, #tpu.memory_space<vmem>>, vector<16xf32>,
        tpu.vector_store %arg16[%swap3A_500], %mul3A_499 {strides = array<i32>} : memref<1024xf32, #tpu.memory_space<vmem>>, vector<16xf32>,
        %get3A_502 = arith.constant 3 : i32
        %get3A_503 = arith.constant 0 : i32
        %get3A_504 = arith.index_cast %get3A_502 : i32 to index
        %get3A_505 = arith.index_cast %get3A_503 : i32 to index
        %get3A_506 = arith.constant 64 : index
        %get3A_507 = tpu.vector_load %arg10[%get3A_504, %get3A_505, %get3A_506] {strides = array<i32>} : memref<8x2x128xi32, #tpu.memory_space<vmem>>, vector<16xi32>,
        %gather3A_508 = tpu.vector_load_idx %arg7[%get3A_507] : memref<100000xf32, #tpu.memory_space<vmem>>[vector<16xi32>], vector<16xf32>,
        %get3A_509 = arith.constant 448 : index
        %get3A_510 = tpu.vector_load %arg13[%get3A_509] {strides = array<i32>} : memref<1024xi32, #tpu.memory_space<vmem>>, vector<16xi32>,
        %gather3A_511 = tpu.vector_load_idx %arg8[%get3A_510] : memref<64xf32, #tpu.memory_space<vmem>>[vector<16xi32>], vector<16xf32>,
        %mul3A_512 = arith.mulf %gather3A_508, %gather3A_511 : vector<16xf32>
        %swap3A_513 = arith.constant 448 : index
        %swap3A_514 = tpu.vector_load %arg16[%swap3A_513] {strides = array<i32>} : memref<1024xf32, #tpu.memory_space<vmem>>, vector<16xf32>,
        tpu.vector_store %arg16[%swap3A_513], %mul3A_512 {strides = array<i32>} : memref<1024xf32, #tpu.memory_space<vmem>>, vector<16xf32>,
        %get3A_515 = arith.constant 3 : i32
        %get3A_516 = arith.constant 0 : i32
        %get3A_517 = arith.index_cast %get3A_515 : i32 to index
        %get3A_518 = arith.index_cast %get3A_516 : i32 to index
        %get3A_519 = arith.constant 80 : index
        %get3A_520 = tpu.vector_load %arg10[%get3A_517, %get3A_518, %get3A_519] {strides = array<i32>} : memref<8x2x128xi32, #tpu.memory_space<vmem>>, vector<16xi32>,
        %gather3A_521 = tpu.vector_load_idx %arg7[%get3A_520] : memref<100000xf32, #tpu.memory_space<vmem>>[vector<16xi32>], vector<16xf32>,
        %get3A_522 = arith.constant 464 : index
        %get3A_523 = tpu.vector_load %arg13[%get3A_522] {strides = array<i32>} : memref<1024xi32, #tpu.memory_space<vmem>>, vector<16xi32>,
        %gather3A_524 = tpu.vector_load_idx %arg8[%get3A_523] : memref<64xf32, #tpu.memory_space<vmem>>[vector<16xi32>], vector<16xf32>,
        %mul3A_525 = arith.mulf %gather3A_521, %gather3A_524 : vector<16xf32>
        %swap3A_526 = arith.constant 464 : index
        %swap3A_527 = tpu.vector_load %arg16[%swap3A_526] {strides = array<i32>} : memref<1024xf32, #tpu.memory_space<vmem>>, vector<16xf32>,
        tpu.vector_store %arg16[%swap3A_526], %mul3A_525 {strides = array<i32>} : memref<1024xf32, #tpu.memory_space<vmem>>, vector<16xf32>,
        %get3A_528 = arith.constant 3 : i32
        %get3A_529 = arith.constant 0 : i32
        %get3A_530 = arith.index_cast %get3A_528 : i32 to index
        %get3A_531 = arith.index_cast %get3A_529 : i32 to index
        %get3A_532 = arith.constant 96 : index
        %get3A_533 = tpu.vector_load %arg10[%get3A_530, %get3A_531, %get3A_532] {strides = array<i32>} : memref<8x2x128xi32, #tpu.memory_space<vmem>>, vector<16xi32>,
        %gather3A_534 = tpu.vector_load_idx %arg7[%get3A_533] : memref<100000xf32, #tpu.memory_space<vmem>>[vector<16xi32>], vector<16xf32>,
        %get3A_535 = arith.constant 480 : index
        %get3A_536 = tpu.vector_load %arg13[%get3A_535] {strides = array<i32>} : memref<1024xi32, #tpu.memory_space<vmem>>, vector<16xi32>,
        %gather3A_537 = tpu.vector_load_idx %arg8[%get3A_536] : memref<64xf32, #tpu.memory_space<vmem>>[vector<16xi32>], vector<16xf32>,
        %mul3A_538 = arith.mulf %gather3A_534, %gather3A_537 : vector<16xf32>
        %swap3A_539 = arith.constant 480 : index
        %swap3A_540 = tpu.vector_load %arg16[%swap3A_539] {strides = array<i32>} : memref<1024xf32, #tpu.memory_space<vmem>>, vector<16xf32>,
        tpu.vector_store %arg16[%swap3A_539], %mul3A_538 {strides = array<i32>} : memref<1024xf32, #tpu.memory_space<vmem>>, vector<16xf32>,
        %get3A_541 = arith.constant 3 : i32
        %get3A_542 = arith.constant 0 : i32
        %get3A_543 = arith.index_cast %get3A_541 : i32 to index
        %get3A_544 = arith.index_cast %get3A_542 : i32 to index
        %get3A_545 = arith.constant 112 : index
        %get3A_546 = tpu.vector_load %arg10[%get3A_543, %get3A_544, %get3A_545] {strides = array<i32>} : memref<8x2x128xi32, #tpu.memory_space<vmem>>, vector<16xi32>,
        %gather3A_547 = tpu.vector_load_idx %arg7[%get3A_546] : memref<100000xf32, #tpu.memory_space<vmem>>[vector<16xi32>], vector<16xf32>,
        %get3A_548 = arith.constant 496 : index
        %get3A_549 = tpu.vector_load %arg13[%get3A_548] {strides = array<i32>} : memref<1024xi32, #tpu.memory_space<vmem>>, vector<16xi32>,
        %gather3A_550 = tpu.vector_load_idx %arg8[%get3A_549] : memref<64xf32, #tpu.memory_space<vmem>>[vector<16xi32>], vector<16xf32>,
        %mul3A_551 = arith.mulf %gather3A_547, %gather3A_550 : vector<16xf32>
        %swap3A_552 = arith.constant 496 : index
        %swap3A_553 = tpu.vector_load %arg16[%swap3A_552] {strides = array<i32>} : memref<1024xf32, #tpu.memory_space<vmem>>, vector<16xf32>,
        tpu.vector_store %arg16[%swap3A_552], %mul3A_551 {strides = array<i32>} : memref<1024xf32, #tpu.memory_space<vmem>>, vector<16xf32>,
        %dma_start3A_554 = arith.constant 3 : i32
        %dma_start3A_555 = arith.constant 1 : i32
        %dma_start3A_556 = arith.constant 384 : i32
        %dma_start3A_557 = tpu.memref_slice %arg16[%dma_start3A_556] : memref<1024xf32, #tpu.memory_space<vmem>> -> memref<128xf32, #tpu.memory_space<vmem>>
        %dma_start3A_558 = arith.constant 0 : i32
        %dma_start3A_559 = tpu.memref_slice %arg10[%dma_start3A_554, %dma_start3A_555, %dma_start3A_558] : memref<8x2x128xi32, #tpu.memory_space<vmem>> -> memref<1x1x128xi32, #tpu.memory_space<vmem>>
        %dma_start3A_560 = tpu.memref_squeeze %dma_start3A_559 : memref<1x1x128xi32, #tpu.memory_space<vmem>> -> memref<128xi32, #tpu.memory_space<vmem>>
        %dma_start3A_561 = arith.constant 0 : i32
        %dma_start3A_562 = tpu.memref_slice %arg19[%dma_start3A_561] : memref<100352xf32, #tpu.memory_space<vmem_shared>> -> memref<100352xf32, #tpu.memory_space<vmem_shared>>
        tpu.enqueue_indirect_dma source(%dma_start3A_557 : memref<128xf32, #tpu.memory_space<vmem>>) target(%dma_start3A_562 : memref<100352xf32, #tpu.memory_space<vmem_shared>>) offsets(%dma_start3A_560 : memref<128xi32, #tpu.memory_space<vmem>>) semaphore(%arg24 : memref<!tpu.dma_semaphore, #tpu.memory_space<semaphore_mem>>) {add = true}
        %get3A_563 = arith.constant 4 : i32
        %get3A_564 = arith.constant 0 : i32
        %get3A_565 = arith.index_cast %get3A_563 : i32 to index
        %get3A_566 = arith.index_cast %get3A_564 : i32 to index
        %get3A_567 = arith.constant 0 : index
        %get3A_568 = tpu.vector_load %arg10[%get3A_565, %get3A_566, %get3A_567] {strides = array<i32>} : memref<8x2x128xi32, #tpu.memory_space<vmem>>, vector<16xi32>,
        %gather3A_569 = tpu.vector_load_idx %arg7[%get3A_568] : memref<100000xf32, #tpu.memory_space<vmem>>[vector<16xi32>], vector<16xf32>,
        %get3A_570 = arith.constant 512 : index
        %get3A_571 = tpu.vector_load %arg13[%get3A_570] {strides = array<i32>} : memref<1024xi32, #tpu.memory_space<vmem>>, vector<16xi32>,
        %gather3A_572 = tpu.vector_load_idx %arg8[%get3A_571] : memref<64xf32, #tpu.memory_space<vmem>>[vector<16xi32>], vector<16xf32>,
        %mul3A_573 = arith.mulf %gather3A_569, %gather3A_572 : vector<16xf32>
        %swap3A_574 = arith.constant 512 : index
        %swap3A_575 = tpu.vector_load %arg16[%swap3A_574] {strides = array<i32>} : memref<1024xf32, #tpu.memory_space<vmem>>, vector<16xf32>,
        tpu.vector_store %arg16[%swap3A_574], %mul3A_573 {strides = array<i32>} : memref<1024xf32, #tpu.memory_space<vmem>>, vector<16xf32>,
        %get3A_576 = arith.constant 4 : i32
        %get3A_577 = arith.constant 0 : i32
        %get3A_578 = arith.index_cast %get3A_576 : i32 to index
        %get3A_579 = arith.index_cast %get3A_577 : i32 to index
        %get3A_580 = arith.constant 16 : index
        %get3A_581 = tpu.vector_load %arg10[%get3A_578, %get3A_579, %get3A_580] {strides = array<i32>} : memref<8x2x128xi32, #tpu.memory_space<vmem>>, vector<16xi32>,
        %gather3A_582 = tpu.vector_load_idx %arg7[%get3A_581] : memref<100000xf32, #tpu.memory_space<vmem>>[vector<16xi32>], vector<16xf32>,
        %get3A_583 = arith.constant 528 : index
        %get3A_584 = tpu.vector_load %arg13[%get3A_583] {strides = array<i32>} : memref<1024xi32, #tpu.memory_space<vmem>>, vector<16xi32>,
        %gather3A_585 = tpu.vector_load_idx %arg8[%get3A_584] : memref<64xf32, #tpu.memory_space<vmem>>[vector<16xi32>], vector<16xf32>,
        %mul3A_586 = arith.mulf %gather3A_582, %gather3A_585 : vector<16xf32>
        %swap3A_587 = arith.constant 528 : index
        %swap3A_588 = tpu.vector_load %arg16[%swap3A_587] {strides = array<i32>} : memref<1024xf32, #tpu.memory_space<vmem>>, vector<16xf32>,
        tpu.vector_store %arg16[%swap3A_587], %mul3A_586 {strides = array<i32>} : memref<1024xf32, #tpu.memory_space<vmem>>, vector<16xf32>,
        %get3A_589 = arith.constant 4 : i32
        %get3A_590 = arith.constant 0 : i32
        %get3A_591 = arith.index_cast %get3A_589 : i32 to index
        %get3A_592 = arith.index_cast %get3A_590 : i32 to index
        %get3A_593 = arith.constant 32 : index
        %get3A_594 = tpu.vector_load %arg10[%get3A_591, %get3A_592, %get3A_593] {strides = array<i32>} : memref<8x2x128xi32, #tpu.memory_space<vmem>>, vector<16xi32>,
        %gather3A_595 = tpu.vector_load_idx %arg7[%get3A_594] : memref<100000xf32, #tpu.memory_space<vmem>>[vector<16xi32>], vector<16xf32>,
        %get3A_596 = arith.constant 544 : index
        %get3A_597 = tpu.vector_load %arg13[%get3A_596] {strides = array<i32>} : memref<1024xi32, #tpu.memory_space<vmem>>, vector<16xi32>,
        %gather3A_598 = tpu.vector_load_idx %arg8[%get3A_597] : memref<64xf32, #tpu.memory_space<vmem>>[vector<16xi32>], vector<16xf32>,
        %mul3A_599 = arith.mulf %gather3A_595, %gather3A_598 : vector<16xf32>
        %swap3A_600 = arith.constant 544 : index
        %swap3A_601 = tpu.vector_load %arg16[%swap3A_600] {strides = array<i32>} : memref<1024xf32, #tpu.memory_space<vmem>>, vector<16xf32>,
        tpu.vector_store %arg16[%swap3A_600], %mul3A_599 {strides = array<i32>} : memref<1024xf32, #tpu.memory_space<vmem>>, vector<16xf32>,
        %get3A_602 = arith.constant 4 : i32
        %get3A_603 = arith.constant 0 : i32
        %get3A_604 = arith.index_cast %get3A_602 : i32 to index
        %get3A_605 = arith.index_cast %get3A_603 : i32 to index
        %get3A_606 = arith.constant 48 : index
        %get3A_607 = tpu.vector_load %arg10[%get3A_604, %get3A_605, %get3A_606] {strides = array<i32>} : memref<8x2x128xi32, #tpu.memory_space<vmem>>, vector<16xi32>,
        %gather3A_608 = tpu.vector_load_idx %arg7[%get3A_607] : memref<100000xf32, #tpu.memory_space<vmem>>[vector<16xi32>], vector<16xf32>,
        %get3A_609 = arith.constant 560 : index
        %get3A_610 = tpu.vector_load %arg13[%get3A_609] {strides = array<i32>} : memref<1024xi32, #tpu.memory_space<vmem>>, vector<16xi32>,
        %gather3A_611 = tpu.vector_load_idx %arg8[%get3A_610] : memref<64xf32, #tpu.memory_space<vmem>>[vector<16xi32>], vector<16xf32>,
        %mul3A_612 = arith.mulf %gather3A_608, %gather3A_611 : vector<16xf32>
        %swap3A_613 = arith.constant 560 : index
        %swap3A_614 = tpu.vector_load %arg16[%swap3A_613] {strides = array<i32>} : memref<1024xf32, #tpu.memory_space<vmem>>, vector<16xf32>,
        tpu.vector_store %arg16[%swap3A_613], %mul3A_612 {strides = array<i32>} : memref<1024xf32, #tpu.memory_space<vmem>>, vector<16xf32>,
        %get3A_615 = arith.constant 4 : i32
        %get3A_616 = arith.constant 0 : i32
        %get3A_617 = arith.index_cast %get3A_615 : i32 to index
        %get3A_618 = arith.index_cast %get3A_616 : i32 to index
        %get3A_619 = arith.constant 64 : index
        %get3A_620 = tpu.vector_load %arg10[%get3A_617, %get3A_618, %get3A_619] {strides = array<i32>} : memref<8x2x128xi32, #tpu.memory_space<vmem>>, vector<16xi32>,
        %gather3A_621 = tpu.vector_load_idx %arg7[%get3A_620] : memref<100000xf32, #tpu.memory_space<vmem>>[vector<16xi32>], vector<16xf32>,
        %get3A_622 = arith.constant 576 : index
        %get3A_623 = tpu.vector_load %arg13[%get3A_622] {strides = array<i32>} : memref<1024xi32, #tpu.memory_space<vmem>>, vector<16xi32>,
        %gather3A_624 = tpu.vector_load_idx %arg8[%get3A_623] : memref<64xf32, #tpu.memory_space<vmem>>[vector<16xi32>], vector<16xf32>,
        %mul3A_625 = arith.mulf %gather3A_621, %gather3A_624 : vector<16xf32>
        %swap3A_626 = arith.constant 576 : index
        %swap3A_627 = tpu.vector_load %arg16[%swap3A_626] {strides = array<i32>} : memref<1024xf32, #tpu.memory_space<vmem>>, vector<16xf32>,
        tpu.vector_store %arg16[%swap3A_626], %mul3A_625 {strides = array<i32>} : memref<1024xf32, #tpu.memory_space<vmem>>, vector<16xf32>,
        %get3A_628 = arith.constant 4 : i32
        %get3A_629 = arith.constant 0 : i32
        %get3A_630 = arith.index_cast %get3A_628 : i32 to index
        %get3A_631 = arith.index_cast %get3A_629 : i32 to index
        %get3A_632 = arith.constant 80 : index
        %get3A_633 = tpu.vector_load %arg10[%get3A_630, %get3A_631, %get3A_632] {strides = array<i32>} : memref<8x2x128xi32, #tpu.memory_space<vmem>>, vector<16xi32>,
        %gather3A_634 = tpu.vector_load_idx %arg7[%get3A_633] : memref<100000xf32, #tpu.memory_space<vmem>>[vector<16xi32>], vector<16xf32>,
        %get3A_635 = arith.constant 592 : index
        %get3A_636 = tpu.vector_load %arg13[%get3A_635] {strides = array<i32>} : memref<1024xi32, #tpu.memory_space<vmem>>, vector<16xi32>,
        %gather3A_637 = tpu.vector_load_idx %arg8[%get3A_636] : memref<64xf32, #tpu.memory_space<vmem>>[vector<16xi32>], vector<16xf32>,
        %mul3A_638 = arith.mulf %gather3A_634, %gather3A_637 : vector<16xf32>
        %swap3A_639 = arith.constant 592 : index
        %swap3A_640 = tpu.vector_load %arg16[%swap3A_639] {strides = array<i32>} : memref<1024xf32, #tpu.memory_space<vmem>>, vector<16xf32>,
        tpu.vector_store %arg16[%swap3A_639], %mul3A_638 {strides = array<i32>} : memref<1024xf32, #tpu.memory_space<vmem>>, vector<16xf32>,
        %get3A_641 = arith.constant 4 : i32
        %get3A_642 = arith.constant 0 : i32
        %get3A_643 = arith.index_cast %get3A_641 : i32 to index
        %get3A_644 = arith.index_cast %get3A_642 : i32 to index
        %get3A_645 = arith.constant 96 : index
        %get3A_646 = tpu.vector_load %arg10[%get3A_643, %get3A_644, %get3A_645] {strides = array<i32>} : memref<8x2x128xi32, #tpu.memory_space<vmem>>, vector<16xi32>,
        %gather3A_647 = tpu.vector_load_idx %arg7[%get3A_646] : memref<100000xf32, #tpu.memory_space<vmem>>[vector<16xi32>], vector<16xf32>,
        %get3A_648 = arith.constant 608 : index
        %get3A_649 = tpu.vector_load %arg13[%get3A_648] {strides = array<i32>} : memref<1024xi32, #tpu.memory_space<vmem>>, vector<16xi32>,
        %gather3A_650 = tpu.vector_load_idx %arg8[%get3A_649] : memref<64xf32, #tpu.memory_space<vmem>>[vector<16xi32>], vector<16xf32>,
        %mul3A_651 = arith.mulf %gather3A_647, %gather3A_650 : vector<16xf32>
        %swap3A_652 = arith.constant 608 : index
        %swap3A_653 = tpu.vector_load %arg16[%swap3A_652] {strides = array<i32>} : memref<1024xf32, #tpu.memory_space<vmem>>, vector<16xf32>,
        tpu.vector_store %arg16[%swap3A_652], %mul3A_651 {strides = array<i32>} : memref<1024xf32, #tpu.memory_space<vmem>>, vector<16xf32>,
        %get3A_654 = arith.constant 4 : i32
        %get3A_655 = arith.constant 0 : i32
        %get3A_656 = arith.index_cast %get3A_654 : i32 to index
        %get3A_657 = arith.index_cast %get3A_655 : i32 to index
        %get3A_658 = arith.constant 112 : index
        %get3A_659 = tpu.vector_load %arg10[%get3A_656, %get3A_657, %get3A_658] {strides = array<i32>} : memref<8x2x128xi32, #tpu.memory_space<vmem>>, vector<16xi32>,
        %gather3A_660 = tpu.vector_load_idx %arg7[%get3A_659] : memref<100000xf32, #tpu.memory_space<vmem>>[vector<16xi32>], vector<16xf32>,
        %get3A_661 = arith.constant 624 : index
        %get3A_662 = tpu.vector_load %arg13[%get3A_661] {strides = array<i32>} : memref<1024xi32, #tpu.memory_space<vmem>>, vector<16xi32>,
        %gather3A_663 = tpu.vector_load_idx %arg8[%get3A_662] : memref<64xf32, #tpu.memory_space<vmem>>[vector<16xi32>], vector<16xf32>,
        %mul3A_664 = arith.mulf %gather3A_660, %gather3A_663 : vector<16xf32>
        %swap3A_665 = arith.constant 624 : index
        %swap3A_666 = tpu.vector_load %arg16[%swap3A_665] {strides = array<i32>} : memref<1024xf32, #tpu.memory_space<vmem>>, vector<16xf32>,
        tpu.vector_store %arg16[%swap3A_665], %mul3A_664 {strides = array<i32>} : memref<1024xf32, #tpu.memory_space<vmem>>, vector<16xf32>,
        %dma_start3A_667 = arith.constant 4 : i32
        %dma_start3A_668 = arith.constant 1 : i32
        %dma_start3A_669 = arith.constant 512 : i32
        %dma_start3A_670 = tpu.memref_slice %arg16[%dma_start3A_669] : memref<1024xf32, #tpu.memory_space<vmem>> -> memref<128xf32, #tpu.memory_space<vmem>>
        %dma_start3A_671 = arith.constant 0 : i32
        %dma_start3A_672 = tpu.memref_slice %arg10[%dma_start3A_667, %dma_start3A_668, %dma_start3A_671] : memref<8x2x128xi32, #tpu.memory_space<vmem>> -> memref<1x1x128xi32, #tpu.memory_space<vmem>>
        %dma_start3A_673 = tpu.memref_squeeze %dma_start3A_672 : memref<1x1x128xi32, #tpu.memory_space<vmem>> -> memref<128xi32, #tpu.memory_space<vmem>>
        %dma_start3A_674 = arith.constant 0 : i32
        %dma_start3A_675 = tpu.memref_slice %arg19[%dma_start3A_674] : memref<100352xf32, #tpu.memory_space<vmem_shared>> -> memref<100352xf32, #tpu.memory_space<vmem_shared>>
        tpu.enqueue_indirect_dma source(%dma_start3A_670 : memref<128xf32, #tpu.memory_space<vmem>>) target(%dma_start3A_675 : memref<100352xf32, #tpu.memory_space<vmem_shared>>) offsets(%dma_start3A_673 : memref<128xi32, #tpu.memory_space<vmem>>) semaphore(%arg24 : memref<!tpu.dma_semaphore, #tpu.memory_space<semaphore_mem>>) {add = true}
        %get3A_676 = arith.constant 5 : i32
        %get3A_677 = arith.constant 0 : i32
        %get3A_678 = arith.index_cast %get3A_676 : i32 to index
        %get3A_679 = arith.index_cast %get3A_677 : i32 to index
        %get3A_680 = arith.constant 0 : index
        %get3A_681 = tpu.vector_load %arg10[%get3A_678, %get3A_679, %get3A_680] {strides = array<i32>} : memref<8x2x128xi32, #tpu.memory_space<vmem>>, vector<16xi32>,
        %gather3A_682 = tpu.vector_load_idx %arg7[%get3A_681] : memref<100000xf32, #tpu.memory_space<vmem>>[vector<16xi32>], vector<16xf32>,
        %get3A_683 = arith.constant 640 : index
        %get3A_684 = tpu.vector_load %arg13[%get3A_683] {strides = array<i32>} : memref<1024xi32, #tpu.memory_space<vmem>>, vector<16xi32>,
        %gather3A_685 = tpu.vector_load_idx %arg8[%get3A_684] : memref<64xf32, #tpu.memory_space<vmem>>[vector<16xi32>], vector<16xf32>,
        %mul3A_686 = arith.mulf %gather3A_682, %gather3A_685 : vector<16xf32>
        %swap3A_687 = arith.constant 640 : index
        %swap3A_688 = tpu.vector_load %arg16[%swap3A_687] {strides = array<i32>} : memref<1024xf32, #tpu.memory_space<vmem>>, vector<16xf32>,
        tpu.vector_store %arg16[%swap3A_687], %mul3A_686 {strides = array<i32>} : memref<1024xf32, #tpu.memory_space<vmem>>, vector<16xf32>,
        %get3A_689 = arith.constant 5 : i32
        %get3A_690 = arith.constant 0 : i32
        %get3A_691 = arith.index_cast %get3A_689 : i32 to index
        %get3A_692 = arith.index_cast %get3A_690 : i32 to index
        %get3A_693 = arith.constant 16 : index
        %get3A_694 = tpu.vector_load %arg10[%get3A_691, %get3A_692, %get3A_693] {strides = array<i32>} : memref<8x2x128xi32, #tpu.memory_space<vmem>>, vector<16xi32>,
        %gather3A_695 = tpu.vector_load_idx %arg7[%get3A_694] : memref<100000xf32, #tpu.memory_space<vmem>>[vector<16xi32>], vector<16xf32>,
        %get3A_696 = arith.constant 656 : index
        %get3A_697 = tpu.vector_load %arg13[%get3A_696] {strides = array<i32>} : memref<1024xi32, #tpu.memory_space<vmem>>, vector<16xi32>,
        %gather3A_698 = tpu.vector_load_idx %arg8[%get3A_697] : memref<64xf32, #tpu.memory_space<vmem>>[vector<16xi32>], vector<16xf32>,
        %mul3A_699 = arith.mulf %gather3A_695, %gather3A_698 : vector<16xf32>
        %swap3A_700 = arith.constant 656 : index
        %swap3A_701 = tpu.vector_load %arg16[%swap3A_700] {strides = array<i32>} : memref<1024xf32, #tpu.memory_space<vmem>>, vector<16xf32>,
        tpu.vector_store %arg16[%swap3A_700], %mul3A_699 {strides = array<i32>} : memref<1024xf32, #tpu.memory_space<vmem>>, vector<16xf32>,
        %get3A_702 = arith.constant 5 : i32
        %get3A_703 = arith.constant 0 : i32
        %get3A_704 = arith.index_cast %get3A_702 : i32 to index
        %get3A_705 = arith.index_cast %get3A_703 : i32 to index
        %get3A_706 = arith.constant 32 : index
        %get3A_707 = tpu.vector_load %arg10[%get3A_704, %get3A_705, %get3A_706] {strides = array<i32>} : memref<8x2x128xi32, #tpu.memory_space<vmem>>, vector<16xi32>,
        %gather3A_708 = tpu.vector_load_idx %arg7[%get3A_707] : memref<100000xf32, #tpu.memory_space<vmem>>[vector<16xi32>], vector<16xf32>,
        %get3A_709 = arith.constant 672 : index
        %get3A_710 = tpu.vector_load %arg13[%get3A_709] {strides = array<i32>} : memref<1024xi32, #tpu.memory_space<vmem>>, vector<16xi32>,
        %gather3A_711 = tpu.vector_load_idx %arg8[%get3A_710] : memref<64xf32, #tpu.memory_space<vmem>>[vector<16xi32>], vector<16xf32>,
        %mul3A_712 = arith.mulf %gather3A_708, %gather3A_711 : vector<16xf32>
        %swap3A_713 = arith.constant 672 : index
        %swap3A_714 = tpu.vector_load %arg16[%swap3A_713] {strides = array<i32>} : memref<1024xf32, #tpu.memory_space<vmem>>, vector<16xf32>,
        tpu.vector_store %arg16[%swap3A_713], %mul3A_712 {strides = array<i32>} : memref<1024xf32, #tpu.memory_space<vmem>>, vector<16xf32>,
        %get3A_715 = arith.constant 5 : i32
        %get3A_716 = arith.constant 0 : i32
        %get3A_717 = arith.index_cast %get3A_715 : i32 to index
        %get3A_718 = arith.index_cast %get3A_716 : i32 to index
        %get3A_719 = arith.constant 48 : index
        %get3A_720 = tpu.vector_load %arg10[%get3A_717, %get3A_718, %get3A_719] {strides = array<i32>} : memref<8x2x128xi32, #tpu.memory_space<vmem>>, vector<16xi32>,
        %gather3A_721 = tpu.vector_load_idx %arg7[%get3A_720] : memref<100000xf32, #tpu.memory_space<vmem>>[vector<16xi32>], vector<16xf32>,
        %get3A_722 = arith.constant 688 : index
        %get3A_723 = tpu.vector_load %arg13[%get3A_722] {strides = array<i32>} : memref<1024xi32, #tpu.memory_space<vmem>>, vector<16xi32>,
        %gather3A_724 = tpu.vector_load_idx %arg8[%get3A_723] : memref<64xf32, #tpu.memory_space<vmem>>[vector<16xi32>], vector<16xf32>,
        %mul3A_725 = arith.mulf %gather3A_721, %gather3A_724 : vector<16xf32>
        %swap3A_726 = arith.constant 688 : index
        %swap3A_727 = tpu.vector_load %arg16[%swap3A_726] {strides = array<i32>} : memref<1024xf32, #tpu.memory_space<vmem>>, vector<16xf32>,
        tpu.vector_store %arg16[%swap3A_726], %mul3A_725 {strides = array<i32>} : memref<1024xf32, #tpu.memory_space<vmem>>, vector<16xf32>,
        %get3A_728 = arith.constant 5 : i32
        %get3A_729 = arith.constant 0 : i32
        %get3A_730 = arith.index_cast %get3A_728 : i32 to index
        %get3A_731 = arith.index_cast %get3A_729 : i32 to index
        %get3A_732 = arith.constant 64 : index
        %get3A_733 = tpu.vector_load %arg10[%get3A_730, %get3A_731, %get3A_732] {strides = array<i32>} : memref<8x2x128xi32, #tpu.memory_space<vmem>>, vector<16xi32>,
        %gather3A_734 = tpu.vector_load_idx %arg7[%get3A_733] : memref<100000xf32, #tpu.memory_space<vmem>>[vector<16xi32>], vector<16xf32>,
        %get3A_735 = arith.constant 704 : index
        %get3A_736 = tpu.vector_load %arg13[%get3A_735] {strides = array<i32>} : memref<1024xi32, #tpu.memory_space<vmem>>, vector<16xi32>,
        %gather3A_737 = tpu.vector_load_idx %arg8[%get3A_736] : memref<64xf32, #tpu.memory_space<vmem>>[vector<16xi32>], vector<16xf32>,
        %mul3A_738 = arith.mulf %gather3A_734, %gather3A_737 : vector<16xf32>
        %swap3A_739 = arith.constant 704 : index
        %swap3A_740 = tpu.vector_load %arg16[%swap3A_739] {strides = array<i32>} : memref<1024xf32, #tpu.memory_space<vmem>>, vector<16xf32>,
        tpu.vector_store %arg16[%swap3A_739], %mul3A_738 {strides = array<i32>} : memref<1024xf32, #tpu.memory_space<vmem>>, vector<16xf32>,
        %get3A_741 = arith.constant 5 : i32
        %get3A_742 = arith.constant 0 : i32
        %get3A_743 = arith.index_cast %get3A_741 : i32 to index
        %get3A_744 = arith.index_cast %get3A_742 : i32 to index
        %get3A_745 = arith.constant 80 : index
        %get3A_746 = tpu.vector_load %arg10[%get3A_743, %get3A_744, %get3A_745] {strides = array<i32>} : memref<8x2x128xi32, #tpu.memory_space<vmem>>, vector<16xi32>,
        %gather3A_747 = tpu.vector_load_idx %arg7[%get3A_746] : memref<100000xf32, #tpu.memory_space<vmem>>[vector<16xi32>], vector<16xf32>,
        %get3A_748 = arith.constant 720 : index
        %get3A_749 = tpu.vector_load %arg13[%get3A_748] {strides = array<i32>} : memref<1024xi32, #tpu.memory_space<vmem>>, vector<16xi32>,
        %gather3A_750 = tpu.vector_load_idx %arg8[%get3A_749] : memref<64xf32, #tpu.memory_space<vmem>>[vector<16xi32>], vector<16xf32>,
        %mul3A_751 = arith.mulf %gather3A_747, %gather3A_750 : vector<16xf32>
        %swap3A_752 = arith.constant 720 : index
        %swap3A_753 = tpu.vector_load %arg16[%swap3A_752] {strides = array<i32>} : memref<1024xf32, #tpu.memory_space<vmem>>, vector<16xf32>,
        tpu.vector_store %arg16[%swap3A_752], %mul3A_751 {strides = array<i32>} : memref<1024xf32, #tpu.memory_space<vmem>>, vector<16xf32>,
        %get3A_754 = arith.constant 5 : i32
        %get3A_755 = arith.constant 0 : i32
        %get3A_756 = arith.index_cast %get3A_754 : i32 to index
        %get3A_757 = arith.index_cast %get3A_755 : i32 to index
        %get3A_758 = arith.constant 96 : index
        %get3A_759 = tpu.vector_load %arg10[%get3A_756, %get3A_757, %get3A_758] {strides = array<i32>} : memref<8x2x128xi32, #tpu.memory_space<vmem>>, vector<16xi32>,
        %gather3A_760 = tpu.vector_load_idx %arg7[%get3A_759] : memref<100000xf32, #tpu.memory_space<vmem>>[vector<16xi32>], vector<16xf32>,
        %get3A_761 = arith.constant 736 : index
        %get3A_762 = tpu.vector_load %arg13[%get3A_761] {strides = array<i32>} : memref<1024xi32, #tpu.memory_space<vmem>>, vector<16xi32>,
        %gather3A_763 = tpu.vector_load_idx %arg8[%get3A_762] : memref<64xf32, #tpu.memory_space<vmem>>[vector<16xi32>], vector<16xf32>,
        %mul3A_764 = arith.mulf %gather3A_760, %gather3A_763 : vector<16xf32>
        %swap3A_765 = arith.constant 736 : index
        %swap3A_766 = tpu.vector_load %arg16[%swap3A_765] {strides = array<i32>} : memref<1024xf32, #tpu.memory_space<vmem>>, vector<16xf32>,
        tpu.vector_store %arg16[%swap3A_765], %mul3A_764 {strides = array<i32>} : memref<1024xf32, #tpu.memory_space<vmem>>, vector<16xf32>,
        %get3A_767 = arith.constant 5 : i32
        %get3A_768 = arith.constant 0 : i32
        %get3A_769 = arith.index_cast %get3A_767 : i32 to index
        %get3A_770 = arith.index_cast %get3A_768 : i32 to index
        %get3A_771 = arith.constant 112 : index
        %get3A_772 = tpu.vector_load %arg10[%get3A_769, %get3A_770, %get3A_771] {strides = array<i32>} : memref<8x2x128xi32, #tpu.memory_space<vmem>>, vector<16xi32>,
        %gather3A_773 = tpu.vector_load_idx %arg7[%get3A_772] : memref<100000xf32, #tpu.memory_space<vmem>>[vector<16xi32>], vector<16xf32>,
        %get3A_774 = arith.constant 752 : index
        %get3A_775 = tpu.vector_load %arg13[%get3A_774] {strides = array<i32>} : memref<1024xi32, #tpu.memory_space<vmem>>, vector<16xi32>,
        %gather3A_776 = tpu.vector_load_idx %arg8[%get3A_775] : memref<64xf32, #tpu.memory_space<vmem>>[vector<16xi32>], vector<16xf32>,
        %mul3A_777 = arith.mulf %gather3A_773, %gather3A_776 : vector<16xf32>
        %swap3A_778 = arith.constant 752 : index
        %swap3A_779 = tpu.vector_load %arg16[%swap3A_778] {strides = array<i32>} : memref<1024xf32, #tpu.memory_space<vmem>>, vector<16xf32>,
        tpu.vector_store %arg16[%swap3A_778], %mul3A_777 {strides = array<i32>} : memref<1024xf32, #tpu.memory_space<vmem>>, vector<16xf32>,
        %dma_start3A_780 = arith.constant 5 : i32
        %dma_start3A_781 = arith.constant 1 : i32
        %dma_start3A_782 = arith.constant 640 : i32
        %dma_start3A_783 = tpu.memref_slice %arg16[%dma_start3A_782] : memref<1024xf32, #tpu.memory_space<vmem>> -> memref<128xf32, #tpu.memory_space<vmem>>
        %dma_start3A_784 = arith.constant 0 : i32
        %dma_start3A_785 = tpu.memref_slice %arg10[%dma_start3A_780, %dma_start3A_781, %dma_start3A_784] : memref<8x2x128xi32, #tpu.memory_space<vmem>> -> memref<1x1x128xi32, #tpu.memory_space<vmem>>
        %dma_start3A_786 = tpu.memref_squeeze %dma_start3A_785 : memref<1x1x128xi32, #tpu.memory_space<vmem>> -> memref<128xi32, #tpu.memory_space<vmem>>
        %dma_start3A_787 = arith.constant 0 : i32
        %dma_start3A_788 = tpu.memref_slice %arg19[%dma_start3A_787] : memref<100352xf32, #tpu.memory_space<vmem_shared>> -> memref<100352xf32, #tpu.memory_space<vmem_shared>>
        tpu.enqueue_indirect_dma source(%dma_start3A_783 : memref<128xf32, #tpu.memory_space<vmem>>) target(%dma_start3A_788 : memref<100352xf32, #tpu.memory_space<vmem_shared>>) offsets(%dma_start3A_786 : memref<128xi32, #tpu.memory_space<vmem>>) semaphore(%arg24 : memref<!tpu.dma_semaphore, #tpu.memory_space<semaphore_mem>>) {add = true}
        %get3A_789 = arith.constant 6 : i32
        %get3A_790 = arith.constant 0 : i32
        %get3A_791 = arith.index_cast %get3A_789 : i32 to index
        %get3A_792 = arith.index_cast %get3A_790 : i32 to index
        %get3A_793 = arith.constant 0 : index
        %get3A_794 = tpu.vector_load %arg10[%get3A_791, %get3A_792, %get3A_793] {strides = array<i32>} : memref<8x2x128xi32, #tpu.memory_space<vmem>>, vector<16xi32>,
        %gather3A_795 = tpu.vector_load_idx %arg7[%get3A_794] : memref<100000xf32, #tpu.memory_space<vmem>>[vector<16xi32>], vector<16xf32>,
        %get3A_796 = arith.constant 768 : index
        %get3A_797 = tpu.vector_load %arg13[%get3A_796] {strides = array<i32>} : memref<1024xi32, #tpu.memory_space<vmem>>, vector<16xi32>,
        %gather3A_798 = tpu.vector_load_idx %arg8[%get3A_797] : memref<64xf32, #tpu.memory_space<vmem>>[vector<16xi32>], vector<16xf32>,
        %mul3A_799 = arith.mulf %gather3A_795, %gather3A_798 : vector<16xf32>
        %swap3A_800 = arith.constant 768 : index
        %swap3A_801 = tpu.vector_load %arg16[%swap3A_800] {strides = array<i32>} : memref<1024xf32, #tpu.memory_space<vmem>>, vector<16xf32>,
        tpu.vector_store %arg16[%swap3A_800], %mul3A_799 {strides = array<i32>} : memref<1024xf32, #tpu.memory_space<vmem>>, vector<16xf32>,
        %get3A_802 = arith.constant 6 : i32
        %get3A_803 = arith.constant 0 : i32
        %get3A_804 = arith.index_cast %get3A_802 : i32 to index
        %get3A_805 = arith.index_cast %get3A_803 : i32 to index
        %get3A_806 = arith.constant 16 : index
        %get3A_807 = tpu.vector_load %arg10[%get3A_804, %get3A_805, %get3A_806] {strides = array<i32>} : memref<8x2x128xi32, #tpu.memory_space<vmem>>, vector<16xi32>,
        %gather3A_808 = tpu.vector_load_idx %arg7[%get3A_807] : memref<100000xf32, #tpu.memory_space<vmem>>[vector<16xi32>], vector<16xf32>,
        %get3A_809 = arith.constant 784 : index
        %get3A_810 = tpu.vector_load %arg13[%get3A_809] {strides = array<i32>} : memref<1024xi32, #tpu.memory_space<vmem>>, vector<16xi32>,
        %gather3A_811 = tpu.vector_load_idx %arg8[%get3A_810] : memref<64xf32, #tpu.memory_space<vmem>>[vector<16xi32>], vector<16xf32>,
        %mul3A_812 = arith.mulf %gather3A_808, %gather3A_811 : vector<16xf32>
        %swap3A_813 = arith.constant 784 : index
        %swap3A_814 = tpu.vector_load %arg16[%swap3A_813] {strides = array<i32>} : memref<1024xf32, #tpu.memory_space<vmem>>, vector<16xf32>,
        tpu.vector_store %arg16[%swap3A_813], %mul3A_812 {strides = array<i32>} : memref<1024xf32, #tpu.memory_space<vmem>>, vector<16xf32>,
        %get3A_815 = arith.constant 6 : i32
        %get3A_816 = arith.constant 0 : i32
        %get3A_817 = arith.index_cast %get3A_815 : i32 to index
        %get3A_818 = arith.index_cast %get3A_816 : i32 to index
        %get3A_819 = arith.constant 32 : index
        %get3A_820 = tpu.vector_load %arg10[%get3A_817, %get3A_818, %get3A_819] {strides = array<i32>} : memref<8x2x128xi32, #tpu.memory_space<vmem>>, vector<16xi32>,
        %gather3A_821 = tpu.vector_load_idx %arg7[%get3A_820] : memref<100000xf32, #tpu.memory_space<vmem>>[vector<16xi32>], vector<16xf32>,
        %get3A_822 = arith.constant 800 : index
        %get3A_823 = tpu.vector_load %arg13[%get3A_822] {strides = array<i32>} : memref<1024xi32, #tpu.memory_space<vmem>>, vector<16xi32>,
        %gather3A_824 = tpu.vector_load_idx %arg8[%get3A_823] : memref<64xf32, #tpu.memory_space<vmem>>[vector<16xi32>], vector<16xf32>,
        %mul3A_825 = arith.mulf %gather3A_821, %gather3A_824 : vector<16xf32>
        %swap3A_826 = arith.constant 800 : index
        %swap3A_827 = tpu.vector_load %arg16[%swap3A_826] {strides = array<i32>} : memref<1024xf32, #tpu.memory_space<vmem>>, vector<16xf32>,
        tpu.vector_store %arg16[%swap3A_826], %mul3A_825 {strides = array<i32>} : memref<1024xf32, #tpu.memory_space<vmem>>, vector<16xf32>,
        %get3A_828 = arith.constant 6 : i32
        %get3A_829 = arith.constant 0 : i32
        %get3A_830 = arith.index_cast %get3A_828 : i32 to index
        %get3A_831 = arith.index_cast %get3A_829 : i32 to index
        %get3A_832 = arith.constant 48 : index
        %get3A_833 = tpu.vector_load %arg10[%get3A_830, %get3A_831, %get3A_832] {strides = array<i32>} : memref<8x2x128xi32, #tpu.memory_space<vmem>>, vector<16xi32>,
        %gather3A_834 = tpu.vector_load_idx %arg7[%get3A_833] : memref<100000xf32, #tpu.memory_space<vmem>>[vector<16xi32>], vector<16xf32>,
        %get3A_835 = arith.constant 816 : index
        %get3A_836 = tpu.vector_load %arg13[%get3A_835] {strides = array<i32>} : memref<1024xi32, #tpu.memory_space<vmem>>, vector<16xi32>,
        %gather3A_837 = tpu.vector_load_idx %arg8[%get3A_836] : memref<64xf32, #tpu.memory_space<vmem>>[vector<16xi32>], vector<16xf32>,
        %mul3A_838 = arith.mulf %gather3A_834, %gather3A_837 : vector<16xf32>
        %swap3A_839 = arith.constant 816 : index
        %swap3A_840 = tpu.vector_load %arg16[%swap3A_839] {strides = array<i32>} : memref<1024xf32, #tpu.memory_space<vmem>>, vector<16xf32>,
        tpu.vector_store %arg16[%swap3A_839], %mul3A_838 {strides = array<i32>} : memref<1024xf32, #tpu.memory_space<vmem>>, vector<16xf32>,
        %get3A_841 = arith.constant 6 : i32
        %get3A_842 = arith.constant 0 : i32
        %get3A_843 = arith.index_cast %get3A_841 : i32 to index
        %get3A_844 = arith.index_cast %get3A_842 : i32 to index
        %get3A_845 = arith.constant 64 : index
        %get3A_846 = tpu.vector_load %arg10[%get3A_843, %get3A_844, %get3A_845] {strides = array<i32>} : memref<8x2x128xi32, #tpu.memory_space<vmem>>, vector<16xi32>,
        %gather3A_847 = tpu.vector_load_idx %arg7[%get3A_846] : memref<100000xf32, #tpu.memory_space<vmem>>[vector<16xi32>], vector<16xf32>,
        %get3A_848 = arith.constant 832 : index
        %get3A_849 = tpu.vector_load %arg13[%get3A_848] {strides = array<i32>} : memref<1024xi32, #tpu.memory_space<vmem>>, vector<16xi32>,
        %gather3A_850 = tpu.vector_load_idx %arg8[%get3A_849] : memref<64xf32, #tpu.memory_space<vmem>>[vector<16xi32>], vector<16xf32>,
        %mul3A_851 = arith.mulf %gather3A_847, %gather3A_850 : vector<16xf32>
        %swap3A_852 = arith.constant 832 : index
        %swap3A_853 = tpu.vector_load %arg16[%swap3A_852] {strides = array<i32>} : memref<1024xf32, #tpu.memory_space<vmem>>, vector<16xf32>,
        tpu.vector_store %arg16[%swap3A_852], %mul3A_851 {strides = array<i32>} : memref<1024xf32, #tpu.memory_space<vmem>>, vector<16xf32>,
        %get3A_854 = arith.constant 6 : i32
        %get3A_855 = arith.constant 0 : i32
        %get3A_856 = arith.index_cast %get3A_854 : i32 to index
        %get3A_857 = arith.index_cast %get3A_855 : i32 to index
        %get3A_858 = arith.constant 80 : index
        %get3A_859 = tpu.vector_load %arg10[%get3A_856, %get3A_857, %get3A_858] {strides = array<i32>} : memref<8x2x128xi32, #tpu.memory_space<vmem>>, vector<16xi32>,
        %gather3A_860 = tpu.vector_load_idx %arg7[%get3A_859] : memref<100000xf32, #tpu.memory_space<vmem>>[vector<16xi32>], vector<16xf32>,
        %get3A_861 = arith.constant 848 : index
        %get3A_862 = tpu.vector_load %arg13[%get3A_861] {strides = array<i32>} : memref<1024xi32, #tpu.memory_space<vmem>>, vector<16xi32>,
        %gather3A_863 = tpu.vector_load_idx %arg8[%get3A_862] : memref<64xf32, #tpu.memory_space<vmem>>[vector<16xi32>], vector<16xf32>,
        %mul3A_864 = arith.mulf %gather3A_860, %gather3A_863 : vector<16xf32>
        %swap3A_865 = arith.constant 848 : index
        %swap3A_866 = tpu.vector_load %arg16[%swap3A_865] {strides = array<i32>} : memref<1024xf32, #tpu.memory_space<vmem>>, vector<16xf32>,
        tpu.vector_store %arg16[%swap3A_865], %mul3A_864 {strides = array<i32>} : memref<1024xf32, #tpu.memory_space<vmem>>, vector<16xf32>,
        %get3A_867 = arith.constant 6 : i32
        %get3A_868 = arith.constant 0 : i32
        %get3A_869 = arith.index_cast %get3A_867 : i32 to index
        %get3A_870 = arith.index_cast %get3A_868 : i32 to index
        %get3A_871 = arith.constant 96 : index
        %get3A_872 = tpu.vector_load %arg10[%get3A_869, %get3A_870, %get3A_871] {strides = array<i32>} : memref<8x2x128xi32, #tpu.memory_space<vmem>>, vector<16xi32>,
        %gather3A_873 = tpu.vector_load_idx %arg7[%get3A_872] : memref<100000xf32, #tpu.memory_space<vmem>>[vector<16xi32>], vector<16xf32>,
        %get3A_874 = arith.constant 864 : index
        %get3A_875 = tpu.vector_load %arg13[%get3A_874] {strides = array<i32>} : memref<1024xi32, #tpu.memory_space<vmem>>, vector<16xi32>,
        %gather3A_876 = tpu.vector_load_idx %arg8[%get3A_875] : memref<64xf32, #tpu.memory_space<vmem>>[vector<16xi32>], vector<16xf32>,
        %mul3A_877 = arith.mulf %gather3A_873, %gather3A_876 : vector<16xf32>
        %swap3A_878 = arith.constant 864 : index
        %swap3A_879 = tpu.vector_load %arg16[%swap3A_878] {strides = array<i32>} : memref<1024xf32, #tpu.memory_space<vmem>>, vector<16xf32>,
        tpu.vector_store %arg16[%swap3A_878], %mul3A_877 {strides = array<i32>} : memref<1024xf32, #tpu.memory_space<vmem>>, vector<16xf32>,
        %get3A_880 = arith.constant 6 : i32
        %get3A_881 = arith.constant 0 : i32
        %get3A_882 = arith.index_cast %get3A_880 : i32 to index
        %get3A_883 = arith.index_cast %get3A_881 : i32 to index
        %get3A_884 = arith.constant 112 : index
        %get3A_885 = tpu.vector_load %arg10[%get3A_882, %get3A_883, %get3A_884] {strides = array<i32>} : memref<8x2x128xi32, #tpu.memory_space<vmem>>, vector<16xi32>,
        %gather3A_886 = tpu.vector_load_idx %arg7[%get3A_885] : memref<100000xf32, #tpu.memory_space<vmem>>[vector<16xi32>], vector<16xf32>,
        %get3A_887 = arith.constant 880 : index
        %get3A_888 = tpu.vector_load %arg13[%get3A_887] {strides = array<i32>} : memref<1024xi32, #tpu.memory_space<vmem>>, vector<16xi32>,
        %gather3A_889 = tpu.vector_load_idx %arg8[%get3A_888] : memref<64xf32, #tpu.memory_space<vmem>>[vector<16xi32>], vector<16xf32>,
        %mul3A_890 = arith.mulf %gather3A_886, %gather3A_889 : vector<16xf32>
        %swap3A_891 = arith.constant 880 : index
        %swap3A_892 = tpu.vector_load %arg16[%swap3A_891] {strides = array<i32>} : memref<1024xf32, #tpu.memory_space<vmem>>, vector<16xf32>,
        tpu.vector_store %arg16[%swap3A_891], %mul3A_890 {strides = array<i32>} : memref<1024xf32, #tpu.memory_space<vmem>>, vector<16xf32>,
        %dma_start3A_893 = arith.constant 6 : i32
        %dma_start3A_894 = arith.constant 1 : i32
        %dma_start3A_895 = arith.constant 768 : i32
        %dma_start3A_896 = tpu.memref_slice %arg16[%dma_start3A_895] : memref<1024xf32, #tpu.memory_space<vmem>> -> memref<128xf32, #tpu.memory_space<vmem>>
        %dma_start3A_897 = arith.constant 0 : i32
        %dma_start3A_898 = tpu.memref_slice %arg10[%dma_start3A_893, %dma_start3A_894, %dma_start3A_897] : memref<8x2x128xi32, #tpu.memory_space<vmem>> -> memref<1x1x128xi32, #tpu.memory_space<vmem>>
        %dma_start3A_899 = tpu.memref_squeeze %dma_start3A_898 : memref<1x1x128xi32, #tpu.memory_space<vmem>> -> memref<128xi32, #tpu.memory_space<vmem>>
        %dma_start3A_900 = arith.constant 0 : i32
        %dma_start3A_901 = tpu.memref_slice %arg19[%dma_start3A_900] : memref<100352xf32, #tpu.memory_space<vmem_shared>> -> memref<100352xf32, #tpu.memory_space<vmem_shared>>
        tpu.enqueue_indirect_dma source(%dma_start3A_896 : memref<128xf32, #tpu.memory_space<vmem>>) target(%dma_start3A_901 : memref<100352xf32, #tpu.memory_space<vmem_shared>>) offsets(%dma_start3A_899 : memref<128xi32, #tpu.memory_space<vmem>>) semaphore(%arg24 : memref<!tpu.dma_semaphore, #tpu.memory_space<semaphore_mem>>) {add = true}
        %get3A_902 = arith.constant 7 : i32
        %get3A_903 = arith.constant 0 : i32
        %get3A_904 = arith.index_cast %get3A_902 : i32 to index
        %get3A_905 = arith.index_cast %get3A_903 : i32 to index
        %get3A_906 = arith.constant 0 : index
        %get3A_907 = tpu.vector_load %arg10[%get3A_904, %get3A_905, %get3A_906] {strides = array<i32>} : memref<8x2x128xi32, #tpu.memory_space<vmem>>, vector<16xi32>,
        %gather3A_908 = tpu.vector_load_idx %arg7[%get3A_907] : memref<100000xf32, #tpu.memory_space<vmem>>[vector<16xi32>], vector<16xf32>,
        %get3A_909 = arith.constant 896 : index
        %get3A_910 = tpu.vector_load %arg13[%get3A_909] {strides = array<i32>} : memref<1024xi32, #tpu.memory_space<vmem>>, vector<16xi32>,
        %gather3A_911 = tpu.vector_load_idx %arg8[%get3A_910] : memref<64xf32, #tpu.memory_space<vmem>>[vector<16xi32>], vector<16xf32>,
        %mul3A_912 = arith.mulf %gather3A_908, %gather3A_911 : vector<16xf32>
        %swap3A_913 = arith.constant 896 : index
        %swap3A_914 = tpu.vector_load %arg16[%swap3A_913] {strides = array<i32>} : memref<1024xf32, #tpu.memory_space<vmem>>, vector<16xf32>,
        tpu.vector_store %arg16[%swap3A_913], %mul3A_912 {strides = array<i32>} : memref<1024xf32, #tpu.memory_space<vmem>>, vector<16xf32>,
        %get3A_915 = arith.constant 7 : i32
        %get3A_916 = arith.constant 0 : i32
        %get3A_917 = arith.index_cast %get3A_915 : i32 to index
        %get3A_918 = arith.index_cast %get3A_916 : i32 to index
        %get3A_919 = arith.constant 16 : index
        %get3A_920 = tpu.vector_load %arg10[%get3A_917, %get3A_918, %get3A_919] {strides = array<i32>} : memref<8x2x128xi32, #tpu.memory_space<vmem>>, vector<16xi32>,
        %gather3A_921 = tpu.vector_load_idx %arg7[%get3A_920] : memref<100000xf32, #tpu.memory_space<vmem>>[vector<16xi32>], vector<16xf32>,
        %get3A_922 = arith.constant 912 : index
        %get3A_923 = tpu.vector_load %arg13[%get3A_922] {strides = array<i32>} : memref<1024xi32, #tpu.memory_space<vmem>>, vector<16xi32>,
        %gather3A_924 = tpu.vector_load_idx %arg8[%get3A_923] : memref<64xf32, #tpu.memory_space<vmem>>[vector<16xi32>], vector<16xf32>,
        %mul3A_925 = arith.mulf %gather3A_921, %gather3A_924 : vector<16xf32>
        %swap3A_926 = arith.constant 912 : index
        %swap3A_927 = tpu.vector_load %arg16[%swap3A_926] {strides = array<i32>} : memref<1024xf32, #tpu.memory_space<vmem>>, vector<16xf32>,
        tpu.vector_store %arg16[%swap3A_926], %mul3A_925 {strides = array<i32>} : memref<1024xf32, #tpu.memory_space<vmem>>, vector<16xf32>,
        %get3A_928 = arith.constant 7 : i32
        %get3A_929 = arith.constant 0 : i32
        %get3A_930 = arith.index_cast %get3A_928 : i32 to index
        %get3A_931 = arith.index_cast %get3A_929 : i32 to index
        %get3A_932 = arith.constant 32 : index
        %get3A_933 = tpu.vector_load %arg10[%get3A_930, %get3A_931, %get3A_932] {strides = array<i32>} : memref<8x2x128xi32, #tpu.memory_space<vmem>>, vector<16xi32>,
        %gather3A_934 = tpu.vector_load_idx %arg7[%get3A_933] : memref<100000xf32, #tpu.memory_space<vmem>>[vector<16xi32>], vector<16xf32>,
        %get3A_935 = arith.constant 928 : index
        %get3A_936 = tpu.vector_load %arg13[%get3A_935] {strides = array<i32>} : memref<1024xi32, #tpu.memory_space<vmem>>, vector<16xi32>,
        %gather3A_937 = tpu.vector_load_idx %arg8[%get3A_936] : memref<64xf32, #tpu.memory_space<vmem>>[vector<16xi32>], vector<16xf32>,
        %mul3A_938 = arith.mulf %gather3A_934, %gather3A_937 : vector<16xf32>
        %swap3A_939 = arith.constant 928 : index
        %swap3A_940 = tpu.vector_load %arg16[%swap3A_939] {strides = array<i32>} : memref<1024xf32, #tpu.memory_space<vmem>>, vector<16xf32>,
        tpu.vector_store %arg16[%swap3A_939], %mul3A_938 {strides = array<i32>} : memref<1024xf32, #tpu.memory_space<vmem>>, vector<16xf32>,
        %get3A_941 = arith.constant 7 : i32
        %get3A_942 = arith.constant 0 : i32
        %get3A_943 = arith.index_cast %get3A_941 : i32 to index
        %get3A_944 = arith.index_cast %get3A_942 : i32 to index
        %get3A_945 = arith.constant 48 : index
        %get3A_946 = tpu.vector_load %arg10[%get3A_943, %get3A_944, %get3A_945] {strides = array<i32>} : memref<8x2x128xi32, #tpu.memory_space<vmem>>, vector<16xi32>,
        %gather3A_947 = tpu.vector_load_idx %arg7[%get3A_946] : memref<100000xf32, #tpu.memory_space<vmem>>[vector<16xi32>], vector<16xf32>,
        %get3A_948 = arith.constant 944 : index
        %get3A_949 = tpu.vector_load %arg13[%get3A_948] {strides = array<i32>} : memref<1024xi32, #tpu.memory_space<vmem>>, vector<16xi32>,
        %gather3A_950 = tpu.vector_load_idx %arg8[%get3A_949] : memref<64xf32, #tpu.memory_space<vmem>>[vector<16xi32>], vector<16xf32>,
        %mul3A_951 = arith.mulf %gather3A_947, %gather3A_950 : vector<16xf32>
        %swap3A_952 = arith.constant 944 : index
        %swap3A_953 = tpu.vector_load %arg16[%swap3A_952] {strides = array<i32>} : memref<1024xf32, #tpu.memory_space<vmem>>, vector<16xf32>,
        tpu.vector_store %arg16[%swap3A_952], %mul3A_951 {strides = array<i32>} : memref<1024xf32, #tpu.memory_space<vmem>>, vector<16xf32>,
        %get3A_954 = arith.constant 7 : i32
        %get3A_955 = arith.constant 0 : i32
        %get3A_956 = arith.index_cast %get3A_954 : i32 to index
        %get3A_957 = arith.index_cast %get3A_955 : i32 to index
        %get3A_958 = arith.constant 64 : index
        %get3A_959 = tpu.vector_load %arg10[%get3A_956, %get3A_957, %get3A_958] {strides = array<i32>} : memref<8x2x128xi32, #tpu.memory_space<vmem>>, vector<16xi32>,
        %gather3A_960 = tpu.vector_load_idx %arg7[%get3A_959] : memref<100000xf32, #tpu.memory_space<vmem>>[vector<16xi32>], vector<16xf32>,
        %get3A_961 = arith.constant 960 : index
        %get3A_962 = tpu.vector_load %arg13[%get3A_961] {strides = array<i32>} : memref<1024xi32, #tpu.memory_space<vmem>>, vector<16xi32>,
        %gather3A_963 = tpu.vector_load_idx %arg8[%get3A_962] : memref<64xf32, #tpu.memory_space<vmem>>[vector<16xi32>], vector<16xf32>,
        %mul3A_964 = arith.mulf %gather3A_960, %gather3A_963 : vector<16xf32>
        %swap3A_965 = arith.constant 960 : index
        %swap3A_966 = tpu.vector_load %arg16[%swap3A_965] {strides = array<i32>} : memref<1024xf32, #tpu.memory_space<vmem>>, vector<16xf32>,
        tpu.vector_store %arg16[%swap3A_965], %mul3A_964 {strides = array<i32>} : memref<1024xf32, #tpu.memory_space<vmem>>, vector<16xf32>,
        %get3A_967 = arith.constant 7 : i32
        %get3A_968 = arith.constant 0 : i32
        %get3A_969 = arith.index_cast %get3A_967 : i32 to index
        %get3A_970 = arith.index_cast %get3A_968 : i32 to index
        %get3A_971 = arith.constant 80 : index
        %get3A_972 = tpu.vector_load %arg10[%get3A_969, %get3A_970, %get3A_971] {strides = array<i32>} : memref<8x2x128xi32, #tpu.memory_space<vmem>>, vector<16xi32>,
        %gather3A_973 = tpu.vector_load_idx %arg7[%get3A_972] : memref<100000xf32, #tpu.memory_space<vmem>>[vector<16xi32>], vector<16xf32>,
        %get3A_974 = arith.constant 976 : index
        %get3A_975 = tpu.vector_load %arg13[%get3A_974] {strides = array<i32>} : memref<1024xi32, #tpu.memory_space<vmem>>, vector<16xi32>,
        %gather3A_976 = tpu.vector_load_idx %arg8[%get3A_975] : memref<64xf32, #tpu.memory_space<vmem>>[vector<16xi32>], vector<16xf32>,
        %mul3A_977 = arith.mulf %gather3A_973, %gather3A_976 : vector<16xf32>
        %swap3A_978 = arith.constant 976 : index
        %swap3A_979 = tpu.vector_load %arg16[%swap3A_978] {strides = array<i32>} : memref<1024xf32, #tpu.memory_space<vmem>>, vector<16xf32>,
        tpu.vector_store %arg16[%swap3A_978], %mul3A_977 {strides = array<i32>} : memref<1024xf32, #tpu.memory_space<vmem>>, vector<16xf32>,
        %get3A_980 = arith.constant 7 : i32
        %get3A_981 = arith.constant 0 : i32
        %get3A_982 = arith.index_cast %get3A_980 : i32 to index
        %get3A_983 = arith.index_cast %get3A_981 : i32 to index
        %get3A_984 = arith.constant 96 : index
        %get3A_985 = tpu.vector_load %arg10[%get3A_982, %get3A_983, %get3A_984] {strides = array<i32>} : memref<8x2x128xi32, #tpu.memory_space<vmem>>, vector<16xi32>,
        %gather3A_986 = tpu.vector_load_idx %arg7[%get3A_985] : memref<100000xf32, #tpu.memory_space<vmem>>[vector<16xi32>], vector<16xf32>,
        %get3A_987 = arith.constant 992 : index
        %get3A_988 = tpu.vector_load %arg13[%get3A_987] {strides = array<i32>} : memref<1024xi32, #tpu.memory_space<vmem>>, vector<16xi32>,
        %gather3A_989 = tpu.vector_load_idx %arg8[%get3A_988] : memref<64xf32, #tpu.memory_space<vmem>>[vector<16xi32>], vector<16xf32>,
        %mul3A_990 = arith.mulf %gather3A_986, %gather3A_989 : vector<16xf32>
        %swap3A_991 = arith.constant 992 : index
        %swap3A_992 = tpu.vector_load %arg16[%swap3A_991] {strides = array<i32>} : memref<1024xf32, #tpu.memory_space<vmem>>, vector<16xf32>,
        tpu.vector_store %arg16[%swap3A_991], %mul3A_990 {strides = array<i32>} : memref<1024xf32, #tpu.memory_space<vmem>>, vector<16xf32>,
        %get3A_993 = arith.constant 7 : i32
        %get3A_994 = arith.constant 0 : i32
        %get3A_995 = arith.index_cast %get3A_993 : i32 to index
        %get3A_996 = arith.index_cast %get3A_994 : i32 to index
        %get3A_997 = arith.constant 112 : index
        %get3A_998 = tpu.vector_load %arg10[%get3A_995, %get3A_996, %get3A_997] {strides = array<i32>} : memref<8x2x128xi32, #tpu.memory_space<vmem>>, vector<16xi32>,
        %gather3A_999 = tpu.vector_load_idx %arg7[%get3A_998] : memref<100000xf32, #tpu.memory_space<vmem>>[vector<16xi32>], vector<16xf32>,
        %get3A_1000 = arith.constant 1008 : index
        %get3A_1001 = tpu.vector_load %arg13[%get3A_1000] {strides = array<i32>} : memref<1024xi32, #tpu.memory_space<vmem>>, vector<16xi32>,
        %gather3A_1002 = tpu.vector_load_idx %arg8[%get3A_1001] : memref<64xf32, #tpu.memory_space<vmem>>[vector<16xi32>], vector<16xf32>,
        %mul3A_1003 = arith.mulf %gather3A_999, %gather3A_1002 : vector<16xf32>
        %swap3A_1004 = arith.constant 1008 : index
        %swap3A_1005 = tpu.vector_load %arg16[%swap3A_1004] {strides = array<i32>} : memref<1024xf32, #tpu.memory_space<vmem>>, vector<16xf32>,
        tpu.vector_store %arg16[%swap3A_1004], %mul3A_1003 {strides = array<i32>} : memref<1024xf32, #tpu.memory_space<vmem>>, vector<16xf32>,
        %dma_start3A_1006 = arith.constant 7 : i32
        %dma_start3A_1007 = arith.constant 1 : i32
        %dma_start3A_1008 = arith.constant 896 : i32
        %dma_start3A_1009 = tpu.memref_slice %arg16[%dma_start3A_1008] : memref<1024xf32, #tpu.memory_space<vmem>> -> memref<128xf32, #tpu.memory_space<vmem>>
        %dma_start3A_1010 = arith.constant 0 : i32
        %dma_start3A_1011 = tpu.memref_slice %arg10[%dma_start3A_1006, %dma_start3A_1007, %dma_start3A_1010] : memref<8x2x128xi32, #tpu.memory_space<vmem>> -> memref<1x1x128xi32, #tpu.memory_space<vmem>>
        %dma_start3A_1012 = tpu.memref_squeeze %dma_start3A_1011 : memref<1x1x128xi32, #tpu.memory_space<vmem>> -> memref<128xi32, #tpu.memory_space<vmem>>
        %dma_start3A_1013 = arith.constant 0 : i32
        %dma_start3A_1014 = tpu.memref_slice %arg19[%dma_start3A_1013] : memref<100352xf32, #tpu.memory_space<vmem_shared>> -> memref<100352xf32, #tpu.memory_space<vmem_shared>>
        tpu.enqueue_indirect_dma source(%dma_start3A_1009 : memref<128xf32, #tpu.memory_space<vmem>>) target(%dma_start3A_1014 : memref<100352xf32, #tpu.memory_space<vmem_shared>>) offsets(%dma_start3A_1012 : memref<128xi32, #tpu.memory_space<vmem>>) semaphore(%arg24 : memref<!tpu.dma_semaphore, #tpu.memory_space<semaphore_mem>>) {add = true}
      } else {
      }
      %mul3A_79 = arith.constant 3 : i32
      %mul3A_80 = arith.muli %mul3A_79, %scan3A_39 : i32
      %add3A_81 = arith.constant 2 : i32
      %add3A_82 = arith.addi %mul3A_80, %add3A_81 : i32
      %ge3A_83 = arith.constant 2 : i32
      %ge3A_84 = arith.cmpi sge, %add3A_82, %ge3A_83 : i32
      %sub3A_85 = arith.constant 2 : i32
      %sub3A_86 = arith.subi %add3A_82, %sub3A_85 : i32
      %lt3A_87 = arith.cmpi slt, %sub3A_86, %add3A_8 : i32
      %and3A_88 = arith.andi %ge3A_84, %lt3A_87 : i1
      %convert_element_type3A_89 = arith.extui %and3A_88 : i1 to i32
      %cond3A_90 = arith.constant 0 : i32
      %cond3A_91 = arith.cmpi ne, %convert_element_type3A_89, %cond3A_90 : i32
      scf.if %cond3A_91 {
        %dma_wait3A = arith.constant 0 : i32
        %dma_wait3A_102 = arith.constant 1 : i32
        %dma_wait3A_103 = arith.constant 0 : i32
        %dma_wait3A_104 = tpu.memref_slice %arg15[%dma_wait3A_103] : memref<1024xf32, #tpu.memory_space<vmem>> -> memref<128xf32, #tpu.memory_space<vmem>>
        %dma_wait3A_105 = arith.constant 0 : i32
        %dma_wait3A_106 = tpu.memref_slice %arg9[%dma_wait3A, %dma_wait3A_102, %dma_wait3A_105] : memref<8x2x128xi32, #tpu.memory_space<vmem>> -> memref<1x1x128xi32, #tpu.memory_space<vmem>>
        %dma_wait3A_107 = tpu.memref_squeeze %dma_wait3A_106 : memref<1x1x128xi32, #tpu.memory_space<vmem>> -> memref<128xi32, #tpu.memory_space<vmem>>
        %dma_wait3A_108 = arith.constant 0 : i32
        %dma_wait3A_109 = tpu.memref_slice %arg19[%dma_wait3A_108] : memref<100352xf32, #tpu.memory_space<vmem_shared>> -> memref<100352xf32, #tpu.memory_space<vmem_shared>>
        tpu.wait_indirect_dma semaphore(%arg23 : memref<!tpu.dma_semaphore, #tpu.memory_space<semaphore_mem>>) src(%dma_wait3A_104 : memref<128xf32, #tpu.memory_space<vmem>>) dst(%dma_wait3A_109 : memref<100352xf32, #tpu.memory_space<vmem_shared>>)
        %dma_wait3A_110 = arith.constant 1 : i32
        %dma_wait3A_111 = arith.constant 1 : i32
        %dma_wait3A_112 = arith.constant 128 : i32
        %dma_wait3A_113 = tpu.memref_slice %arg15[%dma_wait3A_112] : memref<1024xf32, #tpu.memory_space<vmem>> -> memref<128xf32, #tpu.memory_space<vmem>>
        %dma_wait3A_114 = arith.constant 0 : i32
        %dma_wait3A_115 = tpu.memref_slice %arg9[%dma_wait3A_110, %dma_wait3A_111, %dma_wait3A_114] : memref<8x2x128xi32, #tpu.memory_space<vmem>> -> memref<1x1x128xi32, #tpu.memory_space<vmem>>
        %dma_wait3A_116 = tpu.memref_squeeze %dma_wait3A_115 : memref<1x1x128xi32, #tpu.memory_space<vmem>> -> memref<128xi32, #tpu.memory_space<vmem>>
        %dma_wait3A_117 = arith.constant 0 : i32
        %dma_wait3A_118 = tpu.memref_slice %arg19[%dma_wait3A_117] : memref<100352xf32, #tpu.memory_space<vmem_shared>> -> memref<100352xf32, #tpu.memory_space<vmem_shared>>
        tpu.wait_indirect_dma semaphore(%arg23 : memref<!tpu.dma_semaphore, #tpu.memory_space<semaphore_mem>>) src(%dma_wait3A_113 : memref<128xf32, #tpu.memory_space<vmem>>) dst(%dma_wait3A_118 : memref<100352xf32, #tpu.memory_space<vmem_shared>>)
        %dma_wait3A_119 = arith.constant 2 : i32
        %dma_wait3A_120 = arith.constant 1 : i32
        %dma_wait3A_121 = arith.constant 256 : i32
        %dma_wait3A_122 = tpu.memref_slice %arg15[%dma_wait3A_121] : memref<1024xf32, #tpu.memory_space<vmem>> -> memref<128xf32, #tpu.memory_space<vmem>>
        %dma_wait3A_123 = arith.constant 0 : i32
        %dma_wait3A_124 = tpu.memref_slice %arg9[%dma_wait3A_119, %dma_wait3A_120, %dma_wait3A_123] : memref<8x2x128xi32, #tpu.memory_space<vmem>> -> memref<1x1x128xi32, #tpu.memory_space<vmem>>
        %dma_wait3A_125 = tpu.memref_squeeze %dma_wait3A_124 : memref<1x1x128xi32, #tpu.memory_space<vmem>> -> memref<128xi32, #tpu.memory_space<vmem>>
        %dma_wait3A_126 = arith.constant 0 : i32
        %dma_wait3A_127 = tpu.memref_slice %arg19[%dma_wait3A_126] : memref<100352xf32, #tpu.memory_space<vmem_shared>> -> memref<100352xf32, #tpu.memory_space<vmem_shared>>
        tpu.wait_indirect_dma semaphore(%arg23 : memref<!tpu.dma_semaphore, #tpu.memory_space<semaphore_mem>>) src(%dma_wait3A_122 : memref<128xf32, #tpu.memory_space<vmem>>) dst(%dma_wait3A_127 : memref<100352xf32, #tpu.memory_space<vmem_shared>>)
        %dma_wait3A_128 = arith.constant 3 : i32
        %dma_wait3A_129 = arith.constant 1 : i32
        %dma_wait3A_130 = arith.constant 384 : i32
        %dma_wait3A_131 = tpu.memref_slice %arg15[%dma_wait3A_130] : memref<1024xf32, #tpu.memory_space<vmem>> -> memref<128xf32, #tpu.memory_space<vmem>>
        %dma_wait3A_132 = arith.constant 0 : i32
        %dma_wait3A_133 = tpu.memref_slice %arg9[%dma_wait3A_128, %dma_wait3A_129, %dma_wait3A_132] : memref<8x2x128xi32, #tpu.memory_space<vmem>> -> memref<1x1x128xi32, #tpu.memory_space<vmem>>
        %dma_wait3A_134 = tpu.memref_squeeze %dma_wait3A_133 : memref<1x1x128xi32, #tpu.memory_space<vmem>> -> memref<128xi32, #tpu.memory_space<vmem>>
        %dma_wait3A_135 = arith.constant 0 : i32
        %dma_wait3A_136 = tpu.memref_slice %arg19[%dma_wait3A_135] : memref<100352xf32, #tpu.memory_space<vmem_shared>> -> memref<100352xf32, #tpu.memory_space<vmem_shared>>
        tpu.wait_indirect_dma semaphore(%arg23 : memref<!tpu.dma_semaphore, #tpu.memory_space<semaphore_mem>>) src(%dma_wait3A_131 : memref<128xf32, #tpu.memory_space<vmem>>) dst(%dma_wait3A_136 : memref<100352xf32, #tpu.memory_space<vmem_shared>>)
        %dma_wait3A_137 = arith.constant 4 : i32
        %dma_wait3A_138 = arith.constant 1 : i32
        %dma_wait3A_139 = arith.constant 512 : i32
        %dma_wait3A_140 = tpu.memref_slice %arg15[%dma_wait3A_139] : memref<1024xf32, #tpu.memory_space<vmem>> -> memref<128xf32, #tpu.memory_space<vmem>>
        %dma_wait3A_141 = arith.constant 0 : i32
        %dma_wait3A_142 = tpu.memref_slice %arg9[%dma_wait3A_137, %dma_wait3A_138, %dma_wait3A_141] : memref<8x2x128xi32, #tpu.memory_space<vmem>> -> memref<1x1x128xi32, #tpu.memory_space<vmem>>
        %dma_wait3A_143 = tpu.memref_squeeze %dma_wait3A_142 : memref<1x1x128xi32, #tpu.memory_space<vmem>> -> memref<128xi32, #tpu.memory_space<vmem>>
        %dma_wait3A_144 = arith.constant 0 : i32
        %dma_wait3A_145 = tpu.memref_slice %arg19[%dma_wait3A_144] : memref<100352xf32, #tpu.memory_space<vmem_shared>> -> memref<100352xf32, #tpu.memory_space<vmem_shared>>
        tpu.wait_indirect_dma semaphore(%arg23 : memref<!tpu.dma_semaphore, #tpu.memory_space<semaphore_mem>>) src(%dma_wait3A_140 : memref<128xf32, #tpu.memory_space<vmem>>) dst(%dma_wait3A_145 : memref<100352xf32, #tpu.memory_space<vmem_shared>>)
        %dma_wait3A_146 = arith.constant 5 : i32
        %dma_wait3A_147 = arith.constant 1 : i32
        %dma_wait3A_148 = arith.constant 640 : i32
        %dma_wait3A_149 = tpu.memref_slice %arg15[%dma_wait3A_148] : memref<1024xf32, #tpu.memory_space<vmem>> -> memref<128xf32, #tpu.memory_space<vmem>>
        %dma_wait3A_150 = arith.constant 0 : i32
        %dma_wait3A_151 = tpu.memref_slice %arg9[%dma_wait3A_146, %dma_wait3A_147, %dma_wait3A_150] : memref<8x2x128xi32, #tpu.memory_space<vmem>> -> memref<1x1x128xi32, #tpu.memory_space<vmem>>
        %dma_wait3A_152 = tpu.memref_squeeze %dma_wait3A_151 : memref<1x1x128xi32, #tpu.memory_space<vmem>> -> memref<128xi32, #tpu.memory_space<vmem>>
        %dma_wait3A_153 = arith.constant 0 : i32
        %dma_wait3A_154 = tpu.memref_slice %arg19[%dma_wait3A_153] : memref<100352xf32, #tpu.memory_space<vmem_shared>> -> memref<100352xf32, #tpu.memory_space<vmem_shared>>
        tpu.wait_indirect_dma semaphore(%arg23 : memref<!tpu.dma_semaphore, #tpu.memory_space<semaphore_mem>>) src(%dma_wait3A_149 : memref<128xf32, #tpu.memory_space<vmem>>) dst(%dma_wait3A_154 : memref<100352xf32, #tpu.memory_space<vmem_shared>>)
        %dma_wait3A_155 = arith.constant 6 : i32
        %dma_wait3A_156 = arith.constant 1 : i32
        %dma_wait3A_157 = arith.constant 768 : i32
        %dma_wait3A_158 = tpu.memref_slice %arg15[%dma_wait3A_157] : memref<1024xf32, #tpu.memory_space<vmem>> -> memref<128xf32, #tpu.memory_space<vmem>>
        %dma_wait3A_159 = arith.constant 0 : i32
        %dma_wait3A_160 = tpu.memref_slice %arg9[%dma_wait3A_155, %dma_wait3A_156, %dma_wait3A_159] : memref<8x2x128xi32, #tpu.memory_space<vmem>> -> memref<1x1x128xi32, #tpu.memory_space<vmem>>
        %dma_wait3A_161 = tpu.memref_squeeze %dma_wait3A_160 : memref<1x1x128xi32, #tpu.memory_space<vmem>> -> memref<128xi32, #tpu.memory_space<vmem>>
        %dma_wait3A_162 = arith.constant 0 : i32
        %dma_wait3A_163 = tpu.memref_slice %arg19[%dma_wait3A_162] : memref<100352xf32, #tpu.memory_space<vmem_shared>> -> memref<100352xf32, #tpu.memory_space<vmem_shared>>
        tpu.wait_indirect_dma semaphore(%arg23 : memref<!tpu.dma_semaphore, #tpu.memory_space<semaphore_mem>>) src(%dma_wait3A_158 : memref<128xf32, #tpu.memory_space<vmem>>) dst(%dma_wait3A_163 : memref<100352xf32, #tpu.memory_space<vmem_shared>>)
        %dma_wait3A_164 = arith.constant 7 : i32
        %dma_wait3A_165 = arith.constant 1 : i32
        %dma_wait3A_166 = arith.constant 896 : i32
        %dma_wait3A_167 = tpu.memref_slice %arg15[%dma_wait3A_166] : memref<1024xf32, #tpu.memory_space<vmem>> -> memref<128xf32, #tpu.memory_space<vmem>>
        %dma_wait3A_168 = arith.constant 0 : i32
        %dma_wait3A_169 = tpu.memref_slice %arg9[%dma_wait3A_164, %dma_wait3A_165, %dma_wait3A_168] : memref<8x2x128xi32, #tpu.memory_space<vmem>> -> memref<1x1x128xi32, #tpu.memory_space<vmem>>
        %dma_wait3A_170 = tpu.memref_squeeze %dma_wait3A_169 : memref<1x1x128xi32, #tpu.memory_space<vmem>> -> memref<128xi32, #tpu.memory_space<vmem>>
        %dma_wait3A_171 = arith.constant 0 : i32
        %dma_wait3A_172 = tpu.memref_slice %arg19[%dma_wait3A_171] : memref<100352xf32, #tpu.memory_space<vmem_shared>> -> memref<100352xf32, #tpu.memory_space<vmem_shared>>
        tpu.wait_indirect_dma semaphore(%arg23 : memref<!tpu.dma_semaphore, #tpu.memory_space<semaphore_mem>>) src(%dma_wait3A_167 : memref<128xf32, #tpu.memory_space<vmem>>) dst(%dma_wait3A_172 : memref<100352xf32, #tpu.memory_space<vmem_shared>>)
      } else {
      }
      %add3A_92 = arith.constant 1 : i32
      %add3A_93 = arith.addi %add3A_82, %add3A_92 : i32
      %lt3A_94 = arith.cmpi slt, %add3A_93, %add3A_8 : i32
      %convert_element_type3A_95 = arith.extui %lt3A_94 : i1 to i32
      %cond3A_96 = arith.constant 0 : i32
      %cond3A_97 = arith.cmpi ne, %convert_element_type3A_95, %cond3A_96 : i32
      scf.if %cond3A_97 {
        %add3A_102 = arith.addi %add3A_4, %add3A_82 : i32
        %add3A_103 = arith.constant 1 : i32
        %add3A_104 = arith.addi %add3A_102, %add3A_103 : i32
        %mul3A_105 = arith.constant 8 : i32
        %mul3A_106 = arith.muli %add3A_104, %mul3A_105 : i32
        %mul3A_107 = arith.constant 1024 : i32
        %mul3A_108 = arith.muli %add3A_104, %mul3A_107 : i32
        %dma_start3A_109 = arith.constant 0 : i32
        %dma_start3A_110 = arith.constant 0 : i32
        %dma_start3A_111 = tpu.memref_slice %arg2[%mul3A_106, %dma_start3A_109, %dma_start3A_110] : memref<50000x2x128xi32, #tpu.memory_space<hbm>> -> memref<8x2x128xi32, #tpu.memory_space<hbm>>
        %dma_start3A_112 = arith.constant 0 : i32
        %dma_start3A_113 = arith.constant 0 : i32
        %dma_start3A_114 = tpu.memref_slice %arg2[%mul3A_106, %dma_start3A_112, %dma_start3A_113] : memref<50000x2x128xi32, #tpu.memory_space<hbm>> -> memref<8x2x128xi32, #tpu.memory_space<hbm>>
        tpu.enqueue_dma source(%dma_start3A_114 : memref<8x2x128xi32, #tpu.memory_space<hbm>>) target(%arg9 : memref<8x2x128xi32, #tpu.memory_space<vmem>>) target_semaphore(%arg20 : memref<!tpu.dma_semaphore, #tpu.memory_space<semaphore_mem>>)
        %dma_start3A_115 = tpu.memref_slice %arg3[%mul3A_108] : memref<6400000xi32, #tpu.memory_space<hbm>> -> memref<1024xi32, #tpu.memory_space<hbm>>
        %dma_start3A_116 = tpu.memref_slice %arg3[%mul3A_108] : memref<6400000xi32, #tpu.memory_space<hbm>> -> memref<1024xi32, #tpu.memory_space<hbm>>
        tpu.enqueue_dma source(%dma_start3A_116 : memref<1024xi32, #tpu.memory_space<hbm>>) target(%arg12 : memref<1024xi32, #tpu.memory_space<vmem>>) target_semaphore(%arg20 : memref<!tpu.dma_semaphore, #tpu.memory_space<semaphore_mem>>)
      } else {
      }
      %lt3A_98 = arith.cmpi slt, %add3A_82, %add3A_8 : i32
      %convert_element_type3A_99 = arith.extui %lt3A_98 : i1 to i32
      %cond3A_100 = arith.constant 0 : i32
      %cond3A_101 = arith.cmpi ne, %convert_element_type3A_99, %cond3A_100 : i32
      scf.if %cond3A_101 {
        %add3A_102 = arith.addi %add3A_4, %add3A_82 : i32
        %mul3A_103 = arith.constant 8 : i32
        %mul3A_104 = arith.muli %add3A_102, %mul3A_103 : i32
        %mul3A_105 = arith.constant 1024 : i32
        %mul3A_106 = arith.muli %add3A_102, %mul3A_105 : i32
        %dma_wait3A = arith.constant 0 : i32
        %dma_wait3A_107 = arith.constant 0 : i32
        %dma_wait3A_108 = tpu.memref_slice %arg2[%mul3A_104, %dma_wait3A, %dma_wait3A_107] : memref<50000x2x128xi32, #tpu.memory_space<hbm>> -> memref<8x2x128xi32, #tpu.memory_space<hbm>>
        %dma_wait3A_109 = arith.constant 0 : i32
        %dma_wait3A_110 = arith.constant 0 : i32
        %dma_wait3A_111 = tpu.memref_slice %arg2[%mul3A_104, %dma_wait3A_109, %dma_wait3A_110] : memref<50000x2x128xi32, #tpu.memory_space<hbm>> -> memref<8x2x128xi32, #tpu.memory_space<hbm>>
        tpu.wait_dma2 semaphore(%arg22 : memref<!tpu.dma_semaphore, #tpu.memory_space<semaphore_mem>>) src(%dma_wait3A_111 : memref<8x2x128xi32, #tpu.memory_space<hbm>>) dst(%arg11 : memref<8x2x128xi32, #tpu.memory_space<vmem>>)
        %dma_wait3A_112 = tpu.memref_slice %arg3[%mul3A_106] : memref<6400000xi32, #tpu.memory_space<hbm>> -> memref<1024xi32, #tpu.memory_space<hbm>>
        %dma_wait3A_113 = tpu.memref_slice %arg3[%mul3A_106] : memref<6400000xi32, #tpu.memory_space<hbm>> -> memref<1024xi32, #tpu.memory_space<hbm>>
        tpu.wait_dma2 semaphore(%arg22 : memref<!tpu.dma_semaphore, #tpu.memory_space<semaphore_mem>>) src(%dma_wait3A_113 : memref<1024xi32, #tpu.memory_space<hbm>>) dst(%arg14 : memref<1024xi32, #tpu.memory_space<vmem>>)
        %get3A = arith.constant 0 : i32
        %get3A_114 = arith.constant 0 : i32
        %get3A_115 = arith.index_cast %get3A : i32 to index
        %get3A_116 = arith.index_cast %get3A_114 : i32 to index
        %get3A_117 = arith.constant 0 : index
        %get3A_118 = tpu.vector_load %arg11[%get3A_115, %get3A_116, %get3A_117] {strides = array<i32>} : memref<8x2x128xi32, #tpu.memory_space<vmem>>, vector<16xi32>,
        %gather3A = tpu.vector_load_idx %arg7[%get3A_118] : memref<100000xf32, #tpu.memory_space<vmem>>[vector<16xi32>], vector<16xf32>,
        %get3A_119 = arith.constant 0 : index
        %get3A_120 = tpu.vector_load %arg14[%get3A_119] {strides = array<i32>} : memref<1024xi32, #tpu.memory_space<vmem>>, vector<16xi32>,
        %gather3A_121 = tpu.vector_load_idx %arg8[%get3A_120] : memref<64xf32, #tpu.memory_space<vmem>>[vector<16xi32>], vector<16xf32>,
        %mul3A_122 = arith.mulf %gather3A, %gather3A_121 : vector<16xf32>
        %swap3A = arith.constant 0 : index
        %swap3A_123 = tpu.vector_load %arg17[%swap3A] {strides = array<i32>} : memref<1024xf32, #tpu.memory_space<vmem>>, vector<16xf32>,
        tpu.vector_store %arg17[%swap3A], %mul3A_122 {strides = array<i32>} : memref<1024xf32, #tpu.memory_space<vmem>>, vector<16xf32>,
        %get3A_124 = arith.constant 0 : i32
        %get3A_125 = arith.constant 0 : i32
        %get3A_126 = arith.index_cast %get3A_124 : i32 to index
        %get3A_127 = arith.index_cast %get3A_125 : i32 to index
        %get3A_128 = arith.constant 16 : index
        %get3A_129 = tpu.vector_load %arg11[%get3A_126, %get3A_127, %get3A_128] {strides = array<i32>} : memref<8x2x128xi32, #tpu.memory_space<vmem>>, vector<16xi32>,
        %gather3A_130 = tpu.vector_load_idx %arg7[%get3A_129] : memref<100000xf32, #tpu.memory_space<vmem>>[vector<16xi32>], vector<16xf32>,
        %get3A_131 = arith.constant 16 : index
        %get3A_132 = tpu.vector_load %arg14[%get3A_131] {strides = array<i32>} : memref<1024xi32, #tpu.memory_space<vmem>>, vector<16xi32>,
        %gather3A_133 = tpu.vector_load_idx %arg8[%get3A_132] : memref<64xf32, #tpu.memory_space<vmem>>[vector<16xi32>], vector<16xf32>,
        %mul3A_134 = arith.mulf %gather3A_130, %gather3A_133 : vector<16xf32>
        %swap3A_135 = arith.constant 16 : index
        %swap3A_136 = tpu.vector_load %arg17[%swap3A_135] {strides = array<i32>} : memref<1024xf32, #tpu.memory_space<vmem>>, vector<16xf32>,
        tpu.vector_store %arg17[%swap3A_135], %mul3A_134 {strides = array<i32>} : memref<1024xf32, #tpu.memory_space<vmem>>, vector<16xf32>,
        %get3A_137 = arith.constant 0 : i32
        %get3A_138 = arith.constant 0 : i32
        %get3A_139 = arith.index_cast %get3A_137 : i32 to index
        %get3A_140 = arith.index_cast %get3A_138 : i32 to index
        %get3A_141 = arith.constant 32 : index
        %get3A_142 = tpu.vector_load %arg11[%get3A_139, %get3A_140, %get3A_141] {strides = array<i32>} : memref<8x2x128xi32, #tpu.memory_space<vmem>>, vector<16xi32>,
        %gather3A_143 = tpu.vector_load_idx %arg7[%get3A_142] : memref<100000xf32, #tpu.memory_space<vmem>>[vector<16xi32>], vector<16xf32>,
        %get3A_144 = arith.constant 32 : index
        %get3A_145 = tpu.vector_load %arg14[%get3A_144] {strides = array<i32>} : memref<1024xi32, #tpu.memory_space<vmem>>, vector<16xi32>,
        %gather3A_146 = tpu.vector_load_idx %arg8[%get3A_145] : memref<64xf32, #tpu.memory_space<vmem>>[vector<16xi32>], vector<16xf32>,
        %mul3A_147 = arith.mulf %gather3A_143, %gather3A_146 : vector<16xf32>
        %swap3A_148 = arith.constant 32 : index
        %swap3A_149 = tpu.vector_load %arg17[%swap3A_148] {strides = array<i32>} : memref<1024xf32, #tpu.memory_space<vmem>>, vector<16xf32>,
        tpu.vector_store %arg17[%swap3A_148], %mul3A_147 {strides = array<i32>} : memref<1024xf32, #tpu.memory_space<vmem>>, vector<16xf32>,
        %get3A_150 = arith.constant 0 : i32
        %get3A_151 = arith.constant 0 : i32
        %get3A_152 = arith.index_cast %get3A_150 : i32 to index
        %get3A_153 = arith.index_cast %get3A_151 : i32 to index
        %get3A_154 = arith.constant 48 : index
        %get3A_155 = tpu.vector_load %arg11[%get3A_152, %get3A_153, %get3A_154] {strides = array<i32>} : memref<8x2x128xi32, #tpu.memory_space<vmem>>, vector<16xi32>,
        %gather3A_156 = tpu.vector_load_idx %arg7[%get3A_155] : memref<100000xf32, #tpu.memory_space<vmem>>[vector<16xi32>], vector<16xf32>,
        %get3A_157 = arith.constant 48 : index
        %get3A_158 = tpu.vector_load %arg14[%get3A_157] {strides = array<i32>} : memref<1024xi32, #tpu.memory_space<vmem>>, vector<16xi32>,
        %gather3A_159 = tpu.vector_load_idx %arg8[%get3A_158] : memref<64xf32, #tpu.memory_space<vmem>>[vector<16xi32>], vector<16xf32>,
        %mul3A_160 = arith.mulf %gather3A_156, %gather3A_159 : vector<16xf32>
        %swap3A_161 = arith.constant 48 : index
        %swap3A_162 = tpu.vector_load %arg17[%swap3A_161] {strides = array<i32>} : memref<1024xf32, #tpu.memory_space<vmem>>, vector<16xf32>,
        tpu.vector_store %arg17[%swap3A_161], %mul3A_160 {strides = array<i32>} : memref<1024xf32, #tpu.memory_space<vmem>>, vector<16xf32>,
        %get3A_163 = arith.constant 0 : i32
        %get3A_164 = arith.constant 0 : i32
        %get3A_165 = arith.index_cast %get3A_163 : i32 to index
        %get3A_166 = arith.index_cast %get3A_164 : i32 to index
        %get3A_167 = arith.constant 64 : index
        %get3A_168 = tpu.vector_load %arg11[%get3A_165, %get3A_166, %get3A_167] {strides = array<i32>} : memref<8x2x128xi32, #tpu.memory_space<vmem>>, vector<16xi32>,
        %gather3A_169 = tpu.vector_load_idx %arg7[%get3A_168] : memref<100000xf32, #tpu.memory_space<vmem>>[vector<16xi32>], vector<16xf32>,
        %get3A_170 = arith.constant 64 : index
        %get3A_171 = tpu.vector_load %arg14[%get3A_170] {strides = array<i32>} : memref<1024xi32, #tpu.memory_space<vmem>>, vector<16xi32>,
        %gather3A_172 = tpu.vector_load_idx %arg8[%get3A_171] : memref<64xf32, #tpu.memory_space<vmem>>[vector<16xi32>], vector<16xf32>,
        %mul3A_173 = arith.mulf %gather3A_169, %gather3A_172 : vector<16xf32>
        %swap3A_174 = arith.constant 64 : index
        %swap3A_175 = tpu.vector_load %arg17[%swap3A_174] {strides = array<i32>} : memref<1024xf32, #tpu.memory_space<vmem>>, vector<16xf32>,
        tpu.vector_store %arg17[%swap3A_174], %mul3A_173 {strides = array<i32>} : memref<1024xf32, #tpu.memory_space<vmem>>, vector<16xf32>,
        %get3A_176 = arith.constant 0 : i32
        %get3A_177 = arith.constant 0 : i32
        %get3A_178 = arith.index_cast %get3A_176 : i32 to index
        %get3A_179 = arith.index_cast %get3A_177 : i32 to index
        %get3A_180 = arith.constant 80 : index
        %get3A_181 = tpu.vector_load %arg11[%get3A_178, %get3A_179, %get3A_180] {strides = array<i32>} : memref<8x2x128xi32, #tpu.memory_space<vmem>>, vector<16xi32>,
        %gather3A_182 = tpu.vector_load_idx %arg7[%get3A_181] : memref<100000xf32, #tpu.memory_space<vmem>>[vector<16xi32>], vector<16xf32>,
        %get3A_183 = arith.constant 80 : index
        %get3A_184 = tpu.vector_load %arg14[%get3A_183] {strides = array<i32>} : memref<1024xi32, #tpu.memory_space<vmem>>, vector<16xi32>,
        %gather3A_185 = tpu.vector_load_idx %arg8[%get3A_184] : memref<64xf32, #tpu.memory_space<vmem>>[vector<16xi32>], vector<16xf32>,
        %mul3A_186 = arith.mulf %gather3A_182, %gather3A_185 : vector<16xf32>
        %swap3A_187 = arith.constant 80 : index
        %swap3A_188 = tpu.vector_load %arg17[%swap3A_187] {strides = array<i32>} : memref<1024xf32, #tpu.memory_space<vmem>>, vector<16xf32>,
        tpu.vector_store %arg17[%swap3A_187], %mul3A_186 {strides = array<i32>} : memref<1024xf32, #tpu.memory_space<vmem>>, vector<16xf32>,
        %get3A_189 = arith.constant 0 : i32
        %get3A_190 = arith.constant 0 : i32
        %get3A_191 = arith.index_cast %get3A_189 : i32 to index
        %get3A_192 = arith.index_cast %get3A_190 : i32 to index
        %get3A_193 = arith.constant 96 : index
        %get3A_194 = tpu.vector_load %arg11[%get3A_191, %get3A_192, %get3A_193] {strides = array<i32>} : memref<8x2x128xi32, #tpu.memory_space<vmem>>, vector<16xi32>,
        %gather3A_195 = tpu.vector_load_idx %arg7[%get3A_194] : memref<100000xf32, #tpu.memory_space<vmem>>[vector<16xi32>], vector<16xf32>,
        %get3A_196 = arith.constant 96 : index
        %get3A_197 = tpu.vector_load %arg14[%get3A_196] {strides = array<i32>} : memref<1024xi32, #tpu.memory_space<vmem>>, vector<16xi32>,
        %gather3A_198 = tpu.vector_load_idx %arg8[%get3A_197] : memref<64xf32, #tpu.memory_space<vmem>>[vector<16xi32>], vector<16xf32>,
        %mul3A_199 = arith.mulf %gather3A_195, %gather3A_198 : vector<16xf32>
        %swap3A_200 = arith.constant 96 : index
        %swap3A_201 = tpu.vector_load %arg17[%swap3A_200] {strides = array<i32>} : memref<1024xf32, #tpu.memory_space<vmem>>, vector<16xf32>,
        tpu.vector_store %arg17[%swap3A_200], %mul3A_199 {strides = array<i32>} : memref<1024xf32, #tpu.memory_space<vmem>>, vector<16xf32>,
        %get3A_202 = arith.constant 0 : i32
        %get3A_203 = arith.constant 0 : i32
        %get3A_204 = arith.index_cast %get3A_202 : i32 to index
        %get3A_205 = arith.index_cast %get3A_203 : i32 to index
        %get3A_206 = arith.constant 112 : index
        %get3A_207 = tpu.vector_load %arg11[%get3A_204, %get3A_205, %get3A_206] {strides = array<i32>} : memref<8x2x128xi32, #tpu.memory_space<vmem>>, vector<16xi32>,
        %gather3A_208 = tpu.vector_load_idx %arg7[%get3A_207] : memref<100000xf32, #tpu.memory_space<vmem>>[vector<16xi32>], vector<16xf32>,
        %get3A_209 = arith.constant 112 : index
        %get3A_210 = tpu.vector_load %arg14[%get3A_209] {strides = array<i32>} : memref<1024xi32, #tpu.memory_space<vmem>>, vector<16xi32>,
        %gather3A_211 = tpu.vector_load_idx %arg8[%get3A_210] : memref<64xf32, #tpu.memory_space<vmem>>[vector<16xi32>], vector<16xf32>,
        %mul3A_212 = arith.mulf %gather3A_208, %gather3A_211 : vector<16xf32>
        %swap3A_213 = arith.constant 112 : index
        %swap3A_214 = tpu.vector_load %arg17[%swap3A_213] {strides = array<i32>} : memref<1024xf32, #tpu.memory_space<vmem>>, vector<16xf32>,
        tpu.vector_store %arg17[%swap3A_213], %mul3A_212 {strides = array<i32>} : memref<1024xf32, #tpu.memory_space<vmem>>, vector<16xf32>,
        %dma_start3A_215 = arith.constant 0 : i32
        %dma_start3A_216 = arith.constant 1 : i32
        %dma_start3A_217 = arith.constant 0 : i32
        %dma_start3A_218 = tpu.memref_slice %arg17[%dma_start3A_217] : memref<1024xf32, #tpu.memory_space<vmem>> -> memref<128xf32, #tpu.memory_space<vmem>>
        %dma_start3A_219 = arith.constant 0 : i32
        %dma_start3A_220 = tpu.memref_slice %arg11[%dma_start3A_215, %dma_start3A_216, %dma_start3A_219] : memref<8x2x128xi32, #tpu.memory_space<vmem>> -> memref<1x1x128xi32, #tpu.memory_space<vmem>>
        %dma_start3A_221 = tpu.memref_squeeze %dma_start3A_220 : memref<1x1x128xi32, #tpu.memory_space<vmem>> -> memref<128xi32, #tpu.memory_space<vmem>>
        %dma_start3A_222 = arith.constant 0 : i32
        %dma_start3A_223 = tpu.memref_slice %arg19[%dma_start3A_222] : memref<100352xf32, #tpu.memory_space<vmem_shared>> -> memref<100352xf32, #tpu.memory_space<vmem_shared>>
        tpu.enqueue_indirect_dma source(%dma_start3A_218 : memref<128xf32, #tpu.memory_space<vmem>>) target(%dma_start3A_223 : memref<100352xf32, #tpu.memory_space<vmem_shared>>) offsets(%dma_start3A_221 : memref<128xi32, #tpu.memory_space<vmem>>) semaphore(%arg25 : memref<!tpu.dma_semaphore, #tpu.memory_space<semaphore_mem>>) {add = true}
        %get3A_224 = arith.constant 1 : i32
        %get3A_225 = arith.constant 0 : i32
        %get3A_226 = arith.index_cast %get3A_224 : i32 to index
        %get3A_227 = arith.index_cast %get3A_225 : i32 to index
        %get3A_228 = arith.constant 0 : index
        %get3A_229 = tpu.vector_load %arg11[%get3A_226, %get3A_227, %get3A_228] {strides = array<i32>} : memref<8x2x128xi32, #tpu.memory_space<vmem>>, vector<16xi32>,
        %gather3A_230 = tpu.vector_load_idx %arg7[%get3A_229] : memref<100000xf32, #tpu.memory_space<vmem>>[vector<16xi32>], vector<16xf32>,
        %get3A_231 = arith.constant 128 : index
        %get3A_232 = tpu.vector_load %arg14[%get3A_231] {strides = array<i32>} : memref<1024xi32, #tpu.memory_space<vmem>>, vector<16xi32>,
        %gather3A_233 = tpu.vector_load_idx %arg8[%get3A_232] : memref<64xf32, #tpu.memory_space<vmem>>[vector<16xi32>], vector<16xf32>,
        %mul3A_234 = arith.mulf %gather3A_230, %gather3A_233 : vector<16xf32>
        %swap3A_235 = arith.constant 128 : index
        %swap3A_236 = tpu.vector_load %arg17[%swap3A_235] {strides = array<i32>} : memref<1024xf32, #tpu.memory_space<vmem>>, vector<16xf32>,
        tpu.vector_store %arg17[%swap3A_235], %mul3A_234 {strides = array<i32>} : memref<1024xf32, #tpu.memory_space<vmem>>, vector<16xf32>,
        %get3A_237 = arith.constant 1 : i32
        %get3A_238 = arith.constant 0 : i32
        %get3A_239 = arith.index_cast %get3A_237 : i32 to index
        %get3A_240 = arith.index_cast %get3A_238 : i32 to index
        %get3A_241 = arith.constant 16 : index
        %get3A_242 = tpu.vector_load %arg11[%get3A_239, %get3A_240, %get3A_241] {strides = array<i32>} : memref<8x2x128xi32, #tpu.memory_space<vmem>>, vector<16xi32>,
        %gather3A_243 = tpu.vector_load_idx %arg7[%get3A_242] : memref<100000xf32, #tpu.memory_space<vmem>>[vector<16xi32>], vector<16xf32>,
        %get3A_244 = arith.constant 144 : index
        %get3A_245 = tpu.vector_load %arg14[%get3A_244] {strides = array<i32>} : memref<1024xi32, #tpu.memory_space<vmem>>, vector<16xi32>,
        %gather3A_246 = tpu.vector_load_idx %arg8[%get3A_245] : memref<64xf32, #tpu.memory_space<vmem>>[vector<16xi32>], vector<16xf32>,
        %mul3A_247 = arith.mulf %gather3A_243, %gather3A_246 : vector<16xf32>
        %swap3A_248 = arith.constant 144 : index
        %swap3A_249 = tpu.vector_load %arg17[%swap3A_248] {strides = array<i32>} : memref<1024xf32, #tpu.memory_space<vmem>>, vector<16xf32>,
        tpu.vector_store %arg17[%swap3A_248], %mul3A_247 {strides = array<i32>} : memref<1024xf32, #tpu.memory_space<vmem>>, vector<16xf32>,
        %get3A_250 = arith.constant 1 : i32
        %get3A_251 = arith.constant 0 : i32
        %get3A_252 = arith.index_cast %get3A_250 : i32 to index
        %get3A_253 = arith.index_cast %get3A_251 : i32 to index
        %get3A_254 = arith.constant 32 : index
        %get3A_255 = tpu.vector_load %arg11[%get3A_252, %get3A_253, %get3A_254] {strides = array<i32>} : memref<8x2x128xi32, #tpu.memory_space<vmem>>, vector<16xi32>,
        %gather3A_256 = tpu.vector_load_idx %arg7[%get3A_255] : memref<100000xf32, #tpu.memory_space<vmem>>[vector<16xi32>], vector<16xf32>,
        %get3A_257 = arith.constant 160 : index
        %get3A_258 = tpu.vector_load %arg14[%get3A_257] {strides = array<i32>} : memref<1024xi32, #tpu.memory_space<vmem>>, vector<16xi32>,
        %gather3A_259 = tpu.vector_load_idx %arg8[%get3A_258] : memref<64xf32, #tpu.memory_space<vmem>>[vector<16xi32>], vector<16xf32>,
        %mul3A_260 = arith.mulf %gather3A_256, %gather3A_259 : vector<16xf32>
        %swap3A_261 = arith.constant 160 : index
        %swap3A_262 = tpu.vector_load %arg17[%swap3A_261] {strides = array<i32>} : memref<1024xf32, #tpu.memory_space<vmem>>, vector<16xf32>,
        tpu.vector_store %arg17[%swap3A_261], %mul3A_260 {strides = array<i32>} : memref<1024xf32, #tpu.memory_space<vmem>>, vector<16xf32>,
        %get3A_263 = arith.constant 1 : i32
        %get3A_264 = arith.constant 0 : i32
        %get3A_265 = arith.index_cast %get3A_263 : i32 to index
        %get3A_266 = arith.index_cast %get3A_264 : i32 to index
        %get3A_267 = arith.constant 48 : index
        %get3A_268 = tpu.vector_load %arg11[%get3A_265, %get3A_266, %get3A_267] {strides = array<i32>} : memref<8x2x128xi32, #tpu.memory_space<vmem>>, vector<16xi32>,
        %gather3A_269 = tpu.vector_load_idx %arg7[%get3A_268] : memref<100000xf32, #tpu.memory_space<vmem>>[vector<16xi32>], vector<16xf32>,
        %get3A_270 = arith.constant 176 : index
        %get3A_271 = tpu.vector_load %arg14[%get3A_270] {strides = array<i32>} : memref<1024xi32, #tpu.memory_space<vmem>>, vector<16xi32>,
        %gather3A_272 = tpu.vector_load_idx %arg8[%get3A_271] : memref<64xf32, #tpu.memory_space<vmem>>[vector<16xi32>], vector<16xf32>,
        %mul3A_273 = arith.mulf %gather3A_269, %gather3A_272 : vector<16xf32>
        %swap3A_274 = arith.constant 176 : index
        %swap3A_275 = tpu.vector_load %arg17[%swap3A_274] {strides = array<i32>} : memref<1024xf32, #tpu.memory_space<vmem>>, vector<16xf32>,
        tpu.vector_store %arg17[%swap3A_274], %mul3A_273 {strides = array<i32>} : memref<1024xf32, #tpu.memory_space<vmem>>, vector<16xf32>,
        %get3A_276 = arith.constant 1 : i32
        %get3A_277 = arith.constant 0 : i32
        %get3A_278 = arith.index_cast %get3A_276 : i32 to index
        %get3A_279 = arith.index_cast %get3A_277 : i32 to index
        %get3A_280 = arith.constant 64 : index
        %get3A_281 = tpu.vector_load %arg11[%get3A_278, %get3A_279, %get3A_280] {strides = array<i32>} : memref<8x2x128xi32, #tpu.memory_space<vmem>>, vector<16xi32>,
        %gather3A_282 = tpu.vector_load_idx %arg7[%get3A_281] : memref<100000xf32, #tpu.memory_space<vmem>>[vector<16xi32>], vector<16xf32>,
        %get3A_283 = arith.constant 192 : index
        %get3A_284 = tpu.vector_load %arg14[%get3A_283] {strides = array<i32>} : memref<1024xi32, #tpu.memory_space<vmem>>, vector<16xi32>,
        %gather3A_285 = tpu.vector_load_idx %arg8[%get3A_284] : memref<64xf32, #tpu.memory_space<vmem>>[vector<16xi32>], vector<16xf32>,
        %mul3A_286 = arith.mulf %gather3A_282, %gather3A_285 : vector<16xf32>
        %swap3A_287 = arith.constant 192 : index
        %swap3A_288 = tpu.vector_load %arg17[%swap3A_287] {strides = array<i32>} : memref<1024xf32, #tpu.memory_space<vmem>>, vector<16xf32>,
        tpu.vector_store %arg17[%swap3A_287], %mul3A_286 {strides = array<i32>} : memref<1024xf32, #tpu.memory_space<vmem>>, vector<16xf32>,
        %get3A_289 = arith.constant 1 : i32
        %get3A_290 = arith.constant 0 : i32
        %get3A_291 = arith.index_cast %get3A_289 : i32 to index
        %get3A_292 = arith.index_cast %get3A_290 : i32 to index
        %get3A_293 = arith.constant 80 : index
        %get3A_294 = tpu.vector_load %arg11[%get3A_291, %get3A_292, %get3A_293] {strides = array<i32>} : memref<8x2x128xi32, #tpu.memory_space<vmem>>, vector<16xi32>,
        %gather3A_295 = tpu.vector_load_idx %arg7[%get3A_294] : memref<100000xf32, #tpu.memory_space<vmem>>[vector<16xi32>], vector<16xf32>,
        %get3A_296 = arith.constant 208 : index
        %get3A_297 = tpu.vector_load %arg14[%get3A_296] {strides = array<i32>} : memref<1024xi32, #tpu.memory_space<vmem>>, vector<16xi32>,
        %gather3A_298 = tpu.vector_load_idx %arg8[%get3A_297] : memref<64xf32, #tpu.memory_space<vmem>>[vector<16xi32>], vector<16xf32>,
        %mul3A_299 = arith.mulf %gather3A_295, %gather3A_298 : vector<16xf32>
        %swap3A_300 = arith.constant 208 : index
        %swap3A_301 = tpu.vector_load %arg17[%swap3A_300] {strides = array<i32>} : memref<1024xf32, #tpu.memory_space<vmem>>, vector<16xf32>,
        tpu.vector_store %arg17[%swap3A_300], %mul3A_299 {strides = array<i32>} : memref<1024xf32, #tpu.memory_space<vmem>>, vector<16xf32>,
        %get3A_302 = arith.constant 1 : i32
        %get3A_303 = arith.constant 0 : i32
        %get3A_304 = arith.index_cast %get3A_302 : i32 to index
        %get3A_305 = arith.index_cast %get3A_303 : i32 to index
        %get3A_306 = arith.constant 96 : index
        %get3A_307 = tpu.vector_load %arg11[%get3A_304, %get3A_305, %get3A_306] {strides = array<i32>} : memref<8x2x128xi32, #tpu.memory_space<vmem>>, vector<16xi32>,
        %gather3A_308 = tpu.vector_load_idx %arg7[%get3A_307] : memref<100000xf32, #tpu.memory_space<vmem>>[vector<16xi32>], vector<16xf32>,
        %get3A_309 = arith.constant 224 : index
        %get3A_310 = tpu.vector_load %arg14[%get3A_309] {strides = array<i32>} : memref<1024xi32, #tpu.memory_space<vmem>>, vector<16xi32>,
        %gather3A_311 = tpu.vector_load_idx %arg8[%get3A_310] : memref<64xf32, #tpu.memory_space<vmem>>[vector<16xi32>], vector<16xf32>,
        %mul3A_312 = arith.mulf %gather3A_308, %gather3A_311 : vector<16xf32>
        %swap3A_313 = arith.constant 224 : index
        %swap3A_314 = tpu.vector_load %arg17[%swap3A_313] {strides = array<i32>} : memref<1024xf32, #tpu.memory_space<vmem>>, vector<16xf32>,
        tpu.vector_store %arg17[%swap3A_313], %mul3A_312 {strides = array<i32>} : memref<1024xf32, #tpu.memory_space<vmem>>, vector<16xf32>,
        %get3A_315 = arith.constant 1 : i32
        %get3A_316 = arith.constant 0 : i32
        %get3A_317 = arith.index_cast %get3A_315 : i32 to index
        %get3A_318 = arith.index_cast %get3A_316 : i32 to index
        %get3A_319 = arith.constant 112 : index
        %get3A_320 = tpu.vector_load %arg11[%get3A_317, %get3A_318, %get3A_319] {strides = array<i32>} : memref<8x2x128xi32, #tpu.memory_space<vmem>>, vector<16xi32>,
        %gather3A_321 = tpu.vector_load_idx %arg7[%get3A_320] : memref<100000xf32, #tpu.memory_space<vmem>>[vector<16xi32>], vector<16xf32>,
        %get3A_322 = arith.constant 240 : index
        %get3A_323 = tpu.vector_load %arg14[%get3A_322] {strides = array<i32>} : memref<1024xi32, #tpu.memory_space<vmem>>, vector<16xi32>,
        %gather3A_324 = tpu.vector_load_idx %arg8[%get3A_323] : memref<64xf32, #tpu.memory_space<vmem>>[vector<16xi32>], vector<16xf32>,
        %mul3A_325 = arith.mulf %gather3A_321, %gather3A_324 : vector<16xf32>
        %swap3A_326 = arith.constant 240 : index
        %swap3A_327 = tpu.vector_load %arg17[%swap3A_326] {strides = array<i32>} : memref<1024xf32, #tpu.memory_space<vmem>>, vector<16xf32>,
        tpu.vector_store %arg17[%swap3A_326], %mul3A_325 {strides = array<i32>} : memref<1024xf32, #tpu.memory_space<vmem>>, vector<16xf32>,
        %dma_start3A_328 = arith.constant 1 : i32
        %dma_start3A_329 = arith.constant 1 : i32
        %dma_start3A_330 = arith.constant 128 : i32
        %dma_start3A_331 = tpu.memref_slice %arg17[%dma_start3A_330] : memref<1024xf32, #tpu.memory_space<vmem>> -> memref<128xf32, #tpu.memory_space<vmem>>
        %dma_start3A_332 = arith.constant 0 : i32
        %dma_start3A_333 = tpu.memref_slice %arg11[%dma_start3A_328, %dma_start3A_329, %dma_start3A_332] : memref<8x2x128xi32, #tpu.memory_space<vmem>> -> memref<1x1x128xi32, #tpu.memory_space<vmem>>
        %dma_start3A_334 = tpu.memref_squeeze %dma_start3A_333 : memref<1x1x128xi32, #tpu.memory_space<vmem>> -> memref<128xi32, #tpu.memory_space<vmem>>
        %dma_start3A_335 = arith.constant 0 : i32
        %dma_start3A_336 = tpu.memref_slice %arg19[%dma_start3A_335] : memref<100352xf32, #tpu.memory_space<vmem_shared>> -> memref<100352xf32, #tpu.memory_space<vmem_shared>>
        tpu.enqueue_indirect_dma source(%dma_start3A_331 : memref<128xf32, #tpu.memory_space<vmem>>) target(%dma_start3A_336 : memref<100352xf32, #tpu.memory_space<vmem_shared>>) offsets(%dma_start3A_334 : memref<128xi32, #tpu.memory_space<vmem>>) semaphore(%arg25 : memref<!tpu.dma_semaphore, #tpu.memory_space<semaphore_mem>>) {add = true}
        %get3A_337 = arith.constant 2 : i32
        %get3A_338 = arith.constant 0 : i32
        %get3A_339 = arith.index_cast %get3A_337 : i32 to index
        %get3A_340 = arith.index_cast %get3A_338 : i32 to index
        %get3A_341 = arith.constant 0 : index
        %get3A_342 = tpu.vector_load %arg11[%get3A_339, %get3A_340, %get3A_341] {strides = array<i32>} : memref<8x2x128xi32, #tpu.memory_space<vmem>>, vector<16xi32>,
        %gather3A_343 = tpu.vector_load_idx %arg7[%get3A_342] : memref<100000xf32, #tpu.memory_space<vmem>>[vector<16xi32>], vector<16xf32>,
        %get3A_344 = arith.constant 256 : index
        %get3A_345 = tpu.vector_load %arg14[%get3A_344] {strides = array<i32>} : memref<1024xi32, #tpu.memory_space<vmem>>, vector<16xi32>,
        %gather3A_346 = tpu.vector_load_idx %arg8[%get3A_345] : memref<64xf32, #tpu.memory_space<vmem>>[vector<16xi32>], vector<16xf32>,
        %mul3A_347 = arith.mulf %gather3A_343, %gather3A_346 : vector<16xf32>
        %swap3A_348 = arith.constant 256 : index
        %swap3A_349 = tpu.vector_load %arg17[%swap3A_348] {strides = array<i32>} : memref<1024xf32, #tpu.memory_space<vmem>>, vector<16xf32>,
        tpu.vector_store %arg17[%swap3A_348], %mul3A_347 {strides = array<i32>} : memref<1024xf32, #tpu.memory_space<vmem>>, vector<16xf32>,
        %get3A_350 = arith.constant 2 : i32
        %get3A_351 = arith.constant 0 : i32
        %get3A_352 = arith.index_cast %get3A_350 : i32 to index
        %get3A_353 = arith.index_cast %get3A_351 : i32 to index
        %get3A_354 = arith.constant 16 : index
        %get3A_355 = tpu.vector_load %arg11[%get3A_352, %get3A_353, %get3A_354] {strides = array<i32>} : memref<8x2x128xi32, #tpu.memory_space<vmem>>, vector<16xi32>,
        %gather3A_356 = tpu.vector_load_idx %arg7[%get3A_355] : memref<100000xf32, #tpu.memory_space<vmem>>[vector<16xi32>], vector<16xf32>,
        %get3A_357 = arith.constant 272 : index
        %get3A_358 = tpu.vector_load %arg14[%get3A_357] {strides = array<i32>} : memref<1024xi32, #tpu.memory_space<vmem>>, vector<16xi32>,
        %gather3A_359 = tpu.vector_load_idx %arg8[%get3A_358] : memref<64xf32, #tpu.memory_space<vmem>>[vector<16xi32>], vector<16xf32>,
        %mul3A_360 = arith.mulf %gather3A_356, %gather3A_359 : vector<16xf32>
        %swap3A_361 = arith.constant 272 : index
        %swap3A_362 = tpu.vector_load %arg17[%swap3A_361] {strides = array<i32>} : memref<1024xf32, #tpu.memory_space<vmem>>, vector<16xf32>,
        tpu.vector_store %arg17[%swap3A_361], %mul3A_360 {strides = array<i32>} : memref<1024xf32, #tpu.memory_space<vmem>>, vector<16xf32>,
        %get3A_363 = arith.constant 2 : i32
        %get3A_364 = arith.constant 0 : i32
        %get3A_365 = arith.index_cast %get3A_363 : i32 to index
        %get3A_366 = arith.index_cast %get3A_364 : i32 to index
        %get3A_367 = arith.constant 32 : index
        %get3A_368 = tpu.vector_load %arg11[%get3A_365, %get3A_366, %get3A_367] {strides = array<i32>} : memref<8x2x128xi32, #tpu.memory_space<vmem>>, vector<16xi32>,
        %gather3A_369 = tpu.vector_load_idx %arg7[%get3A_368] : memref<100000xf32, #tpu.memory_space<vmem>>[vector<16xi32>], vector<16xf32>,
        %get3A_370 = arith.constant 288 : index
        %get3A_371 = tpu.vector_load %arg14[%get3A_370] {strides = array<i32>} : memref<1024xi32, #tpu.memory_space<vmem>>, vector<16xi32>,
        %gather3A_372 = tpu.vector_load_idx %arg8[%get3A_371] : memref<64xf32, #tpu.memory_space<vmem>>[vector<16xi32>], vector<16xf32>,
        %mul3A_373 = arith.mulf %gather3A_369, %gather3A_372 : vector<16xf32>
        %swap3A_374 = arith.constant 288 : index
        %swap3A_375 = tpu.vector_load %arg17[%swap3A_374] {strides = array<i32>} : memref<1024xf32, #tpu.memory_space<vmem>>, vector<16xf32>,
        tpu.vector_store %arg17[%swap3A_374], %mul3A_373 {strides = array<i32>} : memref<1024xf32, #tpu.memory_space<vmem>>, vector<16xf32>,
        %get3A_376 = arith.constant 2 : i32
        %get3A_377 = arith.constant 0 : i32
        %get3A_378 = arith.index_cast %get3A_376 : i32 to index
        %get3A_379 = arith.index_cast %get3A_377 : i32 to index
        %get3A_380 = arith.constant 48 : index
        %get3A_381 = tpu.vector_load %arg11[%get3A_378, %get3A_379, %get3A_380] {strides = array<i32>} : memref<8x2x128xi32, #tpu.memory_space<vmem>>, vector<16xi32>,
        %gather3A_382 = tpu.vector_load_idx %arg7[%get3A_381] : memref<100000xf32, #tpu.memory_space<vmem>>[vector<16xi32>], vector<16xf32>,
        %get3A_383 = arith.constant 304 : index
        %get3A_384 = tpu.vector_load %arg14[%get3A_383] {strides = array<i32>} : memref<1024xi32, #tpu.memory_space<vmem>>, vector<16xi32>,
        %gather3A_385 = tpu.vector_load_idx %arg8[%get3A_384] : memref<64xf32, #tpu.memory_space<vmem>>[vector<16xi32>], vector<16xf32>,
        %mul3A_386 = arith.mulf %gather3A_382, %gather3A_385 : vector<16xf32>
        %swap3A_387 = arith.constant 304 : index
        %swap3A_388 = tpu.vector_load %arg17[%swap3A_387] {strides = array<i32>} : memref<1024xf32, #tpu.memory_space<vmem>>, vector<16xf32>,
        tpu.vector_store %arg17[%swap3A_387], %mul3A_386 {strides = array<i32>} : memref<1024xf32, #tpu.memory_space<vmem>>, vector<16xf32>,
        %get3A_389 = arith.constant 2 : i32
        %get3A_390 = arith.constant 0 : i32
        %get3A_391 = arith.index_cast %get3A_389 : i32 to index
        %get3A_392 = arith.index_cast %get3A_390 : i32 to index
        %get3A_393 = arith.constant 64 : index
        %get3A_394 = tpu.vector_load %arg11[%get3A_391, %get3A_392, %get3A_393] {strides = array<i32>} : memref<8x2x128xi32, #tpu.memory_space<vmem>>, vector<16xi32>,
        %gather3A_395 = tpu.vector_load_idx %arg7[%get3A_394] : memref<100000xf32, #tpu.memory_space<vmem>>[vector<16xi32>], vector<16xf32>,
        %get3A_396 = arith.constant 320 : index
        %get3A_397 = tpu.vector_load %arg14[%get3A_396] {strides = array<i32>} : memref<1024xi32, #tpu.memory_space<vmem>>, vector<16xi32>,
        %gather3A_398 = tpu.vector_load_idx %arg8[%get3A_397] : memref<64xf32, #tpu.memory_space<vmem>>[vector<16xi32>], vector<16xf32>,
        %mul3A_399 = arith.mulf %gather3A_395, %gather3A_398 : vector<16xf32>
        %swap3A_400 = arith.constant 320 : index
        %swap3A_401 = tpu.vector_load %arg17[%swap3A_400] {strides = array<i32>} : memref<1024xf32, #tpu.memory_space<vmem>>, vector<16xf32>,
        tpu.vector_store %arg17[%swap3A_400], %mul3A_399 {strides = array<i32>} : memref<1024xf32, #tpu.memory_space<vmem>>, vector<16xf32>,
        %get3A_402 = arith.constant 2 : i32
        %get3A_403 = arith.constant 0 : i32
        %get3A_404 = arith.index_cast %get3A_402 : i32 to index
        %get3A_405 = arith.index_cast %get3A_403 : i32 to index
        %get3A_406 = arith.constant 80 : index
        %get3A_407 = tpu.vector_load %arg11[%get3A_404, %get3A_405, %get3A_406] {strides = array<i32>} : memref<8x2x128xi32, #tpu.memory_space<vmem>>, vector<16xi32>,
        %gather3A_408 = tpu.vector_load_idx %arg7[%get3A_407] : memref<100000xf32, #tpu.memory_space<vmem>>[vector<16xi32>], vector<16xf32>,
        %get3A_409 = arith.constant 336 : index
        %get3A_410 = tpu.vector_load %arg14[%get3A_409] {strides = array<i32>} : memref<1024xi32, #tpu.memory_space<vmem>>, vector<16xi32>,
        %gather3A_411 = tpu.vector_load_idx %arg8[%get3A_410] : memref<64xf32, #tpu.memory_space<vmem>>[vector<16xi32>], vector<16xf32>,
        %mul3A_412 = arith.mulf %gather3A_408, %gather3A_411 : vector<16xf32>
        %swap3A_413 = arith.constant 336 : index
        %swap3A_414 = tpu.vector_load %arg17[%swap3A_413] {strides = array<i32>} : memref<1024xf32, #tpu.memory_space<vmem>>, vector<16xf32>,
        tpu.vector_store %arg17[%swap3A_413], %mul3A_412 {strides = array<i32>} : memref<1024xf32, #tpu.memory_space<vmem>>, vector<16xf32>,
        %get3A_415 = arith.constant 2 : i32
        %get3A_416 = arith.constant 0 : i32
        %get3A_417 = arith.index_cast %get3A_415 : i32 to index
        %get3A_418 = arith.index_cast %get3A_416 : i32 to index
        %get3A_419 = arith.constant 96 : index
        %get3A_420 = tpu.vector_load %arg11[%get3A_417, %get3A_418, %get3A_419] {strides = array<i32>} : memref<8x2x128xi32, #tpu.memory_space<vmem>>, vector<16xi32>,
        %gather3A_421 = tpu.vector_load_idx %arg7[%get3A_420] : memref<100000xf32, #tpu.memory_space<vmem>>[vector<16xi32>], vector<16xf32>,
        %get3A_422 = arith.constant 352 : index
        %get3A_423 = tpu.vector_load %arg14[%get3A_422] {strides = array<i32>} : memref<1024xi32, #tpu.memory_space<vmem>>, vector<16xi32>,
        %gather3A_424 = tpu.vector_load_idx %arg8[%get3A_423] : memref<64xf32, #tpu.memory_space<vmem>>[vector<16xi32>], vector<16xf32>,
        %mul3A_425 = arith.mulf %gather3A_421, %gather3A_424 : vector<16xf32>
        %swap3A_426 = arith.constant 352 : index
        %swap3A_427 = tpu.vector_load %arg17[%swap3A_426] {strides = array<i32>} : memref<1024xf32, #tpu.memory_space<vmem>>, vector<16xf32>,
        tpu.vector_store %arg17[%swap3A_426], %mul3A_425 {strides = array<i32>} : memref<1024xf32, #tpu.memory_space<vmem>>, vector<16xf32>,
        %get3A_428 = arith.constant 2 : i32
        %get3A_429 = arith.constant 0 : i32
        %get3A_430 = arith.index_cast %get3A_428 : i32 to index
        %get3A_431 = arith.index_cast %get3A_429 : i32 to index
        %get3A_432 = arith.constant 112 : index
        %get3A_433 = tpu.vector_load %arg11[%get3A_430, %get3A_431, %get3A_432] {strides = array<i32>} : memref<8x2x128xi32, #tpu.memory_space<vmem>>, vector<16xi32>,
        %gather3A_434 = tpu.vector_load_idx %arg7[%get3A_433] : memref<100000xf32, #tpu.memory_space<vmem>>[vector<16xi32>], vector<16xf32>,
        %get3A_435 = arith.constant 368 : index
        %get3A_436 = tpu.vector_load %arg14[%get3A_435] {strides = array<i32>} : memref<1024xi32, #tpu.memory_space<vmem>>, vector<16xi32>,
        %gather3A_437 = tpu.vector_load_idx %arg8[%get3A_436] : memref<64xf32, #tpu.memory_space<vmem>>[vector<16xi32>], vector<16xf32>,
        %mul3A_438 = arith.mulf %gather3A_434, %gather3A_437 : vector<16xf32>
        %swap3A_439 = arith.constant 368 : index
        %swap3A_440 = tpu.vector_load %arg17[%swap3A_439] {strides = array<i32>} : memref<1024xf32, #tpu.memory_space<vmem>>, vector<16xf32>,
        tpu.vector_store %arg17[%swap3A_439], %mul3A_438 {strides = array<i32>} : memref<1024xf32, #tpu.memory_space<vmem>>, vector<16xf32>,
        %dma_start3A_441 = arith.constant 2 : i32
        %dma_start3A_442 = arith.constant 1 : i32
        %dma_start3A_443 = arith.constant 256 : i32
        %dma_start3A_444 = tpu.memref_slice %arg17[%dma_start3A_443] : memref<1024xf32, #tpu.memory_space<vmem>> -> memref<128xf32, #tpu.memory_space<vmem>>
        %dma_start3A_445 = arith.constant 0 : i32
        %dma_start3A_446 = tpu.memref_slice %arg11[%dma_start3A_441, %dma_start3A_442, %dma_start3A_445] : memref<8x2x128xi32, #tpu.memory_space<vmem>> -> memref<1x1x128xi32, #tpu.memory_space<vmem>>
        %dma_start3A_447 = tpu.memref_squeeze %dma_start3A_446 : memref<1x1x128xi32, #tpu.memory_space<vmem>> -> memref<128xi32, #tpu.memory_space<vmem>>
        %dma_start3A_448 = arith.constant 0 : i32
        %dma_start3A_449 = tpu.memref_slice %arg19[%dma_start3A_448] : memref<100352xf32, #tpu.memory_space<vmem_shared>> -> memref<100352xf32, #tpu.memory_space<vmem_shared>>
        tpu.enqueue_indirect_dma source(%dma_start3A_444 : memref<128xf32, #tpu.memory_space<vmem>>) target(%dma_start3A_449 : memref<100352xf32, #tpu.memory_space<vmem_shared>>) offsets(%dma_start3A_447 : memref<128xi32, #tpu.memory_space<vmem>>) semaphore(%arg25 : memref<!tpu.dma_semaphore, #tpu.memory_space<semaphore_mem>>) {add = true}
        %get3A_450 = arith.constant 3 : i32
        %get3A_451 = arith.constant 0 : i32
        %get3A_452 = arith.index_cast %get3A_450 : i32 to index
        %get3A_453 = arith.index_cast %get3A_451 : i32 to index
        %get3A_454 = arith.constant 0 : index
        %get3A_455 = tpu.vector_load %arg11[%get3A_452, %get3A_453, %get3A_454] {strides = array<i32>} : memref<8x2x128xi32, #tpu.memory_space<vmem>>, vector<16xi32>,
        %gather3A_456 = tpu.vector_load_idx %arg7[%get3A_455] : memref<100000xf32, #tpu.memory_space<vmem>>[vector<16xi32>], vector<16xf32>,
        %get3A_457 = arith.constant 384 : index
        %get3A_458 = tpu.vector_load %arg14[%get3A_457] {strides = array<i32>} : memref<1024xi32, #tpu.memory_space<vmem>>, vector<16xi32>,
        %gather3A_459 = tpu.vector_load_idx %arg8[%get3A_458] : memref<64xf32, #tpu.memory_space<vmem>>[vector<16xi32>], vector<16xf32>,
        %mul3A_460 = arith.mulf %gather3A_456, %gather3A_459 : vector<16xf32>
        %swap3A_461 = arith.constant 384 : index
        %swap3A_462 = tpu.vector_load %arg17[%swap3A_461] {strides = array<i32>} : memref<1024xf32, #tpu.memory_space<vmem>>, vector<16xf32>,
        tpu.vector_store %arg17[%swap3A_461], %mul3A_460 {strides = array<i32>} : memref<1024xf32, #tpu.memory_space<vmem>>, vector<16xf32>,
        %get3A_463 = arith.constant 3 : i32
        %get3A_464 = arith.constant 0 : i32
        %get3A_465 = arith.index_cast %get3A_463 : i32 to index
        %get3A_466 = arith.index_cast %get3A_464 : i32 to index
        %get3A_467 = arith.constant 16 : index
        %get3A_468 = tpu.vector_load %arg11[%get3A_465, %get3A_466, %get3A_467] {strides = array<i32>} : memref<8x2x128xi32, #tpu.memory_space<vmem>>, vector<16xi32>,
        %gather3A_469 = tpu.vector_load_idx %arg7[%get3A_468] : memref<100000xf32, #tpu.memory_space<vmem>>[vector<16xi32>], vector<16xf32>,
        %get3A_470 = arith.constant 400 : index
        %get3A_471 = tpu.vector_load %arg14[%get3A_470] {strides = array<i32>} : memref<1024xi32, #tpu.memory_space<vmem>>, vector<16xi32>,
        %gather3A_472 = tpu.vector_load_idx %arg8[%get3A_471] : memref<64xf32, #tpu.memory_space<vmem>>[vector<16xi32>], vector<16xf32>,
        %mul3A_473 = arith.mulf %gather3A_469, %gather3A_472 : vector<16xf32>
        %swap3A_474 = arith.constant 400 : index
        %swap3A_475 = tpu.vector_load %arg17[%swap3A_474] {strides = array<i32>} : memref<1024xf32, #tpu.memory_space<vmem>>, vector<16xf32>,
        tpu.vector_store %arg17[%swap3A_474], %mul3A_473 {strides = array<i32>} : memref<1024xf32, #tpu.memory_space<vmem>>, vector<16xf32>,
        %get3A_476 = arith.constant 3 : i32
        %get3A_477 = arith.constant 0 : i32
        %get3A_478 = arith.index_cast %get3A_476 : i32 to index
        %get3A_479 = arith.index_cast %get3A_477 : i32 to index
        %get3A_480 = arith.constant 32 : index
        %get3A_481 = tpu.vector_load %arg11[%get3A_478, %get3A_479, %get3A_480] {strides = array<i32>} : memref<8x2x128xi32, #tpu.memory_space<vmem>>, vector<16xi32>,
        %gather3A_482 = tpu.vector_load_idx %arg7[%get3A_481] : memref<100000xf32, #tpu.memory_space<vmem>>[vector<16xi32>], vector<16xf32>,
        %get3A_483 = arith.constant 416 : index
        %get3A_484 = tpu.vector_load %arg14[%get3A_483] {strides = array<i32>} : memref<1024xi32, #tpu.memory_space<vmem>>, vector<16xi32>,
        %gather3A_485 = tpu.vector_load_idx %arg8[%get3A_484] : memref<64xf32, #tpu.memory_space<vmem>>[vector<16xi32>], vector<16xf32>,
        %mul3A_486 = arith.mulf %gather3A_482, %gather3A_485 : vector<16xf32>
        %swap3A_487 = arith.constant 416 : index
        %swap3A_488 = tpu.vector_load %arg17[%swap3A_487] {strides = array<i32>} : memref<1024xf32, #tpu.memory_space<vmem>>, vector<16xf32>,
        tpu.vector_store %arg17[%swap3A_487], %mul3A_486 {strides = array<i32>} : memref<1024xf32, #tpu.memory_space<vmem>>, vector<16xf32>,
        %get3A_489 = arith.constant 3 : i32
        %get3A_490 = arith.constant 0 : i32
        %get3A_491 = arith.index_cast %get3A_489 : i32 to index
        %get3A_492 = arith.index_cast %get3A_490 : i32 to index
        %get3A_493 = arith.constant 48 : index
        %get3A_494 = tpu.vector_load %arg11[%get3A_491, %get3A_492, %get3A_493] {strides = array<i32>} : memref<8x2x128xi32, #tpu.memory_space<vmem>>, vector<16xi32>,
        %gather3A_495 = tpu.vector_load_idx %arg7[%get3A_494] : memref<100000xf32, #tpu.memory_space<vmem>>[vector<16xi32>], vector<16xf32>,
        %get3A_496 = arith.constant 432 : index
        %get3A_497 = tpu.vector_load %arg14[%get3A_496] {strides = array<i32>} : memref<1024xi32, #tpu.memory_space<vmem>>, vector<16xi32>,
        %gather3A_498 = tpu.vector_load_idx %arg8[%get3A_497] : memref<64xf32, #tpu.memory_space<vmem>>[vector<16xi32>], vector<16xf32>,
        %mul3A_499 = arith.mulf %gather3A_495, %gather3A_498 : vector<16xf32>
        %swap3A_500 = arith.constant 432 : index
        %swap3A_501 = tpu.vector_load %arg17[%swap3A_500] {strides = array<i32>} : memref<1024xf32, #tpu.memory_space<vmem>>, vector<16xf32>,
        tpu.vector_store %arg17[%swap3A_500], %mul3A_499 {strides = array<i32>} : memref<1024xf32, #tpu.memory_space<vmem>>, vector<16xf32>,
        %get3A_502 = arith.constant 3 : i32
        %get3A_503 = arith.constant 0 : i32
        %get3A_504 = arith.index_cast %get3A_502 : i32 to index
        %get3A_505 = arith.index_cast %get3A_503 : i32 to index
        %get3A_506 = arith.constant 64 : index
        %get3A_507 = tpu.vector_load %arg11[%get3A_504, %get3A_505, %get3A_506] {strides = array<i32>} : memref<8x2x128xi32, #tpu.memory_space<vmem>>, vector<16xi32>,
        %gather3A_508 = tpu.vector_load_idx %arg7[%get3A_507] : memref<100000xf32, #tpu.memory_space<vmem>>[vector<16xi32>], vector<16xf32>,
        %get3A_509 = arith.constant 448 : index
        %get3A_510 = tpu.vector_load %arg14[%get3A_509] {strides = array<i32>} : memref<1024xi32, #tpu.memory_space<vmem>>, vector<16xi32>,
        %gather3A_511 = tpu.vector_load_idx %arg8[%get3A_510] : memref<64xf32, #tpu.memory_space<vmem>>[vector<16xi32>], vector<16xf32>,
        %mul3A_512 = arith.mulf %gather3A_508, %gather3A_511 : vector<16xf32>
        %swap3A_513 = arith.constant 448 : index
        %swap3A_514 = tpu.vector_load %arg17[%swap3A_513] {strides = array<i32>} : memref<1024xf32, #tpu.memory_space<vmem>>, vector<16xf32>,
        tpu.vector_store %arg17[%swap3A_513], %mul3A_512 {strides = array<i32>} : memref<1024xf32, #tpu.memory_space<vmem>>, vector<16xf32>,
        %get3A_515 = arith.constant 3 : i32
        %get3A_516 = arith.constant 0 : i32
        %get3A_517 = arith.index_cast %get3A_515 : i32 to index
        %get3A_518 = arith.index_cast %get3A_516 : i32 to index
        %get3A_519 = arith.constant 80 : index
        %get3A_520 = tpu.vector_load %arg11[%get3A_517, %get3A_518, %get3A_519] {strides = array<i32>} : memref<8x2x128xi32, #tpu.memory_space<vmem>>, vector<16xi32>,
        %gather3A_521 = tpu.vector_load_idx %arg7[%get3A_520] : memref<100000xf32, #tpu.memory_space<vmem>>[vector<16xi32>], vector<16xf32>,
        %get3A_522 = arith.constant 464 : index
        %get3A_523 = tpu.vector_load %arg14[%get3A_522] {strides = array<i32>} : memref<1024xi32, #tpu.memory_space<vmem>>, vector<16xi32>,
        %gather3A_524 = tpu.vector_load_idx %arg8[%get3A_523] : memref<64xf32, #tpu.memory_space<vmem>>[vector<16xi32>], vector<16xf32>,
        %mul3A_525 = arith.mulf %gather3A_521, %gather3A_524 : vector<16xf32>
        %swap3A_526 = arith.constant 464 : index
        %swap3A_527 = tpu.vector_load %arg17[%swap3A_526] {strides = array<i32>} : memref<1024xf32, #tpu.memory_space<vmem>>, vector<16xf32>,
        tpu.vector_store %arg17[%swap3A_526], %mul3A_525 {strides = array<i32>} : memref<1024xf32, #tpu.memory_space<vmem>>, vector<16xf32>,
        %get3A_528 = arith.constant 3 : i32
        %get3A_529 = arith.constant 0 : i32
        %get3A_530 = arith.index_cast %get3A_528 : i32 to index
        %get3A_531 = arith.index_cast %get3A_529 : i32 to index
        %get3A_532 = arith.constant 96 : index
        %get3A_533 = tpu.vector_load %arg11[%get3A_530, %get3A_531, %get3A_532] {strides = array<i32>} : memref<8x2x128xi32, #tpu.memory_space<vmem>>, vector<16xi32>,
        %gather3A_534 = tpu.vector_load_idx %arg7[%get3A_533] : memref<100000xf32, #tpu.memory_space<vmem>>[vector<16xi32>], vector<16xf32>,
        %get3A_535 = arith.constant 480 : index
        %get3A_536 = tpu.vector_load %arg14[%get3A_535] {strides = array<i32>} : memref<1024xi32, #tpu.memory_space<vmem>>, vector<16xi32>,
        %gather3A_537 = tpu.vector_load_idx %arg8[%get3A_536] : memref<64xf32, #tpu.memory_space<vmem>>[vector<16xi32>], vector<16xf32>,
        %mul3A_538 = arith.mulf %gather3A_534, %gather3A_537 : vector<16xf32>
        %swap3A_539 = arith.constant 480 : index
        %swap3A_540 = tpu.vector_load %arg17[%swap3A_539] {strides = array<i32>} : memref<1024xf32, #tpu.memory_space<vmem>>, vector<16xf32>,
        tpu.vector_store %arg17[%swap3A_539], %mul3A_538 {strides = array<i32>} : memref<1024xf32, #tpu.memory_space<vmem>>, vector<16xf32>,
        %get3A_541 = arith.constant 3 : i32
        %get3A_542 = arith.constant 0 : i32
        %get3A_543 = arith.index_cast %get3A_541 : i32 to index
        %get3A_544 = arith.index_cast %get3A_542 : i32 to index
        %get3A_545 = arith.constant 112 : index
        %get3A_546 = tpu.vector_load %arg11[%get3A_543, %get3A_544, %get3A_545] {strides = array<i32>} : memref<8x2x128xi32, #tpu.memory_space<vmem>>, vector<16xi32>,
        %gather3A_547 = tpu.vector_load_idx %arg7[%get3A_546] : memref<100000xf32, #tpu.memory_space<vmem>>[vector<16xi32>], vector<16xf32>,
        %get3A_548 = arith.constant 496 : index
        %get3A_549 = tpu.vector_load %arg14[%get3A_548] {strides = array<i32>} : memref<1024xi32, #tpu.memory_space<vmem>>, vector<16xi32>,
        %gather3A_550 = tpu.vector_load_idx %arg8[%get3A_549] : memref<64xf32, #tpu.memory_space<vmem>>[vector<16xi32>], vector<16xf32>,
        %mul3A_551 = arith.mulf %gather3A_547, %gather3A_550 : vector<16xf32>
        %swap3A_552 = arith.constant 496 : index
        %swap3A_553 = tpu.vector_load %arg17[%swap3A_552] {strides = array<i32>} : memref<1024xf32, #tpu.memory_space<vmem>>, vector<16xf32>,
        tpu.vector_store %arg17[%swap3A_552], %mul3A_551 {strides = array<i32>} : memref<1024xf32, #tpu.memory_space<vmem>>, vector<16xf32>,
        %dma_start3A_554 = arith.constant 3 : i32
        %dma_start3A_555 = arith.constant 1 : i32
        %dma_start3A_556 = arith.constant 384 : i32
        %dma_start3A_557 = tpu.memref_slice %arg17[%dma_start3A_556] : memref<1024xf32, #tpu.memory_space<vmem>> -> memref<128xf32, #tpu.memory_space<vmem>>
        %dma_start3A_558 = arith.constant 0 : i32
        %dma_start3A_559 = tpu.memref_slice %arg11[%dma_start3A_554, %dma_start3A_555, %dma_start3A_558] : memref<8x2x128xi32, #tpu.memory_space<vmem>> -> memref<1x1x128xi32, #tpu.memory_space<vmem>>
        %dma_start3A_560 = tpu.memref_squeeze %dma_start3A_559 : memref<1x1x128xi32, #tpu.memory_space<vmem>> -> memref<128xi32, #tpu.memory_space<vmem>>
        %dma_start3A_561 = arith.constant 0 : i32
        %dma_start3A_562 = tpu.memref_slice %arg19[%dma_start3A_561] : memref<100352xf32, #tpu.memory_space<vmem_shared>> -> memref<100352xf32, #tpu.memory_space<vmem_shared>>
        tpu.enqueue_indirect_dma source(%dma_start3A_557 : memref<128xf32, #tpu.memory_space<vmem>>) target(%dma_start3A_562 : memref<100352xf32, #tpu.memory_space<vmem_shared>>) offsets(%dma_start3A_560 : memref<128xi32, #tpu.memory_space<vmem>>) semaphore(%arg25 : memref<!tpu.dma_semaphore, #tpu.memory_space<semaphore_mem>>) {add = true}
        %get3A_563 = arith.constant 4 : i32
        %get3A_564 = arith.constant 0 : i32
        %get3A_565 = arith.index_cast %get3A_563 : i32 to index
        %get3A_566 = arith.index_cast %get3A_564 : i32 to index
        %get3A_567 = arith.constant 0 : index
        %get3A_568 = tpu.vector_load %arg11[%get3A_565, %get3A_566, %get3A_567] {strides = array<i32>} : memref<8x2x128xi32, #tpu.memory_space<vmem>>, vector<16xi32>,
        %gather3A_569 = tpu.vector_load_idx %arg7[%get3A_568] : memref<100000xf32, #tpu.memory_space<vmem>>[vector<16xi32>], vector<16xf32>,
        %get3A_570 = arith.constant 512 : index
        %get3A_571 = tpu.vector_load %arg14[%get3A_570] {strides = array<i32>} : memref<1024xi32, #tpu.memory_space<vmem>>, vector<16xi32>,
        %gather3A_572 = tpu.vector_load_idx %arg8[%get3A_571] : memref<64xf32, #tpu.memory_space<vmem>>[vector<16xi32>], vector<16xf32>,
        %mul3A_573 = arith.mulf %gather3A_569, %gather3A_572 : vector<16xf32>
        %swap3A_574 = arith.constant 512 : index
        %swap3A_575 = tpu.vector_load %arg17[%swap3A_574] {strides = array<i32>} : memref<1024xf32, #tpu.memory_space<vmem>>, vector<16xf32>,
        tpu.vector_store %arg17[%swap3A_574], %mul3A_573 {strides = array<i32>} : memref<1024xf32, #tpu.memory_space<vmem>>, vector<16xf32>,
        %get3A_576 = arith.constant 4 : i32
        %get3A_577 = arith.constant 0 : i32
        %get3A_578 = arith.index_cast %get3A_576 : i32 to index
        %get3A_579 = arith.index_cast %get3A_577 : i32 to index
        %get3A_580 = arith.constant 16 : index
        %get3A_581 = tpu.vector_load %arg11[%get3A_578, %get3A_579, %get3A_580] {strides = array<i32>} : memref<8x2x128xi32, #tpu.memory_space<vmem>>, vector<16xi32>,
        %gather3A_582 = tpu.vector_load_idx %arg7[%get3A_581] : memref<100000xf32, #tpu.memory_space<vmem>>[vector<16xi32>], vector<16xf32>,
        %get3A_583 = arith.constant 528 : index
        %get3A_584 = tpu.vector_load %arg14[%get3A_583] {strides = array<i32>} : memref<1024xi32, #tpu.memory_space<vmem>>, vector<16xi32>,
        %gather3A_585 = tpu.vector_load_idx %arg8[%get3A_584] : memref<64xf32, #tpu.memory_space<vmem>>[vector<16xi32>], vector<16xf32>,
        %mul3A_586 = arith.mulf %gather3A_582, %gather3A_585 : vector<16xf32>
        %swap3A_587 = arith.constant 528 : index
        %swap3A_588 = tpu.vector_load %arg17[%swap3A_587] {strides = array<i32>} : memref<1024xf32, #tpu.memory_space<vmem>>, vector<16xf32>,
        tpu.vector_store %arg17[%swap3A_587], %mul3A_586 {strides = array<i32>} : memref<1024xf32, #tpu.memory_space<vmem>>, vector<16xf32>,
        %get3A_589 = arith.constant 4 : i32
        %get3A_590 = arith.constant 0 : i32
        %get3A_591 = arith.index_cast %get3A_589 : i32 to index
        %get3A_592 = arith.index_cast %get3A_590 : i32 to index
        %get3A_593 = arith.constant 32 : index
        %get3A_594 = tpu.vector_load %arg11[%get3A_591, %get3A_592, %get3A_593] {strides = array<i32>} : memref<8x2x128xi32, #tpu.memory_space<vmem>>, vector<16xi32>,
        %gather3A_595 = tpu.vector_load_idx %arg7[%get3A_594] : memref<100000xf32, #tpu.memory_space<vmem>>[vector<16xi32>], vector<16xf32>,
        %get3A_596 = arith.constant 544 : index
        %get3A_597 = tpu.vector_load %arg14[%get3A_596] {strides = array<i32>} : memref<1024xi32, #tpu.memory_space<vmem>>, vector<16xi32>,
        %gather3A_598 = tpu.vector_load_idx %arg8[%get3A_597] : memref<64xf32, #tpu.memory_space<vmem>>[vector<16xi32>], vector<16xf32>,
        %mul3A_599 = arith.mulf %gather3A_595, %gather3A_598 : vector<16xf32>
        %swap3A_600 = arith.constant 544 : index
        %swap3A_601 = tpu.vector_load %arg17[%swap3A_600] {strides = array<i32>} : memref<1024xf32, #tpu.memory_space<vmem>>, vector<16xf32>,
        tpu.vector_store %arg17[%swap3A_600], %mul3A_599 {strides = array<i32>} : memref<1024xf32, #tpu.memory_space<vmem>>, vector<16xf32>,
        %get3A_602 = arith.constant 4 : i32
        %get3A_603 = arith.constant 0 : i32
        %get3A_604 = arith.index_cast %get3A_602 : i32 to index
        %get3A_605 = arith.index_cast %get3A_603 : i32 to index
        %get3A_606 = arith.constant 48 : index
        %get3A_607 = tpu.vector_load %arg11[%get3A_604, %get3A_605, %get3A_606] {strides = array<i32>} : memref<8x2x128xi32, #tpu.memory_space<vmem>>, vector<16xi32>,
        %gather3A_608 = tpu.vector_load_idx %arg7[%get3A_607] : memref<100000xf32, #tpu.memory_space<vmem>>[vector<16xi32>], vector<16xf32>,
        %get3A_609 = arith.constant 560 : index
        %get3A_610 = tpu.vector_load %arg14[%get3A_609] {strides = array<i32>} : memref<1024xi32, #tpu.memory_space<vmem>>, vector<16xi32>,
        %gather3A_611 = tpu.vector_load_idx %arg8[%get3A_610] : memref<64xf32, #tpu.memory_space<vmem>>[vector<16xi32>], vector<16xf32>,
        %mul3A_612 = arith.mulf %gather3A_608, %gather3A_611 : vector<16xf32>
        %swap3A_613 = arith.constant 560 : index
        %swap3A_614 = tpu.vector_load %arg17[%swap3A_613] {strides = array<i32>} : memref<1024xf32, #tpu.memory_space<vmem>>, vector<16xf32>,
        tpu.vector_store %arg17[%swap3A_613], %mul3A_612 {strides = array<i32>} : memref<1024xf32, #tpu.memory_space<vmem>>, vector<16xf32>,
        %get3A_615 = arith.constant 4 : i32
        %get3A_616 = arith.constant 0 : i32
        %get3A_617 = arith.index_cast %get3A_615 : i32 to index
        %get3A_618 = arith.index_cast %get3A_616 : i32 to index
        %get3A_619 = arith.constant 64 : index
        %get3A_620 = tpu.vector_load %arg11[%get3A_617, %get3A_618, %get3A_619] {strides = array<i32>} : memref<8x2x128xi32, #tpu.memory_space<vmem>>, vector<16xi32>,
        %gather3A_621 = tpu.vector_load_idx %arg7[%get3A_620] : memref<100000xf32, #tpu.memory_space<vmem>>[vector<16xi32>], vector<16xf32>,
        %get3A_622 = arith.constant 576 : index
        %get3A_623 = tpu.vector_load %arg14[%get3A_622] {strides = array<i32>} : memref<1024xi32, #tpu.memory_space<vmem>>, vector<16xi32>,
        %gather3A_624 = tpu.vector_load_idx %arg8[%get3A_623] : memref<64xf32, #tpu.memory_space<vmem>>[vector<16xi32>], vector<16xf32>,
        %mul3A_625 = arith.mulf %gather3A_621, %gather3A_624 : vector<16xf32>
        %swap3A_626 = arith.constant 576 : index
        %swap3A_627 = tpu.vector_load %arg17[%swap3A_626] {strides = array<i32>} : memref<1024xf32, #tpu.memory_space<vmem>>, vector<16xf32>,
        tpu.vector_store %arg17[%swap3A_626], %mul3A_625 {strides = array<i32>} : memref<1024xf32, #tpu.memory_space<vmem>>, vector<16xf32>,
        %get3A_628 = arith.constant 4 : i32
        %get3A_629 = arith.constant 0 : i32
        %get3A_630 = arith.index_cast %get3A_628 : i32 to index
        %get3A_631 = arith.index_cast %get3A_629 : i32 to index
        %get3A_632 = arith.constant 80 : index
        %get3A_633 = tpu.vector_load %arg11[%get3A_630, %get3A_631, %get3A_632] {strides = array<i32>} : memref<8x2x128xi32, #tpu.memory_space<vmem>>, vector<16xi32>,
        %gather3A_634 = tpu.vector_load_idx %arg7[%get3A_633] : memref<100000xf32, #tpu.memory_space<vmem>>[vector<16xi32>], vector<16xf32>,
        %get3A_635 = arith.constant 592 : index
        %get3A_636 = tpu.vector_load %arg14[%get3A_635] {strides = array<i32>} : memref<1024xi32, #tpu.memory_space<vmem>>, vector<16xi32>,
        %gather3A_637 = tpu.vector_load_idx %arg8[%get3A_636] : memref<64xf32, #tpu.memory_space<vmem>>[vector<16xi32>], vector<16xf32>,
        %mul3A_638 = arith.mulf %gather3A_634, %gather3A_637 : vector<16xf32>
        %swap3A_639 = arith.constant 592 : index
        %swap3A_640 = tpu.vector_load %arg17[%swap3A_639] {strides = array<i32>} : memref<1024xf32, #tpu.memory_space<vmem>>, vector<16xf32>,
        tpu.vector_store %arg17[%swap3A_639], %mul3A_638 {strides = array<i32>} : memref<1024xf32, #tpu.memory_space<vmem>>, vector<16xf32>,
        %get3A_641 = arith.constant 4 : i32
        %get3A_642 = arith.constant 0 : i32
        %get3A_643 = arith.index_cast %get3A_641 : i32 to index
        %get3A_644 = arith.index_cast %get3A_642 : i32 to index
        %get3A_645 = arith.constant 96 : index
        %get3A_646 = tpu.vector_load %arg11[%get3A_643, %get3A_644, %get3A_645] {strides = array<i32>} : memref<8x2x128xi32, #tpu.memory_space<vmem>>, vector<16xi32>,
        %gather3A_647 = tpu.vector_load_idx %arg7[%get3A_646] : memref<100000xf32, #tpu.memory_space<vmem>>[vector<16xi32>], vector<16xf32>,
        %get3A_648 = arith.constant 608 : index
        %get3A_649 = tpu.vector_load %arg14[%get3A_648] {strides = array<i32>} : memref<1024xi32, #tpu.memory_space<vmem>>, vector<16xi32>,
        %gather3A_650 = tpu.vector_load_idx %arg8[%get3A_649] : memref<64xf32, #tpu.memory_space<vmem>>[vector<16xi32>], vector<16xf32>,
        %mul3A_651 = arith.mulf %gather3A_647, %gather3A_650 : vector<16xf32>
        %swap3A_652 = arith.constant 608 : index
        %swap3A_653 = tpu.vector_load %arg17[%swap3A_652] {strides = array<i32>} : memref<1024xf32, #tpu.memory_space<vmem>>, vector<16xf32>,
        tpu.vector_store %arg17[%swap3A_652], %mul3A_651 {strides = array<i32>} : memref<1024xf32, #tpu.memory_space<vmem>>, vector<16xf32>,
        %get3A_654 = arith.constant 4 : i32
        %get3A_655 = arith.constant 0 : i32
        %get3A_656 = arith.index_cast %get3A_654 : i32 to index
        %get3A_657 = arith.index_cast %get3A_655 : i32 to index
        %get3A_658 = arith.constant 112 : index
        %get3A_659 = tpu.vector_load %arg11[%get3A_656, %get3A_657, %get3A_658] {strides = array<i32>} : memref<8x2x128xi32, #tpu.memory_space<vmem>>, vector<16xi32>,
        %gather3A_660 = tpu.vector_load_idx %arg7[%get3A_659] : memref<100000xf32, #tpu.memory_space<vmem>>[vector<16xi32>], vector<16xf32>,
        %get3A_661 = arith.constant 624 : index
        %get3A_662 = tpu.vector_load %arg14[%get3A_661] {strides = array<i32>} : memref<1024xi32, #tpu.memory_space<vmem>>, vector<16xi32>,
        %gather3A_663 = tpu.vector_load_idx %arg8[%get3A_662] : memref<64xf32, #tpu.memory_space<vmem>>[vector<16xi32>], vector<16xf32>,
        %mul3A_664 = arith.mulf %gather3A_660, %gather3A_663 : vector<16xf32>
        %swap3A_665 = arith.constant 624 : index
        %swap3A_666 = tpu.vector_load %arg17[%swap3A_665] {strides = array<i32>} : memref<1024xf32, #tpu.memory_space<vmem>>, vector<16xf32>,
        tpu.vector_store %arg17[%swap3A_665], %mul3A_664 {strides = array<i32>} : memref<1024xf32, #tpu.memory_space<vmem>>, vector<16xf32>,
        %dma_start3A_667 = arith.constant 4 : i32
        %dma_start3A_668 = arith.constant 1 : i32
        %dma_start3A_669 = arith.constant 512 : i32
        %dma_start3A_670 = tpu.memref_slice %arg17[%dma_start3A_669] : memref<1024xf32, #tpu.memory_space<vmem>> -> memref<128xf32, #tpu.memory_space<vmem>>
        %dma_start3A_671 = arith.constant 0 : i32
        %dma_start3A_672 = tpu.memref_slice %arg11[%dma_start3A_667, %dma_start3A_668, %dma_start3A_671] : memref<8x2x128xi32, #tpu.memory_space<vmem>> -> memref<1x1x128xi32, #tpu.memory_space<vmem>>
        %dma_start3A_673 = tpu.memref_squeeze %dma_start3A_672 : memref<1x1x128xi32, #tpu.memory_space<vmem>> -> memref<128xi32, #tpu.memory_space<vmem>>
        %dma_start3A_674 = arith.constant 0 : i32
        %dma_start3A_675 = tpu.memref_slice %arg19[%dma_start3A_674] : memref<100352xf32, #tpu.memory_space<vmem_shared>> -> memref<100352xf32, #tpu.memory_space<vmem_shared>>
        tpu.enqueue_indirect_dma source(%dma_start3A_670 : memref<128xf32, #tpu.memory_space<vmem>>) target(%dma_start3A_675 : memref<100352xf32, #tpu.memory_space<vmem_shared>>) offsets(%dma_start3A_673 : memref<128xi32, #tpu.memory_space<vmem>>) semaphore(%arg25 : memref<!tpu.dma_semaphore, #tpu.memory_space<semaphore_mem>>) {add = true}
        %get3A_676 = arith.constant 5 : i32
        %get3A_677 = arith.constant 0 : i32
        %get3A_678 = arith.index_cast %get3A_676 : i32 to index
        %get3A_679 = arith.index_cast %get3A_677 : i32 to index
        %get3A_680 = arith.constant 0 : index
        %get3A_681 = tpu.vector_load %arg11[%get3A_678, %get3A_679, %get3A_680] {strides = array<i32>} : memref<8x2x128xi32, #tpu.memory_space<vmem>>, vector<16xi32>,
        %gather3A_682 = tpu.vector_load_idx %arg7[%get3A_681] : memref<100000xf32, #tpu.memory_space<vmem>>[vector<16xi32>], vector<16xf32>,
        %get3A_683 = arith.constant 640 : index
        %get3A_684 = tpu.vector_load %arg14[%get3A_683] {strides = array<i32>} : memref<1024xi32, #tpu.memory_space<vmem>>, vector<16xi32>,
        %gather3A_685 = tpu.vector_load_idx %arg8[%get3A_684] : memref<64xf32, #tpu.memory_space<vmem>>[vector<16xi32>], vector<16xf32>,
        %mul3A_686 = arith.mulf %gather3A_682, %gather3A_685 : vector<16xf32>
        %swap3A_687 = arith.constant 640 : index
        %swap3A_688 = tpu.vector_load %arg17[%swap3A_687] {strides = array<i32>} : memref<1024xf32, #tpu.memory_space<vmem>>, vector<16xf32>,
        tpu.vector_store %arg17[%swap3A_687], %mul3A_686 {strides = array<i32>} : memref<1024xf32, #tpu.memory_space<vmem>>, vector<16xf32>,
        %get3A_689 = arith.constant 5 : i32
        %get3A_690 = arith.constant 0 : i32
        %get3A_691 = arith.index_cast %get3A_689 : i32 to index
        %get3A_692 = arith.index_cast %get3A_690 : i32 to index
        %get3A_693 = arith.constant 16 : index
        %get3A_694 = tpu.vector_load %arg11[%get3A_691, %get3A_692, %get3A_693] {strides = array<i32>} : memref<8x2x128xi32, #tpu.memory_space<vmem>>, vector<16xi32>,
        %gather3A_695 = tpu.vector_load_idx %arg7[%get3A_694] : memref<100000xf32, #tpu.memory_space<vmem>>[vector<16xi32>], vector<16xf32>,
        %get3A_696 = arith.constant 656 : index
        %get3A_697 = tpu.vector_load %arg14[%get3A_696] {strides = array<i32>} : memref<1024xi32, #tpu.memory_space<vmem>>, vector<16xi32>,
        %gather3A_698 = tpu.vector_load_idx %arg8[%get3A_697] : memref<64xf32, #tpu.memory_space<vmem>>[vector<16xi32>], vector<16xf32>,
        %mul3A_699 = arith.mulf %gather3A_695, %gather3A_698 : vector<16xf32>
        %swap3A_700 = arith.constant 656 : index
        %swap3A_701 = tpu.vector_load %arg17[%swap3A_700] {strides = array<i32>} : memref<1024xf32, #tpu.memory_space<vmem>>, vector<16xf32>,
        tpu.vector_store %arg17[%swap3A_700], %mul3A_699 {strides = array<i32>} : memref<1024xf32, #tpu.memory_space<vmem>>, vector<16xf32>,
        %get3A_702 = arith.constant 5 : i32
        %get3A_703 = arith.constant 0 : i32
        %get3A_704 = arith.index_cast %get3A_702 : i32 to index
        %get3A_705 = arith.index_cast %get3A_703 : i32 to index
        %get3A_706 = arith.constant 32 : index
        %get3A_707 = tpu.vector_load %arg11[%get3A_704, %get3A_705, %get3A_706] {strides = array<i32>} : memref<8x2x128xi32, #tpu.memory_space<vmem>>, vector<16xi32>,
        %gather3A_708 = tpu.vector_load_idx %arg7[%get3A_707] : memref<100000xf32, #tpu.memory_space<vmem>>[vector<16xi32>], vector<16xf32>,
        %get3A_709 = arith.constant 672 : index
        %get3A_710 = tpu.vector_load %arg14[%get3A_709] {strides = array<i32>} : memref<1024xi32, #tpu.memory_space<vmem>>, vector<16xi32>,
        %gather3A_711 = tpu.vector_load_idx %arg8[%get3A_710] : memref<64xf32, #tpu.memory_space<vmem>>[vector<16xi32>], vector<16xf32>,
        %mul3A_712 = arith.mulf %gather3A_708, %gather3A_711 : vector<16xf32>
        %swap3A_713 = arith.constant 672 : index
        %swap3A_714 = tpu.vector_load %arg17[%swap3A_713] {strides = array<i32>} : memref<1024xf32, #tpu.memory_space<vmem>>, vector<16xf32>,
        tpu.vector_store %arg17[%swap3A_713], %mul3A_712 {strides = array<i32>} : memref<1024xf32, #tpu.memory_space<vmem>>, vector<16xf32>,
        %get3A_715 = arith.constant 5 : i32
        %get3A_716 = arith.constant 0 : i32
        %get3A_717 = arith.index_cast %get3A_715 : i32 to index
        %get3A_718 = arith.index_cast %get3A_716 : i32 to index
        %get3A_719 = arith.constant 48 : index
        %get3A_720 = tpu.vector_load %arg11[%get3A_717, %get3A_718, %get3A_719] {strides = array<i32>} : memref<8x2x128xi32, #tpu.memory_space<vmem>>, vector<16xi32>,
        %gather3A_721 = tpu.vector_load_idx %arg7[%get3A_720] : memref<100000xf32, #tpu.memory_space<vmem>>[vector<16xi32>], vector<16xf32>,
        %get3A_722 = arith.constant 688 : index
        %get3A_723 = tpu.vector_load %arg14[%get3A_722] {strides = array<i32>} : memref<1024xi32, #tpu.memory_space<vmem>>, vector<16xi32>,
        %gather3A_724 = tpu.vector_load_idx %arg8[%get3A_723] : memref<64xf32, #tpu.memory_space<vmem>>[vector<16xi32>], vector<16xf32>,
        %mul3A_725 = arith.mulf %gather3A_721, %gather3A_724 : vector<16xf32>
        %swap3A_726 = arith.constant 688 : index
        %swap3A_727 = tpu.vector_load %arg17[%swap3A_726] {strides = array<i32>} : memref<1024xf32, #tpu.memory_space<vmem>>, vector<16xf32>,
        tpu.vector_store %arg17[%swap3A_726], %mul3A_725 {strides = array<i32>} : memref<1024xf32, #tpu.memory_space<vmem>>, vector<16xf32>,
        %get3A_728 = arith.constant 5 : i32
        %get3A_729 = arith.constant 0 : i32
        %get3A_730 = arith.index_cast %get3A_728 : i32 to index
        %get3A_731 = arith.index_cast %get3A_729 : i32 to index
        %get3A_732 = arith.constant 64 : index
        %get3A_733 = tpu.vector_load %arg11[%get3A_730, %get3A_731, %get3A_732] {strides = array<i32>} : memref<8x2x128xi32, #tpu.memory_space<vmem>>, vector<16xi32>,
        %gather3A_734 = tpu.vector_load_idx %arg7[%get3A_733] : memref<100000xf32, #tpu.memory_space<vmem>>[vector<16xi32>], vector<16xf32>,
        %get3A_735 = arith.constant 704 : index
        %get3A_736 = tpu.vector_load %arg14[%get3A_735] {strides = array<i32>} : memref<1024xi32, #tpu.memory_space<vmem>>, vector<16xi32>,
        %gather3A_737 = tpu.vector_load_idx %arg8[%get3A_736] : memref<64xf32, #tpu.memory_space<vmem>>[vector<16xi32>], vector<16xf32>,
        %mul3A_738 = arith.mulf %gather3A_734, %gather3A_737 : vector<16xf32>
        %swap3A_739 = arith.constant 704 : index
        %swap3A_740 = tpu.vector_load %arg17[%swap3A_739] {strides = array<i32>} : memref<1024xf32, #tpu.memory_space<vmem>>, vector<16xf32>,
        tpu.vector_store %arg17[%swap3A_739], %mul3A_738 {strides = array<i32>} : memref<1024xf32, #tpu.memory_space<vmem>>, vector<16xf32>,
        %get3A_741 = arith.constant 5 : i32
        %get3A_742 = arith.constant 0 : i32
        %get3A_743 = arith.index_cast %get3A_741 : i32 to index
        %get3A_744 = arith.index_cast %get3A_742 : i32 to index
        %get3A_745 = arith.constant 80 : index
        %get3A_746 = tpu.vector_load %arg11[%get3A_743, %get3A_744, %get3A_745] {strides = array<i32>} : memref<8x2x128xi32, #tpu.memory_space<vmem>>, vector<16xi32>,
        %gather3A_747 = tpu.vector_load_idx %arg7[%get3A_746] : memref<100000xf32, #tpu.memory_space<vmem>>[vector<16xi32>], vector<16xf32>,
        %get3A_748 = arith.constant 720 : index
        %get3A_749 = tpu.vector_load %arg14[%get3A_748] {strides = array<i32>} : memref<1024xi32, #tpu.memory_space<vmem>>, vector<16xi32>,
        %gather3A_750 = tpu.vector_load_idx %arg8[%get3A_749] : memref<64xf32, #tpu.memory_space<vmem>>[vector<16xi32>], vector<16xf32>,
        %mul3A_751 = arith.mulf %gather3A_747, %gather3A_750 : vector<16xf32>
        %swap3A_752 = arith.constant 720 : index
        %swap3A_753 = tpu.vector_load %arg17[%swap3A_752] {strides = array<i32>} : memref<1024xf32, #tpu.memory_space<vmem>>, vector<16xf32>,
        tpu.vector_store %arg17[%swap3A_752], %mul3A_751 {strides = array<i32>} : memref<1024xf32, #tpu.memory_space<vmem>>, vector<16xf32>,
        %get3A_754 = arith.constant 5 : i32
        %get3A_755 = arith.constant 0 : i32
        %get3A_756 = arith.index_cast %get3A_754 : i32 to index
        %get3A_757 = arith.index_cast %get3A_755 : i32 to index
        %get3A_758 = arith.constant 96 : index
        %get3A_759 = tpu.vector_load %arg11[%get3A_756, %get3A_757, %get3A_758] {strides = array<i32>} : memref<8x2x128xi32, #tpu.memory_space<vmem>>, vector<16xi32>,
        %gather3A_760 = tpu.vector_load_idx %arg7[%get3A_759] : memref<100000xf32, #tpu.memory_space<vmem>>[vector<16xi32>], vector<16xf32>,
        %get3A_761 = arith.constant 736 : index
        %get3A_762 = tpu.vector_load %arg14[%get3A_761] {strides = array<i32>} : memref<1024xi32, #tpu.memory_space<vmem>>, vector<16xi32>,
        %gather3A_763 = tpu.vector_load_idx %arg8[%get3A_762] : memref<64xf32, #tpu.memory_space<vmem>>[vector<16xi32>], vector<16xf32>,
        %mul3A_764 = arith.mulf %gather3A_760, %gather3A_763 : vector<16xf32>
        %swap3A_765 = arith.constant 736 : index
        %swap3A_766 = tpu.vector_load %arg17[%swap3A_765] {strides = array<i32>} : memref<1024xf32, #tpu.memory_space<vmem>>, vector<16xf32>,
        tpu.vector_store %arg17[%swap3A_765], %mul3A_764 {strides = array<i32>} : memref<1024xf32, #tpu.memory_space<vmem>>, vector<16xf32>,
        %get3A_767 = arith.constant 5 : i32
        %get3A_768 = arith.constant 0 : i32
        %get3A_769 = arith.index_cast %get3A_767 : i32 to index
        %get3A_770 = arith.index_cast %get3A_768 : i32 to index
        %get3A_771 = arith.constant 112 : index
        %get3A_772 = tpu.vector_load %arg11[%get3A_769, %get3A_770, %get3A_771] {strides = array<i32>} : memref<8x2x128xi32, #tpu.memory_space<vmem>>, vector<16xi32>,
        %gather3A_773 = tpu.vector_load_idx %arg7[%get3A_772] : memref<100000xf32, #tpu.memory_space<vmem>>[vector<16xi32>], vector<16xf32>,
        %get3A_774 = arith.constant 752 : index
        %get3A_775 = tpu.vector_load %arg14[%get3A_774] {strides = array<i32>} : memref<1024xi32, #tpu.memory_space<vmem>>, vector<16xi32>,
        %gather3A_776 = tpu.vector_load_idx %arg8[%get3A_775] : memref<64xf32, #tpu.memory_space<vmem>>[vector<16xi32>], vector<16xf32>,
        %mul3A_777 = arith.mulf %gather3A_773, %gather3A_776 : vector<16xf32>
        %swap3A_778 = arith.constant 752 : index
        %swap3A_779 = tpu.vector_load %arg17[%swap3A_778] {strides = array<i32>} : memref<1024xf32, #tpu.memory_space<vmem>>, vector<16xf32>,
        tpu.vector_store %arg17[%swap3A_778], %mul3A_777 {strides = array<i32>} : memref<1024xf32, #tpu.memory_space<vmem>>, vector<16xf32>,
        %dma_start3A_780 = arith.constant 5 : i32
        %dma_start3A_781 = arith.constant 1 : i32
        %dma_start3A_782 = arith.constant 640 : i32
        %dma_start3A_783 = tpu.memref_slice %arg17[%dma_start3A_782] : memref<1024xf32, #tpu.memory_space<vmem>> -> memref<128xf32, #tpu.memory_space<vmem>>
        %dma_start3A_784 = arith.constant 0 : i32
        %dma_start3A_785 = tpu.memref_slice %arg11[%dma_start3A_780, %dma_start3A_781, %dma_start3A_784] : memref<8x2x128xi32, #tpu.memory_space<vmem>> -> memref<1x1x128xi32, #tpu.memory_space<vmem>>
        %dma_start3A_786 = tpu.memref_squeeze %dma_start3A_785 : memref<1x1x128xi32, #tpu.memory_space<vmem>> -> memref<128xi32, #tpu.memory_space<vmem>>
        %dma_start3A_787 = arith.constant 0 : i32
        %dma_start3A_788 = tpu.memref_slice %arg19[%dma_start3A_787] : memref<100352xf32, #tpu.memory_space<vmem_shared>> -> memref<100352xf32, #tpu.memory_space<vmem_shared>>
        tpu.enqueue_indirect_dma source(%dma_start3A_783 : memref<128xf32, #tpu.memory_space<vmem>>) target(%dma_start3A_788 : memref<100352xf32, #tpu.memory_space<vmem_shared>>) offsets(%dma_start3A_786 : memref<128xi32, #tpu.memory_space<vmem>>) semaphore(%arg25 : memref<!tpu.dma_semaphore, #tpu.memory_space<semaphore_mem>>) {add = true}
        %get3A_789 = arith.constant 6 : i32
        %get3A_790 = arith.constant 0 : i32
        %get3A_791 = arith.index_cast %get3A_789 : i32 to index
        %get3A_792 = arith.index_cast %get3A_790 : i32 to index
        %get3A_793 = arith.constant 0 : index
        %get3A_794 = tpu.vector_load %arg11[%get3A_791, %get3A_792, %get3A_793] {strides = array<i32>} : memref<8x2x128xi32, #tpu.memory_space<vmem>>, vector<16xi32>,
        %gather3A_795 = tpu.vector_load_idx %arg7[%get3A_794] : memref<100000xf32, #tpu.memory_space<vmem>>[vector<16xi32>], vector<16xf32>,
        %get3A_796 = arith.constant 768 : index
        %get3A_797 = tpu.vector_load %arg14[%get3A_796] {strides = array<i32>} : memref<1024xi32, #tpu.memory_space<vmem>>, vector<16xi32>,
        %gather3A_798 = tpu.vector_load_idx %arg8[%get3A_797] : memref<64xf32, #tpu.memory_space<vmem>>[vector<16xi32>], vector<16xf32>,
        %mul3A_799 = arith.mulf %gather3A_795, %gather3A_798 : vector<16xf32>
        %swap3A_800 = arith.constant 768 : index
        %swap3A_801 = tpu.vector_load %arg17[%swap3A_800] {strides = array<i32>} : memref<1024xf32, #tpu.memory_space<vmem>>, vector<16xf32>,
        tpu.vector_store %arg17[%swap3A_800], %mul3A_799 {strides = array<i32>} : memref<1024xf32, #tpu.memory_space<vmem>>, vector<16xf32>,
        %get3A_802 = arith.constant 6 : i32
        %get3A_803 = arith.constant 0 : i32
        %get3A_804 = arith.index_cast %get3A_802 : i32 to index
        %get3A_805 = arith.index_cast %get3A_803 : i32 to index
        %get3A_806 = arith.constant 16 : index
        %get3A_807 = tpu.vector_load %arg11[%get3A_804, %get3A_805, %get3A_806] {strides = array<i32>} : memref<8x2x128xi32, #tpu.memory_space<vmem>>, vector<16xi32>,
        %gather3A_808 = tpu.vector_load_idx %arg7[%get3A_807] : memref<100000xf32, #tpu.memory_space<vmem>>[vector<16xi32>], vector<16xf32>,
        %get3A_809 = arith.constant 784 : index
        %get3A_810 = tpu.vector_load %arg14[%get3A_809] {strides = array<i32>} : memref<1024xi32, #tpu.memory_space<vmem>>, vector<16xi32>,
        %gather3A_811 = tpu.vector_load_idx %arg8[%get3A_810] : memref<64xf32, #tpu.memory_space<vmem>>[vector<16xi32>], vector<16xf32>,
        %mul3A_812 = arith.mulf %gather3A_808, %gather3A_811 : vector<16xf32>
        %swap3A_813 = arith.constant 784 : index
        %swap3A_814 = tpu.vector_load %arg17[%swap3A_813] {strides = array<i32>} : memref<1024xf32, #tpu.memory_space<vmem>>, vector<16xf32>,
        tpu.vector_store %arg17[%swap3A_813], %mul3A_812 {strides = array<i32>} : memref<1024xf32, #tpu.memory_space<vmem>>, vector<16xf32>,
        %get3A_815 = arith.constant 6 : i32
        %get3A_816 = arith.constant 0 : i32
        %get3A_817 = arith.index_cast %get3A_815 : i32 to index
        %get3A_818 = arith.index_cast %get3A_816 : i32 to index
        %get3A_819 = arith.constant 32 : index
        %get3A_820 = tpu.vector_load %arg11[%get3A_817, %get3A_818, %get3A_819] {strides = array<i32>} : memref<8x2x128xi32, #tpu.memory_space<vmem>>, vector<16xi32>,
        %gather3A_821 = tpu.vector_load_idx %arg7[%get3A_820] : memref<100000xf32, #tpu.memory_space<vmem>>[vector<16xi32>], vector<16xf32>,
        %get3A_822 = arith.constant 800 : index
        %get3A_823 = tpu.vector_load %arg14[%get3A_822] {strides = array<i32>} : memref<1024xi32, #tpu.memory_space<vmem>>, vector<16xi32>,
        %gather3A_824 = tpu.vector_load_idx %arg8[%get3A_823] : memref<64xf32, #tpu.memory_space<vmem>>[vector<16xi32>], vector<16xf32>,
        %mul3A_825 = arith.mulf %gather3A_821, %gather3A_824 : vector<16xf32>
        %swap3A_826 = arith.constant 800 : index
        %swap3A_827 = tpu.vector_load %arg17[%swap3A_826] {strides = array<i32>} : memref<1024xf32, #tpu.memory_space<vmem>>, vector<16xf32>,
        tpu.vector_store %arg17[%swap3A_826], %mul3A_825 {strides = array<i32>} : memref<1024xf32, #tpu.memory_space<vmem>>, vector<16xf32>,
        %get3A_828 = arith.constant 6 : i32
        %get3A_829 = arith.constant 0 : i32
        %get3A_830 = arith.index_cast %get3A_828 : i32 to index
        %get3A_831 = arith.index_cast %get3A_829 : i32 to index
        %get3A_832 = arith.constant 48 : index
        %get3A_833 = tpu.vector_load %arg11[%get3A_830, %get3A_831, %get3A_832] {strides = array<i32>} : memref<8x2x128xi32, #tpu.memory_space<vmem>>, vector<16xi32>,
        %gather3A_834 = tpu.vector_load_idx %arg7[%get3A_833] : memref<100000xf32, #tpu.memory_space<vmem>>[vector<16xi32>], vector<16xf32>,
        %get3A_835 = arith.constant 816 : index
        %get3A_836 = tpu.vector_load %arg14[%get3A_835] {strides = array<i32>} : memref<1024xi32, #tpu.memory_space<vmem>>, vector<16xi32>,
        %gather3A_837 = tpu.vector_load_idx %arg8[%get3A_836] : memref<64xf32, #tpu.memory_space<vmem>>[vector<16xi32>], vector<16xf32>,
        %mul3A_838 = arith.mulf %gather3A_834, %gather3A_837 : vector<16xf32>
        %swap3A_839 = arith.constant 816 : index
        %swap3A_840 = tpu.vector_load %arg17[%swap3A_839] {strides = array<i32>} : memref<1024xf32, #tpu.memory_space<vmem>>, vector<16xf32>,
        tpu.vector_store %arg17[%swap3A_839], %mul3A_838 {strides = array<i32>} : memref<1024xf32, #tpu.memory_space<vmem>>, vector<16xf32>,
        %get3A_841 = arith.constant 6 : i32
        %get3A_842 = arith.constant 0 : i32
        %get3A_843 = arith.index_cast %get3A_841 : i32 to index
        %get3A_844 = arith.index_cast %get3A_842 : i32 to index
        %get3A_845 = arith.constant 64 : index
        %get3A_846 = tpu.vector_load %arg11[%get3A_843, %get3A_844, %get3A_845] {strides = array<i32>} : memref<8x2x128xi32, #tpu.memory_space<vmem>>, vector<16xi32>,
        %gather3A_847 = tpu.vector_load_idx %arg7[%get3A_846] : memref<100000xf32, #tpu.memory_space<vmem>>[vector<16xi32>], vector<16xf32>,
        %get3A_848 = arith.constant 832 : index
        %get3A_849 = tpu.vector_load %arg14[%get3A_848] {strides = array<i32>} : memref<1024xi32, #tpu.memory_space<vmem>>, vector<16xi32>,
        %gather3A_850 = tpu.vector_load_idx %arg8[%get3A_849] : memref<64xf32, #tpu.memory_space<vmem>>[vector<16xi32>], vector<16xf32>,
        %mul3A_851 = arith.mulf %gather3A_847, %gather3A_850 : vector<16xf32>
        %swap3A_852 = arith.constant 832 : index
        %swap3A_853 = tpu.vector_load %arg17[%swap3A_852] {strides = array<i32>} : memref<1024xf32, #tpu.memory_space<vmem>>, vector<16xf32>,
        tpu.vector_store %arg17[%swap3A_852], %mul3A_851 {strides = array<i32>} : memref<1024xf32, #tpu.memory_space<vmem>>, vector<16xf32>,
        %get3A_854 = arith.constant 6 : i32
        %get3A_855 = arith.constant 0 : i32
        %get3A_856 = arith.index_cast %get3A_854 : i32 to index
        %get3A_857 = arith.index_cast %get3A_855 : i32 to index
        %get3A_858 = arith.constant 80 : index
        %get3A_859 = tpu.vector_load %arg11[%get3A_856, %get3A_857, %get3A_858] {strides = array<i32>} : memref<8x2x128xi32, #tpu.memory_space<vmem>>, vector<16xi32>,
        %gather3A_860 = tpu.vector_load_idx %arg7[%get3A_859] : memref<100000xf32, #tpu.memory_space<vmem>>[vector<16xi32>], vector<16xf32>,
        %get3A_861 = arith.constant 848 : index
        %get3A_862 = tpu.vector_load %arg14[%get3A_861] {strides = array<i32>} : memref<1024xi32, #tpu.memory_space<vmem>>, vector<16xi32>,
        %gather3A_863 = tpu.vector_load_idx %arg8[%get3A_862] : memref<64xf32, #tpu.memory_space<vmem>>[vector<16xi32>], vector<16xf32>,
        %mul3A_864 = arith.mulf %gather3A_860, %gather3A_863 : vector<16xf32>
        %swap3A_865 = arith.constant 848 : index
        %swap3A_866 = tpu.vector_load %arg17[%swap3A_865] {strides = array<i32>} : memref<1024xf32, #tpu.memory_space<vmem>>, vector<16xf32>,
        tpu.vector_store %arg17[%swap3A_865], %mul3A_864 {strides = array<i32>} : memref<1024xf32, #tpu.memory_space<vmem>>, vector<16xf32>,
        %get3A_867 = arith.constant 6 : i32
        %get3A_868 = arith.constant 0 : i32
        %get3A_869 = arith.index_cast %get3A_867 : i32 to index
        %get3A_870 = arith.index_cast %get3A_868 : i32 to index
        %get3A_871 = arith.constant 96 : index
        %get3A_872 = tpu.vector_load %arg11[%get3A_869, %get3A_870, %get3A_871] {strides = array<i32>} : memref<8x2x128xi32, #tpu.memory_space<vmem>>, vector<16xi32>,
        %gather3A_873 = tpu.vector_load_idx %arg7[%get3A_872] : memref<100000xf32, #tpu.memory_space<vmem>>[vector<16xi32>], vector<16xf32>,
        %get3A_874 = arith.constant 864 : index
        %get3A_875 = tpu.vector_load %arg14[%get3A_874] {strides = array<i32>} : memref<1024xi32, #tpu.memory_space<vmem>>, vector<16xi32>,
        %gather3A_876 = tpu.vector_load_idx %arg8[%get3A_875] : memref<64xf32, #tpu.memory_space<vmem>>[vector<16xi32>], vector<16xf32>,
        %mul3A_877 = arith.mulf %gather3A_873, %gather3A_876 : vector<16xf32>
        %swap3A_878 = arith.constant 864 : index
        %swap3A_879 = tpu.vector_load %arg17[%swap3A_878] {strides = array<i32>} : memref<1024xf32, #tpu.memory_space<vmem>>, vector<16xf32>,
        tpu.vector_store %arg17[%swap3A_878], %mul3A_877 {strides = array<i32>} : memref<1024xf32, #tpu.memory_space<vmem>>, vector<16xf32>,
        %get3A_880 = arith.constant 6 : i32
        %get3A_881 = arith.constant 0 : i32
        %get3A_882 = arith.index_cast %get3A_880 : i32 to index
        %get3A_883 = arith.index_cast %get3A_881 : i32 to index
        %get3A_884 = arith.constant 112 : index
        %get3A_885 = tpu.vector_load %arg11[%get3A_882, %get3A_883, %get3A_884] {strides = array<i32>} : memref<8x2x128xi32, #tpu.memory_space<vmem>>, vector<16xi32>,
        %gather3A_886 = tpu.vector_load_idx %arg7[%get3A_885] : memref<100000xf32, #tpu.memory_space<vmem>>[vector<16xi32>], vector<16xf32>,
        %get3A_887 = arith.constant 880 : index
        %get3A_888 = tpu.vector_load %arg14[%get3A_887] {strides = array<i32>} : memref<1024xi32, #tpu.memory_space<vmem>>, vector<16xi32>,
        %gather3A_889 = tpu.vector_load_idx %arg8[%get3A_888] : memref<64xf32, #tpu.memory_space<vmem>>[vector<16xi32>], vector<16xf32>,
        %mul3A_890 = arith.mulf %gather3A_886, %gather3A_889 : vector<16xf32>
        %swap3A_891 = arith.constant 880 : index
        %swap3A_892 = tpu.vector_load %arg17[%swap3A_891] {strides = array<i32>} : memref<1024xf32, #tpu.memory_space<vmem>>, vector<16xf32>,
        tpu.vector_store %arg17[%swap3A_891], %mul3A_890 {strides = array<i32>} : memref<1024xf32, #tpu.memory_space<vmem>>, vector<16xf32>,
        %dma_start3A_893 = arith.constant 6 : i32
        %dma_start3A_894 = arith.constant 1 : i32
        %dma_start3A_895 = arith.constant 768 : i32
        %dma_start3A_896 = tpu.memref_slice %arg17[%dma_start3A_895] : memref<1024xf32, #tpu.memory_space<vmem>> -> memref<128xf32, #tpu.memory_space<vmem>>
        %dma_start3A_897 = arith.constant 0 : i32
        %dma_start3A_898 = tpu.memref_slice %arg11[%dma_start3A_893, %dma_start3A_894, %dma_start3A_897] : memref<8x2x128xi32, #tpu.memory_space<vmem>> -> memref<1x1x128xi32, #tpu.memory_space<vmem>>
        %dma_start3A_899 = tpu.memref_squeeze %dma_start3A_898 : memref<1x1x128xi32, #tpu.memory_space<vmem>> -> memref<128xi32, #tpu.memory_space<vmem>>
        %dma_start3A_900 = arith.constant 0 : i32
        %dma_start3A_901 = tpu.memref_slice %arg19[%dma_start3A_900] : memref<100352xf32, #tpu.memory_space<vmem_shared>> -> memref<100352xf32, #tpu.memory_space<vmem_shared>>
        tpu.enqueue_indirect_dma source(%dma_start3A_896 : memref<128xf32, #tpu.memory_space<vmem>>) target(%dma_start3A_901 : memref<100352xf32, #tpu.memory_space<vmem_shared>>) offsets(%dma_start3A_899 : memref<128xi32, #tpu.memory_space<vmem>>) semaphore(%arg25 : memref<!tpu.dma_semaphore, #tpu.memory_space<semaphore_mem>>) {add = true}
        %get3A_902 = arith.constant 7 : i32
        %get3A_903 = arith.constant 0 : i32
        %get3A_904 = arith.index_cast %get3A_902 : i32 to index
        %get3A_905 = arith.index_cast %get3A_903 : i32 to index
        %get3A_906 = arith.constant 0 : index
        %get3A_907 = tpu.vector_load %arg11[%get3A_904, %get3A_905, %get3A_906] {strides = array<i32>} : memref<8x2x128xi32, #tpu.memory_space<vmem>>, vector<16xi32>,
        %gather3A_908 = tpu.vector_load_idx %arg7[%get3A_907] : memref<100000xf32, #tpu.memory_space<vmem>>[vector<16xi32>], vector<16xf32>,
        %get3A_909 = arith.constant 896 : index
        %get3A_910 = tpu.vector_load %arg14[%get3A_909] {strides = array<i32>} : memref<1024xi32, #tpu.memory_space<vmem>>, vector<16xi32>,
        %gather3A_911 = tpu.vector_load_idx %arg8[%get3A_910] : memref<64xf32, #tpu.memory_space<vmem>>[vector<16xi32>], vector<16xf32>,
        %mul3A_912 = arith.mulf %gather3A_908, %gather3A_911 : vector<16xf32>
        %swap3A_913 = arith.constant 896 : index
        %swap3A_914 = tpu.vector_load %arg17[%swap3A_913] {strides = array<i32>} : memref<1024xf32, #tpu.memory_space<vmem>>, vector<16xf32>,
        tpu.vector_store %arg17[%swap3A_913], %mul3A_912 {strides = array<i32>} : memref<1024xf32, #tpu.memory_space<vmem>>, vector<16xf32>,
        %get3A_915 = arith.constant 7 : i32
        %get3A_916 = arith.constant 0 : i32
        %get3A_917 = arith.index_cast %get3A_915 : i32 to index
        %get3A_918 = arith.index_cast %get3A_916 : i32 to index
        %get3A_919 = arith.constant 16 : index
        %get3A_920 = tpu.vector_load %arg11[%get3A_917, %get3A_918, %get3A_919] {strides = array<i32>} : memref<8x2x128xi32, #tpu.memory_space<vmem>>, vector<16xi32>,
        %gather3A_921 = tpu.vector_load_idx %arg7[%get3A_920] : memref<100000xf32, #tpu.memory_space<vmem>>[vector<16xi32>], vector<16xf32>,
        %get3A_922 = arith.constant 912 : index
        %get3A_923 = tpu.vector_load %arg14[%get3A_922] {strides = array<i32>} : memref<1024xi32, #tpu.memory_space<vmem>>, vector<16xi32>,
        %gather3A_924 = tpu.vector_load_idx %arg8[%get3A_923] : memref<64xf32, #tpu.memory_space<vmem>>[vector<16xi32>], vector<16xf32>,
        %mul3A_925 = arith.mulf %gather3A_921, %gather3A_924 : vector<16xf32>
        %swap3A_926 = arith.constant 912 : index
        %swap3A_927 = tpu.vector_load %arg17[%swap3A_926] {strides = array<i32>} : memref<1024xf32, #tpu.memory_space<vmem>>, vector<16xf32>,
        tpu.vector_store %arg17[%swap3A_926], %mul3A_925 {strides = array<i32>} : memref<1024xf32, #tpu.memory_space<vmem>>, vector<16xf32>,
        %get3A_928 = arith.constant 7 : i32
        %get3A_929 = arith.constant 0 : i32
        %get3A_930 = arith.index_cast %get3A_928 : i32 to index
        %get3A_931 = arith.index_cast %get3A_929 : i32 to index
        %get3A_932 = arith.constant 32 : index
        %get3A_933 = tpu.vector_load %arg11[%get3A_930, %get3A_931, %get3A_932] {strides = array<i32>} : memref<8x2x128xi32, #tpu.memory_space<vmem>>, vector<16xi32>,
        %gather3A_934 = tpu.vector_load_idx %arg7[%get3A_933] : memref<100000xf32, #tpu.memory_space<vmem>>[vector<16xi32>], vector<16xf32>,
        %get3A_935 = arith.constant 928 : index
        %get3A_936 = tpu.vector_load %arg14[%get3A_935] {strides = array<i32>} : memref<1024xi32, #tpu.memory_space<vmem>>, vector<16xi32>,
        %gather3A_937 = tpu.vector_load_idx %arg8[%get3A_936] : memref<64xf32, #tpu.memory_space<vmem>>[vector<16xi32>], vector<16xf32>,
        %mul3A_938 = arith.mulf %gather3A_934, %gather3A_937 : vector<16xf32>
        %swap3A_939 = arith.constant 928 : index
        %swap3A_940 = tpu.vector_load %arg17[%swap3A_939] {strides = array<i32>} : memref<1024xf32, #tpu.memory_space<vmem>>, vector<16xf32>,
        tpu.vector_store %arg17[%swap3A_939], %mul3A_938 {strides = array<i32>} : memref<1024xf32, #tpu.memory_space<vmem>>, vector<16xf32>,
        %get3A_941 = arith.constant 7 : i32
        %get3A_942 = arith.constant 0 : i32
        %get3A_943 = arith.index_cast %get3A_941 : i32 to index
        %get3A_944 = arith.index_cast %get3A_942 : i32 to index
        %get3A_945 = arith.constant 48 : index
        %get3A_946 = tpu.vector_load %arg11[%get3A_943, %get3A_944, %get3A_945] {strides = array<i32>} : memref<8x2x128xi32, #tpu.memory_space<vmem>>, vector<16xi32>,
        %gather3A_947 = tpu.vector_load_idx %arg7[%get3A_946] : memref<100000xf32, #tpu.memory_space<vmem>>[vector<16xi32>], vector<16xf32>,
        %get3A_948 = arith.constant 944 : index
        %get3A_949 = tpu.vector_load %arg14[%get3A_948] {strides = array<i32>} : memref<1024xi32, #tpu.memory_space<vmem>>, vector<16xi32>,
        %gather3A_950 = tpu.vector_load_idx %arg8[%get3A_949] : memref<64xf32, #tpu.memory_space<vmem>>[vector<16xi32>], vector<16xf32>,
        %mul3A_951 = arith.mulf %gather3A_947, %gather3A_950 : vector<16xf32>
        %swap3A_952 = arith.constant 944 : index
        %swap3A_953 = tpu.vector_load %arg17[%swap3A_952] {strides = array<i32>} : memref<1024xf32, #tpu.memory_space<vmem>>, vector<16xf32>,
        tpu.vector_store %arg17[%swap3A_952], %mul3A_951 {strides = array<i32>} : memref<1024xf32, #tpu.memory_space<vmem>>, vector<16xf32>,
        %get3A_954 = arith.constant 7 : i32
        %get3A_955 = arith.constant 0 : i32
        %get3A_956 = arith.index_cast %get3A_954 : i32 to index
        %get3A_957 = arith.index_cast %get3A_955 : i32 to index
        %get3A_958 = arith.constant 64 : index
        %get3A_959 = tpu.vector_load %arg11[%get3A_956, %get3A_957, %get3A_958] {strides = array<i32>} : memref<8x2x128xi32, #tpu.memory_space<vmem>>, vector<16xi32>,
        %gather3A_960 = tpu.vector_load_idx %arg7[%get3A_959] : memref<100000xf32, #tpu.memory_space<vmem>>[vector<16xi32>], vector<16xf32>,
        %get3A_961 = arith.constant 960 : index
        %get3A_962 = tpu.vector_load %arg14[%get3A_961] {strides = array<i32>} : memref<1024xi32, #tpu.memory_space<vmem>>, vector<16xi32>,
        %gather3A_963 = tpu.vector_load_idx %arg8[%get3A_962] : memref<64xf32, #tpu.memory_space<vmem>>[vector<16xi32>], vector<16xf32>,
        %mul3A_964 = arith.mulf %gather3A_960, %gather3A_963 : vector<16xf32>
        %swap3A_965 = arith.constant 960 : index
        %swap3A_966 = tpu.vector_load %arg17[%swap3A_965] {strides = array<i32>} : memref<1024xf32, #tpu.memory_space<vmem>>, vector<16xf32>,
        tpu.vector_store %arg17[%swap3A_965], %mul3A_964 {strides = array<i32>} : memref<1024xf32, #tpu.memory_space<vmem>>, vector<16xf32>,
        %get3A_967 = arith.constant 7 : i32
        %get3A_968 = arith.constant 0 : i32
        %get3A_969 = arith.index_cast %get3A_967 : i32 to index
        %get3A_970 = arith.index_cast %get3A_968 : i32 to index
        %get3A_971 = arith.constant 80 : index
        %get3A_972 = tpu.vector_load %arg11[%get3A_969, %get3A_970, %get3A_971] {strides = array<i32>} : memref<8x2x128xi32, #tpu.memory_space<vmem>>, vector<16xi32>,
        %gather3A_973 = tpu.vector_load_idx %arg7[%get3A_972] : memref<100000xf32, #tpu.memory_space<vmem>>[vector<16xi32>], vector<16xf32>,
        %get3A_974 = arith.constant 976 : index
        %get3A_975 = tpu.vector_load %arg14[%get3A_974] {strides = array<i32>} : memref<1024xi32, #tpu.memory_space<vmem>>, vector<16xi32>,
        %gather3A_976 = tpu.vector_load_idx %arg8[%get3A_975] : memref<64xf32, #tpu.memory_space<vmem>>[vector<16xi32>], vector<16xf32>,
        %mul3A_977 = arith.mulf %gather3A_973, %gather3A_976 : vector<16xf32>
        %swap3A_978 = arith.constant 976 : index
        %swap3A_979 = tpu.vector_load %arg17[%swap3A_978] {strides = array<i32>} : memref<1024xf32, #tpu.memory_space<vmem>>, vector<16xf32>,
        tpu.vector_store %arg17[%swap3A_978], %mul3A_977 {strides = array<i32>} : memref<1024xf32, #tpu.memory_space<vmem>>, vector<16xf32>,
        %get3A_980 = arith.constant 7 : i32
        %get3A_981 = arith.constant 0 : i32
        %get3A_982 = arith.index_cast %get3A_980 : i32 to index
        %get3A_983 = arith.index_cast %get3A_981 : i32 to index
        %get3A_984 = arith.constant 96 : index
        %get3A_985 = tpu.vector_load %arg11[%get3A_982, %get3A_983, %get3A_984] {strides = array<i32>} : memref<8x2x128xi32, #tpu.memory_space<vmem>>, vector<16xi32>,
        %gather3A_986 = tpu.vector_load_idx %arg7[%get3A_985] : memref<100000xf32, #tpu.memory_space<vmem>>[vector<16xi32>], vector<16xf32>,
        %get3A_987 = arith.constant 992 : index
        %get3A_988 = tpu.vector_load %arg14[%get3A_987] {strides = array<i32>} : memref<1024xi32, #tpu.memory_space<vmem>>, vector<16xi32>,
        %gather3A_989 = tpu.vector_load_idx %arg8[%get3A_988] : memref<64xf32, #tpu.memory_space<vmem>>[vector<16xi32>], vector<16xf32>,
        %mul3A_990 = arith.mulf %gather3A_986, %gather3A_989 : vector<16xf32>
        %swap3A_991 = arith.constant 992 : index
        %swap3A_992 = tpu.vector_load %arg17[%swap3A_991] {strides = array<i32>} : memref<1024xf32, #tpu.memory_space<vmem>>, vector<16xf32>,
        tpu.vector_store %arg17[%swap3A_991], %mul3A_990 {strides = array<i32>} : memref<1024xf32, #tpu.memory_space<vmem>>, vector<16xf32>,
        %get3A_993 = arith.constant 7 : i32
        %get3A_994 = arith.constant 0 : i32
        %get3A_995 = arith.index_cast %get3A_993 : i32 to index
        %get3A_996 = arith.index_cast %get3A_994 : i32 to index
        %get3A_997 = arith.constant 112 : index
        %get3A_998 = tpu.vector_load %arg11[%get3A_995, %get3A_996, %get3A_997] {strides = array<i32>} : memref<8x2x128xi32, #tpu.memory_space<vmem>>, vector<16xi32>,
        %gather3A_999 = tpu.vector_load_idx %arg7[%get3A_998] : memref<100000xf32, #tpu.memory_space<vmem>>[vector<16xi32>], vector<16xf32>,
        %get3A_1000 = arith.constant 1008 : index
        %get3A_1001 = tpu.vector_load %arg14[%get3A_1000] {strides = array<i32>} : memref<1024xi32, #tpu.memory_space<vmem>>, vector<16xi32>,
        %gather3A_1002 = tpu.vector_load_idx %arg8[%get3A_1001] : memref<64xf32, #tpu.memory_space<vmem>>[vector<16xi32>], vector<16xf32>,
        %mul3A_1003 = arith.mulf %gather3A_999, %gather3A_1002 : vector<16xf32>
        %swap3A_1004 = arith.constant 1008 : index
        %swap3A_1005 = tpu.vector_load %arg17[%swap3A_1004] {strides = array<i32>} : memref<1024xf32, #tpu.memory_space<vmem>>, vector<16xf32>,
        tpu.vector_store %arg17[%swap3A_1004], %mul3A_1003 {strides = array<i32>} : memref<1024xf32, #tpu.memory_space<vmem>>, vector<16xf32>,
        %dma_start3A_1006 = arith.constant 7 : i32
        %dma_start3A_1007 = arith.constant 1 : i32
        %dma_start3A_1008 = arith.constant 896 : i32
        %dma_start3A_1009 = tpu.memref_slice %arg17[%dma_start3A_1008] : memref<1024xf32, #tpu.memory_space<vmem>> -> memref<128xf32, #tpu.memory_space<vmem>>
        %dma_start3A_1010 = arith.constant 0 : i32
        %dma_start3A_1011 = tpu.memref_slice %arg11[%dma_start3A_1006, %dma_start3A_1007, %dma_start3A_1010] : memref<8x2x128xi32, #tpu.memory_space<vmem>> -> memref<1x1x128xi32, #tpu.memory_space<vmem>>
        %dma_start3A_1012 = tpu.memref_squeeze %dma_start3A_1011 : memref<1x1x128xi32, #tpu.memory_space<vmem>> -> memref<128xi32, #tpu.memory_space<vmem>>
        %dma_start3A_1013 = arith.constant 0 : i32
        %dma_start3A_1014 = tpu.memref_slice %arg19[%dma_start3A_1013] : memref<100352xf32, #tpu.memory_space<vmem_shared>> -> memref<100352xf32, #tpu.memory_space<vmem_shared>>
        tpu.enqueue_indirect_dma source(%dma_start3A_1009 : memref<128xf32, #tpu.memory_space<vmem>>) target(%dma_start3A_1014 : memref<100352xf32, #tpu.memory_space<vmem_shared>>) offsets(%dma_start3A_1012 : memref<128xi32, #tpu.memory_space<vmem>>) semaphore(%arg25 : memref<!tpu.dma_semaphore, #tpu.memory_space<semaphore_mem>>) {add = true}
      } else {
      }
    }
    %scan3A_33 = arith.constant 66 : i32
    %barrier3A_34 = arith.constant 0 : index
    tpu.barrier barrier_id(%barrier3A_34)
    %mul3A_35 = arith.constant 6272 : i32
    %mul3A_36 = arith.muli %arg1, %mul3A_35 : i32
    "tpu.region"() ({
      %run_scoped3A = tpu.sem_alloc : memref<!tpu.dma_semaphore, #tpu.memory_space<semaphore_mem>>
      %dma_start3A_39 = tpu.memref_slice %arg19[%mul3A_36] : memref<100352xf32, #tpu.memory_space<vmem_shared>> -> memref<6272xf32, #tpu.memory_space<vmem_shared>>
      %dma_start3A_40 = tpu.memref_slice %arg19[%mul3A_36] : memref<100352xf32, #tpu.memory_space<vmem_shared>> -> memref<6272xf32, #tpu.memory_space<vmem_shared>>
      tpu.enqueue_dma source(%dma_start3A_40 : memref<6272xf32, #tpu.memory_space<vmem_shared>>) target(%arg18 : memref<6272xf32, #tpu.memory_space<vmem>>) target_semaphore(%run_scoped3A : memref<!tpu.dma_semaphore, #tpu.memory_space<semaphore_mem>>)
      %dma_wait3A = tpu.memref_slice %arg19[%mul3A_36] : memref<100352xf32, #tpu.memory_space<vmem_shared>> -> memref<6272xf32, #tpu.memory_space<vmem_shared>>
      %dma_wait3A_41 = tpu.memref_slice %arg19[%mul3A_36] : memref<100352xf32, #tpu.memory_space<vmem_shared>> -> memref<6272xf32, #tpu.memory_space<vmem_shared>>
      tpu.wait_dma2 semaphore(%run_scoped3A : memref<!tpu.dma_semaphore, #tpu.memory_space<semaphore_mem>>) src(%dma_wait3A_41 : memref<6272xf32, #tpu.memory_space<vmem_shared>>) dst(%arg18 : memref<6272xf32, #tpu.memory_space<vmem>>)
      tpu.yield
    }) : () -> ()
    %mul3A_37 = arith.constant 6272 : i32
    %mul3A_38 = arith.muli %arg1, %mul3A_37 : i32
    "tpu.region"() ({
      %run_scoped3A = tpu.sem_alloc : memref<!tpu.dma_semaphore, #tpu.memory_space<semaphore_mem>>
      %dma_start3A_39 = tpu.memref_slice %arg6[%arg0, %mul3A_38] : memref<2x100352xf32, #tpu.memory_space<hbm>> -> memref<1x6272xf32, #tpu.memory_space<hbm>>
      %dma_start3A_40 = tpu.memref_squeeze %dma_start3A_39 : memref<1x6272xf32, #tpu.memory_space<hbm>> -> memref<6272xf32, #tpu.memory_space<hbm>>
      %dma_start3A_41 = tpu.memref_slice %arg6[%arg0, %mul3A_38] : memref<2x100352xf32, #tpu.memory_space<hbm>> -> memref<1x6272xf32, #tpu.memory_space<hbm>>
      %dma_start3A_42 = tpu.memref_squeeze %dma_start3A_41 : memref<1x6272xf32, #tpu.memory_space<hbm>> -> memref<6272xf32, #tpu.memory_space<hbm>>
      tpu.enqueue_dma source(%arg18 : memref<6272xf32, #tpu.memory_space<vmem>>) target(%dma_start3A_42 : memref<6272xf32, #tpu.memory_space<hbm>>) target_semaphore(%run_scoped3A : memref<!tpu.dma_semaphore, #tpu.memory_space<semaphore_mem>>)
      %dma_wait3A = tpu.memref_slice %arg6[%arg0, %mul3A_38] : memref<2x100352xf32, #tpu.memory_space<hbm>> -> memref<1x6272xf32, #tpu.memory_space<hbm>>
      %dma_wait3A_43 = tpu.memref_squeeze %dma_wait3A : memref<1x6272xf32, #tpu.memory_space<hbm>> -> memref<6272xf32, #tpu.memory_space<hbm>>
      %dma_wait3A_44 = tpu.memref_slice %arg6[%arg0, %mul3A_38] : memref<2x100352xf32, #tpu.memory_space<hbm>> -> memref<1x6272xf32, #tpu.memory_space<hbm>>
      %dma_wait3A_45 = tpu.memref_squeeze %dma_wait3A_44 : memref<1x6272xf32, #tpu.memory_space<hbm>> -> memref<6272xf32, #tpu.memory_space<hbm>>
      tpu.wait_dma2 semaphore(%run_scoped3A : memref<!tpu.dma_semaphore, #tpu.memory_space<semaphore_mem>>) src(%arg18 : memref<6272xf32, #tpu.memory_space<vmem>>) dst(%dma_wait3A_45 : memref<6272xf32, #tpu.memory_space<hbm>>)
      tpu.yield
    }) : () -> ()
    return
  }
}

module attributes {stable_mosaic.version = 14 : i64} {
  func.func @body(%arg0: memref<784x128xf32, #tpu.memory_space<vmem>>, %arg1: memref<2x784x128xf32, #tpu.memory_space<vmem>>, %arg2: memref<784x128xf32, #tpu.memory_space<vmem>>) attributes {dimension_semantics = [], scalar_prefetch = 0 : i64, scratch_operands = 0 : i64, tpu.core_type = #tpu.core_type<tc>} {
    %get3A = arith.constant 0 : index
    %get3A_0 = arith.constant 0 : index
    %get3A_1 = arith.constant 0 : index
    %get3A_2 = vector.load %arg1[%get3A, %get3A_0, %get3A_1] : memref<2x784x128xf32, #tpu.memory_space<vmem>>, vector<1x784x128xf32>
    %get3A_3 = vector.shape_cast %get3A_2 : vector<1x784x128xf32> to vector<784x128xf32>
    %get3A_4 = arith.constant 1 : index
    %get3A_5 = arith.constant 0 : index
    %get3A_6 = arith.constant 0 : index
    %get3A_7 = vector.load %arg1[%get3A_4, %get3A_5, %get3A_6] : memref<2x784x128xf32, #tpu.memory_space<vmem>>, vector<1x784x128xf32>
    %get3A_8 = vector.shape_cast %get3A_7 : vector<1x784x128xf32> to vector<784x128xf32>
    %add3A = arith.addf %get3A_3, %get3A_8 : vector<784x128xf32>
    %get3A_9 = arith.constant 0 : index
    %get3A_10 = arith.constant 0 : index
    %get3A_11 = vector.load %arg0[%get3A_9, %get3A_10] : memref<784x128xf32, #tpu.memory_space<vmem>>, vector<784x128xf32>
    %neg3A = arith.constant 0.000000e+00 : f32
    %neg3A_12 = vector.broadcast %neg3A : f32 to vector<784x128xf32>
    %neg3A_13 = arith.subf %neg3A_12, %add3A : vector<784x128xf32>
    %exp3A = math.exp %neg3A_13 : vector<784x128xf32>
    %add3A_14 = arith.constant 1.000000e+00 : f32
    %add3A_15 = vector.broadcast %add3A_14 : f32 to vector<784x128xf32>
    %add3A_16 = arith.addf %add3A_15, %exp3A : vector<784x128xf32>
    %div3A = arith.constant 1.000000e+00 : f32
    %div3A_17 = vector.broadcast %div3A : f32 to vector<784x128xf32>
    %div3A_18 = arith.divf %div3A_17, %add3A_16 : vector<784x128xf32>
    %add3A_19 = arith.addf %get3A_11, %div3A_18 : vector<784x128xf32>
    %swap3A = arith.constant 0 : index
    %swap3A_20 = arith.constant 0 : index
    %swap3A_21 = vector.load %arg2[%swap3A, %swap3A_20] : memref<784x128xf32, #tpu.memory_space<vmem>>, vector<784x128xf32>
    tpu.vector_store %arg2[%swap3A, %swap3A_20], %add3A_19 {strides = array<i32>} : memref<784x128xf32, #tpu.memory_space<vmem>>, vector<784x128xf32>,
    return
  }
}

</mosaic_0001>

<sc_bundles>
// kernel: kernel.4.cloned.1.call-start
scs
__scs_entry_jumppad:
0x0: {  	(pc) =	sbr.rel $0x88, $3  }
0x1: {  	(tag) =	ssettag $0x0;
	lr =	simm.s32 $0x1  }
0x2: {  	[smem:$0x3F9D] =	sst lr;
	_ =	strace $0xD0000000  }
0x3: {  	_ = 	snop  }
0x4: {  	_ = 	snop  }
0x5: {  	_ = 	snop  }
0x6: {  	_ = 	snop  }
0x7: {  	_ = 	snop  }
__scs_overlays_trampoline_lowered:
0x8: {  	[smem:$0x3FAC] =	sst s0  }
0x9: {  	[smem:$0x3FAD] =	sst s1  }
0xa: {  	[smem:$0x3FAE] =	sst s2  }
0xb: {  	[smem:$0x3FAF] =	sst s3  }
0xc: {  	[smem:$0x3FB0] =	sst s4  }
0xd: {  	[smem:$0x3FB1] =	sst s5  }
0xe: {  	[smem:$0x3FB2] =	sst s6  }
0xf: {  	[smem:$0x3FB3] =	sst s7  }
0x10: {  	[smem:$0x3FB4] =	sst s8  }
0x11: {  	[smem:$0x3FB5] =	sst s9;
	s0 =	simm.s32 @!p0 $0x0  }
0x12: {  	s1 =	sld [smem:$0x3F9B];
	s0 =	simm.s32 @p0 $0x1  }
0x13: {  	[smem:$0x3FB6] =	sst s0;
	s0 =	simm.s32 @!p1 $0x0  }
0x14: {  	s2 =	sld [smem:$0x3F9A];
	s0 =	simm.s32 @p1 $0x1  }
0x15: {  	[smem:$0x3FB7] =	sst s0;
	s0 =	simm.s32 @!p2 $0x0  }
0x16: {  	s3 =	sld [smem:$0x3FDB];
	s0 =	simm.s32 @p2 $0x1  }
0x17: {  	s4 =	simm.s32 $0x1BF5;
	[smem:$0x3FB9] =	sst s0  }
0x18: {  	s0 =	sld [smem:$0x3F9C];
	_ =	swait.ge [sflag:s4], $0x0  }
0x19: {  	s7 =	sld [smem:$0x3F9D]  }
0x1a: {  	s8 =	sadd.s32 $0xFFFFE003, lr  }
0x1b: {  	s9 =	sadd.s32 $0xFFFFFEF7, lr;
	s5 =	simm.s32 $0xFFFFFFFF;
	p2 =	slt.u32 s8, $0xFFFFF086  }
0x1c: {  	p1 =	slt.u32 s9, $0xF7A;
	s5 =	simm.s32 @!p2 $0x0  }
0x1d: {  	s5 =	simm.s32 @p1 $0x1;
	p0 =	seq.s32 s7, s2  }
0x1e: {  	s7 =	smul.u32 @!p0 $0xF7A, s2;
	p2 =	seq.s32 @!p0 s5, $0x0  }
0x1f: {  	s9 =	smul.u32 $0xF7A, s1;
	s8 =	simm.s32 @!p0 $0x1BF5;
	p2 =	por !p2, p0  }
0x20: {  	[sflag:s8] =	ssyncset.s32 @!p0 $0xFFFFF086;
	s6 =	sadd.s32 @!p0 s3, s7;
	s7 =	simm.s32 @!p0 $0x108  }
0x21: {  	s3 =	sadd.s32 s3, s9;
	s6 =	sadd.s32 @!p0 $0x88, s6;
	s7 =	simm.s32 @p2 $0x1082  }
0x22: {  	[simem:s7], [sflag:s8] =	dma.local @!p0 [hbm:s6], $0xF7A  }
0x23: {  	s9 =	sor.u32 $0xD0000000, s2;
	s6 =	simm.s32 $0x108;
	_ =	swait.ge @!p0 [sflag:s8], $0x0  }
0x24: {  	s3 =	sadd.s32 $0x88, s3;
	s6 =	simm.s32 @!p1 $0x1082;
	[sflag:s4] =	ssyncset.s32 $0xFFFFF086  }
0x25: {  	[simem:s6], [sflag:s4] =	dma.local [hbm:s3], $0xF7A  }
0x26: {  	[smem:$0x3F9D] =	sst s1;
	(tag) =	ssettag s2;
	_ =	strace s9  }
0x27: {  	s1 =	sld [smem:$0x3FAD]  }
0x28: {  	s2 =	sld [smem:$0x3FAE]  }
0x29: {  	s4 =	sld [smem:$0x3FB0]  }
0x2a: {  	p0 =	seq.s32 s5, $0x0;
	s5 =	sld [smem:$0x3FB1]  }
0x2b: {  	s6 =	sld [smem:$0x3FB2]  }
0x2c: {  	s7 =	sld [smem:$0x3FB3]  }
0x2d: {  	s3 =	simm.s32 $0x108;
	s8 =	sld [smem:$0x3FB4]  }
0x2e: {  	s3 =	simm.s32 @!p0 $0x1082;
	s9 =	sld [smem:$0x3FB5]  }
0x2f: {  	lr =	sadd.s32 s0, s3;
	s0 =	sld [smem:$0x3FAC]  }
0x30: {  	s3 =	sld [smem:$0x3FAF]  }
0x31: {  	[smem:$0x3FB8] =	sst s10  }
0x32: {  	s10 =	sld [smem:$0x3FB6];
	_ =	sdelay $0x3  }
0x33: {  	p0 =	seq.s32 s10, $0x1;
	s10 =	sld [smem:$0x3FB8];
	_ =	sdelay $0x3  }
0x34: {  	[smem:$0x3FB8] =	sst s10  }
0x35: {  	s10 =	sld [smem:$0x3FB7];
	_ =	sdelay $0x3  }
0x36: {  	p1 =	seq.s32 s10, $0x1;
	s10 =	sld [smem:$0x3FB8];
	_ =	sdelay $0x3  }
0x37: {  	[smem:$0x3FB8] =	sst s10  }
0x38: {  	s10 =	sld [smem:$0x3FB9]  }
0x39: {  	_ = 	snop;
	(pc) =	sbr.ind lr, $3  }
0x3a: {  	_ = 	snop  }
0x3b: {  	_ = 	snop  }
0x3c: {  	p2 =	seq.s32 s10, $0x1;
	s10 =	sld [smem:$0x3FB8]  }
0x3d: {  	_ =	shalt  }
0x3e: {  	_ =	shalt  }
0x3f: {  	_ =	shalt  }
0x40: {  	_ =	shalt  }
0x41: {  	_ =	shalt  }
0x42: {  	_ =	shalt  }
0x43: {  	_ =	shalt  }
0x44: {  	_ =	shalt  }
0x45: {  	_ =	shalt  }
0x46: {  	_ =	shalt  }
0x47: {  	_ =	shalt  }
0x48: {  	_ =	shalt  }
0x49: {  	_ =	shalt  }
0x4a: {  	_ =	shalt  }
0x4b: {  	_ =	shalt  }
0x4c: {  	_ =	shalt  }
0x4d: {  	_ =	shalt  }
0x4e: {  	_ =	shalt  }
0x4f: {  	_ =	shalt  }
0x50: {  	_ =	shalt  }
0x51: {  	_ =	shalt  }
0x52: {  	_ =	shalt  }
0x53: {  	_ =	shalt  }
0x54: {  	_ =	shalt  }
0x55: {  	_ =	shalt  }
0x56: {  	_ =	shalt  }
0x57: {  	_ =	shalt  }
0x58: {  	_ =	shalt  }
0x59: {  	_ =	shalt  }
0x5a: {  	_ =	shalt  }
0x5b: {  	_ =	shalt  }
0x5c: {  	_ =	shalt  }
0x5d: {  	_ =	shalt  }
0x5e: {  	_ =	shalt  }
0x5f: {  	_ =	shalt  }
0x60: {  	_ =	shalt  }
0x61: {  	_ =	shalt  }
0x62: {  	_ =	shalt  }
0x63: {  	_ =	shalt  }
0x64: {  	_ =	shalt  }
0x65: {  	_ =	shalt  }
0x66: {  	_ =	shalt  }
0x67: {  	_ =	shalt  }
0x68: {  	_ =	shalt  }
0x69: {  	_ =	shalt  }
0x6a: {  	_ =	shalt  }
0x6b: {  	_ =	shalt  }
0x6c: {  	_ =	shalt  }
0x6d: {  	_ =	shalt  }
0x6e: {  	_ =	shalt  }
0x6f: {  	_ =	shalt  }
0x70: {  	_ =	shalt  }
0x71: {  	_ =	shalt  }
0x72: {  	_ =	shalt  }
0x73: {  	_ =	shalt  }
0x74: {  	_ =	shalt  }
0x75: {  	_ =	shalt  }
0x76: {  	_ =	shalt  }
0x77: {  	_ =	shalt  }
0x78: {  	_ =	shalt  }
0x79: {  	_ =	shalt  }
0x7a: {  	_ =	shalt  }
0x7b: {  	_ =	shalt  }
0x7c: {  	_ =	shalt  }
0x7d: {  	_ =	shalt  }
0x7e: {  	_ =	shalt  }
0x7f: {  	_ =	shalt  }
0x80: {  	_ =	shalt  }
0x81: {  	_ =	shalt  }
0x82: {  	_ =	shalt  }
0x83: {  	_ =	shalt  }
0x84: {  	_ =	shalt  }
0x85: {  	_ =	shalt  }
0x86: {  	_ =	shalt  }
0x87: {  	_ =	shalt  }
.Lfunc_end0:
.L_simem_size_0:
called_computation_lowered:
.L_overlay_start_0:
0x88: {  	s2 =	sld [smem:$0x3FD9]  }
0x89: {  	s3 =	sld [smem:$0x3FFE];
	_ =	sdelay $0x1  }
0x8a: {  	s1 =	srdreg.scid  }
0x8b: {  	s0 =	sand.u32 $0x1, s1  }
0x8c: {  	s17 =	sshll.u32 s0, $0xA;
	s2 =	sadd.s32 s3, s2  }
0x8d: {  	s2 =	sadd.s32 s2, s17  }
0x8e: {  	[smem:$0x3FC4] =	sst s2  }
0x8f: {  	_ = 	snop  }
0x90: {  	s2 =	sld [smem:$0x3FC8]  }
0x91: {  	s18 =	sld [smem:$0x3FC7]  }
0x92: {  	s4 =	sld [smem:$0x3FC6];
	(tm) =	ssettm $0x1  }
0x93: {  	s5 =	sld [smem:$0x3FFB];
	_ =	sdelay $0x3  }
0x94: {  	_ =	strace s5  }
0x95: {  	s5 =	sld [smem:$0x3FFC];
	_ =	sdelay $0x3  }
0x96: {  	_ =	strace s5  }
0x97: {  	s5 =	sld [smem:$0x3FFD];
	_ =	sdelay $0x3  }
0x98: {  	_ =	strace s5  }
0x99: {  	_ =	strace $0x8FFFFFFF  }
0x9a: {  	s19 =	sld [smem:$0x3FDB];
	_ =	sdelay $0x1  }
0x9b: {  	s6 =	simm.s32 $_scs_section_size  }
0x9c: {  	s7 =	simm.s32 $_size__tile_overlayer_lowered;
	s8 =	simm.s32 $_tile_overlayer_lowered  }
0x9d: {  	s22 =	simm.s32 $0x1BFF;
	s21 =	sshll.u32 s8, $0x1;
	s5 =	sadd.s32 s6, s19  }
0x9e: {  	s9 =	simm.s32 $0x0;
	s20 =	sshll.u32 s7, $0x1;
	s7 =	sadd.s32 s21, s5  }
0x9f: {  	[timem:s9], [sflag:s22] =	dma.local [hbm:s7], s20  }
0xa0: {  	_ =	swait.ge [sflag:s22], s20  }
0xa1: {  	s6 =	ssub.s32 $0x0, s20;
	[sflag:s22] =	ssyncset.done $0x0  }
0xa2: {  	[sflag:s22] =	ssyncadd.s32 s6;
	_ =	sdelay $0x1  }
0xa3: {  	s23 =	simm.s32 $0x1B8B  }
0xa4: {  	_ =	swait.ge [sflag:s23], $0x1  }
0xa5: {  	[sflag:s23] =	ssyncset.done $0x0  }
0xa6: {  	s25 =	simm.s32 $0x1B8E;
	s24 =	sld [smem:$0x3FFE];
	[sflag:s23] =	ssyncadd.s32 $0xFFFFFFFF  }
0xa7: {  	s26 =	simm.s32 $execute0_lowered;
	[smem:$0x3FD2] =	sst s25  }
0xa8: {  	s7 =	sshll.u32 s26, $0x1;
	_ =	strace $0x80000046;
	[dreg:$0x1] =	wrdreg $0xFFFFFFFF  }
0xa9: {  	s28 =	simm.s32 $_size_execute0_lowered;
	s5 =	sadd.s32 s5, s7;
	[dreg:$0x0] =	wrdreg $0x0  }
0xaa: {  	s7 =	sshll.u32 s28, $0x1;
	[dreg:$0x2] =	wrdreg s5  }
0xab: {  	[dreg:$0x3] =	wrdreg s7  }
0xac: {  	[dreg:$0x4] =	wrdreg $0xC0  }
0xad: {  	_ =	task [dreg:s9], $0x5FFFF  }
0xae: {  	[dreg:$0x1] =	wrdreg $0xFFFFFFFF  }
0xaf: {  	[dreg:$0x0] =	wrdreg $0x60  }
0xb0: {  	[dreg:$0x2] =	wrdreg s2  }
0xb1: {  	[dreg:$0x3] =	wrdreg s18  }
0xb2: {  	[dreg:$0x4] =	wrdreg s24  }
0xb3: {  	[dreg:$0x5] =	wrdreg s4  }
0xb4: {  	[dreg:$0x6] =	wrdreg $0x1D0000  }
0xb5: {  	[dreg:$0x7] =	wrdreg $0x9  }
0xb6: {  	_ =	task.clear_ibuf [dreg:s9], $0x8FFFF;
	_ =	strace $0x90000046  }
0xb7: {  	s29 =	simm.s32 $0x9;
	_ =	strace $0x80000048  }
0xb8: {  	_ =	swait.ge [sflag:s29], $0x1  }
0xb9: {  	[sflag:s29] =	ssyncadd.s32 $0xFFFFFFFF  }
0xba: {  	_ =	strace $0x90000048  }
0xbb: {  	_ =	sfence  }
0xbc: {  	s30 =	sld [smem:$0x0];
	_ =	sdelay $0x2  }
0xbd: {  	s31 =	sshll.u32 s1, $0xD;
	s1 =	sshrl.u32 s1, $0x2  }
0xbe: {  	s3 =	sand.u32 $0x4000, s31;
	s1 =	sadd.s32 s1, s30  }
0xbf: {  	s0 =	sor.u32 s3, s0;
	s1 =	sshll.u32 s1, $0x11  }
0xc0: {  	s0 =	sor.u32 s1, s0  }
0xc1: {  	s0 =	sadd.s32 $0x8F2B, s0  }
0xc2: {  	[sflag:s0] =	ssyncadd.remote.s32 $0x1  }
0xc3: {  	_ =	sfence.sel $0xFFFF  }
0xc4: {  	[dreg:$0x0] =	wrdreg $0xFFFFFFFF;
	(pc) =	sbr.abs _section_cstart, $3  }
0xc5: {  	[dreg:$0x1] =	wrdreg $0xFFFFFFFF  }
0xc6: {  	_ =	task.clear_ibuf [dreg:s9], $0x2FFFF;
	_ =	strace $0x9FFFFFFF  }
0xc7: {  	(tm) =	ssettm $0x7FFFFFFF  }
tec
execute0_lowered:
.L_overlay_start_1:
0x0: {  	(tag) =	ssettag $0x1  }
0x1: {  	s0 =	rddreg [dreg:$0x0]  }
0x2: {  	s1 =	rddreg [dreg:$0x1]  }
0x3: {  	s2 =	rddreg [dreg:$0x2]  }
0x4: {  	s3 =	rddreg [dreg:$0x4];
	s5 =	srdreg.scid  }
0x5: {  	s13 =	stileid.u32;
	s4 =	simm.s32 $0x0;
	s28 =	simm.s32 $0x80  }
0x6: {  	s29 =	simm.s32 $0x1B600;
	s30 =	simm.s32 $0x19E00;
	s6 =	smul.u32 $0x3100, s13  }
0x7: {  	s31 =	simm.s32 $0x1B680;
	s5 =	sand.u32 $0x1, s5;
	s11 =	smul.u32 $0x6200, s13  }
0x8: {  	[smem:$0x7FF] =	sst s4;
	s8 =	sadd.s32 $0x200, s2;
	s14 =	smul.u32 $0xC3, s13  }
0x9: {  	s7 =	sshll.u32 s5, $0x7;
	_ =	strace $0x80000047;
	s25 =	sshll.u32 s5, $0x4  }
0xa: {  	[dreg:$0x6] =	wrdreg s8;
	s26 =	ssub.s32 $0x2, s5;
	s5 =	smul.u32 $0xC30, s5  }
0xb: {  	s6 =	sor.u32 s7, s6;
	s7 =	sor.u32 s13, s25;
	s9 =	sshrl.u32 s26, $0x1  }
0xc: {  	s11 =	sshrl.u32 s11, $0x2;
	s13 =	simm.s32 $0x7;
	s6 =	sshrl.u32 s6, $0x3  }
0xd: {  	s12 =	smul.u32 $0xC3, s7;
	s10 =	smin.u32 s7, $0xA;
	p0 =	slt.u32 s7, $0xA  }
0xe: {  	s8 =	ssub.s32 s26, s9;
	s5 =	sadd.s32 s14, s5;
	s7 =	simm.s32 $0x1B780  }
0xf: {  	s9 =	simm.s32 $0x19C00;
	s2 =	sadd.s32 s6, s2;
	s6 =	simm.s32 $0xC4  }
0x10: {  	s5 =	sadd.s32 s10, s5;
	s8 =	smax.u32 s8, $0x1;
	s12 =	sadd.s32 s10, s12  }
0x11: {  	s6 =	simm.s32 @!p0 $0xC3;
	s19 =	sshll.u32 s5, $0x8;
	s2 =	sadd.s32 $0x3400, s2  }
0x12: {  	s20 =	sshll.u32 s5, $0x7;
	[dreg:$0xb] =	wrdreg s8;
	s8 =	simm.s32 $0x3  }
0x13: {  	s15 =	sshll.u32 s12, $0x8;
	s17 =	sshll.u32 s12, $0x7;
	s12 =	sadd.s32 s11, s3  }
0x14: {  	s10 =	sadd.s32 $0x2, s6;
	s11 =	sadd.s32 $0xFFFFFFFD, s6;
	[dreg:$0xa] =	wrdreg s2  }
0x15: {  	s21 =	sadd.s32 $0x100, s19;
	s24 =	sadd.s32 $0x200, s19;
	s26 =	sadd.s32 s19, s0  }
0x16: {  	s19 =	simm.s32 $0x19B00;
	s16 =	sadd.s32 s0, s15;
	s18 =	sadd.s32 s1, s17  }
0x17: {  	s1 =	sadd.s32 s20, s1;
	s22 =	sand.u32 $0x1FFF00, s21;
	[dreg:$0x9] =	wrdreg s12  }
0x18: {  	s5 =	sadd.s32 $0x300, s26;
	s26 =	simm.s32 $0x1;
	[dreg:$0x7] =	wrdreg s16  }
0x19: {  	s17 =	simm.s32 $0x2;
	[dreg:$0x8] =	wrdreg s18;
	s23 =	sadd.s32 $0x80, s1  }
0x1a: {  	s2 =	sadd.s32 s22, s0;
	s25 =	sadd.s32 $0x180, s1;
	[dreg:$0xf] =	wrdreg s5  }
0x1b: {  	s1 =	sadd.s32 $0x100, s1;
	s22 =	simm.s32 $0x18700;
	[dreg:$0xc] =	wrdreg s23  }
.Ltmp0:
0x1c: {  	s16 =	simm.s32 $0x19A00;
	[dreg:$0xd] =	wrdreg s2;
	(pc) =	sbr.rel .LBB2_1-.Ltmp0, $4  }
0x1d: {  	s18 =	simm.s32 $0x1B480;
	s5 =	simm.s32 $0x0;
	[dreg:$0xe] =	wrdreg s25  }
0x1e: {  	s2 =	sand.u32 $0x1FFF00, s24;
	[dreg:$0x10] =	wrdreg s1;
	s23 =	simm.s32 $0x1B500  }
0x1f: {  	s25 =	simm.s32 $0x1B580;
	s24 =	simm.s32 $0x19D00;
	s0 =	sadd.s32 s2, s0  }
0x20: {  	v0 =	vimm.f32 $0.0e+00;
	s1 =	simm.s32 $0x1B700;
	[dreg:$0x11] =	wrdreg s0;
	s0 =	simm.s32 $0x19F00  }
.LBB2_11:
0x21: {  	[bflag:$0x0] =	sbarrier.arrive $0xFFFF  }
0x22: {  	s7 =	simm.s32 $0x1B780;
	s13 =	simm.s32 $0x7;
	s12 =	rddreg [dreg:$0x9]  }
0x23: {  	[tilespmem:s7], [sflag:$0x7] =	stream.linear.gather [spmem:s12], $0x1880, $0x38;
	[tilespmem:$0x1E880] =	vst v63  }
0x24: {  	_ =	swait.ge [sflag:s13], $0x1880  }
0x25: {  	[sflag:s13] =	ssyncset.done $0x0  }
0x26: {  	s5 =	simm.s32 $0x100;
	s2 =	rddreg [dreg:$0xa];
	[sflag:s13] =	ssyncadd.s32 $0xFFFFE780  }
0x27: {  	[hbm4b:s2+s28] =	stream.strided.scatter [tilespmem:s7], [sflag:$0x7], $0x1880, s5, s28, $0x38;
	[tilespmem:$0x1E880] =	vst v63  }
0x28: {  	_ =	swait.ge [sflag:s13], $0x1880  }
0x29: {  	s20 =	rddreg [dreg:$0x12]  }
0x2a: {  	s21 =	rddreg [dreg:$0xb];
	s5 =	sadd.s32 $0x1, s20  }
0x2b: {  	p0 =	sne.s32 s5, s21  }
.Ltmp1:
0x2c: {  	_ = 	snop;
	(pc) =	sbr.rel @!p0 .LBB2_12-.Ltmp1, $3  }
0x2d: {  	_ =	sdelay $0x1  }
0x2e: {  	[sflag:s13] =	ssyncset.done $0x0  }
0x2f: {  	[sflag:s13] =	ssyncadd.s32 $0xFFFFE780  }
.LBB2_1:
0x30: {  	[dreg:$0x12] =	wrdreg s5  }
0x31: {  	s2 =	rddreg [dreg:$0x7];
	s21 =	simm.s32 $0x18780  }
0x32: {  	[tilespmem:s21], [sflag:$0x1] =	stream.linear.gather [hbm4b:s2+s4], $0x800, $0x38;
	[tilespmem:$0x1E880] =	vst v63  }
0x33: {  	s14 =	rddreg [dreg:$0x8];
	s15 =	simm.s32 $0x19F80  }
0x34: {  	[tilespmem:s15], [sflag:$0x1] =	stream.linear.gather [hbm4b:s14+s4], $0x400, $0x38;
	[tilespmem:$0x1E880] =	vst v63  }
0x35: {  	s20 =	rddreg [dreg:$0x6]  }
0x36: {  	[tilespmem:s4], [sflag:$0x4] =	stream.linear.gather [hbm4b:s20+s4], $0x18700, $0x38;
	[tilespmem:$0x1E880] =	vst v63  }
0x37: {  	s5 =	simm.s32 $0x200;
	s21 =	rddreg [dreg:$0x3];
	s2 =	simm.s32 $0x0  }
0x38: {  	[tilespmem:s22], [sflag:$0x4] =	stream.linear.gather [hbm4b:s21+s4], $0x80, $0x38;
	[tilespmem:$0x1E880] =	vst v63  }
.LBB2_2:
0x39: {  	p0 =	sne.s32 s5, $0x6000;
	[tilespmem:s2+$0x1B7F0] =	vst v0  }
0x3a: {  	[tilespmem:s2+$0x1B780] =	vst v0  }
0x3b: {  	[tilespmem:s2+$0x1B790] =	vst v0  }
.Ltmp2:
0x3c: {  	[tilespmem:s2+$0x1B7A0] =	vst v0;
	(pc) =	sbr.rel @p0 .LBB2_2-.Ltmp2, $4  }
0x3d: {  	[tilespmem:s2+$0x1B7B0] =	vst v0  }
0x3e: {  	[tilespmem:s2+$0x1B7C0] =	vst v0  }
0x3f: {  	[tilespmem:s2+$0x1B7D0] =	vst v0  }
0x40: {  	[tilespmem:s2+$0x1B7E0] =	vst v0;
	s2 =	sshra.s32 s5, $0x2;
	s5 =	sadd.s32 $0x200, s5  }
0x41: {  	[tilespmem:s2+$0x1B7F0] =	vst v0  }
0x42: {  	[tilespmem:s2+$0x1B780] =	vst v0  }
0x43: {  	[tilespmem:s2+$0x1B790] =	vst v0  }
0x44: {  	[tilespmem:s2+$0x1B7A0] =	vst v0  }
0x45: {  	[tilespmem:s2+$0x1B7B0] =	vst v0  }
0x46: {  	[tilespmem:s2+$0x1B7C0] =	vst v0  }
0x47: {  	[tilespmem:s2+$0x1B7D0] =	vst v0  }
0x48: {  	[tilespmem:s2+$0x1B7E0] =	vst v0  }
0x49: {  	[spmem:s12] =	stream.linear.scatter [tilespmem:s7], [sflag:$0x7], $0x1880, $0x38;
	[tilespmem:$0x1E880] =	vst v63  }
0x4a: {  	_ =	swait.ge [sflag:s13], $0x1880  }
0x4b: {  	[sflag:s13] =	ssyncset.done $0x0  }
0x4c: {  	s21 =	simm.s32 $0x4;
	[sflag:s13] =	ssyncadd.s32 $0xFFFFE780  }
0x4d: {  	_ =	swait.ge [sflag:s21], $0x18700  }
0x4e: {  	[sflag:s21] =	ssyncset.done $0x0  }
0x4f: {  	[sflag:s21] =	ssyncadd.s32 $0xFFFE7900  }
0x50: {  	_ =	swait.ge [sflag:s21], $0x80  }
0x51: {  	[sflag:s21] =	ssyncset.done $0x0  }
0x52: {  	[sflag:s21] =	ssyncadd.s32 $0xFFFFFF80  }
0x53: {  	[bflag:$0x0] =	sbarrier.arrive $0xFFFF  }
0x54: {  	s20 =	rddreg [dreg:$0x11]  }
.Ltmp3:
0x55: {  	s21 =	rddreg [dreg:$0x10];
	(pc) =	sbr.rel .LBB2_4-.Ltmp3, $4  }
0x56: {  	s5 =	rddreg [dreg:$0xf]  }
0x57: {  	s7 =	rddreg [dreg:$0xe]  }
0x58: {  	s12 =	rddreg [dreg:$0xd]  }
0x59: {  	s2 =	simm.s32 $0x0;
	s13 =	rddreg [dreg:$0xc]  }
.LBB2_10:
0x5a: {  	s2 =	sadd.s32 $0x3, s2  }
0x5b: {  	p0 =	sne.s32 s2, $0xC6  }
.Ltmp4:
0x5c: {  	_ = 	snop;
	(pc) =	sbr.rel @!p0 .LBB2_11-.Ltmp4, $3  }
0x5d: {  	_ =	sdelay $0x1  }
0x5e: {  	s13 =	sadd.s32 $0x180, s13;
	s12 =	sadd.s32 $0x300, s12;
	s7 =	sadd.s32 $0x180, s7  }
0x5f: {  	s5 =	sadd.s32 $0x300, s5;
	s21 =	sadd.s32 $0x180, s21;
	s20 =	sadd.s32 $0x300, s20  }
.LBB2_4:
0x60: {  	p2 =	seq.s32 s2, $0x0  }
0x61: {  	p0 =	sge.u32 @!p2 s2, s10  }
0x62: {  	p0 =	por p0, p2  }
0x63: {  	s14 =	simm.s32 @!p0 $0x5  }
0x64: {  	_ =	swait.ge @!p0 [sflag:s14], $0x80  }
0x65: {  	[sflag:s14] =	ssyncset.done @!p0 $0x0  }
0x66: {  	[sflag:s14] =	ssyncadd.s32 @!p0 $0xFFFFFF80  }
0x67: {  	_ =	swait.ge @!p0 [sflag:s14], $0x80  }
0x68: {  	[sflag:s14] =	ssyncset.done @!p0 $0x0  }
0x69: {  	[sflag:s14] =	ssyncadd.s32 @!p0 $0xFFFFFF80  }
0x6a: {  	_ =	swait.ge @!p0 [sflag:s14], $0x80  }
0x6b: {  	[sflag:s14] =	ssyncset.done @!p0 $0x0  }
0x6c: {  	[sflag:s14] =	ssyncadd.s32 @!p0 $0xFFFFFF80  }
0x6d: {  	_ =	swait.ge @!p0 [sflag:s14], $0x80  }
0x6e: {  	[sflag:s14] =	ssyncset.done @!p0 $0x0  }
0x6f: {  	[sflag:s14] =	ssyncadd.s32 @!p0 $0xFFFFFF80  }
0x70: {  	_ =	swait.ge @!p0 [sflag:s14], $0x80  }
0x71: {  	[sflag:s14] =	ssyncset.done @!p0 $0x0  }
0x72: {  	[sflag:s14] =	ssyncadd.s32 @!p0 $0xFFFFFF80  }
0x73: {  	_ =	swait.ge @!p0 [sflag:s14], $0x80  }
0x74: {  	[sflag:s14] =	ssyncset.done @!p0 $0x0  }
0x75: {  	[sflag:s14] =	ssyncadd.s32 @!p0 $0xFFFFFF80  }
0x76: {  	_ =	swait.ge @!p0 [sflag:s14], $0x80  }
0x77: {  	[sflag:s14] =	ssyncset.done @!p0 $0x0  }
0x78: {  	[sflag:s14] =	ssyncadd.s32 @!p0 $0xFFFFFF80  }
0x79: {  	_ =	swait.ge @!p0 [sflag:s14], $0x80  }
0x7a: {  	[sflag:s14] =	ssyncset.done @!p0 $0x0  }
0x7b: {  	s15 =	sadd.s32 $0x1, s2;
	[sflag:s14] =	ssyncadd.s32 @!p0 $0xFFFFFF80;
	p0 =	sge.u32 s2, s6  }
.Ltmp5:
0x7c: {  	p1 =	sge.u32 s15, s6;
	(pc) =	sbr.rel @p0 .LBB2_6-.Ltmp5, $4  }
0x7d: {  	s15 =	simm.s32 @!p1 $0x18F80;
	s14 =	simm.s32 @!p1 $0x0  }
0x7e: {  	[tilespmem:s15], [sflag:$0x2] =	stream.linear.gather @!p1 [hbm4b:s12+s14], $0x800, $0x38;
	[tilespmem:$0x1E880] =	vst v63  }
0x7f: {  	s15 =	simm.s32 @!p1 $0x1A380  }
0x80: {  	[tilespmem:s15], [sflag:$0x2] =	stream.linear.gather @!p1 [hbm4b:s13+s14], $0x400, $0x38;
	[tilespmem:$0x1E880] =	vst v63  }
0x81: {  	_ =	swait.ge [sflag:s26], $0x800  }
0x82: {  	[sflag:s26] =	ssyncset.done $0x0  }
0x83: {  	[sflag:s26] =	ssyncadd.s32 $0xFFFFF800  }
0x84: {  	_ =	swait.ge [sflag:s26], $0x400  }
0x85: {  	[sflag:s26] =	ssyncset.done $0x0  }
0x86: {  	[sflag:s26] =	ssyncadd.s32 $0xFFFFFC00  }
0x87: {  	v1 =	vld [tilespmem:$0x18780]  }
0x88: {  	v2 =	vld [tilespmem:$0x19F80];
	_ =	sdelay $0x5  }
0x89: {  	v3 =	vld [tilespmem:$0x18790]  }
0x8a: {  	v1 =	vld.idx.msk [tilespmem:v1+s4+$0x0], $0xffff  }
0x8b: {  	v2 =	vld.idx.msk [tilespmem:v2+s22+$0x0], $0xffff  }
0x8c: {  	v4 =	vld [tilespmem:$0x19F90];
	_ =	sdelay $0x3  }
0x8d: {  	v1 =	vmul.f32 v2, v1;
	_ =	sdelay $0x1  }
0x8e: {  	[tilespmem:$0x1AB80] =	vst v1  }
0x8f: {  	v1 =	vld.idx.msk [tilespmem:v3+s4+$0x0], $0xffff  }
0x90: {  	v2 =	vld.idx.msk [tilespmem:v4+s22+$0x0], $0xffff  }
0x91: {  	v3 =	vld [tilespmem:$0x187A0]  }
0x92: {  	v9 =	vld [tilespmem:$0x19FA0];
	_ =	sdelay $0x3  }
0x93: {  	v1 =	vmul.f32 v2, v1;
	_ =	sdelay $0x1  }
0x94: {  	[tilespmem:$0x1AB90] =	vst v1  }
0x95: {  	v1 =	vld.idx.msk [tilespmem:v3+s4+$0x0], $0xffff  }
0x96: {  	v2 =	vld.idx.msk [tilespmem:v9+s22+$0x0], $0xffff  }
0x97: {  	v3 =	vld [tilespmem:$0x187B0]  }
0x98: {  	v10 =	vld [tilespmem:$0x19FB0];
	_ =	sdelay $0x3  }
0x99: {  	v1 =	vmul.f32 v2, v1;
	_ =	sdelay $0x1  }
0x9a: {  	[tilespmem:$0x1ABA0] =	vst v1  }
0x9b: {  	v1 =	vld.idx.msk [tilespmem:v3+s4+$0x0], $0xffff  }
0x9c: {  	v2 =	vld.idx.msk [tilespmem:v10+s22+$0x0], $0xffff  }
0x9d: {  	v3 =	vld [tilespmem:$0x187C0]  }
0x9e: {  	v11 =	vld [tilespmem:$0x19FC0];
	_ =	sdelay $0x3  }
0x9f: {  	v1 =	vmul.f32 v2, v1;
	_ =	sdelay $0x1  }
0xa0: {  	[tilespmem:$0x1ABB0] =	vst v1  }
0xa1: {  	v1 =	vld.idx.msk [tilespmem:v3+s4+$0x0], $0xffff  }
0xa2: {  	v2 =	vld.idx.msk [tilespmem:v11+s22+$0x0], $0xffff  }
0xa3: {  	v3 =	vld [tilespmem:$0x187D0]  }
0xa4: {  	v12 =	vld [tilespmem:$0x19FD0];
	_ =	sdelay $0x3  }
0xa5: {  	v1 =	vmul.f32 v2, v1;
	_ =	sdelay $0x1  }
0xa6: {  	[tilespmem:$0x1ABC0] =	vst v1  }
0xa7: {  	v1 =	vld.idx.msk [tilespmem:v3+s4+$0x0], $0xffff  }
0xa8: {  	v2 =	vld.idx.msk [tilespmem:v12+s22+$0x0], $0xffff  }
0xa9: {  	v3 =	vld [tilespmem:$0x187E0]  }
0xaa: {  	v13 =	vld [tilespmem:$0x19FE0];
	_ =	sdelay $0x3  }
0xab: {  	v1 =	vmul.f32 v2, v1;
	_ =	sdelay $0x1  }
0xac: {  	[tilespmem:$0x1ABD0] =	vst v1  }
0xad: {  	v1 =	vld.idx.msk [tilespmem:v3+s4+$0x0], $0xffff  }
0xae: {  	v2 =	vld.idx.msk [tilespmem:v13+s22+$0x0], $0xffff  }
0xaf: {  	v3 =	vld [tilespmem:$0x187F0]  }
0xb0: {  	v14 =	vld [tilespmem:$0x19FF0];
	_ =	sdelay $0x3  }
0xb1: {  	v1 =	vmul.f32 v2, v1;
	_ =	sdelay $0x1  }
0xb2: {  	[tilespmem:$0x1ABE0] =	vst v1  }
0xb3: {  	v1 =	vld.idx.msk [tilespmem:v3+s4+$0x0], $0xffff  }
0xb4: {  	v2 =	vld.idx.msk [tilespmem:v14+s22+$0x0], $0xffff;
	_ =	sdelay $0x4  }
0xb5: {  	v1 =	vmul.f32 v2, v1;
	_ =	sdelay $0x1  }
0xb6: {  	s14 =	simm.s32 $0x18800;
	s15 =	simm.s32 $0x1AB80;
	[tilespmem:$0x1ABF0] =	vst v1  }
0xb7: {  	[spmem:s3] =	stream.indirect.scatter.add.f32 [tilespmem:s15], [sflag:$0x4], $0x1, s14, s28, $0xb8;
	[tilespmem:$0x1E880] =	vst v63  }
0xb8: {  	v1 =	vld [tilespmem:$0x18880]  }
0xb9: {  	v2 =	vld [tilespmem:$0x1A000];
	_ =	sdelay $0x5  }
0xba: {  	v3 =	vld [tilespmem:$0x18890]  }
0xbb: {  	v1 =	vld.idx.msk [tilespmem:v1+s4+$0x0], $0xffff  }
0xbc: {  	v2 =	vld.idx.msk [tilespmem:v2+s22+$0x0], $0xffff  }
0xbd: {  	v15 =	vld [tilespmem:$0x1A010];
	_ =	sdelay $0x3  }
0xbe: {  	v1 =	vmul.f32 v2, v1;
	_ =	sdelay $0x1  }
0xbf: {  	[tilespmem:$0x1AC00] =	vst v1  }
0xc0: {  	v1 =	vld.idx.msk [tilespmem:v3+s4+$0x0], $0xffff  }
0xc1: {  	v2 =	vld.idx.msk [tilespmem:v15+s22+$0x0], $0xffff  }
0xc2: {  	v3 =	vld [tilespmem:$0x188A0]  }
0xc3: {  	v16 =	vld [tilespmem:$0x1A020];
	_ =	sdelay $0x3  }
0xc4: {  	v1 =	vmul.f32 v2, v1;
	_ =	sdelay $0x1  }
0xc5: {  	[tilespmem:$0x1AC10] =	vst v1  }
0xc6: {  	v1 =	vld.idx.msk [tilespmem:v3+s4+$0x0], $0xffff  }
0xc7: {  	v2 =	vld.idx.msk [tilespmem:v16+s22+$0x0], $0xffff  }
0xc8: {  	v3 =	vld [tilespmem:$0x188B0]  }
0xc9: {  	v17 =	vld [tilespmem:$0x1A030];
	_ =	sdelay $0x3  }
0xca: {  	v1 =	vmul.f32 v2, v1;
	_ =	sdelay $0x1  }
0xcb: {  	[tilespmem:$0x1AC20] =	vst v1  }
0xcc: {  	v1 =	vld.idx.msk [tilespmem:v3+s4+$0x0], $0xffff  }
0xcd: {  	v2 =	vld.idx.msk [tilespmem:v17+s22+$0x0], $0xffff  }
0xce: {  	v3 =	vld [tilespmem:$0x188C0]  }
0xcf: {  	v18 =	vld [tilespmem:$0x1A040];
	_ =	sdelay $0x3  }
0xd0: {  	v1 =	vmul.f32 v2, v1;
	_ =	sdelay $0x1  }
0xd1: {  	[tilespmem:$0x1AC30] =	vst v1  }
0xd2: {  	v1 =	vld.idx.msk [tilespmem:v3+s4+$0x0], $0xffff  }
0xd3: {  	v2 =	vld.idx.msk [tilespmem:v18+s22+$0x0], $0xffff  }
0xd4: {  	v3 =	vld [tilespmem:$0x188D0]  }
0xd5: {  	v19 =	vld [tilespmem:$0x1A050];
	_ =	sdelay $0x3  }
0xd6: {  	v1 =	vmul.f32 v2, v1;
	_ =	sdelay $0x1  }
0xd7: {  	[tilespmem:$0x1AC40] =	vst v1  }
0xd8: {  	v1 =	vld.idx.msk [tilespmem:v3+s4+$0x0], $0xffff  }
0xd9: {  	v2 =	vld.idx.msk [tilespmem:v19+s22+$0x0], $0xffff  }
0xda: {  	v3 =	vld [tilespmem:$0x188E0]  }
0xdb: {  	v20 =	vld [tilespmem:$0x1A060];
	_ =	sdelay $0x3  }
0xdc: {  	v1 =	vmul.f32 v2, v1;
	_ =	sdelay $0x1  }
0xdd: {  	[tilespmem:$0x1AC50] =	vst v1  }
0xde: {  	v1 =	vld.idx.msk [tilespmem:v3+s4+$0x0], $0xffff  }
0xdf: {  	v2 =	vld.idx.msk [tilespmem:v20+s22+$0x0], $0xffff  }
0xe0: {  	v3 =	vld [tilespmem:$0x188F0]  }
0xe1: {  	v21 =	vld [tilespmem:$0x1A070];
	_ =	sdelay $0x3  }
0xe2: {  	v1 =	vmul.f32 v2, v1;
	_ =	sdelay $0x1  }
0xe3: {  	[tilespmem:$0x1AC60] =	vst v1  }
0xe4: {  	v1 =	vld.idx.msk [tilespmem:v3+s4+$0x0], $0xffff  }
0xe5: {  	v2 =	vld.idx.msk [tilespmem:v21+s22+$0x0], $0xffff;
	_ =	sdelay $0x4  }
0xe6: {  	v1 =	vmul.f32 v2, v1;
	_ =	sdelay $0x1  }
0xe7: {  	s14 =	simm.s32 $0x18900;
	s15 =	simm.s32 $0x1AC00;
	[tilespmem:$0x1AC70] =	vst v1  }
0xe8: {  	[spmem:s3] =	stream.indirect.scatter.add.f32 [tilespmem:s15], [sflag:$0x4], $0x1, s14, s28, $0xb8;
	[tilespmem:$0x1E880] =	vst v63  }
0xe9: {  	v1 =	vld [tilespmem:$0x18980]  }
0xea: {  	v2 =	vld [tilespmem:$0x1A080];
	_ =	sdelay $0x5  }
0xeb: {  	v3 =	vld [tilespmem:$0x18990]  }
0xec: {  	v1 =	vld.idx.msk [tilespmem:v1+s4+$0x0], $0xffff  }
0xed: {  	v2 =	vld.idx.msk [tilespmem:v2+s22+$0x0], $0xffff  }
0xee: {  	v22 =	vld [tilespmem:$0x1A090];
	_ =	sdelay $0x3  }
0xef: {  	v1 =	vmul.f32 v2, v1;
	_ =	sdelay $0x1  }
0xf0: {  	[tilespmem:$0x1AC80] =	vst v1  }
0xf1: {  	v1 =	vld.idx.msk [tilespmem:v3+s4+$0x0], $0xffff  }
0xf2: {  	v2 =	vld.idx.msk [tilespmem:v22+s22+$0x0], $0xffff  }
0xf3: {  	v3 =	vld [tilespmem:$0x189A0]  }
0xf4: {  	v23 =	vld [tilespmem:$0x1A0A0];
	_ =	sdelay $0x3  }
0xf5: {  	v1 =	vmul.f32 v2, v1;
	_ =	sdelay $0x1  }
0xf6: {  	[tilespmem:$0x1AC90] =	vst v1  }
0xf7: {  	v1 =	vld.idx.msk [tilespmem:v3+s4+$0x0], $0xffff  }
0xf8: {  	v2 =	vld.idx.msk [tilespmem:v23+s22+$0x0], $0xffff  }
0xf9: {  	v3 =	vld [tilespmem:$0x189B0]  }
0xfa: {  	v24 =	vld [tilespmem:$0x1A0B0];
	_ =	sdelay $0x3  }
0xfb: {  	v1 =	vmul.f32 v2, v1;
	_ =	sdelay $0x1  }
0xfc: {  	[tilespmem:$0x1ACA0] =	vst v1  }
0xfd: {  	v1 =	vld.idx.msk [tilespmem:v3+s4+$0x0], $0xffff  }
0xfe: {  	v2 =	vld.idx.msk [tilespmem:v24+s22+$0x0], $0xffff  }
0xff: {  	v3 =	vld [tilespmem:$0x189C0]  }
0x100: {  	v25 =	vld [tilespmem:$0x1A0C0];
	_ =	sdelay $0x3  }
0x101: {  	v1 =	vmul.f32 v2, v1;
	_ =	sdelay $0x1  }
0x102: {  	[tilespmem:$0x1ACB0] =	vst v1  }
0x103: {  	v1 =	vld.idx.msk [tilespmem:v3+s4+$0x0], $0xffff  }
0x104: {  	v2 =	vld.idx.msk [tilespmem:v25+s22+$0x0], $0xffff  }
0x105: {  	v3 =	vld [tilespmem:$0x189D0]  }
0x106: {  	v26 =	vld [tilespmem:$0x1A0D0];
	_ =	sdelay $0x3  }
0x107: {  	v1 =	vmul.f32 v2, v1;
	_ =	sdelay $0x1  }
0x108: {  	[tilespmem:$0x1ACC0] =	vst v1  }
0x109: {  	v1 =	vld.idx.msk [tilespmem:v3+s4+$0x0], $0xffff  }
0x10a: {  	v2 =	vld.idx.msk [tilespmem:v26+s22+$0x0], $0xffff  }
0x10b: {  	v3 =	vld [tilespmem:$0x189E0]  }
0x10c: {  	v27 =	vld [tilespmem:$0x1A0E0];
	_ =	sdelay $0x3  }
0x10d: {  	v1 =	vmul.f32 v2, v1;
	_ =	sdelay $0x1  }
0x10e: {  	[tilespmem:$0x1ACD0] =	vst v1  }
0x10f: {  	v1 =	vld.idx.msk [tilespmem:v3+s4+$0x0], $0xffff  }
0x110: {  	v2 =	vld.idx.msk [tilespmem:v27+s22+$0x0], $0xffff  }
0x111: {  	v3 =	vld [tilespmem:$0x189F0]  }
0x112: {  	v28 =	vld [tilespmem:$0x1A0F0];
	_ =	sdelay $0x3  }
0x113: {  	v1 =	vmul.f32 v2, v1;
	_ =	sdelay $0x1  }
0x114: {  	[tilespmem:$0x1ACE0] =	vst v1  }
0x115: {  	v1 =	vld.idx.msk [tilespmem:v3+s4+$0x0], $0xffff  }
0x116: {  	v2 =	vld.idx.msk [tilespmem:v28+s22+$0x0], $0xffff;
	_ =	sdelay $0x4  }
0x117: {  	v1 =	vmul.f32 v2, v1;
	_ =	sdelay $0x1  }
0x118: {  	s14 =	simm.s32 $0x18A00;
	s15 =	simm.s32 $0x1AC80;
	[tilespmem:$0x1ACF0] =	vst v1  }
0x119: {  	[spmem:s3] =	stream.indirect.scatter.add.f32 [tilespmem:s15], [sflag:$0x4], $0x1, s14, s28, $0xb8;
	[tilespmem:$0x1E880] =	vst v63  }
0x11a: {  	v1 =	vld [tilespmem:$0x18A80]  }
0x11b: {  	v2 =	vld [tilespmem:$0x1A100];
	_ =	sdelay $0x5  }
0x11c: {  	v3 =	vld [tilespmem:$0x18A90]  }
0x11d: {  	v1 =	vld.idx.msk [tilespmem:v1+s4+$0x0], $0xffff  }
0x11e: {  	v2 =	vld.idx.msk [tilespmem:v2+s22+$0x0], $0xffff  }
0x11f: {  	v29 =	vld [tilespmem:$0x1A110];
	_ =	sdelay $0x3  }
0x120: {  	v1 =	vmul.f32 v2, v1;
	_ =	sdelay $0x1  }
0x121: {  	[tilespmem:$0x1AD00] =	vst v1  }
0x122: {  	v1 =	vld.idx.msk [tilespmem:v3+s4+$0x0], $0xffff  }
0x123: {  	v2 =	vld.idx.msk [tilespmem:v29+s22+$0x0], $0xffff  }
0x124: {  	v3 =	vld [tilespmem:$0x18AA0]  }
0x125: {  	v30 =	vld [tilespmem:$0x1A120];
	_ =	sdelay $0x3  }
0x126: {  	v1 =	vmul.f32 v2, v1;
	_ =	sdelay $0x1  }
0x127: {  	[tilespmem:$0x1AD10] =	vst v1  }
0x128: {  	v1 =	vld.idx.msk [tilespmem:v3+s4+$0x0], $0xffff  }
0x129: {  	v2 =	vld.idx.msk [tilespmem:v30+s22+$0x0], $0xffff  }
0x12a: {  	v3 =	vld [tilespmem:$0x18AB0]  }
0x12b: {  	v31 =	vld [tilespmem:$0x1A130];
	_ =	sdelay $0x3  }
0x12c: {  	v1 =	vmul.f32 v2, v1;
	_ =	sdelay $0x1  }
0x12d: {  	[tilespmem:$0x1AD20] =	vst v1  }
0x12e: {  	v1 =	vld.idx.msk [tilespmem:v3+s4+$0x0], $0xffff  }
0x12f: {  	v2 =	vld.idx.msk [tilespmem:v31+s22+$0x0], $0xffff  }
0x130: {  	v3 =	vld [tilespmem:$0x18AC0]  }
0x131: {  	v32 =	vld [tilespmem:$0x1A140];
	_ =	sdelay $0x3  }
0x132: {  	v1 =	vmul.f32 v2, v1;
	_ =	sdelay $0x1  }
0x133: {  	[tilespmem:$0x1AD30] =	vst v1  }
0x134: {  	v1 =	vld.idx.msk [tilespmem:v3+s4+$0x0], $0xffff  }
0x135: {  	v2 =	vld.idx.msk [tilespmem:v32+s22+$0x0], $0xffff  }
0x136: {  	v3 =	vld [tilespmem:$0x18AD0]  }
0x137: {  	v33 =	vld [tilespmem:$0x1A150];
	_ =	sdelay $0x3  }
0x138: {  	v1 =	vmul.f32 v2, v1;
	_ =	sdelay $0x1  }
0x139: {  	[tilespmem:$0x1AD40] =	vst v1  }
0x13a: {  	v1 =	vld.idx.msk [tilespmem:v3+s4+$0x0], $0xffff  }
0x13b: {  	v2 =	vld.idx.msk [tilespmem:v33+s22+$0x0], $0xffff  }
0x13c: {  	v3 =	vld [tilespmem:$0x18AE0]  }
0x13d: {  	v34 =	vld [tilespmem:$0x1A160];
	_ =	sdelay $0x3  }
0x13e: {  	v1 =	vmul.f32 v2, v1;
	_ =	sdelay $0x1  }
0x13f: {  	[tilespmem:$0x1AD50] =	vst v1  }
0x140: {  	v1 =	vld.idx.msk [tilespmem:v3+s4+$0x0], $0xffff  }
0x141: {  	v2 =	vld.idx.msk [tilespmem:v34+s22+$0x0], $0xffff  }
0x142: {  	v3 =	vld [tilespmem:$0x18AF0]  }
0x143: {  	v35 =	vld [tilespmem:$0x1A170];
	_ =	sdelay $0x3  }
0x144: {  	v1 =	vmul.f32 v2, v1;
	_ =	sdelay $0x1  }
0x145: {  	[tilespmem:$0x1AD60] =	vst v1  }
0x146: {  	v1 =	vld.idx.msk [tilespmem:v3+s4+$0x0], $0xffff  }
0x147: {  	v2 =	vld.idx.msk [tilespmem:v35+s22+$0x0], $0xffff;
	_ =	sdelay $0x4  }
0x148: {  	v1 =	vmul.f32 v2, v1;
	_ =	sdelay $0x1  }
0x149: {  	s14 =	simm.s32 $0x18B00;
	s15 =	simm.s32 $0x1AD00;
	[tilespmem:$0x1AD70] =	vst v1  }
0x14a: {  	[spmem:s3] =	stream.indirect.scatter.add.f32 [tilespmem:s15], [sflag:$0x4], $0x1, s14, s28, $0xb8;
	[tilespmem:$0x1E880] =	vst v63  }
0x14b: {  	v1 =	vld [tilespmem:$0x18B80]  }
0x14c: {  	v2 =	vld [tilespmem:$0x1A180];
	_ =	sdelay $0x5  }
0x14d: {  	v3 =	vld [tilespmem:$0x18B90]  }
0x14e: {  	v1 =	vld.idx.msk [tilespmem:v1+s4+$0x0], $0xffff  }
0x14f: {  	v2 =	vld.idx.msk [tilespmem:v2+s22+$0x0], $0xffff  }
0x150: {  	v36 =	vld [tilespmem:$0x1A190];
	_ =	sdelay $0x3  }
0x151: {  	v1 =	vmul.f32 v2, v1;
	_ =	sdelay $0x1  }
0x152: {  	[tilespmem:$0x1AD80] =	vst v1  }
0x153: {  	v1 =	vld.idx.msk [tilespmem:v3+s4+$0x0], $0xffff  }
0x154: {  	v2 =	vld.idx.msk [tilespmem:v36+s22+$0x0], $0xffff  }
0x155: {  	v3 =	vld [tilespmem:$0x18BA0]  }
0x156: {  	v37 =	vld [tilespmem:$0x1A1A0];
	_ =	sdelay $0x3  }
0x157: {  	v1 =	vmul.f32 v2, v1;
	_ =	sdelay $0x1  }
0x158: {  	[tilespmem:$0x1AD90] =	vst v1  }
0x159: {  	v1 =	vld.idx.msk [tilespmem:v3+s4+$0x0], $0xffff  }
0x15a: {  	v2 =	vld.idx.msk [tilespmem:v37+s22+$0x0], $0xffff  }
0x15b: {  	v3 =	vld [tilespmem:$0x18BB0]  }
0x15c: {  	v38 =	vld [tilespmem:$0x1A1B0];
	_ =	sdelay $0x3  }
0x15d: {  	v1 =	vmul.f32 v2, v1;
	_ =	sdelay $0x1  }
0x15e: {  	[tilespmem:$0x1ADA0] =	vst v1  }
0x15f: {  	v1 =	vld.idx.msk [tilespmem:v3+s4+$0x0], $0xffff  }
0x160: {  	v2 =	vld.idx.msk [tilespmem:v38+s22+$0x0], $0xffff  }
0x161: {  	v3 =	vld [tilespmem:$0x18BC0]  }
0x162: {  	v39 =	vld [tilespmem:$0x1A1C0];
	_ =	sdelay $0x3  }
0x163: {  	v1 =	vmul.f32 v2, v1;
	_ =	sdelay $0x1  }
0x164: {  	[tilespmem:$0x1ADB0] =	vst v1  }
0x165: {  	v1 =	vld.idx.msk [tilespmem:v3+s4+$0x0], $0xffff  }
0x166: {  	v2 =	vld.idx.msk [tilespmem:v39+s22+$0x0], $0xffff  }
0x167: {  	v3 =	vld [tilespmem:$0x18BD0]  }
0x168: {  	v40 =	vld [tilespmem:$0x1A1D0];
	_ =	sdelay $0x3  }
0x169: {  	v1 =	vmul.f32 v2, v1;
	_ =	sdelay $0x1  }
0x16a: {  	[tilespmem:$0x1ADC0] =	vst v1  }
0x16b: {  	v1 =	vld.idx.msk [tilespmem:v3+s4+$0x0], $0xffff  }
0x16c: {  	v2 =	vld.idx.msk [tilespmem:v40+s22+$0x0], $0xffff  }
0x16d: {  	v3 =	vld [tilespmem:$0x18BE0]  }
0x16e: {  	v41 =	vld [tilespmem:$0x1A1E0];
	_ =	sdelay $0x3  }
0x16f: {  	v1 =	vmul.f32 v2, v1;
	_ =	sdelay $0x1  }
0x170: {  	[tilespmem:$0x1ADD0] =	vst v1  }
0x171: {  	v1 =	vld.idx.msk [tilespmem:v3+s4+$0x0], $0xffff  }
0x172: {  	v2 =	vld.idx.msk [tilespmem:v41+s22+$0x0], $0xffff  }
0x173: {  	v3 =	vld [tilespmem:$0x18BF0]  }
0x174: {  	v42 =	vld [tilespmem:$0x1A1F0];
	_ =	sdelay $0x3  }
0x175: {  	v1 =	vmul.f32 v2, v1;
	_ =	sdelay $0x1  }
0x176: {  	[tilespmem:$0x1ADE0] =	vst v1  }
0x177: {  	v1 =	vld.idx.msk [tilespmem:v3+s4+$0x0], $0xffff  }
0x178: {  	v2 =	vld.idx.msk [tilespmem:v42+s22+$0x0], $0xffff;
	_ =	sdelay $0x4  }
0x179: {  	v1 =	vmul.f32 v2, v1;
	_ =	sdelay $0x1  }
0x17a: {  	s14 =	simm.s32 $0x18C00;
	s15 =	simm.s32 $0x1AD80;
	[tilespmem:$0x1ADF0] =	vst v1  }
0x17b: {  	[spmem:s3] =	stream.indirect.scatter.add.f32 [tilespmem:s15], [sflag:$0x4], $0x1, s14, s28, $0xb8;
	[tilespmem:$0x1E880] =	vst v63  }
0x17c: {  	v1 =	vld [tilespmem:$0x18C80]  }
0x17d: {  	v2 =	vld [tilespmem:$0x1A200];
	_ =	sdelay $0x5  }
0x17e: {  	v3 =	vld [tilespmem:$0x18C90]  }
0x17f: {  	v1 =	vld.idx.msk [tilespmem:v1+s4+$0x0], $0xffff  }
0x180: {  	v2 =	vld.idx.msk [tilespmem:v2+s22+$0x0], $0xffff  }
0x181: {  	v43 =	vld [tilespmem:$0x1A210];
	_ =	sdelay $0x3  }
0x182: {  	v1 =	vmul.f32 v2, v1;
	_ =	sdelay $0x1  }
0x183: {  	[tilespmem:$0x1AE00] =	vst v1  }
0x184: {  	v1 =	vld.idx.msk [tilespmem:v3+s4+$0x0], $0xffff  }
0x185: {  	v2 =	vld.idx.msk [tilespmem:v43+s22+$0x0], $0xffff  }
0x186: {  	v3 =	vld [tilespmem:$0x18CA0]  }
0x187: {  	v44 =	vld [tilespmem:$0x1A220];
	_ =	sdelay $0x3  }
0x188: {  	v1 =	vmul.f32 v2, v1;
	_ =	sdelay $0x1  }
0x189: {  	[tilespmem:$0x1AE10] =	vst v1  }
0x18a: {  	v1 =	vld.idx.msk [tilespmem:v3+s4+$0x0], $0xffff  }
0x18b: {  	v2 =	vld.idx.msk [tilespmem:v44+s22+$0x0], $0xffff  }
0x18c: {  	v3 =	vld [tilespmem:$0x18CB0]  }
0x18d: {  	v45 =	vld [tilespmem:$0x1A230];
	_ =	sdelay $0x3  }
0x18e: {  	v1 =	vmul.f32 v2, v1;
	_ =	sdelay $0x1  }
0x18f: {  	[tilespmem:$0x1AE20] =	vst v1  }
0x190: {  	v1 =	vld.idx.msk [tilespmem:v3+s4+$0x0], $0xffff  }
0x191: {  	v2 =	vld.idx.msk [tilespmem:v45+s22+$0x0], $0xffff  }
0x192: {  	v3 =	vld [tilespmem:$0x18CC0]  }
0x193: {  	v46 =	vld [tilespmem:$0x1A240];
	_ =	sdelay $0x3  }
0x194: {  	v1 =	vmul.f32 v2, v1;
	_ =	sdelay $0x1  }
0x195: {  	[tilespmem:$0x1AE30] =	vst v1  }
0x196: {  	v1 =	vld.idx.msk [tilespmem:v3+s4+$0x0], $0xffff  }
0x197: {  	v2 =	vld.idx.msk [tilespmem:v46+s22+$0x0], $0xffff  }
0x198: {  	v3 =	vld [tilespmem:$0x18CD0]  }
0x199: {  	v47 =	vld [tilespmem:$0x1A250];
	_ =	sdelay $0x3  }
0x19a: {  	v1 =	vmul.f32 v2, v1;
	_ =	sdelay $0x1  }
0x19b: {  	[tilespmem:$0x1AE40] =	vst v1  }
0x19c: {  	v1 =	vld.idx.msk [tilespmem:v3+s4+$0x0], $0xffff  }
0x19d: {  	v2 =	vld.idx.msk [tilespmem:v47+s22+$0x0], $0xffff  }
0x19e: {  	v3 =	vld [tilespmem:$0x18CE0]  }
0x19f: {  	v48 =	vld [tilespmem:$0x1A260];
	_ =	sdelay $0x3  }
0x1a0: {  	v1 =	vmul.f32 v2, v1;
	_ =	sdelay $0x1  }
0x1a1: {  	[tilespmem:$0x1AE50] =	vst v1  }
0x1a2: {  	v1 =	vld.idx.msk [tilespmem:v3+s4+$0x0], $0xffff  }
0x1a3: {  	v2 =	vld.idx.msk [tilespmem:v48+s22+$0x0], $0xffff  }
0x1a4: {  	v3 =	vld [tilespmem:$0x18CF0]  }
0x1a5: {  	v49 =	vld [tilespmem:$0x1A270];
	_ =	sdelay $0x3  }
0x1a6: {  	v1 =	vmul.f32 v2, v1;
	_ =	sdelay $0x1  }
0x1a7: {  	[tilespmem:$0x1AE60] =	vst v1  }
0x1a8: {  	v1 =	vld.idx.msk [tilespmem:v3+s4+$0x0], $0xffff  }
0x1a9: {  	v2 =	vld.idx.msk [tilespmem:v49+s22+$0x0], $0xffff;
	_ =	sdelay $0x4  }
0x1aa: {  	v1 =	vmul.f32 v2, v1;
	_ =	sdelay $0x1  }
0x1ab: {  	s14 =	simm.s32 $0x18D00;
	s15 =	simm.s32 $0x1AE00;
	[tilespmem:$0x1AE70] =	vst v1  }
0x1ac: {  	[spmem:s3] =	stream.indirect.scatter.add.f32 [tilespmem:s15], [sflag:$0x4], $0x1, s14, s28, $0xb8;
	[tilespmem:$0x1E880] =	vst v63  }
0x1ad: {  	v1 =	vld [tilespmem:$0x18D80]  }
0x1ae: {  	v2 =	vld [tilespmem:$0x1A280];
	_ =	sdelay $0x5  }
0x1af: {  	v3 =	vld [tilespmem:$0x18D90]  }
0x1b0: {  	v1 =	vld.idx.msk [tilespmem:v1+s4+$0x0], $0xffff  }
0x1b1: {  	v2 =	vld.idx.msk [tilespmem:v2+s22+$0x0], $0xffff  }
0x1b2: {  	v50 =	vld [tilespmem:$0x1A290];
	_ =	sdelay $0x3  }
0x1b3: {  	v1 =	vmul.f32 v2, v1;
	_ =	sdelay $0x1  }
0x1b4: {  	[tilespmem:$0x1AE80] =	vst v1  }
0x1b5: {  	v1 =	vld.idx.msk [tilespmem:v3+s4+$0x0], $0xffff  }
0x1b6: {  	v2 =	vld.idx.msk [tilespmem:v50+s22+$0x0], $0xffff  }
0x1b7: {  	v3 =	vld [tilespmem:$0x18DA0]  }
0x1b8: {  	v51 =	vld [tilespmem:$0x1A2A0];
	_ =	sdelay $0x3  }
0x1b9: {  	v1 =	vmul.f32 v2, v1;
	_ =	sdelay $0x1  }
0x1ba: {  	[tilespmem:$0x1AE90] =	vst v1  }
0x1bb: {  	v1 =	vld.idx.msk [tilespmem:v3+s4+$0x0], $0xffff  }
0x1bc: {  	v2 =	vld.idx.msk [tilespmem:v51+s22+$0x0], $0xffff  }
0x1bd: {  	v3 =	vld [tilespmem:$0x18DB0]  }
0x1be: {  	v52 =	vld [tilespmem:$0x1A2B0];
	_ =	sdelay $0x3  }
0x1bf: {  	v1 =	vmul.f32 v2, v1;
	_ =	sdelay $0x1  }
0x1c0: {  	[tilespmem:$0x1AEA0] =	vst v1  }
0x1c1: {  	v1 =	vld.idx.msk [tilespmem:v3+s4+$0x0], $0xffff  }
0x1c2: {  	v2 =	vld.idx.msk [tilespmem:v52+s22+$0x0], $0xffff  }
0x1c3: {  	v3 =	vld [tilespmem:$0x18DC0]  }
0x1c4: {  	v53 =	vld [tilespmem:$0x1A2C0];
	_ =	sdelay $0x3  }
0x1c5: {  	v1 =	vmul.f32 v2, v1;
	_ =	sdelay $0x1  }
0x1c6: {  	[tilespmem:$0x1AEB0] =	vst v1  }
0x1c7: {  	v1 =	vld.idx.msk [tilespmem:v3+s4+$0x0], $0xffff  }
0x1c8: {  	v2 =	vld.idx.msk [tilespmem:v53+s22+$0x0], $0xffff  }
0x1c9: {  	v3 =	vld [tilespmem:$0x18DD0]  }
0x1ca: {  	v54 =	vld [tilespmem:$0x1A2D0];
	_ =	sdelay $0x3  }
0x1cb: {  	v1 =	vmul.f32 v2, v1;
	_ =	sdelay $0x1  }
0x1cc: {  	[tilespmem:$0x1AEC0] =	vst v1  }
0x1cd: {  	v1 =	vld.idx.msk [tilespmem:v3+s4+$0x0], $0xffff  }
0x1ce: {  	v2 =	vld.idx.msk [tilespmem:v54+s22+$0x0], $0xffff  }
0x1cf: {  	v3 =	vld [tilespmem:$0x18DE0]  }
0x1d0: {  	v55 =	vld [tilespmem:$0x1A2E0];
	_ =	sdelay $0x3  }
0x1d1: {  	v1 =	vmul.f32 v2, v1;
	_ =	sdelay $0x1  }
0x1d2: {  	[tilespmem:$0x1AED0] =	vst v1  }
0x1d3: {  	v1 =	vld.idx.msk [tilespmem:v3+s4+$0x0], $0xffff  }
0x1d4: {  	v2 =	vld.idx.msk [tilespmem:v55+s22+$0x0], $0xffff  }
0x1d5: {  	v3 =	vld [tilespmem:$0x18DF0]  }
0x1d6: {  	v56 =	vld [tilespmem:$0x1A2F0];
	_ =	sdelay $0x3  }
0x1d7: {  	v1 =	vmul.f32 v2, v1;
	_ =	sdelay $0x1  }
0x1d8: {  	[tilespmem:$0x1AEE0] =	vst v1  }
0x1d9: {  	v1 =	vld.idx.msk [tilespmem:v3+s4+$0x0], $0xffff  }
0x1da: {  	v2 =	vld.idx.msk [tilespmem:v56+s22+$0x0], $0xffff;
	_ =	sdelay $0x4  }
0x1db: {  	v1 =	vmul.f32 v2, v1;
	_ =	sdelay $0x1  }
0x1dc: {  	s14 =	simm.s32 $0x18E00;
	s15 =	simm.s32 $0x1AE80;
	[tilespmem:$0x1AEF0] =	vst v1  }
0x1dd: {  	[spmem:s3] =	stream.indirect.scatter.add.f32 [tilespmem:s15], [sflag:$0x4], $0x1, s14, s28, $0xb8;
	[tilespmem:$0x1E880] =	vst v63  }
0x1de: {  	v1 =	vld [tilespmem:$0x18E80]  }
0x1df: {  	v2 =	vld [tilespmem:$0x1A300];
	_ =	sdelay $0x5  }
0x1e0: {  	v3 =	vld [tilespmem:$0x18E90]  }
0x1e1: {  	v1 =	vld.idx.msk [tilespmem:v1+s4+$0x0], $0xffff  }
0x1e2: {  	v2 =	vld.idx.msk [tilespmem:v2+s22+$0x0], $0xffff  }
0x1e3: {  	v57 =	vld [tilespmem:$0x1A310];
	_ =	sdelay $0x3  }
0x1e4: {  	v1 =	vmul.f32 v2, v1;
	_ =	sdelay $0x1  }
0x1e5: {  	[tilespmem:$0x1AF00] =	vst v1  }
0x1e6: {  	v1 =	vld.idx.msk [tilespmem:v3+s4+$0x0], $0xffff  }
0x1e7: {  	v2 =	vld.idx.msk [tilespmem:v57+s22+$0x0], $0xffff  }
0x1e8: {  	v3 =	vld [tilespmem:$0x18EA0]  }
0x1e9: {  	v58 =	vld [tilespmem:$0x1A320];
	_ =	sdelay $0x3  }
0x1ea: {  	v1 =	vmul.f32 v2, v1;
	_ =	sdelay $0x1  }
0x1eb: {  	[tilespmem:$0x1AF10] =	vst v1  }
0x1ec: {  	v1 =	vld.idx.msk [tilespmem:v3+s4+$0x0], $0xffff  }
0x1ed: {  	v2 =	vld.idx.msk [tilespmem:v58+s22+$0x0], $0xffff  }
0x1ee: {  	v3 =	vld [tilespmem:$0x18EB0]  }
0x1ef: {  	v59 =	vld [tilespmem:$0x1A330];
	_ =	sdelay $0x3  }
0x1f0: {  	v1 =	vmul.f32 v2, v1;
	_ =	sdelay $0x1  }
0x1f1: {  	[tilespmem:$0x1AF20] =	vst v1  }
0x1f2: {  	v1 =	vld.idx.msk [tilespmem:v3+s4+$0x0], $0xffff  }
0x1f3: {  	v2 =	vld.idx.msk [tilespmem:v59+s22+$0x0], $0xffff  }
0x1f4: {  	v3 =	vld [tilespmem:$0x18EC0]  }
0x1f5: {  	v60 =	vld [tilespmem:$0x1A340];
	_ =	sdelay $0x3  }
0x1f6: {  	v1 =	vmul.f32 v2, v1;
	_ =	sdelay $0x1  }
0x1f7: {  	[tilespmem:$0x1AF30] =	vst v1  }
0x1f8: {  	v1 =	vld.idx.msk [tilespmem:v3+s4+$0x0], $0xffff  }
0x1f9: {  	v2 =	vld.idx.msk [tilespmem:v60+s22+$0x0], $0xffff  }
0x1fa: {  	v3 =	vld [tilespmem:$0x18ED0]  }
0x1fb: {  	v61 =	vld [tilespmem:$0x1A350];
	_ =	sdelay $0x3  }
0x1fc: {  	v1 =	vmul.f32 v2, v1;
	_ =	sdelay $0x1  }
0x1fd: {  	[tilespmem:$0x1AF40] =	vst v1  }
0x1fe: {  	v1 =	vld.idx.msk [tilespmem:v3+s4+$0x0], $0xffff  }
0x1ff: {  	v2 =	vld.idx.msk [tilespmem:v61+s22+$0x0], $0xffff  }
0x200: {  	v3 =	vld [tilespmem:$0x18EE0]  }
0x201: {  	v62 =	vld [tilespmem:$0x1A360];
	_ =	sdelay $0x3  }
0x202: {  	v1 =	vmul.f32 v2, v1;
	_ =	sdelay $0x1  }
0x203: {  	[tilespmem:$0x1AF50] =	vst v1  }
0x204: {  	v1 =	vld.idx.msk [tilespmem:v3+s4+$0x0], $0xffff  }
0x205: {  	v2 =	vld.idx.msk [tilespmem:v62+s22+$0x0], $0xffff  }
0x206: {  	v3 =	vld [tilespmem:$0x18EF0]  }
0x207: {  	v63 =	vld [tilespmem:$0x1A370];
	_ =	sdelay $0x3  }
0x208: {  	v1 =	vmul.f32 v2, v1;
	_ =	sdelay $0x1  }
0x209: {  	[tilespmem:$0x1AF60] =	vst v1  }
0x20a: {  	v1 =	vld.idx.msk [tilespmem:v3+s4+$0x0], $0xffff  }
0x20b: {  	v2 =	vld.idx.msk [tilespmem:v63+s22+$0x0], $0xffff;
	_ =	sdelay $0x4  }
0x20c: {  	v1 =	vmul.f32 v2, v1;
	_ =	sdelay $0x1  }
0x20d: {  	s14 =	simm.s32 $0x18F00;
	s15 =	simm.s32 $0x1AF00;
	[tilespmem:$0x1AF70] =	vst v1  }
0x20e: {  	[spmem:s3] =	stream.indirect.scatter.add.f32 [tilespmem:s15], [sflag:$0x4], $0x1, s14, s28, $0xb8;
	[tilespmem:$0x1E880] =	vst v63  }
.LBB2_6:
0x20f: {  	p3 =	sgt.u32 @!p2 s2, s6  }
0x210: {  	p3 =	por p3, p2  }
0x211: {  	s14 =	simm.s32 @!p3 $0x6  }
0x212: {  	_ =	swait.ge @!p3 [sflag:s14], $0x80  }
0x213: {  	[sflag:s14] =	ssyncset.done @!p3 $0x0  }
0x214: {  	[sflag:s14] =	ssyncadd.s32 @!p3 $0xFFFFFF80  }
0x215: {  	_ =	swait.ge @!p3 [sflag:s14], $0x80  }
0x216: {  	[sflag:s14] =	ssyncset.done @!p3 $0x0  }
0x217: {  	[sflag:s14] =	ssyncadd.s32 @!p3 $0xFFFFFF80  }
0x218: {  	_ =	swait.ge @!p3 [sflag:s14], $0x80  }
0x219: {  	[sflag:s14] =	ssyncset.done @!p3 $0x0  }
0x21a: {  	[sflag:s14] =	ssyncadd.s32 @!p3 $0xFFFFFF80  }
0x21b: {  	_ =	swait.ge @!p3 [sflag:s14], $0x80  }
0x21c: {  	[sflag:s14] =	ssyncset.done @!p3 $0x0  }
0x21d: {  	[sflag:s14] =	ssyncadd.s32 @!p3 $0xFFFFFF80  }
0x21e: {  	_ =	swait.ge @!p3 [sflag:s14], $0x80  }
0x21f: {  	[sflag:s14] =	ssyncset.done @!p3 $0x0  }
0x220: {  	[sflag:s14] =	ssyncadd.s32 @!p3 $0xFFFFFF80  }
0x221: {  	_ =	swait.ge @!p3 [sflag:s14], $0x80  }
0x222: {  	[sflag:s14] =	ssyncset.done @!p3 $0x0  }
0x223: {  	[sflag:s14] =	ssyncadd.s32 @!p3 $0xFFFFFF80  }
0x224: {  	_ =	swait.ge @!p3 [sflag:s14], $0x80  }
0x225: {  	[sflag:s14] =	ssyncset.done @!p3 $0x0  }
0x226: {  	[sflag:s14] =	ssyncadd.s32 @!p3 $0xFFFFFF80  }
0x227: {  	s15 =	sadd.s32 $0x2, s2;
	_ =	swait.ge @!p3 [sflag:s14], $0x80  }
.Ltmp6:
0x228: {  	p2 =	sge.u32 s15, s6;
	[sflag:s14] =	ssyncset.done @!p3 $0x0;
	(pc) =	sbr.rel @p1 .LBB2_8-.Ltmp6, $4  }
0x229: {  	s15 =	simm.s32 @!p2 $0x19780;
	[sflag:s14] =	ssyncadd.s32 @!p3 $0xFFFFFF80;
	s14 =	simm.s32 @!p2 $0x0  }
0x22a: {  	[tilespmem:s15], [sflag:$0x3] =	stream.linear.gather @!p2 [hbm4b:s20+s14], $0x800, $0x38;
	[tilespmem:$0x1E880] =	vst v63  }
0x22b: {  	s15 =	simm.s32 @!p2 $0x1A780  }
0x22c: {  	[tilespmem:s15], [sflag:$0x3] =	stream.linear.gather @!p2 [hbm4b:s21+s14], $0x400, $0x38;
	[tilespmem:$0x1E880] =	vst v63  }
0x22d: {  	_ =	swait.ge [sflag:s17], $0x800  }
0x22e: {  	[sflag:s17] =	ssyncset.done $0x0  }
0x22f: {  	[sflag:s17] =	ssyncadd.s32 $0xFFFFF800  }
0x230: {  	_ =	swait.ge [sflag:s17], $0x400  }
0x231: {  	[sflag:s17] =	ssyncset.done $0x0  }
0x232: {  	[sflag:s17] =	ssyncadd.s32 $0xFFFFFC00  }
0x233: {  	v1 =	vld [tilespmem:$0x18F80]  }
0x234: {  	v2 =	vld [tilespmem:$0x1A380];
	_ =	sdelay $0x5  }
0x235: {  	v3 =	vld [tilespmem:$0x18F90]  }
0x236: {  	v1 =	vld.idx.msk [tilespmem:v1+s4+$0x0], $0xffff  }
0x237: {  	v2 =	vld.idx.msk [tilespmem:v2+s22+$0x0], $0xffff  }
0x238: {  	v4 =	vld [tilespmem:$0x1A390];
	_ =	sdelay $0x3  }
0x239: {  	v1 =	vmul.f32 v2, v1;
	_ =	sdelay $0x1  }
0x23a: {  	[tilespmem:$0x1AF80] =	vst v1  }
0x23b: {  	v1 =	vld.idx.msk [tilespmem:v3+s4+$0x0], $0xffff  }
0x23c: {  	v2 =	vld.idx.msk [tilespmem:v4+s22+$0x0], $0xffff  }
0x23d: {  	v3 =	vld [tilespmem:$0x18FA0]  }
0x23e: {  	v9 =	vld [tilespmem:$0x1A3A0];
	_ =	sdelay $0x3  }
0x23f: {  	v1 =	vmul.f32 v2, v1;
	_ =	sdelay $0x1  }
0x240: {  	[tilespmem:$0x1AF90] =	vst v1  }
0x241: {  	v1 =	vld.idx.msk [tilespmem:v3+s4+$0x0], $0xffff  }
0x242: {  	v2 =	vld.idx.msk [tilespmem:v9+s22+$0x0], $0xffff  }
0x243: {  	v3 =	vld [tilespmem:$0x18FB0]  }
0x244: {  	v10 =	vld [tilespmem:$0x1A3B0];
	_ =	sdelay $0x3  }
0x245: {  	v1 =	vmul.f32 v2, v1;
	_ =	sdelay $0x1  }
0x246: {  	[tilespmem:$0x1AFA0] =	vst v1  }
0x247: {  	v1 =	vld.idx.msk [tilespmem:v3+s4+$0x0], $0xffff  }
0x248: {  	v2 =	vld.idx.msk [tilespmem:v10+s22+$0x0], $0xffff  }
0x249: {  	v3 =	vld [tilespmem:$0x18FC0]  }
0x24a: {  	v11 =	vld [tilespmem:$0x1A3C0];
	_ =	sdelay $0x3  }
0x24b: {  	v1 =	vmul.f32 v2, v1;
	_ =	sdelay $0x1  }
0x24c: {  	[tilespmem:$0x1AFB0] =	vst v1  }
0x24d: {  	v1 =	vld.idx.msk [tilespmem:v3+s4+$0x0], $0xffff  }
0x24e: {  	v2 =	vld.idx.msk [tilespmem:v11+s22+$0x0], $0xffff  }
0x24f: {  	v3 =	vld [tilespmem:$0x18FD0]  }
0x250: {  	v12 =	vld [tilespmem:$0x1A3D0];
	_ =	sdelay $0x3  }
0x251: {  	v1 =	vmul.f32 v2, v1;
	_ =	sdelay $0x1  }
0x252: {  	[tilespmem:$0x1AFC0] =	vst v1  }
0x253: {  	v1 =	vld.idx.msk [tilespmem:v3+s4+$0x0], $0xffff  }
0x254: {  	v2 =	vld.idx.msk [tilespmem:v12+s22+$0x0], $0xffff  }
0x255: {  	v3 =	vld [tilespmem:$0x18FE0]  }
0x256: {  	v13 =	vld [tilespmem:$0x1A3E0];
	_ =	sdelay $0x3  }
0x257: {  	v1 =	vmul.f32 v2, v1;
	_ =	sdelay $0x1  }
0x258: {  	[tilespmem:$0x1AFD0] =	vst v1  }
0x259: {  	v1 =	vld.idx.msk [tilespmem:v3+s4+$0x0], $0xffff  }
0x25a: {  	v2 =	vld.idx.msk [tilespmem:v13+s22+$0x0], $0xffff  }
0x25b: {  	v3 =	vld [tilespmem:$0x18FF0]  }
0x25c: {  	v14 =	vld [tilespmem:$0x1A3F0];
	_ =	sdelay $0x3  }
0x25d: {  	v1 =	vmul.f32 v2, v1;
	_ =	sdelay $0x1  }
0x25e: {  	[tilespmem:$0x1AFE0] =	vst v1  }
0x25f: {  	v1 =	vld.idx.msk [tilespmem:v3+s4+$0x0], $0xffff  }
0x260: {  	v2 =	vld.idx.msk [tilespmem:v14+s22+$0x0], $0xffff;
	_ =	sdelay $0x4  }
0x261: {  	v1 =	vmul.f32 v2, v1;
	_ =	sdelay $0x1  }
0x262: {  	s14 =	simm.s32 $0x19000;
	s15 =	simm.s32 $0x1AF80;
	[tilespmem:$0x1AFF0] =	vst v1  }
0x263: {  	[spmem:s3] =	stream.indirect.scatter.add.f32 [tilespmem:s15], [sflag:$0x5], $0x1, s14, s28, $0xb8;
	[tilespmem:$0x1E880] =	vst v63  }
0x264: {  	v1 =	vld [tilespmem:$0x19080]  }
0x265: {  	v2 =	vld [tilespmem:$0x1A400];
	_ =	sdelay $0x5  }
0x266: {  	v3 =	vld [tilespmem:$0x19090]  }
0x267: {  	v1 =	vld.idx.msk [tilespmem:v1+s4+$0x0], $0xffff  }
0x268: {  	v2 =	vld.idx.msk [tilespmem:v2+s22+$0x0], $0xffff  }
0x269: {  	v15 =	vld [tilespmem:$0x1A410];
	_ =	sdelay $0x3  }
0x26a: {  	v1 =	vmul.f32 v2, v1;
	_ =	sdelay $0x1  }
0x26b: {  	[tilespmem:$0x1B000] =	vst v1  }
0x26c: {  	v1 =	vld.idx.msk [tilespmem:v3+s4+$0x0], $0xffff  }
0x26d: {  	v2 =	vld.idx.msk [tilespmem:v15+s22+$0x0], $0xffff  }
0x26e: {  	v3 =	vld [tilespmem:$0x190A0]  }
0x26f: {  	v16 =	vld [tilespmem:$0x1A420];
	_ =	sdelay $0x3  }
0x270: {  	v1 =	vmul.f32 v2, v1;
	_ =	sdelay $0x1  }
0x271: {  	[tilespmem:$0x1B010] =	vst v1  }
0x272: {  	v1 =	vld.idx.msk [tilespmem:v3+s4+$0x0], $0xffff  }
0x273: {  	v2 =	vld.idx.msk [tilespmem:v16+s22+$0x0], $0xffff  }
0x274: {  	v3 =	vld [tilespmem:$0x190B0]  }
0x275: {  	v17 =	vld [tilespmem:$0x1A430];
	_ =	sdelay $0x3  }
0x276: {  	v1 =	vmul.f32 v2, v1;
	_ =	sdelay $0x1  }
0x277: {  	[tilespmem:$0x1B020] =	vst v1  }
0x278: {  	v1 =	vld.idx.msk [tilespmem:v3+s4+$0x0], $0xffff  }
0x279: {  	v2 =	vld.idx.msk [tilespmem:v17+s22+$0x0], $0xffff  }
0x27a: {  	v3 =	vld [tilespmem:$0x190C0]  }
0x27b: {  	v18 =	vld [tilespmem:$0x1A440];
	_ =	sdelay $0x3  }
0x27c: {  	v1 =	vmul.f32 v2, v1;
	_ =	sdelay $0x1  }
0x27d: {  	[tilespmem:$0x1B030] =	vst v1  }
0x27e: {  	v1 =	vld.idx.msk [tilespmem:v3+s4+$0x0], $0xffff  }
0x27f: {  	v2 =	vld.idx.msk [tilespmem:v18+s22+$0x0], $0xffff  }
0x280: {  	v3 =	vld [tilespmem:$0x190D0]  }
0x281: {  	v19 =	vld [tilespmem:$0x1A450];
	_ =	sdelay $0x3  }
0x282: {  	v1 =	vmul.f32 v2, v1;
	_ =	sdelay $0x1  }
0x283: {  	[tilespmem:$0x1B040] =	vst v1  }
0x284: {  	v1 =	vld.idx.msk [tilespmem:v3+s4+$0x0], $0xffff  }
0x285: {  	v2 =	vld.idx.msk [tilespmem:v19+s22+$0x0], $0xffff  }
0x286: {  	v3 =	vld [tilespmem:$0x190E0]  }
0x287: {  	v20 =	vld [tilespmem:$0x1A460];
	_ =	sdelay $0x3  }
0x288: {  	v1 =	vmul.f32 v2, v1;
	_ =	sdelay $0x1  }
0x289: {  	[tilespmem:$0x1B050] =	vst v1  }
0x28a: {  	v1 =	vld.idx.msk [tilespmem:v3+s4+$0x0], $0xffff  }
0x28b: {  	v2 =	vld.idx.msk [tilespmem:v20+s22+$0x0], $0xffff  }
0x28c: {  	v3 =	vld [tilespmem:$0x190F0]  }
0x28d: {  	v21 =	vld [tilespmem:$0x1A470];
	_ =	sdelay $0x3  }
0x28e: {  	v1 =	vmul.f32 v2, v1;
	_ =	sdelay $0x1  }
0x28f: {  	[tilespmem:$0x1B060] =	vst v1  }
0x290: {  	v1 =	vld.idx.msk [tilespmem:v3+s4+$0x0], $0xffff  }
0x291: {  	v2 =	vld.idx.msk [tilespmem:v21+s22+$0x0], $0xffff;
	_ =	sdelay $0x4  }
0x292: {  	v1 =	vmul.f32 v2, v1;
	_ =	sdelay $0x1  }
0x293: {  	s14 =	simm.s32 $0x19100;
	s15 =	simm.s32 $0x1B000;
	[tilespmem:$0x1B070] =	vst v1  }
0x294: {  	[spmem:s3] =	stream.indirect.scatter.add.f32 [tilespmem:s15], [sflag:$0x5], $0x1, s14, s28, $0xb8;
	[tilespmem:$0x1E880] =	vst v63  }
0x295: {  	v1 =	vld [tilespmem:$0x19180]  }
0x296: {  	v2 =	vld [tilespmem:$0x1A480];
	_ =	sdelay $0x5  }
0x297: {  	v3 =	vld [tilespmem:$0x19190]  }
0x298: {  	v1 =	vld.idx.msk [tilespmem:v1+s4+$0x0], $0xffff  }
0x299: {  	v2 =	vld.idx.msk [tilespmem:v2+s22+$0x0], $0xffff  }
0x29a: {  	v22 =	vld [tilespmem:$0x1A490];
	_ =	sdelay $0x3  }
0x29b: {  	v1 =	vmul.f32 v2, v1;
	_ =	sdelay $0x1  }
0x29c: {  	[tilespmem:$0x1B080] =	vst v1  }
0x29d: {  	v1 =	vld.idx.msk [tilespmem:v3+s4+$0x0], $0xffff  }
0x29e: {  	v2 =	vld.idx.msk [tilespmem:v22+s22+$0x0], $0xffff  }
0x29f: {  	v3 =	vld [tilespmem:$0x191A0]  }
0x2a0: {  	v23 =	vld [tilespmem:$0x1A4A0];
	_ =	sdelay $0x3  }
0x2a1: {  	v1 =	vmul.f32 v2, v1;
	_ =	sdelay $0x1  }
0x2a2: {  	[tilespmem:$0x1B090] =	vst v1  }
0x2a3: {  	v1 =	vld.idx.msk [tilespmem:v3+s4+$0x0], $0xffff  }
0x2a4: {  	v2 =	vld.idx.msk [tilespmem:v23+s22+$0x0], $0xffff  }
0x2a5: {  	v3 =	vld [tilespmem:$0x191B0]  }
0x2a6: {  	v24 =	vld [tilespmem:$0x1A4B0];
	_ =	sdelay $0x3  }
0x2a7: {  	v1 =	vmul.f32 v2, v1;
	_ =	sdelay $0x1  }
0x2a8: {  	[tilespmem:$0x1B0A0] =	vst v1  }
0x2a9: {  	v1 =	vld.idx.msk [tilespmem:v3+s4+$0x0], $0xffff  }
0x2aa: {  	v2 =	vld.idx.msk [tilespmem:v24+s22+$0x0], $0xffff  }
0x2ab: {  	v3 =	vld [tilespmem:$0x191C0]  }
0x2ac: {  	v25 =	vld [tilespmem:$0x1A4C0];
	_ =	sdelay $0x3  }
0x2ad: {  	v1 =	vmul.f32 v2, v1;
	_ =	sdelay $0x1  }
0x2ae: {  	[tilespmem:$0x1B0B0] =	vst v1  }
0x2af: {  	v1 =	vld.idx.msk [tilespmem:v3+s4+$0x0], $0xffff  }
0x2b0: {  	v2 =	vld.idx.msk [tilespmem:v25+s22+$0x0], $0xffff  }
0x2b1: {  	v3 =	vld [tilespmem:$0x191D0]  }
0x2b2: {  	v26 =	vld [tilespmem:$0x1A4D0];
	_ =	sdelay $0x3  }
0x2b3: {  	v1 =	vmul.f32 v2, v1;
	_ =	sdelay $0x1  }
0x2b4: {  	[tilespmem:$0x1B0C0] =	vst v1  }
0x2b5: {  	v1 =	vld.idx.msk [tilespmem:v3+s4+$0x0], $0xffff  }
0x2b6: {  	v2 =	vld.idx.msk [tilespmem:v26+s22+$0x0], $0xffff  }
0x2b7: {  	v3 =	vld [tilespmem:$0x191E0]  }
0x2b8: {  	v27 =	vld [tilespmem:$0x1A4E0];
	_ =	sdelay $0x3  }
0x2b9: {  	v1 =	vmul.f32 v2, v1;
	_ =	sdelay $0x1  }
0x2ba: {  	[tilespmem:$0x1B0D0] =	vst v1  }
0x2bb: {  	v1 =	vld.idx.msk [tilespmem:v3+s4+$0x0], $0xffff  }
0x2bc: {  	v2 =	vld.idx.msk [tilespmem:v27+s22+$0x0], $0xffff  }
0x2bd: {  	v3 =	vld [tilespmem:$0x191F0]  }
0x2be: {  	v28 =	vld [tilespmem:$0x1A4F0];
	_ =	sdelay $0x3  }
0x2bf: {  	v1 =	vmul.f32 v2, v1;
	_ =	sdelay $0x1  }
0x2c0: {  	[tilespmem:$0x1B0E0] =	vst v1  }
0x2c1: {  	v1 =	vld.idx.msk [tilespmem:v3+s4+$0x0], $0xffff  }
0x2c2: {  	v2 =	vld.idx.msk [tilespmem:v28+s22+$0x0], $0xffff;
	_ =	sdelay $0x4  }
0x2c3: {  	v1 =	vmul.f32 v2, v1;
	_ =	sdelay $0x1  }
0x2c4: {  	s14 =	simm.s32 $0x19200;
	s15 =	simm.s32 $0x1B080;
	[tilespmem:$0x1B0F0] =	vst v1  }
0x2c5: {  	[spmem:s3] =	stream.indirect.scatter.add.f32 [tilespmem:s15], [sflag:$0x5], $0x1, s14, s28, $0xb8;
	[tilespmem:$0x1E880] =	vst v63  }
0x2c6: {  	v1 =	vld [tilespmem:$0x19280]  }
0x2c7: {  	v2 =	vld [tilespmem:$0x1A500];
	_ =	sdelay $0x5  }
0x2c8: {  	v3 =	vld [tilespmem:$0x19290]  }
0x2c9: {  	v1 =	vld.idx.msk [tilespmem:v1+s4+$0x0], $0xffff  }
0x2ca: {  	v2 =	vld.idx.msk [tilespmem:v2+s22+$0x0], $0xffff  }
0x2cb: {  	v29 =	vld [tilespmem:$0x1A510];
	_ =	sdelay $0x3  }
0x2cc: {  	v1 =	vmul.f32 v2, v1;
	_ =	sdelay $0x1  }
0x2cd: {  	[tilespmem:$0x1B100] =	vst v1  }
0x2ce: {  	v1 =	vld.idx.msk [tilespmem:v3+s4+$0x0], $0xffff  }
0x2cf: {  	v2 =	vld.idx.msk [tilespmem:v29+s22+$0x0], $0xffff  }
0x2d0: {  	v3 =	vld [tilespmem:$0x192A0]  }
0x2d1: {  	v30 =	vld [tilespmem:$0x1A520];
	_ =	sdelay $0x3  }
0x2d2: {  	v1 =	vmul.f32 v2, v1;
	_ =	sdelay $0x1  }
0x2d3: {  	[tilespmem:$0x1B110] =	vst v1  }
0x2d4: {  	v1 =	vld.idx.msk [tilespmem:v3+s4+$0x0], $0xffff  }
0x2d5: {  	v2 =	vld.idx.msk [tilespmem:v30+s22+$0x0], $0xffff  }
0x2d6: {  	v3 =	vld [tilespmem:$0x192B0]  }
0x2d7: {  	v31 =	vld [tilespmem:$0x1A530];
	_ =	sdelay $0x3  }
0x2d8: {  	v1 =	vmul.f32 v2, v1;
	_ =	sdelay $0x1  }
0x2d9: {  	[tilespmem:$0x1B120] =	vst v1  }
0x2da: {  	v1 =	vld.idx.msk [tilespmem:v3+s4+$0x0], $0xffff  }
0x2db: {  	v2 =	vld.idx.msk [tilespmem:v31+s22+$0x0], $0xffff  }
0x2dc: {  	v3 =	vld [tilespmem:$0x192C0]  }
0x2dd: {  	v32 =	vld [tilespmem:$0x1A540];
	_ =	sdelay $0x3  }
0x2de: {  	v1 =	vmul.f32 v2, v1;
	_ =	sdelay $0x1  }
0x2df: {  	[tilespmem:$0x1B130] =	vst v1  }
0x2e0: {  	v1 =	vld.idx.msk [tilespmem:v3+s4+$0x0], $0xffff  }
0x2e1: {  	v2 =	vld.idx.msk [tilespmem:v32+s22+$0x0], $0xffff  }
0x2e2: {  	v3 =	vld [tilespmem:$0x192D0]  }
0x2e3: {  	v33 =	vld [tilespmem:$0x1A550];
	_ =	sdelay $0x3  }
0x2e4: {  	v1 =	vmul.f32 v2, v1;
	_ =	sdelay $0x1  }
0x2e5: {  	[tilespmem:$0x1B140] =	vst v1  }
0x2e6: {  	v1 =	vld.idx.msk [tilespmem:v3+s4+$0x0], $0xffff  }
0x2e7: {  	v2 =	vld.idx.msk [tilespmem:v33+s22+$0x0], $0xffff  }
0x2e8: {  	v3 =	vld [tilespmem:$0x192E0]  }
0x2e9: {  	v34 =	vld [tilespmem:$0x1A560];
	_ =	sdelay $0x3  }
0x2ea: {  	v1 =	vmul.f32 v2, v1;
	_ =	sdelay $0x1  }
0x2eb: {  	[tilespmem:$0x1B150] =	vst v1  }
0x2ec: {  	v1 =	vld.idx.msk [tilespmem:v3+s4+$0x0], $0xffff  }
0x2ed: {  	v2 =	vld.idx.msk [tilespmem:v34+s22+$0x0], $0xffff  }
0x2ee: {  	v3 =	vld [tilespmem:$0x192F0]  }
0x2ef: {  	v35 =	vld [tilespmem:$0x1A570];
	_ =	sdelay $0x3  }
0x2f0: {  	v1 =	vmul.f32 v2, v1;
	_ =	sdelay $0x1  }
0x2f1: {  	[tilespmem:$0x1B160] =	vst v1  }
0x2f2: {  	v1 =	vld.idx.msk [tilespmem:v3+s4+$0x0], $0xffff  }
0x2f3: {  	v2 =	vld.idx.msk [tilespmem:v35+s22+$0x0], $0xffff;
	_ =	sdelay $0x4  }
0x2f4: {  	v1 =	vmul.f32 v2, v1;
	_ =	sdelay $0x1  }
0x2f5: {  	s14 =	simm.s32 $0x19300;
	s15 =	simm.s32 $0x1B100;
	[tilespmem:$0x1B170] =	vst v1  }
0x2f6: {  	[spmem:s3] =	stream.indirect.scatter.add.f32 [tilespmem:s15], [sflag:$0x5], $0x1, s14, s28, $0xb8;
	[tilespmem:$0x1E880] =	vst v63  }
0x2f7: {  	v1 =	vld [tilespmem:$0x19380]  }
0x2f8: {  	v2 =	vld [tilespmem:$0x1A580];
	_ =	sdelay $0x5  }
0x2f9: {  	v3 =	vld [tilespmem:$0x19390]  }
0x2fa: {  	v1 =	vld.idx.msk [tilespmem:v1+s4+$0x0], $0xffff  }
0x2fb: {  	v2 =	vld.idx.msk [tilespmem:v2+s22+$0x0], $0xffff  }
0x2fc: {  	v36 =	vld [tilespmem:$0x1A590];
	_ =	sdelay $0x3  }
0x2fd: {  	v1 =	vmul.f32 v2, v1;
	_ =	sdelay $0x1  }
0x2fe: {  	[tilespmem:$0x1B180] =	vst v1  }
0x2ff: {  	v1 =	vld.idx.msk [tilespmem:v3+s4+$0x0], $0xffff  }
0x300: {  	v2 =	vld.idx.msk [tilespmem:v36+s22+$0x0], $0xffff  }
0x301: {  	v3 =	vld [tilespmem:$0x193A0]  }
0x302: {  	v37 =	vld [tilespmem:$0x1A5A0];
	_ =	sdelay $0x3  }
0x303: {  	v1 =	vmul.f32 v2, v1;
	_ =	sdelay $0x1  }
0x304: {  	[tilespmem:$0x1B190] =	vst v1  }
0x305: {  	v1 =	vld.idx.msk [tilespmem:v3+s4+$0x0], $0xffff  }
0x306: {  	v2 =	vld.idx.msk [tilespmem:v37+s22+$0x0], $0xffff  }
0x307: {  	v3 =	vld [tilespmem:$0x193B0]  }
0x308: {  	v38 =	vld [tilespmem:$0x1A5B0];
	_ =	sdelay $0x3  }
0x309: {  	v1 =	vmul.f32 v2, v1;
	_ =	sdelay $0x1  }
0x30a: {  	[tilespmem:$0x1B1A0] =	vst v1  }
0x30b: {  	v1 =	vld.idx.msk [tilespmem:v3+s4+$0x0], $0xffff  }
0x30c: {  	v2 =	vld.idx.msk [tilespmem:v38+s22+$0x0], $0xffff  }
0x30d: {  	v3 =	vld [tilespmem:$0x193C0]  }
0x30e: {  	v39 =	vld [tilespmem:$0x1A5C0];
	_ =	sdelay $0x3  }
0x30f: {  	v1 =	vmul.f32 v2, v1;
	_ =	sdelay $0x1  }
0x310: {  	[tilespmem:$0x1B1B0] =	vst v1  }
0x311: {  	v1 =	vld.idx.msk [tilespmem:v3+s4+$0x0], $0xffff  }
0x312: {  	v2 =	vld.idx.msk [tilespmem:v39+s22+$0x0], $0xffff  }
0x313: {  	v3 =	vld [tilespmem:$0x193D0]  }
0x314: {  	v40 =	vld [tilespmem:$0x1A5D0];
	_ =	sdelay $0x3  }
0x315: {  	v1 =	vmul.f32 v2, v1;
	_ =	sdelay $0x1  }
0x316: {  	[tilespmem:$0x1B1C0] =	vst v1  }
0x317: {  	v1 =	vld.idx.msk [tilespmem:v3+s4+$0x0], $0xffff  }
0x318: {  	v2 =	vld.idx.msk [tilespmem:v40+s22+$0x0], $0xffff  }
0x319: {  	v3 =	vld [tilespmem:$0x193E0]  }
0x31a: {  	v41 =	vld [tilespmem:$0x1A5E0];
	_ =	sdelay $0x3  }
0x31b: {  	v1 =	vmul.f32 v2, v1;
	_ =	sdelay $0x1  }
0x31c: {  	[tilespmem:$0x1B1D0] =	vst v1  }
0x31d: {  	v1 =	vld.idx.msk [tilespmem:v3+s4+$0x0], $0xffff  }
0x31e: {  	v2 =	vld.idx.msk [tilespmem:v41+s22+$0x0], $0xffff  }
0x31f: {  	v3 =	vld [tilespmem:$0x193F0]  }
0x320: {  	v42 =	vld [tilespmem:$0x1A5F0];
	_ =	sdelay $0x3  }
0x321: {  	v1 =	vmul.f32 v2, v1;
	_ =	sdelay $0x1  }
0x322: {  	[tilespmem:$0x1B1E0] =	vst v1  }
0x323: {  	v1 =	vld.idx.msk [tilespmem:v3+s4+$0x0], $0xffff  }
0x324: {  	v2 =	vld.idx.msk [tilespmem:v42+s22+$0x0], $0xffff;
	_ =	sdelay $0x4  }
0x325: {  	v1 =	vmul.f32 v2, v1;
	_ =	sdelay $0x1  }
0x326: {  	s14 =	simm.s32 $0x19400;
	s15 =	simm.s32 $0x1B180;
	[tilespmem:$0x1B1F0] =	vst v1  }
0x327: {  	[spmem:s3] =	stream.indirect.scatter.add.f32 [tilespmem:s15], [sflag:$0x5], $0x1, s14, s28, $0xb8;
	[tilespmem:$0x1E880] =	vst v63  }
0x328: {  	v1 =	vld [tilespmem:$0x19480]  }
0x329: {  	v2 =	vld [tilespmem:$0x1A600];
	_ =	sdelay $0x5  }
0x32a: {  	v3 =	vld [tilespmem:$0x19490]  }
0x32b: {  	v1 =	vld.idx.msk [tilespmem:v1+s4+$0x0], $0xffff  }
0x32c: {  	v2 =	vld.idx.msk [tilespmem:v2+s22+$0x0], $0xffff  }
0x32d: {  	v43 =	vld [tilespmem:$0x1A610];
	_ =	sdelay $0x3  }
0x32e: {  	v1 =	vmul.f32 v2, v1;
	_ =	sdelay $0x1  }
0x32f: {  	[tilespmem:$0x1B200] =	vst v1  }
0x330: {  	v1 =	vld.idx.msk [tilespmem:v3+s4+$0x0], $0xffff  }
0x331: {  	v2 =	vld.idx.msk [tilespmem:v43+s22+$0x0], $0xffff  }
0x332: {  	v3 =	vld [tilespmem:$0x194A0]  }
0x333: {  	v44 =	vld [tilespmem:$0x1A620];
	_ =	sdelay $0x3  }
0x334: {  	v1 =	vmul.f32 v2, v1;
	_ =	sdelay $0x1  }
0x335: {  	[tilespmem:$0x1B210] =	vst v1  }
0x336: {  	v1 =	vld.idx.msk [tilespmem:v3+s4+$0x0], $0xffff  }
0x337: {  	v2 =	vld.idx.msk [tilespmem:v44+s22+$0x0], $0xffff  }
0x338: {  	v3 =	vld [tilespmem:$0x194B0]  }
0x339: {  	v45 =	vld [tilespmem:$0x1A630];
	_ =	sdelay $0x3  }
0x33a: {  	v1 =	vmul.f32 v2, v1;
	_ =	sdelay $0x1  }
0x33b: {  	[tilespmem:$0x1B220] =	vst v1  }
0x33c: {  	v1 =	vld.idx.msk [tilespmem:v3+s4+$0x0], $0xffff  }
0x33d: {  	v2 =	vld.idx.msk [tilespmem:v45+s22+$0x0], $0xffff  }
0x33e: {  	v3 =	vld [tilespmem:$0x194C0]  }
0x33f: {  	v46 =	vld [tilespmem:$0x1A640];
	_ =	sdelay $0x3  }
0x340: {  	v1 =	vmul.f32 v2, v1;
	_ =	sdelay $0x1  }
0x341: {  	[tilespmem:$0x1B230] =	vst v1  }
0x342: {  	v1 =	vld.idx.msk [tilespmem:v3+s4+$0x0], $0xffff  }
0x343: {  	v2 =	vld.idx.msk [tilespmem:v46+s22+$0x0], $0xffff  }
0x344: {  	v3 =	vld [tilespmem:$0x194D0]  }
0x345: {  	v47 =	vld [tilespmem:$0x1A650];
	_ =	sdelay $0x3  }
0x346: {  	v1 =	vmul.f32 v2, v1;
	_ =	sdelay $0x1  }
0x347: {  	[tilespmem:$0x1B240] =	vst v1  }
0x348: {  	v1 =	vld.idx.msk [tilespmem:v3+s4+$0x0], $0xffff  }
0x349: {  	v2 =	vld.idx.msk [tilespmem:v47+s22+$0x0], $0xffff  }
0x34a: {  	v3 =	vld [tilespmem:$0x194E0]  }
0x34b: {  	v48 =	vld [tilespmem:$0x1A660];
	_ =	sdelay $0x3  }
0x34c: {  	v1 =	vmul.f32 v2, v1;
	_ =	sdelay $0x1  }
0x34d: {  	[tilespmem:$0x1B250] =	vst v1  }
0x34e: {  	v1 =	vld.idx.msk [tilespmem:v3+s4+$0x0], $0xffff  }
0x34f: {  	v2 =	vld.idx.msk [tilespmem:v48+s22+$0x0], $0xffff  }
0x350: {  	v3 =	vld [tilespmem:$0x194F0]  }
0x351: {  	v49 =	vld [tilespmem:$0x1A670];
	_ =	sdelay $0x3  }
0x352: {  	v1 =	vmul.f32 v2, v1;
	_ =	sdelay $0x1  }
0x353: {  	[tilespmem:$0x1B260] =	vst v1  }
0x354: {  	v1 =	vld.idx.msk [tilespmem:v3+s4+$0x0], $0xffff  }
0x355: {  	v2 =	vld.idx.msk [tilespmem:v49+s22+$0x0], $0xffff;
	_ =	sdelay $0x4  }
0x356: {  	v1 =	vmul.f32 v2, v1;
	_ =	sdelay $0x1  }
0x357: {  	s14 =	simm.s32 $0x19500;
	s15 =	simm.s32 $0x1B200;
	[tilespmem:$0x1B270] =	vst v1  }
0x358: {  	[spmem:s3] =	stream.indirect.scatter.add.f32 [tilespmem:s15], [sflag:$0x5], $0x1, s14, s28, $0xb8;
	[tilespmem:$0x1E880] =	vst v63  }
0x359: {  	v1 =	vld [tilespmem:$0x19580]  }
0x35a: {  	v2 =	vld [tilespmem:$0x1A680];
	_ =	sdelay $0x5  }
0x35b: {  	v3 =	vld [tilespmem:$0x19590]  }
0x35c: {  	v1 =	vld.idx.msk [tilespmem:v1+s4+$0x0], $0xffff  }
0x35d: {  	v2 =	vld.idx.msk [tilespmem:v2+s22+$0x0], $0xffff  }
0x35e: {  	v50 =	vld [tilespmem:$0x1A690];
	_ =	sdelay $0x3  }
0x35f: {  	v1 =	vmul.f32 v2, v1;
	_ =	sdelay $0x1  }
0x360: {  	[tilespmem:$0x1B280] =	vst v1  }
0x361: {  	v1 =	vld.idx.msk [tilespmem:v3+s4+$0x0], $0xffff  }
0x362: {  	v2 =	vld.idx.msk [tilespmem:v50+s22+$0x0], $0xffff  }
0x363: {  	v3 =	vld [tilespmem:$0x195A0]  }
0x364: {  	v51 =	vld [tilespmem:$0x1A6A0];
	_ =	sdelay $0x3  }
0x365: {  	v1 =	vmul.f32 v2, v1;
	_ =	sdelay $0x1  }
0x366: {  	[tilespmem:$0x1B290] =	vst v1  }
0x367: {  	v1 =	vld.idx.msk [tilespmem:v3+s4+$0x0], $0xffff  }
0x368: {  	v2 =	vld.idx.msk [tilespmem:v51+s22+$0x0], $0xffff  }
0x369: {  	v3 =	vld [tilespmem:$0x195B0]  }
0x36a: {  	v52 =	vld [tilespmem:$0x1A6B0];
	_ =	sdelay $0x3  }
0x36b: {  	v1 =	vmul.f32 v2, v1;
	_ =	sdelay $0x1  }
0x36c: {  	[tilespmem:$0x1B2A0] =	vst v1  }
0x36d: {  	v1 =	vld.idx.msk [tilespmem:v3+s4+$0x0], $0xffff  }
0x36e: {  	v2 =	vld.idx.msk [tilespmem:v52+s22+$0x0], $0xffff  }
0x36f: {  	v3 =	vld [tilespmem:$0x195C0]  }
0x370: {  	v53 =	vld [tilespmem:$0x1A6C0];
	_ =	sdelay $0x3  }
0x371: {  	v1 =	vmul.f32 v2, v1;
	_ =	sdelay $0x1  }
0x372: {  	[tilespmem:$0x1B2B0] =	vst v1  }
0x373: {  	v1 =	vld.idx.msk [tilespmem:v3+s4+$0x0], $0xffff  }
0x374: {  	v2 =	vld.idx.msk [tilespmem:v53+s22+$0x0], $0xffff  }
0x375: {  	v3 =	vld [tilespmem:$0x195D0]  }
0x376: {  	v54 =	vld [tilespmem:$0x1A6D0];
	_ =	sdelay $0x3  }
0x377: {  	v1 =	vmul.f32 v2, v1;
	_ =	sdelay $0x1  }
0x378: {  	[tilespmem:$0x1B2C0] =	vst v1  }
0x379: {  	v1 =	vld.idx.msk [tilespmem:v3+s4+$0x0], $0xffff  }
0x37a: {  	v2 =	vld.idx.msk [tilespmem:v54+s22+$0x0], $0xffff  }
0x37b: {  	v3 =	vld [tilespmem:$0x195E0]  }
0x37c: {  	v55 =	vld [tilespmem:$0x1A6E0];
	_ =	sdelay $0x3  }
0x37d: {  	v1 =	vmul.f32 v2, v1;
	_ =	sdelay $0x1  }
0x37e: {  	[tilespmem:$0x1B2D0] =	vst v1  }
0x37f: {  	v1 =	vld.idx.msk [tilespmem:v3+s4+$0x0], $0xffff  }
0x380: {  	v2 =	vld.idx.msk [tilespmem:v55+s22+$0x0], $0xffff  }
0x381: {  	v3 =	vld [tilespmem:$0x195F0]  }
0x382: {  	v56 =	vld [tilespmem:$0x1A6F0];
	_ =	sdelay $0x3  }
0x383: {  	v1 =	vmul.f32 v2, v1;
	_ =	sdelay $0x1  }
0x384: {  	[tilespmem:$0x1B2E0] =	vst v1  }
0x385: {  	v1 =	vld.idx.msk [tilespmem:v3+s4+$0x0], $0xffff  }
0x386: {  	v2 =	vld.idx.msk [tilespmem:v56+s22+$0x0], $0xffff;
	_ =	sdelay $0x4  }
0x387: {  	v1 =	vmul.f32 v2, v1;
	_ =	sdelay $0x1  }
0x388: {  	s14 =	simm.s32 $0x19600;
	s15 =	simm.s32 $0x1B280;
	[tilespmem:$0x1B2F0] =	vst v1  }
0x389: {  	[spmem:s3] =	stream.indirect.scatter.add.f32 [tilespmem:s15], [sflag:$0x5], $0x1, s14, s28, $0xb8;
	[tilespmem:$0x1E880] =	vst v63  }
0x38a: {  	v1 =	vld [tilespmem:$0x19680]  }
0x38b: {  	v2 =	vld [tilespmem:$0x1A700];
	_ =	sdelay $0x5  }
0x38c: {  	v3 =	vld [tilespmem:$0x19690]  }
0x38d: {  	v1 =	vld.idx.msk [tilespmem:v1+s4+$0x0], $0xffff  }
0x38e: {  	v2 =	vld.idx.msk [tilespmem:v2+s22+$0x0], $0xffff  }
0x38f: {  	v57 =	vld [tilespmem:$0x1A710];
	_ =	sdelay $0x3  }
0x390: {  	v1 =	vmul.f32 v2, v1;
	_ =	sdelay $0x1  }
0x391: {  	[tilespmem:$0x1B300] =	vst v1  }
0x392: {  	v1 =	vld.idx.msk [tilespmem:v3+s4+$0x0], $0xffff  }
0x393: {  	v2 =	vld.idx.msk [tilespmem:v57+s22+$0x0], $0xffff  }
0x394: {  	v3 =	vld [tilespmem:$0x196A0]  }
0x395: {  	v58 =	vld [tilespmem:$0x1A720];
	_ =	sdelay $0x3  }
0x396: {  	v1 =	vmul.f32 v2, v1;
	_ =	sdelay $0x1  }
0x397: {  	[tilespmem:$0x1B310] =	vst v1  }
0x398: {  	v1 =	vld.idx.msk [tilespmem:v3+s4+$0x0], $0xffff  }
0x399: {  	v2 =	vld.idx.msk [tilespmem:v58+s22+$0x0], $0xffff  }
0x39a: {  	v3 =	vld [tilespmem:$0x196B0]  }
0x39b: {  	v59 =	vld [tilespmem:$0x1A730];
	_ =	sdelay $0x3  }
0x39c: {  	v1 =	vmul.f32 v2, v1;
	_ =	sdelay $0x1  }
0x39d: {  	[tilespmem:$0x1B320] =	vst v1  }
0x39e: {  	v1 =	vld.idx.msk [tilespmem:v3+s4+$0x0], $0xffff  }
0x39f: {  	v2 =	vld.idx.msk [tilespmem:v59+s22+$0x0], $0xffff  }
0x3a0: {  	v3 =	vld [tilespmem:$0x196C0]  }
0x3a1: {  	v60 =	vld [tilespmem:$0x1A740];
	_ =	sdelay $0x3  }
0x3a2: {  	v1 =	vmul.f32 v2, v1;
	_ =	sdelay $0x1  }
0x3a3: {  	[tilespmem:$0x1B330] =	vst v1  }
0x3a4: {  	v1 =	vld.idx.msk [tilespmem:v3+s4+$0x0], $0xffff  }
0x3a5: {  	v2 =	vld.idx.msk [tilespmem:v60+s22+$0x0], $0xffff  }
0x3a6: {  	v3 =	vld [tilespmem:$0x196D0]  }
0x3a7: {  	v61 =	vld [tilespmem:$0x1A750];
	_ =	sdelay $0x3  }
0x3a8: {  	v1 =	vmul.f32 v2, v1;
	_ =	sdelay $0x1  }
0x3a9: {  	[tilespmem:$0x1B340] =	vst v1  }
0x3aa: {  	v1 =	vld.idx.msk [tilespmem:v3+s4+$0x0], $0xffff  }
0x3ab: {  	v2 =	vld.idx.msk [tilespmem:v61+s22+$0x0], $0xffff  }
0x3ac: {  	v3 =	vld [tilespmem:$0x196E0]  }
0x3ad: {  	v62 =	vld [tilespmem:$0x1A760];
	_ =	sdelay $0x3  }
0x3ae: {  	v1 =	vmul.f32 v2, v1;
	_ =	sdelay $0x1  }
0x3af: {  	[tilespmem:$0x1B350] =	vst v1  }
0x3b0: {  	v1 =	vld.idx.msk [tilespmem:v3+s4+$0x0], $0xffff  }
0x3b1: {  	v2 =	vld.idx.msk [tilespmem:v62+s22+$0x0], $0xffff  }
0x3b2: {  	v3 =	vld [tilespmem:$0x196F0]  }
0x3b3: {  	v63 =	vld [tilespmem:$0x1A770];
	_ =	sdelay $0x3  }
0x3b4: {  	v1 =	vmul.f32 v2, v1;
	_ =	sdelay $0x1  }
0x3b5: {  	[tilespmem:$0x1B360] =	vst v1  }
0x3b6: {  	v1 =	vld.idx.msk [tilespmem:v3+s4+$0x0], $0xffff  }
0x3b7: {  	v2 =	vld.idx.msk [tilespmem:v63+s22+$0x0], $0xffff;
	_ =	sdelay $0x4  }
0x3b8: {  	v1 =	vmul.f32 v2, v1;
	_ =	sdelay $0x1  }
0x3b9: {  	s14 =	simm.s32 $0x19700;
	s15 =	simm.s32 $0x1B300;
	[tilespmem:$0x1B370] =	vst v1  }
0x3ba: {  	[spmem:s3] =	stream.indirect.scatter.add.f32 [tilespmem:s15], [sflag:$0x5], $0x1, s14, s28, $0xb8;
	[tilespmem:$0x1E880] =	vst v63  }
.LBB2_8:
0x3bb: {  	s14 =	simm.s32 @!p0 $0x4  }
0x3bc: {  	_ =	swait.ge @!p0 [sflag:s14], $0x80  }
0x3bd: {  	[sflag:s14] =	ssyncset.done @!p0 $0x0  }
0x3be: {  	[sflag:s14] =	ssyncadd.s32 @!p0 $0xFFFFFF80  }
0x3bf: {  	_ =	swait.ge @!p0 [sflag:s14], $0x80  }
0x3c0: {  	[sflag:s14] =	ssyncset.done @!p0 $0x0  }
0x3c1: {  	[sflag:s14] =	ssyncadd.s32 @!p0 $0xFFFFFF80  }
0x3c2: {  	_ =	swait.ge @!p0 [sflag:s14], $0x80  }
0x3c3: {  	[sflag:s14] =	ssyncset.done @!p0 $0x0  }
0x3c4: {  	[sflag:s14] =	ssyncadd.s32 @!p0 $0xFFFFFF80  }
0x3c5: {  	_ =	swait.ge @!p0 [sflag:s14], $0x80  }
0x3c6: {  	[sflag:s14] =	ssyncset.done @!p0 $0x0  }
0x3c7: {  	[sflag:s14] =	ssyncadd.s32 @!p0 $0xFFFFFF80  }
0x3c8: {  	_ =	swait.ge @!p0 [sflag:s14], $0x80  }
0x3c9: {  	[sflag:s14] =	ssyncset.done @!p0 $0x0  }
0x3ca: {  	[sflag:s14] =	ssyncadd.s32 @!p0 $0xFFFFFF80  }
0x3cb: {  	_ =	swait.ge @!p0 [sflag:s14], $0x80  }
0x3cc: {  	[sflag:s14] =	ssyncset.done @!p0 $0x0  }
0x3cd: {  	[sflag:s14] =	ssyncadd.s32 @!p0 $0xFFFFFF80  }
0x3ce: {  	_ =	swait.ge @!p0 [sflag:s14], $0x80  }
0x3cf: {  	[sflag:s14] =	ssyncset.done @!p0 $0x0  }
0x3d0: {  	[sflag:s14] =	ssyncadd.s32 @!p0 $0xFFFFFF80  }
0x3d1: {  	_ =	swait.ge @!p0 [sflag:s14], $0x80  }
.Ltmp7:
0x3d2: {  	p1 =	sge.u32 s2, s11;
	[sflag:s14] =	ssyncset.done @!p0 $0x0;
	(pc) =	sbr.rel @p2 .LBB2_10-.Ltmp7, $4  }
0x3d3: {  	s15 =	simm.s32 @!p1 $0x18780;
	[sflag:s14] =	ssyncadd.s32 @!p0 $0xFFFFFF80;
	s14 =	simm.s32 @!p1 $0x0  }
0x3d4: {  	[tilespmem:s15], [sflag:$0x1] =	stream.linear.gather @!p1 [hbm4b:s5+s14], $0x800, $0x38;
	[tilespmem:$0x1E880] =	vst v63  }
0x3d5: {  	s15 =	simm.s32 @!p1 $0x19F80  }
0x3d6: {  	[tilespmem:s15], [sflag:$0x1] =	stream.linear.gather @!p1 [hbm4b:s7+s14], $0x400, $0x38;
	[tilespmem:$0x1E880] =	vst v63  }
0x3d7: {  	_ =	swait.ge [sflag:s8], $0x800  }
0x3d8: {  	[sflag:s8] =	ssyncset.done $0x0  }
0x3d9: {  	[sflag:s8] =	ssyncadd.s32 $0xFFFFF800  }
0x3da: {  	_ =	swait.ge [sflag:s8], $0x400  }
0x3db: {  	[sflag:s8] =	ssyncset.done $0x0  }
0x3dc: {  	[sflag:s8] =	ssyncadd.s32 $0xFFFFFC00  }
0x3dd: {  	v1 =	vld [tilespmem:$0x19780]  }
0x3de: {  	v2 =	vld [tilespmem:$0x1A780];
	_ =	sdelay $0x5  }
0x3df: {  	v3 =	vld [tilespmem:$0x19790]  }
0x3e0: {  	v1 =	vld.idx.msk [tilespmem:v1+s4+$0x0], $0xffff  }
0x3e1: {  	v2 =	vld.idx.msk [tilespmem:v2+s22+$0x0], $0xffff  }
0x3e2: {  	v4 =	vld [tilespmem:$0x1A790];
	_ =	sdelay $0x3  }
0x3e3: {  	v1 =	vmul.f32 v2, v1;
	_ =	sdelay $0x1  }
0x3e4: {  	[tilespmem:$0x1B380] =	vst v1  }
0x3e5: {  	v1 =	vld.idx.msk [tilespmem:v3+s4+$0x0], $0xffff  }
0x3e6: {  	v2 =	vld.idx.msk [tilespmem:v4+s22+$0x0], $0xffff  }
0x3e7: {  	v3 =	vld [tilespmem:$0x197A0]  }
0x3e8: {  	v9 =	vld [tilespmem:$0x1A7A0];
	_ =	sdelay $0x3  }
0x3e9: {  	v1 =	vmul.f32 v2, v1;
	_ =	sdelay $0x1  }
0x3ea: {  	[tilespmem:$0x1B390] =	vst v1  }
0x3eb: {  	v1 =	vld.idx.msk [tilespmem:v3+s4+$0x0], $0xffff  }
0x3ec: {  	v2 =	vld.idx.msk [tilespmem:v9+s22+$0x0], $0xffff  }
0x3ed: {  	v3 =	vld [tilespmem:$0x197B0]  }
0x3ee: {  	v10 =	vld [tilespmem:$0x1A7B0];
	_ =	sdelay $0x3  }
0x3ef: {  	v1 =	vmul.f32 v2, v1;
	_ =	sdelay $0x1  }
0x3f0: {  	[tilespmem:$0x1B3A0] =	vst v1  }
0x3f1: {  	v1 =	vld.idx.msk [tilespmem:v3+s4+$0x0], $0xffff  }
0x3f2: {  	v2 =	vld.idx.msk [tilespmem:v10+s22+$0x0], $0xffff  }
0x3f3: {  	v3 =	vld [tilespmem:$0x197C0]  }
0x3f4: {  	v11 =	vld [tilespmem:$0x1A7C0];
	_ =	sdelay $0x3  }
0x3f5: {  	v1 =	vmul.f32 v2, v1;
	_ =	sdelay $0x1  }
0x3f6: {  	[tilespmem:$0x1B3B0] =	vst v1  }
0x3f7: {  	v1 =	vld.idx.msk [tilespmem:v3+s4+$0x0], $0xffff  }
0x3f8: {  	v2 =	vld.idx.msk [tilespmem:v11+s22+$0x0], $0xffff  }
0x3f9: {  	v3 =	vld [tilespmem:$0x197D0]  }
0x3fa: {  	v12 =	vld [tilespmem:$0x1A7D0];
	_ =	sdelay $0x3  }
0x3fb: {  	v1 =	vmul.f32 v2, v1;
	_ =	sdelay $0x1  }
0x3fc: {  	[tilespmem:$0x1B3C0] =	vst v1  }
0x3fd: {  	v1 =	vld.idx.msk [tilespmem:v3+s4+$0x0], $0xffff  }
0x3fe: {  	v2 =	vld.idx.msk [tilespmem:v12+s22+$0x0], $0xffff  }
0x3ff: {  	v3 =	vld [tilespmem:$0x197E0]  }
0x400: {  	v13 =	vld [tilespmem:$0x1A7E0];
	_ =	sdelay $0x3  }
0x401: {  	v1 =	vmul.f32 v2, v1;
	_ =	sdelay $0x1  }
0x402: {  	[tilespmem:$0x1B3D0] =	vst v1  }
0x403: {  	v1 =	vld.idx.msk [tilespmem:v3+s4+$0x0], $0xffff  }
0x404: {  	v2 =	vld.idx.msk [tilespmem:v13+s22+$0x0], $0xffff  }
0x405: {  	v3 =	vld [tilespmem:$0x197F0]  }
0x406: {  	v14 =	vld [tilespmem:$0x1A7F0];
	_ =	sdelay $0x3  }
0x407: {  	v1 =	vmul.f32 v2, v1;
	_ =	sdelay $0x1  }
0x408: {  	[tilespmem:$0x1B3E0] =	vst v1  }
0x409: {  	v1 =	vld.idx.msk [tilespmem:v3+s4+$0x0], $0xffff  }
0x40a: {  	v2 =	vld.idx.msk [tilespmem:v14+s22+$0x0], $0xffff;
	_ =	sdelay $0x4  }
0x40b: {  	v1 =	vmul.f32 v2, v1;
	_ =	sdelay $0x1  }
0x40c: {  	s14 =	simm.s32 $0x19800;
	s15 =	simm.s32 $0x1B380;
	[tilespmem:$0x1B3F0] =	vst v1  }
0x40d: {  	[spmem:s3] =	stream.indirect.scatter.add.f32 [tilespmem:s15], [sflag:$0x6], $0x1, s14, s28, $0xb8;
	[tilespmem:$0x1E880] =	vst v63  }
0x40e: {  	v1 =	vld [tilespmem:$0x19880]  }
0x40f: {  	v2 =	vld [tilespmem:$0x1A800];
	_ =	sdelay $0x5  }
0x410: {  	v3 =	vld [tilespmem:$0x19890]  }
0x411: {  	v1 =	vld.idx.msk [tilespmem:v1+s4+$0x0], $0xffff  }
0x412: {  	v2 =	vld.idx.msk [tilespmem:v2+s22+$0x0], $0xffff  }
0x413: {  	v15 =	vld [tilespmem:$0x1A810];
	_ =	sdelay $0x3  }
0x414: {  	v1 =	vmul.f32 v2, v1;
	_ =	sdelay $0x1  }
0x415: {  	[tilespmem:$0x1B400] =	vst v1  }
0x416: {  	v1 =	vld.idx.msk [tilespmem:v3+s4+$0x0], $0xffff  }
0x417: {  	v2 =	vld.idx.msk [tilespmem:v15+s22+$0x0], $0xffff  }
0x418: {  	v3 =	vld [tilespmem:$0x198A0]  }
0x419: {  	v16 =	vld [tilespmem:$0x1A820];
	_ =	sdelay $0x3  }
0x41a: {  	v1 =	vmul.f32 v2, v1;
	_ =	sdelay $0x1  }
0x41b: {  	[tilespmem:$0x1B410] =	vst v1  }
0x41c: {  	v1 =	vld.idx.msk [tilespmem:v3+s4+$0x0], $0xffff  }
0x41d: {  	v2 =	vld.idx.msk [tilespmem:v16+s22+$0x0], $0xffff  }
0x41e: {  	v3 =	vld [tilespmem:$0x198B0]  }
0x41f: {  	v17 =	vld [tilespmem:$0x1A830];
	_ =	sdelay $0x3  }
0x420: {  	v1 =	vmul.f32 v2, v1;
	_ =	sdelay $0x1  }
0x421: {  	[tilespmem:$0x1B420] =	vst v1  }
0x422: {  	v1 =	vld.idx.msk [tilespmem:v3+s4+$0x0], $0xffff  }
0x423: {  	v2 =	vld.idx.msk [tilespmem:v17+s22+$0x0], $0xffff  }
0x424: {  	v3 =	vld [tilespmem:$0x198C0]  }
0x425: {  	v18 =	vld [tilespmem:$0x1A840];
	_ =	sdelay $0x3  }
0x426: {  	v1 =	vmul.f32 v2, v1;
	_ =	sdelay $0x1  }
0x427: {  	[tilespmem:$0x1B430] =	vst v1  }
0x428: {  	v1 =	vld.idx.msk [tilespmem:v3+s4+$0x0], $0xffff  }
0x429: {  	v2 =	vld.idx.msk [tilespmem:v18+s22+$0x0], $0xffff  }
0x42a: {  	v3 =	vld [tilespmem:$0x198D0]  }
0x42b: {  	v19 =	vld [tilespmem:$0x1A850];
	_ =	sdelay $0x3  }
0x42c: {  	v1 =	vmul.f32 v2, v1;
	_ =	sdelay $0x1  }
0x42d: {  	[tilespmem:$0x1B440] =	vst v1  }
0x42e: {  	v1 =	vld.idx.msk [tilespmem:v3+s4+$0x0], $0xffff  }
0x42f: {  	v2 =	vld.idx.msk [tilespmem:v19+s22+$0x0], $0xffff  }
0x430: {  	v3 =	vld [tilespmem:$0x198E0]  }
0x431: {  	v20 =	vld [tilespmem:$0x1A860];
	_ =	sdelay $0x3  }
0x432: {  	v1 =	vmul.f32 v2, v1;
	_ =	sdelay $0x1  }
0x433: {  	[tilespmem:$0x1B450] =	vst v1  }
0x434: {  	v1 =	vld.idx.msk [tilespmem:v3+s4+$0x0], $0xffff  }
0x435: {  	v2 =	vld.idx.msk [tilespmem:v20+s22+$0x0], $0xffff  }
0x436: {  	v3 =	vld [tilespmem:$0x198F0]  }
0x437: {  	v21 =	vld [tilespmem:$0x1A870];
	_ =	sdelay $0x3  }
0x438: {  	v1 =	vmul.f32 v2, v1;
	_ =	sdelay $0x1  }
0x439: {  	[tilespmem:$0x1B460] =	vst v1  }
0x43a: {  	v1 =	vld.idx.msk [tilespmem:v3+s4+$0x0], $0xffff  }
0x43b: {  	v2 =	vld.idx.msk [tilespmem:v21+s22+$0x0], $0xffff;
	_ =	sdelay $0x4  }
0x43c: {  	v1 =	vmul.f32 v2, v1;
	_ =	sdelay $0x1  }
0x43d: {  	s14 =	simm.s32 $0x19900;
	s15 =	simm.s32 $0x1B400;
	[tilespmem:$0x1B470] =	vst v1  }
0x43e: {  	[spmem:s3] =	stream.indirect.scatter.add.f32 [tilespmem:s15], [sflag:$0x6], $0x1, s14, s28, $0xb8;
	[tilespmem:$0x1E880] =	vst v63  }
0x43f: {  	v1 =	vld [tilespmem:$0x19980]  }
0x440: {  	v2 =	vld [tilespmem:$0x1A880];
	_ =	sdelay $0x5  }
0x441: {  	v3 =	vld [tilespmem:$0x19990]  }
0x442: {  	v1 =	vld.idx.msk [tilespmem:v1+s4+$0x0], $0xffff  }
0x443: {  	v2 =	vld.idx.msk [tilespmem:v2+s22+$0x0], $0xffff  }
0x444: {  	v22 =	vld [tilespmem:$0x1A890];
	_ =	sdelay $0x3  }
0x445: {  	v1 =	vmul.f32 v2, v1;
	_ =	sdelay $0x1  }
0x446: {  	[tilespmem:$0x1B480] =	vst v1  }
0x447: {  	v1 =	vld.idx.msk [tilespmem:v3+s4+$0x0], $0xffff  }
0x448: {  	v2 =	vld.idx.msk [tilespmem:v22+s22+$0x0], $0xffff  }
0x449: {  	v3 =	vld [tilespmem:$0x199A0]  }
0x44a: {  	v23 =	vld [tilespmem:$0x1A8A0];
	_ =	sdelay $0x3  }
0x44b: {  	v1 =	vmul.f32 v2, v1;
	_ =	sdelay $0x1  }
0x44c: {  	[tilespmem:$0x1B490] =	vst v1  }
0x44d: {  	v1 =	vld.idx.msk [tilespmem:v3+s4+$0x0], $0xffff  }
0x44e: {  	v2 =	vld.idx.msk [tilespmem:v23+s22+$0x0], $0xffff  }
0x44f: {  	v3 =	vld [tilespmem:$0x199B0]  }
0x450: {  	v24 =	vld [tilespmem:$0x1A8B0];
	_ =	sdelay $0x3  }
0x451: {  	v1 =	vmul.f32 v2, v1;
	_ =	sdelay $0x1  }
0x452: {  	[tilespmem:$0x1B4A0] =	vst v1  }
0x453: {  	v1 =	vld.idx.msk [tilespmem:v3+s4+$0x0], $0xffff  }
0x454: {  	v2 =	vld.idx.msk [tilespmem:v24+s22+$0x0], $0xffff  }
0x455: {  	v3 =	vld [tilespmem:$0x199C0]  }
0x456: {  	v25 =	vld [tilespmem:$0x1A8C0];
	_ =	sdelay $0x3  }
0x457: {  	v1 =	vmul.f32 v2, v1;
	_ =	sdelay $0x1  }
0x458: {  	[tilespmem:$0x1B4B0] =	vst v1  }
0x459: {  	v1 =	vld.idx.msk [tilespmem:v3+s4+$0x0], $0xffff  }
0x45a: {  	v2 =	vld.idx.msk [tilespmem:v25+s22+$0x0], $0xffff  }
0x45b: {  	v3 =	vld [tilespmem:$0x199D0]  }
0x45c: {  	v26 =	vld [tilespmem:$0x1A8D0];
	_ =	sdelay $0x3  }
0x45d: {  	v1 =	vmul.f32 v2, v1;
	_ =	sdelay $0x1  }
0x45e: {  	[tilespmem:$0x1B4C0] =	vst v1  }
0x45f: {  	v1 =	vld.idx.msk [tilespmem:v3+s4+$0x0], $0xffff  }
0x460: {  	v2 =	vld.idx.msk [tilespmem:v26+s22+$0x0], $0xffff  }
0x461: {  	v3 =	vld [tilespmem:$0x199E0]  }
0x462: {  	v27 =	vld [tilespmem:$0x1A8E0];
	_ =	sdelay $0x3  }
0x463: {  	v1 =	vmul.f32 v2, v1;
	_ =	sdelay $0x1  }
0x464: {  	[tilespmem:$0x1B4D0] =	vst v1  }
0x465: {  	v1 =	vld.idx.msk [tilespmem:v3+s4+$0x0], $0xffff  }
0x466: {  	v2 =	vld.idx.msk [tilespmem:v27+s22+$0x0], $0xffff  }
0x467: {  	v3 =	vld [tilespmem:$0x199F0]  }
0x468: {  	v28 =	vld [tilespmem:$0x1A8F0];
	_ =	sdelay $0x3  }
0x469: {  	v1 =	vmul.f32 v2, v1;
	_ =	sdelay $0x1  }
0x46a: {  	[tilespmem:$0x1B4E0] =	vst v1  }
0x46b: {  	v1 =	vld.idx.msk [tilespmem:v3+s4+$0x0], $0xffff  }
0x46c: {  	v2 =	vld.idx.msk [tilespmem:v28+s22+$0x0], $0xffff;
	_ =	sdelay $0x4  }
0x46d: {  	v1 =	vmul.f32 v2, v1;
	_ =	sdelay $0x1  }
0x46e: {  	[tilespmem:$0x1B4F0] =	vst v1  }
0x46f: {  	[spmem:s3] =	stream.indirect.scatter.add.f32 [tilespmem:s18], [sflag:$0x6], $0x1, s16, s28, $0xb8;
	[tilespmem:$0x1E880] =	vst v63  }
0x470: {  	v1 =	vld [tilespmem:$0x19A80]  }
0x471: {  	v2 =	vld [tilespmem:$0x1A900];
	_ =	sdelay $0x5  }
0x472: {  	v3 =	vld [tilespmem:$0x19A90]  }
0x473: {  	v1 =	vld.idx.msk [tilespmem:v1+s4+$0x0], $0xffff  }
0x474: {  	v2 =	vld.idx.msk [tilespmem:v2+s22+$0x0], $0xffff  }
0x475: {  	v29 =	vld [tilespmem:$0x1A910];
	_ =	sdelay $0x3  }
0x476: {  	v1 =	vmul.f32 v2, v1;
	_ =	sdelay $0x1  }
0x477: {  	[tilespmem:$0x1B500] =	vst v1  }
0x478: {  	v1 =	vld.idx.msk [tilespmem:v3+s4+$0x0], $0xffff  }
0x479: {  	v2 =	vld.idx.msk [tilespmem:v29+s22+$0x0], $0xffff  }
0x47a: {  	v3 =	vld [tilespmem:$0x19AA0]  }
0x47b: {  	v30 =	vld [tilespmem:$0x1A920];
	_ =	sdelay $0x3  }
0x47c: {  	v1 =	vmul.f32 v2, v1;
	_ =	sdelay $0x1  }
0x47d: {  	[tilespmem:$0x1B510] =	vst v1  }
0x47e: {  	v1 =	vld.idx.msk [tilespmem:v3+s4+$0x0], $0xffff  }
0x47f: {  	v2 =	vld.idx.msk [tilespmem:v30+s22+$0x0], $0xffff  }
0x480: {  	v3 =	vld [tilespmem:$0x19AB0]  }
0x481: {  	v31 =	vld [tilespmem:$0x1A930];
	_ =	sdelay $0x3  }
0x482: {  	v1 =	vmul.f32 v2, v1;
	_ =	sdelay $0x1  }
0x483: {  	[tilespmem:$0x1B520] =	vst v1  }
0x484: {  	v1 =	vld.idx.msk [tilespmem:v3+s4+$0x0], $0xffff  }
0x485: {  	v2 =	vld.idx.msk [tilespmem:v31+s22+$0x0], $0xffff  }
0x486: {  	v3 =	vld [tilespmem:$0x19AC0]  }
0x487: {  	v32 =	vld [tilespmem:$0x1A940];
	_ =	sdelay $0x3  }
0x488: {  	v1 =	vmul.f32 v2, v1;
	_ =	sdelay $0x1  }
0x489: {  	[tilespmem:$0x1B530] =	vst v1  }
0x48a: {  	v1 =	vld.idx.msk [tilespmem:v3+s4+$0x0], $0xffff  }
0x48b: {  	v2 =	vld.idx.msk [tilespmem:v32+s22+$0x0], $0xffff  }
0x48c: {  	v3 =	vld [tilespmem:$0x19AD0]  }
0x48d: {  	v33 =	vld [tilespmem:$0x1A950];
	_ =	sdelay $0x3  }
0x48e: {  	v1 =	vmul.f32 v2, v1;
	_ =	sdelay $0x1  }
0x48f: {  	[tilespmem:$0x1B540] =	vst v1  }
0x490: {  	v1 =	vld.idx.msk [tilespmem:v3+s4+$0x0], $0xffff  }
0x491: {  	v2 =	vld.idx.msk [tilespmem:v33+s22+$0x0], $0xffff  }
0x492: {  	v3 =	vld [tilespmem:$0x19AE0]  }
0x493: {  	v34 =	vld [tilespmem:$0x1A960];
	_ =	sdelay $0x3  }
0x494: {  	v1 =	vmul.f32 v2, v1;
	_ =	sdelay $0x1  }
0x495: {  	[tilespmem:$0x1B550] =	vst v1  }
0x496: {  	v1 =	vld.idx.msk [tilespmem:v3+s4+$0x0], $0xffff  }
0x497: {  	v2 =	vld.idx.msk [tilespmem:v34+s22+$0x0], $0xffff  }
0x498: {  	v3 =	vld [tilespmem:$0x19AF0]  }
0x499: {  	v35 =	vld [tilespmem:$0x1A970];
	_ =	sdelay $0x3  }
0x49a: {  	v1 =	vmul.f32 v2, v1;
	_ =	sdelay $0x1  }
0x49b: {  	[tilespmem:$0x1B560] =	vst v1  }
0x49c: {  	v1 =	vld.idx.msk [tilespmem:v3+s4+$0x0], $0xffff  }
0x49d: {  	v2 =	vld.idx.msk [tilespmem:v35+s22+$0x0], $0xffff;
	_ =	sdelay $0x4  }
0x49e: {  	v1 =	vmul.f32 v2, v1;
	_ =	sdelay $0x1  }
0x49f: {  	[tilespmem:$0x1B570] =	vst v1  }
0x4a0: {  	[spmem:s3] =	stream.indirect.scatter.add.f32 [tilespmem:s23], [sflag:$0x6], $0x1, s19, s28, $0xb8;
	[tilespmem:$0x1E880] =	vst v63  }
0x4a1: {  	v1 =	vld [tilespmem:$0x19B80]  }
0x4a2: {  	v2 =	vld [tilespmem:$0x1A980];
	_ =	sdelay $0x5  }
0x4a3: {  	v3 =	vld [tilespmem:$0x19B90]  }
0x4a4: {  	v1 =	vld.idx.msk [tilespmem:v1+s4+$0x0], $0xffff  }
0x4a5: {  	v2 =	vld.idx.msk [tilespmem:v2+s22+$0x0], $0xffff  }
0x4a6: {  	v36 =	vld [tilespmem:$0x1A990];
	_ =	sdelay $0x3  }
0x4a7: {  	v1 =	vmul.f32 v2, v1;
	_ =	sdelay $0x1  }
0x4a8: {  	[tilespmem:$0x1B580] =	vst v1  }
0x4a9: {  	v1 =	vld.idx.msk [tilespmem:v3+s4+$0x0], $0xffff  }
0x4aa: {  	v2 =	vld.idx.msk [tilespmem:v36+s22+$0x0], $0xffff  }
0x4ab: {  	v3 =	vld [tilespmem:$0x19BA0]  }
0x4ac: {  	v37 =	vld [tilespmem:$0x1A9A0];
	_ =	sdelay $0x3  }
0x4ad: {  	v1 =	vmul.f32 v2, v1;
	_ =	sdelay $0x1  }
0x4ae: {  	[tilespmem:$0x1B590] =	vst v1  }
0x4af: {  	v1 =	vld.idx.msk [tilespmem:v3+s4+$0x0], $0xffff  }
0x4b0: {  	v2 =	vld.idx.msk [tilespmem:v37+s22+$0x0], $0xffff  }
0x4b1: {  	v3 =	vld [tilespmem:$0x19BB0]  }
0x4b2: {  	v38 =	vld [tilespmem:$0x1A9B0];
	_ =	sdelay $0x3  }
0x4b3: {  	v1 =	vmul.f32 v2, v1;
	_ =	sdelay $0x1  }
0x4b4: {  	[tilespmem:$0x1B5A0] =	vst v1  }
0x4b5: {  	v1 =	vld.idx.msk [tilespmem:v3+s4+$0x0], $0xffff  }
0x4b6: {  	v2 =	vld.idx.msk [tilespmem:v38+s22+$0x0], $0xffff  }
0x4b7: {  	v3 =	vld [tilespmem:$0x19BC0]  }
0x4b8: {  	v39 =	vld [tilespmem:$0x1A9C0];
	_ =	sdelay $0x3  }
0x4b9: {  	v1 =	vmul.f32 v2, v1;
	_ =	sdelay $0x1  }
0x4ba: {  	[tilespmem:$0x1B5B0] =	vst v1  }
0x4bb: {  	v1 =	vld.idx.msk [tilespmem:v3+s4+$0x0], $0xffff  }
0x4bc: {  	v2 =	vld.idx.msk [tilespmem:v39+s22+$0x0], $0xffff  }
0x4bd: {  	v3 =	vld [tilespmem:$0x19BD0]  }
0x4be: {  	v40 =	vld [tilespmem:$0x1A9D0];
	_ =	sdelay $0x3  }
0x4bf: {  	v1 =	vmul.f32 v2, v1;
	_ =	sdelay $0x1  }
0x4c0: {  	[tilespmem:$0x1B5C0] =	vst v1  }
0x4c1: {  	v1 =	vld.idx.msk [tilespmem:v3+s4+$0x0], $0xffff  }
0x4c2: {  	v2 =	vld.idx.msk [tilespmem:v40+s22+$0x0], $0xffff  }
0x4c3: {  	v3 =	vld [tilespmem:$0x19BE0]  }
0x4c4: {  	v41 =	vld [tilespmem:$0x1A9E0];
	_ =	sdelay $0x3  }
0x4c5: {  	v1 =	vmul.f32 v2, v1;
	_ =	sdelay $0x1  }
0x4c6: {  	[tilespmem:$0x1B5D0] =	vst v1  }
0x4c7: {  	v1 =	vld.idx.msk [tilespmem:v3+s4+$0x0], $0xffff  }
0x4c8: {  	v2 =	vld.idx.msk [tilespmem:v41+s22+$0x0], $0xffff  }
0x4c9: {  	v3 =	vld [tilespmem:$0x19BF0]  }
0x4ca: {  	v42 =	vld [tilespmem:$0x1A9F0];
	_ =	sdelay $0x3  }
0x4cb: {  	v1 =	vmul.f32 v2, v1;
	_ =	sdelay $0x1  }
0x4cc: {  	[tilespmem:$0x1B5E0] =	vst v1  }
0x4cd: {  	v1 =	vld.idx.msk [tilespmem:v3+s4+$0x0], $0xffff  }
0x4ce: {  	v2 =	vld.idx.msk [tilespmem:v42+s22+$0x0], $0xffff;
	_ =	sdelay $0x4  }
0x4cf: {  	v1 =	vmul.f32 v2, v1;
	_ =	sdelay $0x1  }
0x4d0: {  	[tilespmem:$0x1B5F0] =	vst v1  }
0x4d1: {  	[spmem:s3] =	stream.indirect.scatter.add.f32 [tilespmem:s25], [sflag:$0x6], $0x1, s9, s28, $0xb8;
	[tilespmem:$0x1E880] =	vst v63  }
0x4d2: {  	v1 =	vld [tilespmem:$0x19C80]  }
0x4d3: {  	v2 =	vld [tilespmem:$0x1AA00];
	_ =	sdelay $0x5  }
0x4d4: {  	v3 =	vld [tilespmem:$0x19C90]  }
0x4d5: {  	v1 =	vld.idx.msk [tilespmem:v1+s4+$0x0], $0xffff  }
0x4d6: {  	v2 =	vld.idx.msk [tilespmem:v2+s22+$0x0], $0xffff  }
0x4d7: {  	v43 =	vld [tilespmem:$0x1AA10];
	_ =	sdelay $0x3  }
0x4d8: {  	v1 =	vmul.f32 v2, v1;
	_ =	sdelay $0x1  }
0x4d9: {  	[tilespmem:$0x1B600] =	vst v1  }
0x4da: {  	v1 =	vld.idx.msk [tilespmem:v3+s4+$0x0], $0xffff  }
0x4db: {  	v2 =	vld.idx.msk [tilespmem:v43+s22+$0x0], $0xffff  }
0x4dc: {  	v3 =	vld [tilespmem:$0x19CA0]  }
0x4dd: {  	v44 =	vld [tilespmem:$0x1AA20];
	_ =	sdelay $0x3  }
0x4de: {  	v1 =	vmul.f32 v2, v1;
	_ =	sdelay $0x1  }
0x4df: {  	[tilespmem:$0x1B610] =	vst v1  }
0x4e0: {  	v1 =	vld.idx.msk [tilespmem:v3+s4+$0x0], $0xffff  }
0x4e1: {  	v2 =	vld.idx.msk [tilespmem:v44+s22+$0x0], $0xffff  }
0x4e2: {  	v3 =	vld [tilespmem:$0x19CB0]  }
0x4e3: {  	v45 =	vld [tilespmem:$0x1AA30];
	_ =	sdelay $0x3  }
0x4e4: {  	v1 =	vmul.f32 v2, v1;
	_ =	sdelay $0x1  }
0x4e5: {  	[tilespmem:$0x1B620] =	vst v1  }
0x4e6: {  	v1 =	vld.idx.msk [tilespmem:v3+s4+$0x0], $0xffff  }
0x4e7: {  	v2 =	vld.idx.msk [tilespmem:v45+s22+$0x0], $0xffff  }
0x4e8: {  	v3 =	vld [tilespmem:$0x19CC0]  }
0x4e9: {  	v46 =	vld [tilespmem:$0x1AA40];
	_ =	sdelay $0x3  }
0x4ea: {  	v1 =	vmul.f32 v2, v1;
	_ =	sdelay $0x1  }
0x4eb: {  	[tilespmem:$0x1B630] =	vst v1  }
0x4ec: {  	v1 =	vld.idx.msk [tilespmem:v3+s4+$0x0], $0xffff  }
0x4ed: {  	v2 =	vld.idx.msk [tilespmem:v46+s22+$0x0], $0xffff  }
0x4ee: {  	v3 =	vld [tilespmem:$0x19CD0]  }
0x4ef: {  	v47 =	vld [tilespmem:$0x1AA50];
	_ =	sdelay $0x3  }
0x4f0: {  	v1 =	vmul.f32 v2, v1;
	_ =	sdelay $0x1  }
0x4f1: {  	[tilespmem:$0x1B640] =	vst v1  }
0x4f2: {  	v1 =	vld.idx.msk [tilespmem:v3+s4+$0x0], $0xffff  }
0x4f3: {  	v2 =	vld.idx.msk [tilespmem:v47+s22+$0x0], $0xffff  }
0x4f4: {  	v3 =	vld [tilespmem:$0x19CE0]  }
0x4f5: {  	v48 =	vld [tilespmem:$0x1AA60];
	_ =	sdelay $0x3  }
0x4f6: {  	v1 =	vmul.f32 v2, v1;
	_ =	sdelay $0x1  }
0x4f7: {  	[tilespmem:$0x1B650] =	vst v1  }
0x4f8: {  	v1 =	vld.idx.msk [tilespmem:v3+s4+$0x0], $0xffff  }
0x4f9: {  	v2 =	vld.idx.msk [tilespmem:v48+s22+$0x0], $0xffff  }
0x4fa: {  	v3 =	vld [tilespmem:$0x19CF0]  }
0x4fb: {  	v49 =	vld [tilespmem:$0x1AA70];
	_ =	sdelay $0x3  }
0x4fc: {  	v1 =	vmul.f32 v2, v1;
	_ =	sdelay $0x1  }
0x4fd: {  	[tilespmem:$0x1B660] =	vst v1  }
0x4fe: {  	v1 =	vld.idx.msk [tilespmem:v3+s4+$0x0], $0xffff  }
0x4ff: {  	v2 =	vld.idx.msk [tilespmem:v49+s22+$0x0], $0xffff;
	_ =	sdelay $0x4  }
0x500: {  	v1 =	vmul.f32 v2, v1;
	_ =	sdelay $0x1  }
0x501: {  	[tilespmem:$0x1B670] =	vst v1  }
0x502: {  	[spmem:s3] =	stream.indirect.scatter.add.f32 [tilespmem:s29], [sflag:$0x6], $0x1, s24, s28, $0xb8;
	[tilespmem:$0x1E880] =	vst v63  }
0x503: {  	v1 =	vld [tilespmem:$0x19D80]  }
0x504: {  	v2 =	vld [tilespmem:$0x1AA80];
	_ =	sdelay $0x5  }
0x505: {  	v3 =	vld [tilespmem:$0x19D90]  }
0x506: {  	v1 =	vld.idx.msk [tilespmem:v1+s4+$0x0], $0xffff  }
0x507: {  	v2 =	vld.idx.msk [tilespmem:v2+s22+$0x0], $0xffff  }
0x508: {  	v50 =	vld [tilespmem:$0x1AA90];
	_ =	sdelay $0x3  }
0x509: {  	v1 =	vmul.f32 v2, v1;
	_ =	sdelay $0x1  }
0x50a: {  	[tilespmem:$0x1B680] =	vst v1  }
0x50b: {  	v1 =	vld.idx.msk [tilespmem:v3+s4+$0x0], $0xffff  }
0x50c: {  	v2 =	vld.idx.msk [tilespmem:v50+s22+$0x0], $0xffff  }
0x50d: {  	v3 =	vld [tilespmem:$0x19DA0]  }
0x50e: {  	v51 =	vld [tilespmem:$0x1AAA0];
	_ =	sdelay $0x3  }
0x50f: {  	v1 =	vmul.f32 v2, v1;
	_ =	sdelay $0x1  }
0x510: {  	[tilespmem:$0x1B690] =	vst v1  }
0x511: {  	v1 =	vld.idx.msk [tilespmem:v3+s4+$0x0], $0xffff  }
0x512: {  	v2 =	vld.idx.msk [tilespmem:v51+s22+$0x0], $0xffff  }
0x513: {  	v3 =	vld [tilespmem:$0x19DB0]  }
0x514: {  	v52 =	vld [tilespmem:$0x1AAB0];
	_ =	sdelay $0x3  }
0x515: {  	v1 =	vmul.f32 v2, v1;
	_ =	sdelay $0x1  }
0x516: {  	[tilespmem:$0x1B6A0] =	vst v1  }
0x517: {  	v1 =	vld.idx.msk [tilespmem:v3+s4+$0x0], $0xffff  }
0x518: {  	v2 =	vld.idx.msk [tilespmem:v52+s22+$0x0], $0xffff  }
0x519: {  	v3 =	vld [tilespmem:$0x19DC0]  }
0x51a: {  	v53 =	vld [tilespmem:$0x1AAC0];
	_ =	sdelay $0x3  }
0x51b: {  	v1 =	vmul.f32 v2, v1;
	_ =	sdelay $0x1  }
0x51c: {  	[tilespmem:$0x1B6B0] =	vst v1  }
0x51d: {  	v1 =	vld.idx.msk [tilespmem:v3+s4+$0x0], $0xffff  }
0x51e: {  	v2 =	vld.idx.msk [tilespmem:v53+s22+$0x0], $0xffff  }
0x51f: {  	v3 =	vld [tilespmem:$0x19DD0]  }
0x520: {  	v54 =	vld [tilespmem:$0x1AAD0];
	_ =	sdelay $0x3  }
0x521: {  	v1 =	vmul.f32 v2, v1;
	_ =	sdelay $0x1  }
0x522: {  	[tilespmem:$0x1B6C0] =	vst v1  }
0x523: {  	v1 =	vld.idx.msk [tilespmem:v3+s4+$0x0], $0xffff  }
0x524: {  	v2 =	vld.idx.msk [tilespmem:v54+s22+$0x0], $0xffff  }
0x525: {  	v3 =	vld [tilespmem:$0x19DE0]  }
0x526: {  	v55 =	vld [tilespmem:$0x1AAE0];
	_ =	sdelay $0x3  }
0x527: {  	v1 =	vmul.f32 v2, v1;
	_ =	sdelay $0x1  }
0x528: {  	[tilespmem:$0x1B6D0] =	vst v1  }
0x529: {  	v1 =	vld.idx.msk [tilespmem:v3+s4+$0x0], $0xffff  }
0x52a: {  	v2 =	vld.idx.msk [tilespmem:v55+s22+$0x0], $0xffff  }
0x52b: {  	v3 =	vld [tilespmem:$0x19DF0]  }
0x52c: {  	v56 =	vld [tilespmem:$0x1AAF0];
	_ =	sdelay $0x3  }
0x52d: {  	v1 =	vmul.f32 v2, v1;
	_ =	sdelay $0x1  }
0x52e: {  	[tilespmem:$0x1B6E0] =	vst v1  }
0x52f: {  	v1 =	vld.idx.msk [tilespmem:v3+s4+$0x0], $0xffff  }
0x530: {  	v2 =	vld.idx.msk [tilespmem:v56+s22+$0x0], $0xffff;
	_ =	sdelay $0x4  }
0x531: {  	v1 =	vmul.f32 v2, v1;
	_ =	sdelay $0x1  }
0x532: {  	[tilespmem:$0x1B6F0] =	vst v1  }
0x533: {  	[spmem:s3] =	stream.indirect.scatter.add.f32 [tilespmem:s31], [sflag:$0x6], $0x1, s30, s28, $0xb8;
	[tilespmem:$0x1E880] =	vst v63  }
0x534: {  	v1 =	vld [tilespmem:$0x19E80]  }
0x535: {  	v2 =	vld [tilespmem:$0x1AB00];
	_ =	sdelay $0x5  }
0x536: {  	v3 =	vld [tilespmem:$0x19E90]  }
0x537: {  	v1 =	vld.idx.msk [tilespmem:v1+s4+$0x0], $0xffff  }
0x538: {  	v2 =	vld.idx.msk [tilespmem:v2+s22+$0x0], $0xffff  }
0x539: {  	v57 =	vld [tilespmem:$0x1AB10];
	_ =	sdelay $0x3  }
0x53a: {  	v1 =	vmul.f32 v2, v1;
	_ =	sdelay $0x1  }
0x53b: {  	[tilespmem:$0x1B700] =	vst v1  }
0x53c: {  	v1 =	vld.idx.msk [tilespmem:v3+s4+$0x0], $0xffff  }
0x53d: {  	v2 =	vld.idx.msk [tilespmem:v57+s22+$0x0], $0xffff  }
0x53e: {  	v3 =	vld [tilespmem:$0x19EA0]  }
0x53f: {  	v58 =	vld [tilespmem:$0x1AB20];
	_ =	sdelay $0x3  }
0x540: {  	v1 =	vmul.f32 v2, v1;
	_ =	sdelay $0x1  }
0x541: {  	[tilespmem:$0x1B710] =	vst v1  }
0x542: {  	v1 =	vld.idx.msk [tilespmem:v3+s4+$0x0], $0xffff  }
0x543: {  	v2 =	vld.idx.msk [tilespmem:v58+s22+$0x0], $0xffff  }
0x544: {  	v3 =	vld [tilespmem:$0x19EB0]  }
0x545: {  	v59 =	vld [tilespmem:$0x1AB30];
	_ =	sdelay $0x3  }
0x546: {  	v1 =	vmul.f32 v2, v1;
	_ =	sdelay $0x1  }
0x547: {  	[tilespmem:$0x1B720] =	vst v1  }
0x548: {  	v1 =	vld.idx.msk [tilespmem:v3+s4+$0x0], $0xffff  }
0x549: {  	v2 =	vld.idx.msk [tilespmem:v59+s22+$0x0], $0xffff  }
0x54a: {  	v3 =	vld [tilespmem:$0x19EC0]  }
0x54b: {  	v60 =	vld [tilespmem:$0x1AB40];
	_ =	sdelay $0x3  }
0x54c: {  	v1 =	vmul.f32 v2, v1;
	_ =	sdelay $0x1  }
0x54d: {  	[tilespmem:$0x1B730] =	vst v1  }
0x54e: {  	v1 =	vld.idx.msk [tilespmem:v3+s4+$0x0], $0xffff  }
0x54f: {  	v2 =	vld.idx.msk [tilespmem:v60+s22+$0x0], $0xffff  }
0x550: {  	v3 =	vld [tilespmem:$0x19ED0]  }
0x551: {  	v61 =	vld [tilespmem:$0x1AB50];
	_ =	sdelay $0x3  }
0x552: {  	v1 =	vmul.f32 v2, v1;
	_ =	sdelay $0x1  }
0x553: {  	[tilespmem:$0x1B740] =	vst v1  }
0x554: {  	v1 =	vld.idx.msk [tilespmem:v3+s4+$0x0], $0xffff  }
0x555: {  	v2 =	vld.idx.msk [tilespmem:v61+s22+$0x0], $0xffff  }
0x556: {  	v3 =	vld [tilespmem:$0x19EE0]  }
0x557: {  	v62 =	vld [tilespmem:$0x1AB60];
	_ =	sdelay $0x3  }
0x558: {  	v1 =	vmul.f32 v2, v1;
	_ =	sdelay $0x1  }
0x559: {  	[tilespmem:$0x1B750] =	vst v1  }
0x55a: {  	v1 =	vld.idx.msk [tilespmem:v3+s4+$0x0], $0xffff  }
0x55b: {  	v2 =	vld.idx.msk [tilespmem:v62+s22+$0x0], $0xffff  }
0x55c: {  	v3 =	vld [tilespmem:$0x19EF0]  }
0x55d: {  	v63 =	vld [tilespmem:$0x1AB70];
	_ =	sdelay $0x3  }
0x55e: {  	v1 =	vmul.f32 v2, v1;
	_ =	sdelay $0x1  }
0x55f: {  	[tilespmem:$0x1B760] =	vst v1  }
0x560: {  	v1 =	vld.idx.msk [tilespmem:v3+s4+$0x0], $0xffff  }
0x561: {  	v2 =	vld.idx.msk [tilespmem:v63+s22+$0x0], $0xffff;
	_ =	sdelay $0x3  }
.Ltmp8:
0x562: {  	_ = 	snop;
	(pc) =	sbr.rel .LBB2_10-.Ltmp8, $3  }
0x563: {  	v1 =	vmul.f32 v2, v1;
	_ =	sdelay $0x1  }
0x564: {  	[tilespmem:$0x1B770] =	vst v1  }
0x565: {  	[spmem:s3] =	stream.indirect.scatter.add.f32 [tilespmem:s1], [sflag:$0x6], $0x1, s0, s28, $0xb8;
	[tilespmem:$0x1E880] =	vst v63  }
.LBB2_12:
0x566: {  	_ =	sfence.sel $0x180000  }
0x567: {  	[bflag:$0x0] =	sbarrier.arrive $0xFFFF  }
0x568: {  	_ =	strace $0x90000047  }
0x569: {  	s0 =	stileid.u32;
	[bflag:$0x2] =	sbarrier.arrive $0xFFFF  }
0x56a: {  	p0 =	sne.s32 s0, $0x0;
	s0 =	rddreg [dreg:$0x5]  }
0x56b: {  	s0 =	sadd.s32 @!p0 $0x100000, s0  }
0x56c: {  	[sflag:s0] =	ssyncadd.tile.s32 @!p0 $0x1;
	_ =	shalt  }
.Lfunc_end2:
_tile_overlayer_lowered:
.L_overlay_start_2:
0x56d: {  	(tag) =	ssettag $0x2  }
0x56e: {  	s0 =	rddreg [dreg:$0x0];
	s2 =	stileid.u32  }
0x56f: {  	s1 =	rddreg [dreg:$0x1];
	p0 =	sne.s32 s2, $0x0  }
0x570: {  	s3 =	rddreg [dreg:$0x2];
	[bflag:$0x3] =	sbarrier.arrive $0xFFFF;
	s2 =	simm.s32 @!p0 $0x1C07  }
0x571: {  	[timem:s3], [sflag:s2] =	dma.local @!p0 [hbm:s0], s1  }
0x572: {  	s0 =	simm.s32 @!p0 $0x7  }
0x573: {  	_ =	swait.ge @!p0 [sflag:s0], s1  }
0x574: {  	s1 =	ssub.s32 @!p0 $0x0, s1;
	[sflag:s0] =	ssyncset.done @!p0 $0x0  }
0x575: {  	[sflag:s0] =	ssyncadd.s32 @!p0 s1  }
0x576: {  	[bflag:$0x3] =	sbarrier.arrive $0xFFFF  }
0x577: {  	_ =	shalt  }

</sc_bundles>
